<compile_context>
chip_gen: v7x
topology: tpu7x:2x2x1
jax: 0.10.2.dev20260603
libtpu: 0.0.44.dev20260713+nightly
codegen_flags: <defaults>
</compile_context>

<pallas_src>
import functools

import jax
import jax.numpy as jnp
from jax import lax
from jax.experimental import pallas as pl
from jax.experimental.pallas import tpu as pltpu
from jax.experimental.pallas import tpu_sc as plsc

_NC = 2
_NS = 16
_NW = _NC * _NS

_BN = 2048


def _mesh():
    return plsc.VectorSubcoreMesh(core_axis_name="c", subcore_axis_name="s")


def _sc_params():
    return pltpu.CompilerParams(needs_layout_passes=False)



def _pack_pair(fe, fo):
    ue = lax.bitcast_convert_type(fe.astype(jnp.bfloat16), jnp.uint16)
    uo = lax.bitcast_convert_type(fo.astype(jnp.bfloat16), jnp.uint16)
    w = (uo.astype(jnp.uint32) << 16) | ue.astype(jnp.uint32)
    return lax.bitcast_convert_type(w, jnp.int32)


def _dense1(x, We, Wo, be, bo, A1e, A1o, ab1, A2e, A2o, ab2):
    N, DIN = x.shape
    HFH = We.shape[0]
    grid = (pl.cdiv(N, _BN),)

    def body(x_ref, we_ref, wo_ref, be_ref, bo_ref,
             a1e_ref, a1o_ref, ab1_ref, a2e_ref, a2o_ref, ab2_ref,
             f_out, a1_out, a2_out):
        x = x_ref[...]
        fe = lax.dot_general(we_ref[...], x, (((1,), (1,)), ((), ())),
                             preferred_element_type=jnp.float32) + be_ref[:, 0:1]
        fo = lax.dot_general(wo_ref[...], x, (((1,), (1,)), ((), ())),
                             preferred_element_type=jnp.float32) + bo_ref[:, 0:1]
        f_out[...] = _pack_pair(fe, fo)
        a1_out[...] = (
            lax.dot_general(a1e_ref[...], fe, (((1,), (0,)), ((), ())),
                            preferred_element_type=jnp.float32)
            + lax.dot_general(a1o_ref[...], fo, (((1,), (0,)), ((), ())),
                              preferred_element_type=jnp.float32)
            + ab1_ref[:, 0:1])
        a2_out[...] = (
            lax.dot_general(a2e_ref[...], fe, (((1,), (0,)), ((), ())),
                            preferred_element_type=jnp.float32)
            + lax.dot_general(a2o_ref[...], fo, (((1,), (0,)), ((), ())),
                              preferred_element_type=jnp.float32)
            + ab2_ref[:, 0:1])

    return pl.pallas_call(
        body,
        grid=grid,
        in_specs=[
            pl.BlockSpec((_BN, DIN), lambda i: (i, 0)),
            pl.BlockSpec((HFH, DIN), lambda i: (0, 0)),
            pl.BlockSpec((HFH, DIN), lambda i: (0, 0)),
            pl.BlockSpec((HFH, 128), lambda i: (0, 0)),
            pl.BlockSpec((HFH, 128), lambda i: (0, 0)),
            pl.BlockSpec((8, HFH), lambda i: (0, 0)),
            pl.BlockSpec((8, HFH), lambda i: (0, 0)),
            pl.BlockSpec((8, 128), lambda i: (0, 0)),
            pl.BlockSpec((8, HFH), lambda i: (0, 0)),
            pl.BlockSpec((8, HFH), lambda i: (0, 0)),
            pl.BlockSpec((8, 128), lambda i: (0, 0)),
        ],
        out_specs=[
            pl.BlockSpec((HFH, _BN), lambda i: (0, i)),
            pl.BlockSpec((8, _BN), lambda i: (0, i)),
            pl.BlockSpec((8, _BN), lambda i: (0, i)),
        ],
        out_shape=[
            jax.ShapeDtypeStruct((HFH, N), jnp.int32),
            jax.ShapeDtypeStruct((8, N), jnp.float32),
            jax.ShapeDtypeStruct((8, N), jnp.float32),
        ],
    )(x, We, Wo, be, bo, A1e, A1o, ab1, A2e, A2o, ab2)


def _dense2(xP, spart, We, Wo, be, bo, A1e, A1o, ab1, A2e, A2o, ab2):
    F = xP.shape[0] // 2
    N = xP.shape[1]
    R = spart.shape[0]
    HFH = We.shape[0]
    FH = F // 2
    grid = (pl.cdiv(N, _BN),)

    def body(x0_ref, x1_ref, s_ref, we_ref, wo_ref, be_ref, bo_ref,
             a1e_ref, a1o_ref, ab1_ref, a2e_ref, a2o_ref, ab2_ref,
             f_out, a1_out, a2_out):
        s = s_ref[...]
        inv0 = 1.0 / jnp.maximum(
            jnp.sum(s[:R // 2], axis=0, keepdims=True), 1e-30)
        inv1 = 1.0 / jnp.maximum(
            jnp.sum(s[R // 2:], axis=0, keepdims=True), 1e-30)
        scale = jnp.concatenate(
            [jnp.broadcast_to(inv0, (FH, inv0.shape[1])),
             jnp.broadcast_to(inv1, (FH, inv1.shape[1]))], axis=0)
        x2 = jnp.maximum(x0_ref[...] + x1_ref[...], 0.0) * scale
        fe = lax.dot_general(we_ref[...], x2, (((1,), (0,)), ((), ())),
                             preferred_element_type=jnp.float32) + be_ref[:, 0:1]
        fo = lax.dot_general(wo_ref[...], x2, (((1,), (0,)), ((), ())),
                             preferred_element_type=jnp.float32) + bo_ref[:, 0:1]
        f_out[...] = _pack_pair(fe, fo)
        a1_out[...] = (
            lax.dot_general(a1e_ref[...], fe, (((1,), (0,)), ((), ())),
                            preferred_element_type=jnp.float32)
            + lax.dot_general(a1o_ref[...], fo, (((1,), (0,)), ((), ())),
                              preferred_element_type=jnp.float32)
            + ab1_ref[:, 0:1])
        a2_out[...] = (
            lax.dot_general(a2e_ref[...], fe, (((1,), (0,)), ((), ())),
                            preferred_element_type=jnp.float32)
            + lax.dot_general(a2o_ref[...], fo, (((1,), (0,)), ((), ())),
                              preferred_element_type=jnp.float32)
            + ab2_ref[:, 0:1])

    return pl.pallas_call(
        body,
        grid=grid,
        in_specs=[
            pl.BlockSpec((F, _BN), lambda i: (0, i)),
            pl.BlockSpec((F, _BN), lambda i: (1, i)),
            pl.BlockSpec((R, _BN), lambda i: (0, i)),
            pl.BlockSpec((HFH, F), lambda i: (0, 0)),
            pl.BlockSpec((HFH, F), lambda i: (0, 0)),
            pl.BlockSpec((HFH, 128), lambda i: (0, 0)),
            pl.BlockSpec((HFH, 128), lambda i: (0, 0)),
            pl.BlockSpec((8, HFH), lambda i: (0, 0)),
            pl.BlockSpec((8, HFH), lambda i: (0, 0)),
            pl.BlockSpec((8, 128), lambda i: (0, 0)),
            pl.BlockSpec((8, HFH), lambda i: (0, 0)),
            pl.BlockSpec((8, HFH), lambda i: (0, 0)),
            pl.BlockSpec((8, 128), lambda i: (0, 0)),
        ],
        out_specs=[
            pl.BlockSpec((HFH, _BN), lambda i: (0, i)),
            pl.BlockSpec((8, _BN), lambda i: (0, i)),
            pl.BlockSpec((8, _BN), lambda i: (0, i)),
        ],
        out_shape=[
            jax.ShapeDtypeStruct((HFH, N), jnp.int32),
            jax.ShapeDtypeStruct((8, N), jnp.float32),
            jax.ShapeDtypeStruct((8, N), jnp.float32),
        ],
    )(xP, xP, spart, We, Wo, be, bo, A1e, A1o, ab1, A2e, A2o, ab2)


def _finish(pT, spart):
    F, N = pT.shape
    R = spart.shape[0]
    FH = F // 2
    BNf = 512
    grid = (pl.cdiv(N, BNf),)

    def body(p_ref, s_ref, o_ref):
        s = s_ref[...]
        inv0 = 1.0 / jnp.maximum(
            jnp.sum(s[:R // 2], axis=0, keepdims=True), 1e-30)
        inv1 = 1.0 / jnp.maximum(
            jnp.sum(s[R // 2:], axis=0, keepdims=True), 1e-30)
        scale = jnp.concatenate(
            [jnp.broadcast_to(inv0, (FH, inv0.shape[1])),
             jnp.broadcast_to(inv1, (FH, inv1.shape[1]))], axis=0)
        y = jnp.maximum(p_ref[...], 0.0) * scale
        o_ref[...] = y.T

    return pl.pallas_call(
        body,
        grid=grid,
        in_specs=[pl.BlockSpec((F, BNf), lambda i: (0, i)),
                  pl.BlockSpec((R, BNf), lambda i: (0, i))],
        out_specs=pl.BlockSpec((BNf, F), lambda i: (i, 0)),
        out_shape=jax.ShapeDtypeStruct((N, F), jnp.float32),
    )(pT, spart)



def _make_att(N, E, from_packed):
    CH = E // _NW
    twoN = 2 * N

    out_type = [
        jax.ShapeDtypeStruct((2 * E,), jnp.float32),
        jax.ShapeDtypeStruct((2 * _NW * N,), jnp.float32),
    ]
    scratch = [
        pltpu.VMEM((twoN,), jnp.float32),
        pltpu.VMEM((twoN,), jnp.float32),
        pltpu.VMEM((twoN,), jnp.float32),
        pltpu.VMEM((2 * CH,), jnp.float32),
        pltpu.VMEM((CH,), jnp.int32),
    ]
    if not from_packed:
        out_type.append(jax.ShapeDtypeStruct((E,), jnp.int32))
        scratch.append(pltpu.VMEM((CH,), jnp.int32))
        scratch.append(pltpu.VMEM((CH,), jnp.int32))

    def body(av1_ref, av2_ref, edges_ref, *refs):
        if from_packed:
            e_out, s_out, a1t, a2t, s_loc, e_v, pck_v = refs
        else:
            (e_out, s_out, pck_out,
             a1t, a2t, s_loc, e_v, pck_v, src_v, dst_v) = refs
        wid = lax.axis_index("s") * _NC + lax.axis_index("c")
        base = wid * CH

        pltpu.sync_copy(av1_ref.at[pl.ds(0, twoN)], a1t)
        pltpu.sync_copy(av2_ref.at[pl.ds(0, twoN)], a2t)
        if from_packed:
            pltpu.sync_copy(edges_ref.at[pl.ds(base, CH)], pck_v)
        else:
            pltpu.sync_copy(edges_ref.at[pl.ds(base, CH)], src_v)
            pltpu.sync_copy(edges_ref.at[pl.ds(E + base, CH)], dst_v)

        zero16 = jnp.zeros((16,), jnp.float32)

        @plsc.parallel_loop(0, twoN, 16, unroll=8)
        def _zero(off):
            s_loc[pl.ds(off, 16)] = zero16

        @plsc.parallel_loop(0, CH, 16, unroll=8)
        def _edges(off):
            if from_packed:
                pk = pck_v[pl.ds(off, 16)]
                s16 = pk >> 14
                d16 = pk & 16383
            else:
                s16 = src_v[pl.ds(off, 16)]
                d16 = dst_v[pl.ds(off, 16)]
                pck_v[pl.ds(off, 16)] = (s16 << 14) | d16
            for h in range(2):
                a1v = plsc.load_gather(a1t, [s16 + (h * N)])
                a2v = plsc.load_gather(a2t, [d16 + (h * N)])
                v = a1v + a2v
                v = jnp.where(v > 0.0, v, 0.01 * v)
                ev = jnp.exp(v)
                e_v[pl.ds(h * CH + off, 16)] = ev
                plsc.addupdate_scatter(s_loc, [s16 + (h * N)], ev)

        pltpu.sync_copy(e_v.at[pl.ds(0, CH)], e_out.at[pl.ds(base, CH)])
        pltpu.sync_copy(e_v.at[pl.ds(CH, CH)], e_out.at[pl.ds(E + base, CH)])
        pltpu.sync_copy(s_loc.at[pl.ds(0, N)],
                        s_out.at[pl.ds(wid * N, N)])
        pltpu.sync_copy(s_loc.at[pl.ds(N, N)],
                        s_out.at[pl.ds(_NW * N + wid * N, N)])
        if not from_packed:
            pltpu.sync_copy(pck_v, pck_out.at[pl.ds(base, CH)])

    return pl.kernel(body, out_type=tuple(out_type), mesh=_mesh(),
                     compiler_params=_sc_params(), scratch_types=scratch)



def _make_agg(N, E, F_all, CH2, edge_split=False):
    NSC = 2 if edge_split else 1
    TILES = _NS if edge_split else _NW
    K = F_all // TILES
    KH = K // 2
    half = F_all // 2
    ESC = E // NSC

    NCH = ESC // CH2

    scratch = [
        pltpu.VMEM((KH * N,), jnp.int32),
        pltpu.VMEM((K * N,), jnp.float32),
        pltpu.VMEM((CH2,), jnp.int32),
        pltpu.VMEM((CH2,), jnp.int32),
        pltpu.VMEM((CH2,), jnp.float32),
        pltpu.VMEM((CH2,), jnp.float32),
        pltpu.SemaphoreType.DMA,
        pltpu.SemaphoreType.DMA,
    ]

    def body(fT_ref, e_ref, pck_ref, out_ref,
             f_t, out_t, pck_b0, pck_b1, e_b0, e_b1, sem_p, sem_e):
        sid = lax.axis_index("s")
        cid = lax.axis_index("c")
        if edge_split:
            tid = sid
            ebase = cid * ESC
        else:
            tid = sid * _NC + cid
            ebase = 0
        c0 = tid * K
        h = c0 // half
        pck_bufs = (pck_b0, pck_b1)
        e_bufs = (e_b0, e_b1)

        pltpu.sync_copy(fT_ref.at[pl.ds(tid * (KH * N), KH * N)], f_t)

        zero16 = jnp.zeros((16,), jnp.float32)

        @plsc.parallel_loop(0, K * N, 16, unroll=8)
        def _zero(off):
            out_t[pl.ds(off, 16)] = zero16

        def start(ci, b):
            pltpu.async_copy(pck_ref.at[pl.ds(ebase + ci * CH2, CH2)],
                             pck_bufs[b], sem_p)
            pltpu.async_copy(e_ref.at[pl.ds(h * E + ebase + ci * CH2, CH2)],
                             e_bufs[b], sem_e)

        def wait(ci, b):
            pltpu.make_async_copy(pck_ref.at[pl.ds(ebase + ci * CH2, CH2)],
                                  pck_bufs[b], sem_p).wait()
            pltpu.make_async_copy(e_ref.at[pl.ds(h * E + ebase + ci * CH2, CH2)],
                                  e_bufs[b], sem_e).wait()

        start(0, 0)

        def pair_body(cp, _):
            for b in range(2):
                ci = cp * 2 + b

                @pl.when(ci + 1 < NCH)
                def _():
                    start(ci + 1, 1 - b)

                wait(ci, b)
                pck_b = pck_bufs[b]
                e_b = e_bufs[b]

                @plsc.parallel_loop(0, CH2, 16, unroll=4)
                def _edges(off):
                    pk = pck_b[pl.ds(off, 16)]
                    s16 = pk >> 14
                    d16 = pk & 16383
                    ev = e_b[pl.ds(off, 16)]
                    for cp in range(KH):
                        w16 = plsc.load_gather(f_t, [d16 + (cp * N)])
                        flo, fhi = plsc.unpack(
                            plsc.bitcast(w16, jnp.bfloat16),
                            format=plsc.PackFormat.INTERLEAVED)
                        plsc.addupdate_scatter(
                            out_t, [s16 + ((2 * cp) * N)], ev * flo)
                        plsc.addupdate_scatter(
                            out_t, [s16 + ((2 * cp + 1) * N)], ev * fhi)

            return 0

        lax.fori_loop(0, NCH // 2, pair_body, 0)

        if edge_split:
            pltpu.sync_copy(
                out_t, out_ref.at[pl.ds((cid * F_all + c0) * N, K * N)])
        else:
            pltpu.sync_copy(out_t, out_ref.at[pl.ds(c0 * N, K * N)])

    return pl.kernel(
        body,
        out_type=jax.ShapeDtypeStruct((NSC * F_all * N,), jnp.float32),
        mesh=_mesh(), compiler_params=_sc_params(),
        scratch_types=scratch)



def _blockdiag(aw):
    H, F = aw.shape
    A = jnp.zeros((8, H * F), jnp.float32)
    for h in range(H):
        A = A.at[h, h * F:(h + 1) * F].set(aw[h])
    return A


def _bcast_col(v):
    return jnp.broadcast_to(v.reshape(-1, 1), (v.size, 128)).astype(jnp.float32)


def kernel(features, edge_index, W1, b1, a1w1, a1b1, a2w1, a2b1,
           W2, b2, a1w2, a1b2, a2w2, a2b2):
    N, DIN = features.shape
    E = edge_index.shape[1]
    H, F1, _ = W1.shape
    F2 = W2.shape[1]
    HF1, HF2 = H * F1, H * F2

    Ws1 = W1.reshape(HF1, DIN)
    Ws2 = W2.reshape(HF2, HF1)
    bs1 = b1.reshape(HF1)
    bs2 = b2.reshape(HF2)
    A1_1, A2_1 = _blockdiag(a1w1), _blockdiag(a2w1)
    A1_2, A2_2 = _blockdiag(a1w2), _blockdiag(a2w2)
    ab1_1 = _bcast_col(jnp.pad(a1b1, (0, 8 - H)))
    ab2_1 = _bcast_col(jnp.pad(a2b1, (0, 8 - H)))
    ab1_2 = _bcast_col(jnp.pad(a1b2, (0, 8 - H)))
    ab2_2 = _bcast_col(jnp.pad(a2b2, (0, 8 - H)))

    att1 = _make_att(N, E, from_packed=False)
    att2 = _make_att(N, E, from_packed=True)
    agg1 = _make_agg(N, E, HF1, 8000, edge_split=True)
    agg2 = _make_agg(N, E, HF2, 8000)

    fp1, a1v1, a2v1 = _dense1(
        features, Ws1[0::2], Ws1[1::2],
        _bcast_col(bs1[0::2]), _bcast_col(bs1[1::2]),
        A1_1[:, 0::2], A1_1[:, 1::2], ab1_1,
        A2_1[:, 0::2], A2_1[:, 1::2], ab2_1)
    e1, spart1, pck = att1(a1v1.reshape(-1), a2v1.reshape(-1),
                           edge_index.reshape(-1))
    out1 = agg1(fp1.reshape(-1), e1, pck)

    fp2, a1v2, a2v2 = _dense2(
        out1.reshape(2 * HF1, N), spart1.reshape(2 * _NW, N),
        Ws2[0::2], Ws2[1::2],
        _bcast_col(bs2[0::2]), _bcast_col(bs2[1::2]),
        A1_2[:, 0::2], A1_2[:, 1::2], ab1_2,
        A2_2[:, 0::2], A2_2[:, 1::2], ab2_2)
    e2, spart2 = att2(a1v2.reshape(-1), a2v2.reshape(-1), pck)
    out2 = agg2(fp2.reshape(-1), e2, pck)

    return _finish(out2.reshape(HF2, N), spart2.reshape(2 * _NW, N))

# --- scband reference (transcript-rebuilt; emitter-appended) ---
"""Pipeline reference for scband-planetoid-gat-27977416966235 (READ-ONLY COPY).

The authoritative reference and input builder live on the scoring server;
editing this copy changes nothing except your own understanding.
"""

import jax, jax.numpy as jnp
import numpy as np

N = 10000
E = 320000
DIN = 128
F1 = 32
F2 = 64
HEADS = 2


def setup_inputs(seed: int = 0) -> dict:
    key = jax.random.key(seed)
    ks = jax.random.split(key, 10)
    features = jax.random.normal(ks[0], (N, DIN), dtype=jnp.float32)
    edge_index = jax.random.randint(ks[1], (2, E), 0, N)
    W1 = jax.random.normal(ks[2], (HEADS, F1, DIN), dtype=jnp.float32) / jnp.sqrt(DIN)
    b1 = jnp.zeros((HEADS, F1), dtype=jnp.float32)
    a1w1 = jax.random.normal(ks[3], (HEADS, F1), dtype=jnp.float32) / jnp.sqrt(F1)
    a1b1 = jnp.zeros((HEADS,), dtype=jnp.float32)
    a2w1 = jax.random.normal(ks[4], (HEADS, F1), dtype=jnp.float32) / jnp.sqrt(F1)
    a2b1 = jnp.zeros((HEADS,), dtype=jnp.float32)
    W2 = jax.random.normal(ks[5], (HEADS, F2, HEADS * F1), dtype=jnp.float32) / jnp.sqrt(HEADS * F1)
    b2 = jnp.zeros((HEADS, F2), dtype=jnp.float32)
    a1w2 = jax.random.normal(ks[6], (HEADS, F2), dtype=jnp.float32) / jnp.sqrt(F2)
    a1b2 = jnp.zeros((HEADS,), dtype=jnp.float32)
    a2w2 = jax.random.normal(ks[7], (HEADS, F2), dtype=jnp.float32) / jnp.sqrt(F2)
    a2b2 = jnp.zeros((HEADS,), dtype=jnp.float32)
    return {"features": features, "edge_index": edge_index,
            "W1": W1, "b1": b1, "a1w1": a1w1, "a1b1": a1b1, "a2w1": a2w1, "a2b1": a2b1,
            "W2": W2, "b2": b2, "a1w2": a1w2, "a1b2": a1b2, "a2w2": a2w2, "a2b2": a2b2}


def _gat_layer(x, edge_index, W, b, a1w, a1b, a2w, a2b):
    # features = Linear(x); a_1 = Linear(features); a_2 = Linear(features)
    f = x @ W.T + b                      # [N, F]
    a1 = f @ a1w + a1b                   # [N]
    a2 = f @ a2w + a2b                   # [N]
    src = edge_index[0]
    dst = edge_index[1]
    v = a1[src] + a2[dst]                # (a_1 + a_2.T)[src, dst]
    v = jnp.where(v > 0, v, 0.01 * v)    # LeakyReLU(0.01)
    n = x.shape[0]
    # sparse softmax over dim=1 (per source row)
    m = jax.ops.segment_max(v, src, num_segments=n)
    m = jnp.where(jnp.isfinite(m), m, 0.0)
    e = jnp.exp(v - m[src])
    s = jax.ops.segment_sum(e, src, num_segments=n)
    att = e / s[src]
    # sparse.mm(attention, features): out[i] = sum_j att[i,j] * f[j]
    out = jnp.zeros((n, f.shape[1]), dtype=f.dtype).at[src].add(att[:, None] * f[dst])
    return out


def reference(features, edge_index, W1, b1, a1w1, a1b1, a2w1, a2b1, W2, b2, a1w2, a1b2, a2w2, a2b2):
    h1 = [_gat_layer(features, edge_index, W1[h], b1[h], a1w1[h], a1b1[h], a2w1[h], a2b1[h]) for h in range(HEADS)]
    x = jax.nn.relu(jnp.concatenate(h1, axis=1))
    h2 = [_gat_layer(x, edge_index, W2[h], b2[h], a1w2[h], a1b2[h], a2w2[h], a2b2[h]) for h in range(HEADS)]
    x = jax.nn.relu(jnp.concatenate(h2, axis=1))
    return x

if __name__ == "__main__":
    import jax
    _d = setup_inputs()
    print(jax.jit(kernel)(*tuple(_d.values())))

</pallas_src>

<mosaic_0001>
#map = affine_map<(d0, d1) -> (0)>
module attributes {stable_mosaic.version = 14 : i64} {
  func.func @body(%arg0: i32, %arg1: i32, %arg2: memref<80000xf32, #tpu.memory_space<hbm>>, %arg3: memref<80000xf32, #tpu.memory_space<hbm>>, %arg4: memref<640000xi32, #tpu.memory_space<hbm>>, %arg5: memref<640000xf32, #tpu.memory_space<hbm>>, %arg6: memref<640000xf32, #tpu.memory_space<hbm>>, %arg7: memref<320000xi32, #tpu.memory_space<hbm>>, %arg8: memref<20000xf32, #tpu.memory_space<vmem>>, %arg9: memref<20000xf32, #tpu.memory_space<vmem>>, %arg10: memref<20000xf32, #tpu.memory_space<vmem>>, %arg11: memref<20000xf32, #tpu.memory_space<vmem>>, %arg12: memref<10000xi32, #tpu.memory_space<vmem>>, %arg13: memref<10000xi32, #tpu.memory_space<vmem>>, %arg14: memref<10000xi32, #tpu.memory_space<vmem>>) attributes {dimension_semantics = [#tpu.dimension_semantics<core_parallel>, #tpu.dimension_semantics<subcore_parallel>], iteration_bounds = array<i64: 2, 16>, scalar_prefetch = 0 : i64, scratch_operands = 7 : i64, tpu.core_type = #tpu.core_type<sc_vector_subcore>, window_params = [{transform_indices = #map}, {transform_indices = #map}, {transform_indices = #map}, {transform_indices = #map}, {transform_indices = #map}, {transform_indices = #map}]} {
    %mul3A = arith.constant 2 : i32
    %mul3A_0 = arith.muli %arg1, %mul3A : i32
    %add3A = arith.addi %mul3A_0, %arg0 : i32
    %mul3A_1 = arith.constant 10000 : i32
    %mul3A_2 = arith.muli %add3A, %mul3A_1 : i32
    "tpu.region"() ({
      %run_scoped3A = tpu.sem_alloc : memref<!tpu.dma_semaphore, #tpu.memory_space<semaphore_mem>>
      %dma_start3A = arith.constant 0 : i32
      %dma_start3A_19 = tpu.memref_slice %arg2[%dma_start3A] : memref<80000xf32, #tpu.memory_space<hbm>> -> memref<20000xf32, #tpu.memory_space<hbm>>
      %dma_start3A_20 = arith.constant 0 : i32
      %dma_start3A_21 = tpu.memref_slice %arg2[%dma_start3A_20] : memref<80000xf32, #tpu.memory_space<hbm>> -> memref<20000xf32, #tpu.memory_space<hbm>>
      tpu.enqueue_dma source(%dma_start3A_21 : memref<20000xf32, #tpu.memory_space<hbm>>) target(%arg8 : memref<20000xf32, #tpu.memory_space<vmem>>) target_semaphore(%run_scoped3A : memref<!tpu.dma_semaphore, #tpu.memory_space<semaphore_mem>>)
      %dma_wait3A = arith.constant 0 : i32
      %dma_wait3A_22 = tpu.memref_slice %arg2[%dma_wait3A] : memref<80000xf32, #tpu.memory_space<hbm>> -> memref<20000xf32, #tpu.memory_space<hbm>>
      %dma_wait3A_23 = arith.constant 0 : i32
      %dma_wait3A_24 = tpu.memref_slice %arg2[%dma_wait3A_23] : memref<80000xf32, #tpu.memory_space<hbm>> -> memref<20000xf32, #tpu.memory_space<hbm>>
      tpu.wait_dma2 semaphore(%run_scoped3A : memref<!tpu.dma_semaphore, #tpu.memory_space<semaphore_mem>>) src(%dma_wait3A_24 : memref<20000xf32, #tpu.memory_space<hbm>>) dst(%arg8 : memref<20000xf32, #tpu.memory_space<vmem>>)
      tpu.yield
    }) : () -> ()
    "tpu.region"() ({
      %run_scoped3A = tpu.sem_alloc : memref<!tpu.dma_semaphore, #tpu.memory_space<semaphore_mem>>
      %dma_start3A = arith.constant 0 : i32
      %dma_start3A_19 = tpu.memref_slice %arg3[%dma_start3A] : memref<80000xf32, #tpu.memory_space<hbm>> -> memref<20000xf32, #tpu.memory_space<hbm>>
      %dma_start3A_20 = arith.constant 0 : i32
      %dma_start3A_21 = tpu.memref_slice %arg3[%dma_start3A_20] : memref<80000xf32, #tpu.memory_space<hbm>> -> memref<20000xf32, #tpu.memory_space<hbm>>
      tpu.enqueue_dma source(%dma_start3A_21 : memref<20000xf32, #tpu.memory_space<hbm>>) target(%arg9 : memref<20000xf32, #tpu.memory_space<vmem>>) target_semaphore(%run_scoped3A : memref<!tpu.dma_semaphore, #tpu.memory_space<semaphore_mem>>)
      %dma_wait3A = arith.constant 0 : i32
      %dma_wait3A_22 = tpu.memref_slice %arg3[%dma_wait3A] : memref<80000xf32, #tpu.memory_space<hbm>> -> memref<20000xf32, #tpu.memory_space<hbm>>
      %dma_wait3A_23 = arith.constant 0 : i32
      %dma_wait3A_24 = tpu.memref_slice %arg3[%dma_wait3A_23] : memref<80000xf32, #tpu.memory_space<hbm>> -> memref<20000xf32, #tpu.memory_space<hbm>>
      tpu.wait_dma2 semaphore(%run_scoped3A : memref<!tpu.dma_semaphore, #tpu.memory_space<semaphore_mem>>) src(%dma_wait3A_24 : memref<20000xf32, #tpu.memory_space<hbm>>) dst(%arg9 : memref<20000xf32, #tpu.memory_space<vmem>>)
      tpu.yield
    }) : () -> ()
    "tpu.region"() ({
      %run_scoped3A = tpu.sem_alloc : memref<!tpu.dma_semaphore, #tpu.memory_space<semaphore_mem>>
      %dma_start3A = tpu.memref_slice %arg4[%mul3A_2] : memref<640000xi32, #tpu.memory_space<hbm>> -> memref<10000xi32, #tpu.memory_space<hbm>>
      %dma_start3A_19 = tpu.memref_slice %arg4[%mul3A_2] : memref<640000xi32, #tpu.memory_space<hbm>> -> memref<10000xi32, #tpu.memory_space<hbm>>
      tpu.enqueue_dma source(%dma_start3A_19 : memref<10000xi32, #tpu.memory_space<hbm>>) target(%arg13 : memref<10000xi32, #tpu.memory_space<vmem>>) target_semaphore(%run_scoped3A : memref<!tpu.dma_semaphore, #tpu.memory_space<semaphore_mem>>)
      %dma_wait3A = tpu.memref_slice %arg4[%mul3A_2] : memref<640000xi32, #tpu.memory_space<hbm>> -> memref<10000xi32, #tpu.memory_space<hbm>>
      %dma_wait3A_20 = tpu.memref_slice %arg4[%mul3A_2] : memref<640000xi32, #tpu.memory_space<hbm>> -> memref<10000xi32, #tpu.memory_space<hbm>>
      tpu.wait_dma2 semaphore(%run_scoped3A : memref<!tpu.dma_semaphore, #tpu.memory_space<semaphore_mem>>) src(%dma_wait3A_20 : memref<10000xi32, #tpu.memory_space<hbm>>) dst(%arg13 : memref<10000xi32, #tpu.memory_space<vmem>>)
      tpu.yield
    }) : () -> ()
    %add3A_3 = arith.constant 320000 : i32
    %add3A_4 = arith.addi %add3A_3, %mul3A_2 : i32
    "tpu.region"() ({
      %run_scoped3A = tpu.sem_alloc : memref<!tpu.dma_semaphore, #tpu.memory_space<semaphore_mem>>
      %dma_start3A = tpu.memref_slice %arg4[%add3A_4] : memref<640000xi32, #tpu.memory_space<hbm>> -> memref<10000xi32, #tpu.memory_space<hbm>>
      %dma_start3A_19 = tpu.memref_slice %arg4[%add3A_4] : memref<640000xi32, #tpu.memory_space<hbm>> -> memref<10000xi32, #tpu.memory_space<hbm>>
      tpu.enqueue_dma source(%dma_start3A_19 : memref<10000xi32, #tpu.memory_space<hbm>>) target(%arg14 : memref<10000xi32, #tpu.memory_space<vmem>>) target_semaphore(%run_scoped3A : memref<!tpu.dma_semaphore, #tpu.memory_space<semaphore_mem>>)
      %dma_wait3A = tpu.memref_slice %arg4[%add3A_4] : memref<640000xi32, #tpu.memory_space<hbm>> -> memref<10000xi32, #tpu.memory_space<hbm>>
      %dma_wait3A_20 = tpu.memref_slice %arg4[%add3A_4] : memref<640000xi32, #tpu.memory_space<hbm>> -> memref<10000xi32, #tpu.memory_space<hbm>>
      tpu.wait_dma2 semaphore(%run_scoped3A : memref<!tpu.dma_semaphore, #tpu.memory_space<semaphore_mem>>) src(%dma_wait3A_20 : memref<10000xi32, #tpu.memory_space<hbm>>) dst(%arg14 : memref<10000xi32, #tpu.memory_space<vmem>>)
      tpu.yield
    }) : () -> ()
    %broadcast_in_dim3A = arith.constant 0.000000e+00 : f32
    %broadcast_in_dim3A_5 = vector.broadcast %broadcast_in_dim3A : f32 to vector<16xf32>
    %parallel_loop3A = arith.constant 0 : i32
    %parallel_loop3A_6 = arith.constant 20000 : i32
    %parallel_loop3A_7 = arith.constant 16 : i32
    scf.for %parallel_loop3A_19 = %parallel_loop3A to %parallel_loop3A_6 step %parallel_loop3A_7  : i32 {
      %parallel_loop3A_20 = arith.index_cast %parallel_loop3A_19 : i32 to index
      %parallel_loop3A_21 = tpu.vector_load %arg10[%parallel_loop3A_20] {strides = array<i32>} : memref<20000xf32, #tpu.memory_space<vmem>>, vector<16xf32>,
      tpu.vector_store %arg10[%parallel_loop3A_20], %broadcast_in_dim3A_5 {strides = array<i32>} : memref<20000xf32, #tpu.memory_space<vmem>>, vector<16xf32>,
    } {sc.loop_unroll_factor = 8 : i64, sc.parallel_access}
    %parallel_loop3A_8 = arith.constant 0 : i32
    %parallel_loop3A_9 = arith.constant 10000 : i32
    %parallel_loop3A_10 = arith.constant 16 : i32
    scf.for %parallel_loop3A_19 = %parallel_loop3A_8 to %parallel_loop3A_9 step %parallel_loop3A_10  : i32 {
      %parallel_loop3A_20 = arith.index_cast %parallel_loop3A_19 : i32 to index
      %parallel_loop3A_21 = tpu.vector_load %arg13[%parallel_loop3A_20] {strides = array<i32>} : memref<10000xi32, #tpu.memory_space<vmem>>, vector<16xi32>,
      %parallel_loop3A_22 = arith.index_cast %parallel_loop3A_19 : i32 to index
      %parallel_loop3A_23 = tpu.vector_load %arg14[%parallel_loop3A_22] {strides = array<i32>} : memref<10000xi32, #tpu.memory_space<vmem>>, vector<16xi32>,
      %parallel_loop3A_24 = arith.constant 14 : i32
      %parallel_loop3A_25 = vector.broadcast %parallel_loop3A_24 : i32 to vector<16xi32>
      %parallel_loop3A_26 = arith.shli %parallel_loop3A_21, %parallel_loop3A_25 : vector<16xi32>
      %parallel_loop3A_27 = arith.ori %parallel_loop3A_26, %parallel_loop3A_23 : vector<16xi32>
      %parallel_loop3A_28 = arith.index_cast %parallel_loop3A_19 : i32 to index
      %parallel_loop3A_29 = tpu.vector_load %arg12[%parallel_loop3A_28] {strides = array<i32>} : memref<10000xi32, #tpu.memory_space<vmem>>, vector<16xi32>,
      tpu.vector_store %arg12[%parallel_loop3A_28], %parallel_loop3A_27 {strides = array<i32>} : memref<10000xi32, #tpu.memory_space<vmem>>, vector<16xi32>,
      %parallel_loop3A_30 = arith.constant 0 : i32
      %parallel_loop3A_31 = vector.broadcast %parallel_loop3A_30 : i32 to vector<16xi32>
      %parallel_loop3A_32 = arith.addi %parallel_loop3A_21, %parallel_loop3A_31 : vector<16xi32>
      %parallel_loop3A_33 = tpu.vector_load_idx %arg8[%parallel_loop3A_32] : memref<20000xf32, #tpu.memory_space<vmem>>[vector<16xi32>], vector<16xf32>,
      %parallel_loop3A_34 = arith.constant 0 : i32
      %parallel_loop3A_35 = vector.broadcast %parallel_loop3A_34 : i32 to vector<16xi32>
      %parallel_loop3A_36 = arith.addi %parallel_loop3A_23, %parallel_loop3A_35 : vector<16xi32>
      %parallel_loop3A_37 = tpu.vector_load_idx %arg9[%parallel_loop3A_36] : memref<20000xf32, #tpu.memory_space<vmem>>[vector<16xi32>], vector<16xf32>,
      %parallel_loop3A_38 = arith.addf %parallel_loop3A_33, %parallel_loop3A_37 : vector<16xf32>
      %parallel_loop3A_39 = arith.constant 0.000000e+00 : f32
      %parallel_loop3A_40 = vector.broadcast %parallel_loop3A_39 : f32 to vector<16xf32>
      %parallel_loop3A_41 = arith.cmpf ogt, %parallel_loop3A_38, %parallel_loop3A_40 : vector<16xf32>
      %parallel_loop3A_42 = arith.constant 0.00999999977 : f32
      %parallel_loop3A_43 = vector.broadcast %parallel_loop3A_42 : f32 to vector<16xf32>
      %parallel_loop3A_44 = arith.mulf %parallel_loop3A_43, %parallel_loop3A_38 : vector<16xf32>
      %parallel_loop3A_45 = arith.select %parallel_loop3A_41, %parallel_loop3A_38, %parallel_loop3A_44 : vector<16xi1>, vector<16xf32>
      %parallel_loop3A_46 = math.exp %parallel_loop3A_45 : vector<16xf32>
      %parallel_loop3A_47 = arith.constant 0 : i32
      %parallel_loop3A_48 = arith.addi %parallel_loop3A_47, %parallel_loop3A_19 : i32
      %parallel_loop3A_49 = arith.index_cast %parallel_loop3A_48 : i32 to index
      %parallel_loop3A_50 = tpu.vector_load %arg11[%parallel_loop3A_49] {strides = array<i32>} : memref<20000xf32, #tpu.memory_space<vmem>>, vector<16xf32>,
      tpu.vector_store %arg11[%parallel_loop3A_49], %parallel_loop3A_46 {strides = array<i32>} : memref<20000xf32, #tpu.memory_space<vmem>>, vector<16xf32>,
      %parallel_loop3A_51 = arith.constant 0 : i32
      %parallel_loop3A_52 = vector.broadcast %parallel_loop3A_51 : i32 to vector<16xi32>
      %parallel_loop3A_53 = arith.addi %parallel_loop3A_21, %parallel_loop3A_52 : vector<16xi32>
      tpu.vector_store_idx %arg10[%parallel_loop3A_53], %parallel_loop3A_46 {add = true} : memref<20000xf32, #tpu.memory_space<vmem>>[vector<16xi32>], vector<16xf32>,
      %parallel_loop3A_54 = arith.constant 10000 : i32
      %parallel_loop3A_55 = vector.broadcast %parallel_loop3A_54 : i32 to vector<16xi32>
      %parallel_loop3A_56 = arith.addi %parallel_loop3A_21, %parallel_loop3A_55 : vector<16xi32>
      %parallel_loop3A_57 = tpu.vector_load_idx %arg8[%parallel_loop3A_56] : memref<20000xf32, #tpu.memory_space<vmem>>[vector<16xi32>], vector<16xf32>,
      %parallel_loop3A_58 = arith.constant 10000 : i32
      %parallel_loop3A_59 = vector.broadcast %parallel_loop3A_58 : i32 to vector<16xi32>
      %parallel_loop3A_60 = arith.addi %parallel_loop3A_23, %parallel_loop3A_59 : vector<16xi32>
      %parallel_loop3A_61 = tpu.vector_load_idx %arg9[%parallel_loop3A_60] : memref<20000xf32, #tpu.memory_space<vmem>>[vector<16xi32>], vector<16xf32>,
      %parallel_loop3A_62 = arith.addf %parallel_loop3A_57, %parallel_loop3A_61 : vector<16xf32>
      %parallel_loop3A_63 = arith.constant 0.000000e+00 : f32
      %parallel_loop3A_64 = vector.broadcast %parallel_loop3A_63 : f32 to vector<16xf32>
      %parallel_loop3A_65 = arith.cmpf ogt, %parallel_loop3A_62, %parallel_loop3A_64 : vector<16xf32>
      %parallel_loop3A_66 = arith.constant 0.00999999977 : f32
      %parallel_loop3A_67 = vector.broadcast %parallel_loop3A_66 : f32 to vector<16xf32>
      %parallel_loop3A_68 = arith.mulf %parallel_loop3A_67, %parallel_loop3A_62 : vector<16xf32>
      %parallel_loop3A_69 = arith.select %parallel_loop3A_65, %parallel_loop3A_62, %parallel_loop3A_68 : vector<16xi1>, vector<16xf32>
      %parallel_loop3A_70 = math.exp %parallel_loop3A_69 : vector<16xf32>
      %parallel_loop3A_71 = arith.constant 10000 : i32
      %parallel_loop3A_72 = arith.addi %parallel_loop3A_71, %parallel_loop3A_19 : i32
      %parallel_loop3A_73 = arith.index_cast %parallel_loop3A_72 : i32 to index
      %parallel_loop3A_74 = tpu.vector_load %arg11[%parallel_loop3A_73] {strides = array<i32>} : memref<20000xf32, #tpu.memory_space<vmem>>, vector<16xf32>,
      tpu.vector_store %arg11[%parallel_loop3A_73], %parallel_loop3A_70 {strides = array<i32>} : memref<20000xf32, #tpu.memory_space<vmem>>, vector<16xf32>,
      %parallel_loop3A_75 = arith.constant 10000 : i32
      %parallel_loop3A_76 = vector.broadcast %parallel_loop3A_75 : i32 to vector<16xi32>
      %parallel_loop3A_77 = arith.addi %parallel_loop3A_21, %parallel_loop3A_76 : vector<16xi32>
      tpu.vector_store_idx %arg10[%parallel_loop3A_77], %parallel_loop3A_70 {add = true} : memref<20000xf32, #tpu.memory_space<vmem>>[vector<16xi32>], vector<16xf32>,
    } {sc.loop_unroll_factor = 8 : i64, sc.parallel_access}
    "tpu.region"() ({
      %run_scoped3A = tpu.sem_alloc : memref<!tpu.dma_semaphore, #tpu.memory_space<semaphore_mem>>
      %dma_start3A = arith.constant 0 : i32
      %dma_start3A_19 = tpu.memref_slice %arg11[%dma_start3A] : memref<20000xf32, #tpu.memory_space<vmem>> -> memref<10000xf32, #tpu.memory_space<vmem>>
      %dma_start3A_20 = tpu.memref_slice %arg5[%mul3A_2] : memref<640000xf32, #tpu.memory_space<hbm>> -> memref<10000xf32, #tpu.memory_space<hbm>>
      %dma_start3A_21 = tpu.memref_slice %arg5[%mul3A_2] : memref<640000xf32, #tpu.memory_space<hbm>> -> memref<10000xf32, #tpu.memory_space<hbm>>
      %dma_start3A_22 = arith.constant 0 : i32
      %dma_start3A_23 = tpu.memref_slice %arg11[%dma_start3A_22] : memref<20000xf32, #tpu.memory_space<vmem>> -> memref<10000xf32, #tpu.memory_space<vmem>>
      tpu.enqueue_dma source(%dma_start3A_23 : memref<10000xf32, #tpu.memory_space<vmem>>) target(%dma_start3A_21 : memref<10000xf32, #tpu.memory_space<hbm>>) target_semaphore(%run_scoped3A : memref<!tpu.dma_semaphore, #tpu.memory_space<semaphore_mem>>)
      %dma_wait3A = arith.constant 0 : i32
      %dma_wait3A_24 = tpu.memref_slice %arg11[%dma_wait3A] : memref<20000xf32, #tpu.memory_space<vmem>> -> memref<10000xf32, #tpu.memory_space<vmem>>
      %dma_wait3A_25 = tpu.memref_slice %arg5[%mul3A_2] : memref<640000xf32, #tpu.memory_space<hbm>> -> memref<10000xf32, #tpu.memory_space<hbm>>
      %dma_wait3A_26 = tpu.memref_slice %arg5[%mul3A_2] : memref<640000xf32, #tpu.memory_space<hbm>> -> memref<10000xf32, #tpu.memory_space<hbm>>
      %dma_wait3A_27 = arith.constant 0 : i32
      %dma_wait3A_28 = tpu.memref_slice %arg11[%dma_wait3A_27] : memref<20000xf32, #tpu.memory_space<vmem>> -> memref<10000xf32, #tpu.memory_space<vmem>>
      tpu.wait_dma2 semaphore(%run_scoped3A : memref<!tpu.dma_semaphore, #tpu.memory_space<semaphore_mem>>) src(%dma_wait3A_28 : memref<10000xf32, #tpu.memory_space<vmem>>) dst(%dma_wait3A_26 : memref<10000xf32, #tpu.memory_space<hbm>>)
      tpu.yield
    }) : () -> ()
    %add3A_11 = arith.constant 320000 : i32
    %add3A_12 = arith.addi %add3A_11, %mul3A_2 : i32
    "tpu.region"() ({
      %run_scoped3A = tpu.sem_alloc : memref<!tpu.dma_semaphore, #tpu.memory_space<semaphore_mem>>
      %dma_start3A = arith.constant 10000 : i32
      %dma_start3A_19 = tpu.memref_slice %arg11[%dma_start3A] : memref<20000xf32, #tpu.memory_space<vmem>> -> memref<10000xf32, #tpu.memory_space<vmem>>
      %dma_start3A_20 = tpu.memref_slice %arg5[%add3A_12] : memref<640000xf32, #tpu.memory_space<hbm>> -> memref<10000xf32, #tpu.memory_space<hbm>>
      %dma_start3A_21 = tpu.memref_slice %arg5[%add3A_12] : memref<640000xf32, #tpu.memory_space<hbm>> -> memref<10000xf32, #tpu.memory_space<hbm>>
      %dma_start3A_22 = arith.constant 10000 : i32
      %dma_start3A_23 = tpu.memref_slice %arg11[%dma_start3A_22] : memref<20000xf32, #tpu.memory_space<vmem>> -> memref<10000xf32, #tpu.memory_space<vmem>>
      tpu.enqueue_dma source(%dma_start3A_23 : memref<10000xf32, #tpu.memory_space<vmem>>) target(%dma_start3A_21 : memref<10000xf32, #tpu.memory_space<hbm>>) target_semaphore(%run_scoped3A : memref<!tpu.dma_semaphore, #tpu.memory_space<semaphore_mem>>)
      %dma_wait3A = arith.constant 10000 : i32
      %dma_wait3A_24 = tpu.memref_slice %arg11[%dma_wait3A] : memref<20000xf32, #tpu.memory_space<vmem>> -> memref<10000xf32, #tpu.memory_space<vmem>>
      %dma_wait3A_25 = tpu.memref_slice %arg5[%add3A_12] : memref<640000xf32, #tpu.memory_space<hbm>> -> memref<10000xf32, #tpu.memory_space<hbm>>
      %dma_wait3A_26 = tpu.memref_slice %arg5[%add3A_12] : memref<640000xf32, #tpu.memory_space<hbm>> -> memref<10000xf32, #tpu.memory_space<hbm>>
      %dma_wait3A_27 = arith.constant 10000 : i32
      %dma_wait3A_28 = tpu.memref_slice %arg11[%dma_wait3A_27] : memref<20000xf32, #tpu.memory_space<vmem>> -> memref<10000xf32, #tpu.memory_space<vmem>>
      tpu.wait_dma2 semaphore(%run_scoped3A : memref<!tpu.dma_semaphore, #tpu.memory_space<semaphore_mem>>) src(%dma_wait3A_28 : memref<10000xf32, #tpu.memory_space<vmem>>) dst(%dma_wait3A_26 : memref<10000xf32, #tpu.memory_space<hbm>>)
      tpu.yield
    }) : () -> ()
    %mul3A_13 = arith.constant 10000 : i32
    %mul3A_14 = arith.muli %add3A, %mul3A_13 : i32
    "tpu.region"() ({
      %run_scoped3A = tpu.sem_alloc : memref<!tpu.dma_semaphore, #tpu.memory_space<semaphore_mem>>
      %dma_start3A = arith.constant 0 : i32
      %dma_start3A_19 = tpu.memref_slice %arg10[%dma_start3A] : memref<20000xf32, #tpu.memory_space<vmem>> -> memref<10000xf32, #tpu.memory_space<vmem>>
      %dma_start3A_20 = tpu.memref_slice %arg6[%mul3A_14] : memref<640000xf32, #tpu.memory_space<hbm>> -> memref<10000xf32, #tpu.memory_space<hbm>>
      %dma_start3A_21 = tpu.memref_slice %arg6[%mul3A_14] : memref<640000xf32, #tpu.memory_space<hbm>> -> memref<10000xf32, #tpu.memory_space<hbm>>
      %dma_start3A_22 = arith.constant 0 : i32
      %dma_start3A_23 = tpu.memref_slice %arg10[%dma_start3A_22] : memref<20000xf32, #tpu.memory_space<vmem>> -> memref<10000xf32, #tpu.memory_space<vmem>>
      tpu.enqueue_dma source(%dma_start3A_23 : memref<10000xf32, #tpu.memory_space<vmem>>) target(%dma_start3A_21 : memref<10000xf32, #tpu.memory_space<hbm>>) target_semaphore(%run_scoped3A : memref<!tpu.dma_semaphore, #tpu.memory_space<semaphore_mem>>)
      %dma_wait3A = arith.constant 0 : i32
      %dma_wait3A_24 = tpu.memref_slice %arg10[%dma_wait3A] : memref<20000xf32, #tpu.memory_space<vmem>> -> memref<10000xf32, #tpu.memory_space<vmem>>
      %dma_wait3A_25 = tpu.memref_slice %arg6[%mul3A_14] : memref<640000xf32, #tpu.memory_space<hbm>> -> memref<10000xf32, #tpu.memory_space<hbm>>
      %dma_wait3A_26 = tpu.memref_slice %arg6[%mul3A_14] : memref<640000xf32, #tpu.memory_space<hbm>> -> memref<10000xf32, #tpu.memory_space<hbm>>
      %dma_wait3A_27 = arith.constant 0 : i32
      %dma_wait3A_28 = tpu.memref_slice %arg10[%dma_wait3A_27] : memref<20000xf32, #tpu.memory_space<vmem>> -> memref<10000xf32, #tpu.memory_space<vmem>>
      tpu.wait_dma2 semaphore(%run_scoped3A : memref<!tpu.dma_semaphore, #tpu.memory_space<semaphore_mem>>) src(%dma_wait3A_28 : memref<10000xf32, #tpu.memory_space<vmem>>) dst(%dma_wait3A_26 : memref<10000xf32, #tpu.memory_space<hbm>>)
      tpu.yield
    }) : () -> ()
    %mul3A_15 = arith.constant 10000 : i32
    %mul3A_16 = arith.muli %add3A, %mul3A_15 : i32
    %add3A_17 = arith.constant 320000 : i32
    %add3A_18 = arith.addi %add3A_17, %mul3A_16 : i32
    "tpu.region"() ({
      %run_scoped3A = tpu.sem_alloc : memref<!tpu.dma_semaphore, #tpu.memory_space<semaphore_mem>>
      %dma_start3A = arith.constant 10000 : i32
      %dma_start3A_19 = tpu.memref_slice %arg10[%dma_start3A] : memref<20000xf32, #tpu.memory_space<vmem>> -> memref<10000xf32, #tpu.memory_space<vmem>>
      %dma_start3A_20 = tpu.memref_slice %arg6[%add3A_18] : memref<640000xf32, #tpu.memory_space<hbm>> -> memref<10000xf32, #tpu.memory_space<hbm>>
      %dma_start3A_21 = tpu.memref_slice %arg6[%add3A_18] : memref<640000xf32, #tpu.memory_space<hbm>> -> memref<10000xf32, #tpu.memory_space<hbm>>
      %dma_start3A_22 = arith.constant 10000 : i32
      %dma_start3A_23 = tpu.memref_slice %arg10[%dma_start3A_22] : memref<20000xf32, #tpu.memory_space<vmem>> -> memref<10000xf32, #tpu.memory_space<vmem>>
      tpu.enqueue_dma source(%dma_start3A_23 : memref<10000xf32, #tpu.memory_space<vmem>>) target(%dma_start3A_21 : memref<10000xf32, #tpu.memory_space<hbm>>) target_semaphore(%run_scoped3A : memref<!tpu.dma_semaphore, #tpu.memory_space<semaphore_mem>>)
      %dma_wait3A = arith.constant 10000 : i32
      %dma_wait3A_24 = tpu.memref_slice %arg10[%dma_wait3A] : memref<20000xf32, #tpu.memory_space<vmem>> -> memref<10000xf32, #tpu.memory_space<vmem>>
      %dma_wait3A_25 = tpu.memref_slice %arg6[%add3A_18] : memref<640000xf32, #tpu.memory_space<hbm>> -> memref<10000xf32, #tpu.memory_space<hbm>>
      %dma_wait3A_26 = tpu.memref_slice %arg6[%add3A_18] : memref<640000xf32, #tpu.memory_space<hbm>> -> memref<10000xf32, #tpu.memory_space<hbm>>
      %dma_wait3A_27 = arith.constant 10000 : i32
      %dma_wait3A_28 = tpu.memref_slice %arg10[%dma_wait3A_27] : memref<20000xf32, #tpu.memory_space<vmem>> -> memref<10000xf32, #tpu.memory_space<vmem>>
      tpu.wait_dma2 semaphore(%run_scoped3A : memref<!tpu.dma_semaphore, #tpu.memory_space<semaphore_mem>>) src(%dma_wait3A_28 : memref<10000xf32, #tpu.memory_space<vmem>>) dst(%dma_wait3A_26 : memref<10000xf32, #tpu.memory_space<hbm>>)
      tpu.yield
    }) : () -> ()
    "tpu.region"() ({
      %run_scoped3A = tpu.sem_alloc : memref<!tpu.dma_semaphore, #tpu.memory_space<semaphore_mem>>
      %dma_start3A = tpu.memref_slice %arg7[%mul3A_2] : memref<320000xi32, #tpu.memory_space<hbm>> -> memref<10000xi32, #tpu.memory_space<hbm>>
      %dma_start3A_19 = tpu.memref_slice %arg7[%mul3A_2] : memref<320000xi32, #tpu.memory_space<hbm>> -> memref<10000xi32, #tpu.memory_space<hbm>>
      tpu.enqueue_dma source(%arg12 : memref<10000xi32, #tpu.memory_space<vmem>>) target(%dma_start3A_19 : memref<10000xi32, #tpu.memory_space<hbm>>) target_semaphore(%run_scoped3A : memref<!tpu.dma_semaphore, #tpu.memory_space<semaphore_mem>>)
      %dma_wait3A = tpu.memref_slice %arg7[%mul3A_2] : memref<320000xi32, #tpu.memory_space<hbm>> -> memref<10000xi32, #tpu.memory_space<hbm>>
      %dma_wait3A_20 = tpu.memref_slice %arg7[%mul3A_2] : memref<320000xi32, #tpu.memory_space<hbm>> -> memref<10000xi32, #tpu.memory_space<hbm>>
      tpu.wait_dma2 semaphore(%run_scoped3A : memref<!tpu.dma_semaphore, #tpu.memory_space<semaphore_mem>>) src(%arg12 : memref<10000xi32, #tpu.memory_space<vmem>>) dst(%dma_wait3A_20 : memref<10000xi32, #tpu.memory_space<hbm>>)
      tpu.yield
    }) : () -> ()
    return
  }
}

#map = affine_map<(d0, d1) -> (0)>
module attributes {stable_mosaic.version = 14 : i64} {
  func.func @body(%arg0: i32, %arg1: i32, %arg2: memref<640000xi32, #tpu.memory_space<hbm>>, %arg3: memref<640000xf32, #tpu.memory_space<hbm>>, %arg4: memref<320000xi32, #tpu.memory_space<hbm>>, %arg5: memref<1280000xf32, #tpu.memory_space<hbm>>, %arg6: memref<20000xi32, #tpu.memory_space<vmem>>, %arg7: memref<40000xf32, #tpu.memory_space<vmem>>, %arg8: memref<8000xi32, #tpu.memory_space<vmem>>, %arg9: memref<8000xi32, #tpu.memory_space<vmem>>, %arg10: memref<8000xf32, #tpu.memory_space<vmem>>, %arg11: memref<8000xf32, #tpu.memory_space<vmem>>, %arg12: memref<!tpu.dma_semaphore, #tpu.memory_space<semaphore_mem>>, %arg13: memref<!tpu.dma_semaphore, #tpu.memory_space<semaphore_mem>>) attributes {dimension_semantics = [#tpu.dimension_semantics<core_parallel>, #tpu.dimension_semantics<subcore_parallel>], iteration_bounds = array<i64: 2, 16>, scalar_prefetch = 0 : i64, scratch_operands = 8 : i64, tpu.core_type = #tpu.core_type<sc_vector_subcore>, window_params = [{transform_indices = #map}, {transform_indices = #map}, {transform_indices = #map}, {transform_indices = #map}]} {
    %mul3A = arith.constant 2 : i32
    %mul3A_0 = arith.muli %arg1, %mul3A : i32
    %add3A = arith.addi %mul3A_0, %arg0 : i32
    %mul3A_1 = arith.constant 4 : i32
    %mul3A_2 = arith.muli %add3A, %mul3A_1 : i32
    %jit3A = arith.constant 64 : i32
    %div3A = arith.divsi %mul3A_2, %jit3A : i32
    %sign3A = arith.constant 0 : i32
    %sign3A_3 = arith.cmpi sgt, %mul3A_2, %sign3A : i32
    %sign3A_4 = arith.extui %sign3A_3 : i1 to i32
    %sign3A_5 = arith.constant 0 : i32
    %sign3A_6 = arith.cmpi slt, %mul3A_2, %sign3A_5 : i32
    %sign3A_7 = arith.extui %sign3A_6 : i1 to i32
    %sign3A_8 = arith.subi %sign3A_4, %sign3A_7 : i32
    %sign3A_9 = arith.constant 0 : i32
    %sign3A_10 = arith.cmpi sgt, %jit3A, %sign3A_9 : i32
    %sign3A_11 = arith.extui %sign3A_10 : i1 to i32
    %sign3A_12 = arith.constant 0 : i32
    %sign3A_13 = arith.cmpi slt, %jit3A, %sign3A_12 : i32
    %sign3A_14 = arith.extui %sign3A_13 : i1 to i32
    %sign3A_15 = arith.subi %sign3A_11, %sign3A_14 : i32
    %ne3A = arith.cmpi ne, %sign3A_8, %sign3A_15 : i32
    %rem3A = arith.remsi %mul3A_2, %jit3A : i32
    %ne3A_16 = arith.constant 0 : i32
    %ne3A_17 = arith.cmpi ne, %rem3A, %ne3A_16 : i32
    %and3A = arith.andi %ne3A, %ne3A_17 : i1
    %sub3A = arith.constant 1 : i32
    %sub3A_18 = arith.subi %div3A, %sub3A : i32
    %select_n3A = arith.select %and3A, %sub3A_18, %div3A : i32
    %mul3A_19 = arith.constant 20000 : i32
    %mul3A_20 = arith.muli %add3A, %mul3A_19 : i32
    "tpu.region"() ({
      %run_scoped3A = tpu.sem_alloc : memref<!tpu.dma_semaphore, #tpu.memory_space<semaphore_mem>>
      %dma_start3A_43 = tpu.memref_slice %arg2[%mul3A_20] : memref<640000xi32, #tpu.memory_space<hbm>> -> memref<20000xi32, #tpu.memory_space<hbm>>
      %dma_start3A_44 = tpu.memref_slice %arg2[%mul3A_20] : memref<640000xi32, #tpu.memory_space<hbm>> -> memref<20000xi32, #tpu.memory_space<hbm>>
      tpu.enqueue_dma source(%dma_start3A_44 : memref<20000xi32, #tpu.memory_space<hbm>>) target(%arg6 : memref<20000xi32, #tpu.memory_space<vmem>>) target_semaphore(%run_scoped3A : memref<!tpu.dma_semaphore, #tpu.memory_space<semaphore_mem>>)
      %dma_wait3A = tpu.memref_slice %arg2[%mul3A_20] : memref<640000xi32, #tpu.memory_space<hbm>> -> memref<20000xi32, #tpu.memory_space<hbm>>
      %dma_wait3A_45 = tpu.memref_slice %arg2[%mul3A_20] : memref<640000xi32, #tpu.memory_space<hbm>> -> memref<20000xi32, #tpu.memory_space<hbm>>
      tpu.wait_dma2 semaphore(%run_scoped3A : memref<!tpu.dma_semaphore, #tpu.memory_space<semaphore_mem>>) src(%dma_wait3A_45 : memref<20000xi32, #tpu.memory_space<hbm>>) dst(%arg6 : memref<20000xi32, #tpu.memory_space<vmem>>)
      tpu.yield
    }) : () -> ()
    %broadcast_in_dim3A = arith.constant 0.000000e+00 : f32
    %broadcast_in_dim3A_21 = vector.broadcast %broadcast_in_dim3A : f32 to vector<16xf32>
    %parallel_loop3A = arith.constant 0 : i32
    %parallel_loop3A_22 = arith.constant 40000 : i32
    %parallel_loop3A_23 = arith.constant 16 : i32
    scf.for %parallel_loop3A_43 = %parallel_loop3A to %parallel_loop3A_22 step %parallel_loop3A_23  : i32 {
      %parallel_loop3A_44 = arith.index_cast %parallel_loop3A_43 : i32 to index
      %parallel_loop3A_45 = tpu.vector_load %arg7[%parallel_loop3A_44] {strides = array<i32>} : memref<40000xf32, #tpu.memory_space<vmem>>, vector<16xf32>,
      tpu.vector_store %arg7[%parallel_loop3A_44], %broadcast_in_dim3A_21 {strides = array<i32>} : memref<40000xf32, #tpu.memory_space<vmem>>, vector<16xf32>,
    } {sc.loop_unroll_factor = 8 : i64, sc.parallel_access}
    %dma_start3A = arith.constant 0 : i32
    %dma_start3A_24 = tpu.memref_slice %arg4[%dma_start3A] : memref<320000xi32, #tpu.memory_space<hbm>> -> memref<8000xi32, #tpu.memory_space<hbm>>
    %dma_start3A_25 = arith.constant 0 : i32
    %dma_start3A_26 = tpu.memref_slice %arg4[%dma_start3A_25] : memref<320000xi32, #tpu.memory_space<hbm>> -> memref<8000xi32, #tpu.memory_space<hbm>>
    tpu.enqueue_dma source(%dma_start3A_26 : memref<8000xi32, #tpu.memory_space<hbm>>) target(%arg8 : memref<8000xi32, #tpu.memory_space<vmem>>) target_semaphore(%arg12 : memref<!tpu.dma_semaphore, #tpu.memory_space<semaphore_mem>>)
    %mul3A_27 = arith.constant 320000 : i32
    %mul3A_28 = arith.muli %select_n3A, %mul3A_27 : i32
    %add3A_29 = arith.constant 0 : i32
    %add3A_30 = arith.addi %mul3A_28, %add3A_29 : i32
    %add3A_31 = arith.constant 0 : i32
    %add3A_32 = arith.addi %add3A_30, %add3A_31 : i32
    %dma_start3A_33 = tpu.memref_slice %arg3[%add3A_32] : memref<640000xf32, #tpu.memory_space<hbm>> -> memref<8000xf32, #tpu.memory_space<hbm>>
    %dma_start3A_34 = tpu.memref_slice %arg3[%add3A_32] : memref<640000xf32, #tpu.memory_space<hbm>> -> memref<8000xf32, #tpu.memory_space<hbm>>
    tpu.enqueue_dma source(%dma_start3A_34 : memref<8000xf32, #tpu.memory_space<hbm>>) target(%arg10 : memref<8000xf32, #tpu.memory_space<vmem>>) target_semaphore(%arg13 : memref<!tpu.dma_semaphore, #tpu.memory_space<semaphore_mem>>)
    %scan3A = arith.constant 0 : i32
    %scan3A_35 = arith.constant 0 : i32
    %scan3A_36 = arith.constant 20 : i32
    %scan3A_37 = arith.addi %scan3A_35, %scan3A_36 : i32
    %scan3A_38 = arith.constant 1 : i32
    %scan3A_39 = scf.for %scan3A_43 = %scan3A_35 to %scan3A_37 step %scan3A_38 iter_args(%scan3A_44 = %scan3A) -> (i32)  : i32 {
      %mul3A_45 = arith.constant 2 : i32
      %mul3A_46 = arith.muli %scan3A_43, %mul3A_45 : i32
      %add3A_47 = arith.constant 0 : i32
      %add3A_48 = arith.addi %mul3A_46, %add3A_47 : i32
      %add3A_49 = arith.constant 1 : i32
      %add3A_50 = arith.addi %add3A_48, %add3A_49 : i32
      %lt3A = arith.constant 40 : i32
      %lt3A_51 = arith.cmpi slt, %add3A_50, %lt3A : i32
      %convert_element_type3A = arith.extui %lt3A_51 : i1 to i32
      %cond3A = arith.constant 0 : i32
      %cond3A_52 = arith.cmpi ne, %convert_element_type3A, %cond3A : i32
      scf.if %cond3A_52 {
        %add3A_100 = arith.constant 1 : i32
        %add3A_101 = arith.addi %add3A_48, %add3A_100 : i32
        %mul3A_102 = arith.constant 8000 : i32
        %mul3A_103 = arith.muli %add3A_101, %mul3A_102 : i32
        %add3A_104 = arith.constant 0 : i32
        %add3A_105 = arith.addi %add3A_104, %mul3A_103 : i32
        %dma_start3A_106 = tpu.memref_slice %arg4[%add3A_105] : memref<320000xi32, #tpu.memory_space<hbm>> -> memref<8000xi32, #tpu.memory_space<hbm>>
        %dma_start3A_107 = tpu.memref_slice %arg4[%add3A_105] : memref<320000xi32, #tpu.memory_space<hbm>> -> memref<8000xi32, #tpu.memory_space<hbm>>
        tpu.enqueue_dma source(%dma_start3A_107 : memref<8000xi32, #tpu.memory_space<hbm>>) target(%arg9 : memref<8000xi32, #tpu.memory_space<vmem>>) target_semaphore(%arg12 : memref<!tpu.dma_semaphore, #tpu.memory_space<semaphore_mem>>)
        %mul3A_108 = arith.constant 320000 : i32
        %mul3A_109 = arith.muli %select_n3A, %mul3A_108 : i32
        %add3A_110 = arith.constant 0 : i32
        %add3A_111 = arith.addi %mul3A_109, %add3A_110 : i32
        %mul3A_112 = arith.constant 8000 : i32
        %mul3A_113 = arith.muli %add3A_101, %mul3A_112 : i32
        %add3A_114 = arith.addi %add3A_111, %mul3A_113 : i32
        %dma_start3A_115 = tpu.memref_slice %arg3[%add3A_114] : memref<640000xf32, #tpu.memory_space<hbm>> -> memref<8000xf32, #tpu.memory_space<hbm>>
        %dma_start3A_116 = tpu.memref_slice %arg3[%add3A_114] : memref<640000xf32, #tpu.memory_space<hbm>> -> memref<8000xf32, #tpu.memory_space<hbm>>
        tpu.enqueue_dma source(%dma_start3A_116 : memref<8000xf32, #tpu.memory_space<hbm>>) target(%arg11 : memref<8000xf32, #tpu.memory_space<vmem>>) target_semaphore(%arg13 : memref<!tpu.dma_semaphore, #tpu.memory_space<semaphore_mem>>)
      } else {
      }
      %mul3A_53 = arith.constant 8000 : i32
      %mul3A_54 = arith.muli %add3A_48, %mul3A_53 : i32
      %add3A_55 = arith.constant 0 : i32
      %add3A_56 = arith.addi %add3A_55, %mul3A_54 : i32
      %dma_wait3A = tpu.memref_slice %arg4[%add3A_56] : memref<320000xi32, #tpu.memory_space<hbm>> -> memref<8000xi32, #tpu.memory_space<hbm>>
      %dma_wait3A_57 = tpu.memref_slice %arg4[%add3A_56] : memref<320000xi32, #tpu.memory_space<hbm>> -> memref<8000xi32, #tpu.memory_space<hbm>>
      tpu.wait_dma2 semaphore(%arg12 : memref<!tpu.dma_semaphore, #tpu.memory_space<semaphore_mem>>) src(%dma_wait3A_57 : memref<8000xi32, #tpu.memory_space<hbm>>) dst(%arg8 : memref<8000xi32, #tpu.memory_space<vmem>>)
      %mul3A_58 = arith.constant 320000 : i32
      %mul3A_59 = arith.muli %select_n3A, %mul3A_58 : i32
      %add3A_60 = arith.constant 0 : i32
      %add3A_61 = arith.addi %mul3A_59, %add3A_60 : i32
      %mul3A_62 = arith.constant 8000 : i32
      %mul3A_63 = arith.muli %add3A_48, %mul3A_62 : i32
      %add3A_64 = arith.addi %add3A_61, %mul3A_63 : i32
      %dma_wait3A_65 = tpu.memref_slice %arg3[%add3A_64] : memref<640000xf32, #tpu.memory_space<hbm>> -> memref<8000xf32, #tpu.memory_space<hbm>>
      %dma_wait3A_66 = tpu.memref_slice %arg3[%add3A_64] : memref<640000xf32, #tpu.memory_space<hbm>> -> memref<8000xf32, #tpu.memory_space<hbm>>
      tpu.wait_dma2 semaphore(%arg13 : memref<!tpu.dma_semaphore, #tpu.memory_space<semaphore_mem>>) src(%dma_wait3A_66 : memref<8000xf32, #tpu.memory_space<hbm>>) dst(%arg10 : memref<8000xf32, #tpu.memory_space<vmem>>)
      %parallel_loop3A_67 = arith.constant 0 : i32
      %parallel_loop3A_68 = arith.constant 8000 : i32
      %parallel_loop3A_69 = arith.constant 16 : i32
      scf.for %parallel_loop3A_100 = %parallel_loop3A_67 to %parallel_loop3A_68 step %parallel_loop3A_69  : i32 {
        %parallel_loop3A_101 = arith.index_cast %parallel_loop3A_100 : i32 to index
        %parallel_loop3A_102 = tpu.vector_load %arg8[%parallel_loop3A_101] {strides = array<i32>} : memref<8000xi32, #tpu.memory_space<vmem>>, vector<16xi32>,
        %parallel_loop3A_103 = arith.constant 14 : i32
        %parallel_loop3A_104 = vector.broadcast %parallel_loop3A_103 : i32 to vector<16xi32>
        %parallel_loop3A_105 = arith.shrsi %parallel_loop3A_102, %parallel_loop3A_104 : vector<16xi32>
        %parallel_loop3A_106 = arith.constant 16383 : i32
        %parallel_loop3A_107 = vector.broadcast %parallel_loop3A_106 : i32 to vector<16xi32>
        %parallel_loop3A_108 = arith.andi %parallel_loop3A_102, %parallel_loop3A_107 : vector<16xi32>
        %parallel_loop3A_109 = arith.index_cast %parallel_loop3A_100 : i32 to index
        %parallel_loop3A_110 = tpu.vector_load %arg10[%parallel_loop3A_109] {strides = array<i32>} : memref<8000xf32, #tpu.memory_space<vmem>>, vector<16xf32>,
        %parallel_loop3A_111 = arith.constant 0 : i32
        %parallel_loop3A_112 = vector.broadcast %parallel_loop3A_111 : i32 to vector<16xi32>
        %parallel_loop3A_113 = arith.addi %parallel_loop3A_108, %parallel_loop3A_112 : vector<16xi32>
        %parallel_loop3A_114 = tpu.vector_load_idx %arg6[%parallel_loop3A_113] : memref<20000xi32, #tpu.memory_space<vmem>>[vector<16xi32>], vector<16xi32>,
        %parallel_loop3A_115 = vector.bitcast %parallel_loop3A_114 : vector<16xi32> to vector<32xbf16>
        %parallel_loop3A_116 = tpu.unpack_subelements %parallel_loop3A_115, 0 {pack_format = #tpu.pack_format<interleaved>} : vector<32xbf16> -> vector<16xf32>
        %parallel_loop3A_117 = tpu.unpack_subelements %parallel_loop3A_115, 1 {pack_format = #tpu.pack_format<interleaved>} : vector<32xbf16> -> vector<16xf32>
        %parallel_loop3A_118 = arith.constant 0 : i32
        %parallel_loop3A_119 = vector.broadcast %parallel_loop3A_118 : i32 to vector<16xi32>
        %parallel_loop3A_120 = arith.addi %parallel_loop3A_105, %parallel_loop3A_119 : vector<16xi32>
        %parallel_loop3A_121 = arith.mulf %parallel_loop3A_110, %parallel_loop3A_116 : vector<16xf32>
        tpu.vector_store_idx %arg7[%parallel_loop3A_120], %parallel_loop3A_121 {add = true} : memref<40000xf32, #tpu.memory_space<vmem>>[vector<16xi32>], vector<16xf32>,
        %parallel_loop3A_122 = arith.constant 10000 : i32
        %parallel_loop3A_123 = vector.broadcast %parallel_loop3A_122 : i32 to vector<16xi32>
        %parallel_loop3A_124 = arith.addi %parallel_loop3A_105, %parallel_loop3A_123 : vector<16xi32>
        %parallel_loop3A_125 = arith.mulf %parallel_loop3A_110, %parallel_loop3A_117 : vector<16xf32>
        tpu.vector_store_idx %arg7[%parallel_loop3A_124], %parallel_loop3A_125 {add = true} : memref<40000xf32, #tpu.memory_space<vmem>>[vector<16xi32>], vector<16xf32>,
        %parallel_loop3A_126 = arith.constant 10000 : i32
        %parallel_loop3A_127 = vector.broadcast %parallel_loop3A_126 : i32 to vector<16xi32>
        %parallel_loop3A_128 = arith.addi %parallel_loop3A_108, %parallel_loop3A_127 : vector<16xi32>
        %parallel_loop3A_129 = tpu.vector_load_idx %arg6[%parallel_loop3A_128] : memref<20000xi32, #tpu.memory_space<vmem>>[vector<16xi32>], vector<16xi32>,
        %parallel_loop3A_130 = vector.bitcast %parallel_loop3A_129 : vector<16xi32> to vector<32xbf16>
        %parallel_loop3A_131 = tpu.unpack_subelements %parallel_loop3A_130, 0 {pack_format = #tpu.pack_format<interleaved>} : vector<32xbf16> -> vector<16xf32>
        %parallel_loop3A_132 = tpu.unpack_subelements %parallel_loop3A_130, 1 {pack_format = #tpu.pack_format<interleaved>} : vector<32xbf16> -> vector<16xf32>
        %parallel_loop3A_133 = arith.constant 20000 : i32
        %parallel_loop3A_134 = vector.broadcast %parallel_loop3A_133 : i32 to vector<16xi32>
        %parallel_loop3A_135 = arith.addi %parallel_loop3A_105, %parallel_loop3A_134 : vector<16xi32>
        %parallel_loop3A_136 = arith.mulf %parallel_loop3A_110, %parallel_loop3A_131 : vector<16xf32>
        tpu.vector_store_idx %arg7[%parallel_loop3A_135], %parallel_loop3A_136 {add = true} : memref<40000xf32, #tpu.memory_space<vmem>>[vector<16xi32>], vector<16xf32>,
        %parallel_loop3A_137 = arith.constant 30000 : i32
        %parallel_loop3A_138 = vector.broadcast %parallel_loop3A_137 : i32 to vector<16xi32>
        %parallel_loop3A_139 = arith.addi %parallel_loop3A_105, %parallel_loop3A_138 : vector<16xi32>
        %parallel_loop3A_140 = arith.mulf %parallel_loop3A_110, %parallel_loop3A_132 : vector<16xf32>
        tpu.vector_store_idx %arg7[%parallel_loop3A_139], %parallel_loop3A_140 {add = true} : memref<40000xf32, #tpu.memory_space<vmem>>[vector<16xi32>], vector<16xf32>,
      } {sc.loop_unroll_factor = 4 : i64, sc.parallel_access}
      %mul3A_70 = arith.constant 2 : i32
      %mul3A_71 = arith.muli %scan3A_43, %mul3A_70 : i32
      %add3A_72 = arith.constant 1 : i32
      %add3A_73 = arith.addi %mul3A_71, %add3A_72 : i32
      %add3A_74 = arith.constant 1 : i32
      %add3A_75 = arith.addi %add3A_73, %add3A_74 : i32
      %lt3A_76 = arith.constant 40 : i32
      %lt3A_77 = arith.cmpi slt, %add3A_75, %lt3A_76 : i32
      %convert_element_type3A_78 = arith.extui %lt3A_77 : i1 to i32
      %cond3A_79 = arith.constant 0 : i32
      %cond3A_80 = arith.cmpi ne, %convert_element_type3A_78, %cond3A_79 : i32
      scf.if %cond3A_80 {
        %add3A_100 = arith.constant 1 : i32
        %add3A_101 = arith.addi %add3A_73, %add3A_100 : i32
        %mul3A_102 = arith.constant 8000 : i32
        %mul3A_103 = arith.muli %add3A_101, %mul3A_102 : i32
        %add3A_104 = arith.constant 0 : i32
        %add3A_105 = arith.addi %add3A_104, %mul3A_103 : i32
        %dma_start3A_106 = tpu.memref_slice %arg4[%add3A_105] : memref<320000xi32, #tpu.memory_space<hbm>> -> memref<8000xi32, #tpu.memory_space<hbm>>
        %dma_start3A_107 = tpu.memref_slice %arg4[%add3A_105] : memref<320000xi32, #tpu.memory_space<hbm>> -> memref<8000xi32, #tpu.memory_space<hbm>>
        tpu.enqueue_dma source(%dma_start3A_107 : memref<8000xi32, #tpu.memory_space<hbm>>) target(%arg8 : memref<8000xi32, #tpu.memory_space<vmem>>) target_semaphore(%arg12 : memref<!tpu.dma_semaphore, #tpu.memory_space<semaphore_mem>>)
        %mul3A_108 = arith.constant 320000 : i32
        %mul3A_109 = arith.muli %select_n3A, %mul3A_108 : i32
        %add3A_110 = arith.constant 0 : i32
        %add3A_111 = arith.addi %mul3A_109, %add3A_110 : i32
        %mul3A_112 = arith.constant 8000 : i32
        %mul3A_113 = arith.muli %add3A_101, %mul3A_112 : i32
        %add3A_114 = arith.addi %add3A_111, %mul3A_113 : i32
        %dma_start3A_115 = tpu.memref_slice %arg3[%add3A_114] : memref<640000xf32, #tpu.memory_space<hbm>> -> memref<8000xf32, #tpu.memory_space<hbm>>
        %dma_start3A_116 = tpu.memref_slice %arg3[%add3A_114] : memref<640000xf32, #tpu.memory_space<hbm>> -> memref<8000xf32, #tpu.memory_space<hbm>>
        tpu.enqueue_dma source(%dma_start3A_116 : memref<8000xf32, #tpu.memory_space<hbm>>) target(%arg10 : memref<8000xf32, #tpu.memory_space<vmem>>) target_semaphore(%arg13 : memref<!tpu.dma_semaphore, #tpu.memory_space<semaphore_mem>>)
      } else {
      }
      %mul3A_81 = arith.constant 8000 : i32
      %mul3A_82 = arith.muli %add3A_73, %mul3A_81 : i32
      %add3A_83 = arith.constant 0 : i32
      %add3A_84 = arith.addi %add3A_83, %mul3A_82 : i32
      %dma_wait3A_85 = tpu.memref_slice %arg4[%add3A_84] : memref<320000xi32, #tpu.memory_space<hbm>> -> memref<8000xi32, #tpu.memory_space<hbm>>
      %dma_wait3A_86 = tpu.memref_slice %arg4[%add3A_84] : memref<320000xi32, #tpu.memory_space<hbm>> -> memref<8000xi32, #tpu.memory_space<hbm>>
      tpu.wait_dma2 semaphore(%arg12 : memref<!tpu.dma_semaphore, #tpu.memory_space<semaphore_mem>>) src(%dma_wait3A_86 : memref<8000xi32, #tpu.memory_space<hbm>>) dst(%arg9 : memref<8000xi32, #tpu.memory_space<vmem>>)
      %mul3A_87 = arith.constant 320000 : i32
      %mul3A_88 = arith.muli %select_n3A, %mul3A_87 : i32
      %add3A_89 = arith.constant 0 : i32
      %add3A_90 = arith.addi %mul3A_88, %add3A_89 : i32
      %mul3A_91 = arith.constant 8000 : i32
      %mul3A_92 = arith.muli %add3A_73, %mul3A_91 : i32
      %add3A_93 = arith.addi %add3A_90, %mul3A_92 : i32
      %dma_wait3A_94 = tpu.memref_slice %arg3[%add3A_93] : memref<640000xf32, #tpu.memory_space<hbm>> -> memref<8000xf32, #tpu.memory_space<hbm>>
      %dma_wait3A_95 = tpu.memref_slice %arg3[%add3A_93] : memref<640000xf32, #tpu.memory_space<hbm>> -> memref<8000xf32, #tpu.memory_space<hbm>>
      tpu.wait_dma2 semaphore(%arg13 : memref<!tpu.dma_semaphore, #tpu.memory_space<semaphore_mem>>) src(%dma_wait3A_95 : memref<8000xf32, #tpu.memory_space<hbm>>) dst(%arg11 : memref<8000xf32, #tpu.memory_space<vmem>>)
      %parallel_loop3A_96 = arith.constant 0 : i32
      %parallel_loop3A_97 = arith.constant 8000 : i32
      %parallel_loop3A_98 = arith.constant 16 : i32
      scf.for %parallel_loop3A_100 = %parallel_loop3A_96 to %parallel_loop3A_97 step %parallel_loop3A_98  : i32 {
        %parallel_loop3A_101 = arith.index_cast %parallel_loop3A_100 : i32 to index
        %parallel_loop3A_102 = tpu.vector_load %arg9[%parallel_loop3A_101] {strides = array<i32>} : memref<8000xi32, #tpu.memory_space<vmem>>, vector<16xi32>,
        %parallel_loop3A_103 = arith.constant 14 : i32
        %parallel_loop3A_104 = vector.broadcast %parallel_loop3A_103 : i32 to vector<16xi32>
        %parallel_loop3A_105 = arith.shrsi %parallel_loop3A_102, %parallel_loop3A_104 : vector<16xi32>
        %parallel_loop3A_106 = arith.constant 16383 : i32
        %parallel_loop3A_107 = vector.broadcast %parallel_loop3A_106 : i32 to vector<16xi32>
        %parallel_loop3A_108 = arith.andi %parallel_loop3A_102, %parallel_loop3A_107 : vector<16xi32>
        %parallel_loop3A_109 = arith.index_cast %parallel_loop3A_100 : i32 to index
        %parallel_loop3A_110 = tpu.vector_load %arg11[%parallel_loop3A_109] {strides = array<i32>} : memref<8000xf32, #tpu.memory_space<vmem>>, vector<16xf32>,
        %parallel_loop3A_111 = arith.constant 0 : i32
        %parallel_loop3A_112 = vector.broadcast %parallel_loop3A_111 : i32 to vector<16xi32>
        %parallel_loop3A_113 = arith.addi %parallel_loop3A_108, %parallel_loop3A_112 : vector<16xi32>
        %parallel_loop3A_114 = tpu.vector_load_idx %arg6[%parallel_loop3A_113] : memref<20000xi32, #tpu.memory_space<vmem>>[vector<16xi32>], vector<16xi32>,
        %parallel_loop3A_115 = vector.bitcast %parallel_loop3A_114 : vector<16xi32> to vector<32xbf16>
        %parallel_loop3A_116 = tpu.unpack_subelements %parallel_loop3A_115, 0 {pack_format = #tpu.pack_format<interleaved>} : vector<32xbf16> -> vector<16xf32>
        %parallel_loop3A_117 = tpu.unpack_subelements %parallel_loop3A_115, 1 {pack_format = #tpu.pack_format<interleaved>} : vector<32xbf16> -> vector<16xf32>
        %parallel_loop3A_118 = arith.constant 0 : i32
        %parallel_loop3A_119 = vector.broadcast %parallel_loop3A_118 : i32 to vector<16xi32>
        %parallel_loop3A_120 = arith.addi %parallel_loop3A_105, %parallel_loop3A_119 : vector<16xi32>
        %parallel_loop3A_121 = arith.mulf %parallel_loop3A_110, %parallel_loop3A_116 : vector<16xf32>
        tpu.vector_store_idx %arg7[%parallel_loop3A_120], %parallel_loop3A_121 {add = true} : memref<40000xf32, #tpu.memory_space<vmem>>[vector<16xi32>], vector<16xf32>,
        %parallel_loop3A_122 = arith.constant 10000 : i32
        %parallel_loop3A_123 = vector.broadcast %parallel_loop3A_122 : i32 to vector<16xi32>
        %parallel_loop3A_124 = arith.addi %parallel_loop3A_105, %parallel_loop3A_123 : vector<16xi32>
        %parallel_loop3A_125 = arith.mulf %parallel_loop3A_110, %parallel_loop3A_117 : vector<16xf32>
        tpu.vector_store_idx %arg7[%parallel_loop3A_124], %parallel_loop3A_125 {add = true} : memref<40000xf32, #tpu.memory_space<vmem>>[vector<16xi32>], vector<16xf32>,
        %parallel_loop3A_126 = arith.constant 10000 : i32
        %parallel_loop3A_127 = vector.broadcast %parallel_loop3A_126 : i32 to vector<16xi32>
        %parallel_loop3A_128 = arith.addi %parallel_loop3A_108, %parallel_loop3A_127 : vector<16xi32>
        %parallel_loop3A_129 = tpu.vector_load_idx %arg6[%parallel_loop3A_128] : memref<20000xi32, #tpu.memory_space<vmem>>[vector<16xi32>], vector<16xi32>,
        %parallel_loop3A_130 = vector.bitcast %parallel_loop3A_129 : vector<16xi32> to vector<32xbf16>
        %parallel_loop3A_131 = tpu.unpack_subelements %parallel_loop3A_130, 0 {pack_format = #tpu.pack_format<interleaved>} : vector<32xbf16> -> vector<16xf32>
        %parallel_loop3A_132 = tpu.unpack_subelements %parallel_loop3A_130, 1 {pack_format = #tpu.pack_format<interleaved>} : vector<32xbf16> -> vector<16xf32>
        %parallel_loop3A_133 = arith.constant 20000 : i32
        %parallel_loop3A_134 = vector.broadcast %parallel_loop3A_133 : i32 to vector<16xi32>
        %parallel_loop3A_135 = arith.addi %parallel_loop3A_105, %parallel_loop3A_134 : vector<16xi32>
        %parallel_loop3A_136 = arith.mulf %parallel_loop3A_110, %parallel_loop3A_131 : vector<16xf32>
        tpu.vector_store_idx %arg7[%parallel_loop3A_135], %parallel_loop3A_136 {add = true} : memref<40000xf32, #tpu.memory_space<vmem>>[vector<16xi32>], vector<16xf32>,
        %parallel_loop3A_137 = arith.constant 30000 : i32
        %parallel_loop3A_138 = vector.broadcast %parallel_loop3A_137 : i32 to vector<16xi32>
        %parallel_loop3A_139 = arith.addi %parallel_loop3A_105, %parallel_loop3A_138 : vector<16xi32>
        %parallel_loop3A_140 = arith.mulf %parallel_loop3A_110, %parallel_loop3A_132 : vector<16xf32>
        tpu.vector_store_idx %arg7[%parallel_loop3A_139], %parallel_loop3A_140 {add = true} : memref<40000xf32, #tpu.memory_space<vmem>>[vector<16xi32>], vector<16xf32>,
      } {sc.loop_unroll_factor = 4 : i64, sc.parallel_access}
      %scan3A_99 = arith.constant 0 : i32
      scf.yield %scan3A_99 : i32
    }
    %scan3A_40 = arith.constant 20 : i32
    %mul3A_41 = arith.constant 10000 : i32
    %mul3A_42 = arith.muli %mul3A_2, %mul3A_41 : i32
    "tpu.region"() ({
      %run_scoped3A = tpu.sem_alloc : memref<!tpu.dma_semaphore, #tpu.memory_space<semaphore_mem>>
      %dma_start3A_43 = tpu.memref_slice %arg5[%mul3A_42] : memref<1280000xf32, #tpu.memory_space<hbm>> -> memref<40000xf32, #tpu.memory_space<hbm>>
      %dma_start3A_44 = tpu.memref_slice %arg5[%mul3A_42] : memref<1280000xf32, #tpu.memory_space<hbm>> -> memref<40000xf32, #tpu.memory_space<hbm>>
      tpu.enqueue_dma source(%arg7 : memref<40000xf32, #tpu.memory_space<vmem>>) target(%dma_start3A_44 : memref<40000xf32, #tpu.memory_space<hbm>>) target_semaphore(%run_scoped3A : memref<!tpu.dma_semaphore, #tpu.memory_space<semaphore_mem>>)
      %dma_wait3A = tpu.memref_slice %arg5[%mul3A_42] : memref<1280000xf32, #tpu.memory_space<hbm>> -> memref<40000xf32, #tpu.memory_space<hbm>>
      %dma_wait3A_45 = tpu.memref_slice %arg5[%mul3A_42] : memref<1280000xf32, #tpu.memory_space<hbm>> -> memref<40000xf32, #tpu.memory_space<hbm>>
      tpu.wait_dma2 semaphore(%run_scoped3A : memref<!tpu.dma_semaphore, #tpu.memory_space<semaphore_mem>>) src(%arg7 : memref<40000xf32, #tpu.memory_space<vmem>>) dst(%dma_wait3A_45 : memref<40000xf32, #tpu.memory_space<hbm>>)
      tpu.yield
    }) : () -> ()
    return
  }
}

#map = affine_map<(d0, d1) -> (0)>
module attributes {stable_mosaic.version = 14 : i64} {
  func.func @body(%arg0: i32, %arg1: i32, %arg2: memref<320000xi32, #tpu.memory_space<hbm>>, %arg3: memref<640000xf32, #tpu.memory_space<hbm>>, %arg4: memref<320000xi32, #tpu.memory_space<hbm>>, %arg5: memref<1280000xf32, #tpu.memory_space<hbm>>, %arg6: memref<20000xi32, #tpu.memory_space<vmem>>, %arg7: memref<40000xf32, #tpu.memory_space<vmem>>, %arg8: memref<8000xi32, #tpu.memory_space<vmem>>, %arg9: memref<8000xi32, #tpu.memory_space<vmem>>, %arg10: memref<8000xf32, #tpu.memory_space<vmem>>, %arg11: memref<8000xf32, #tpu.memory_space<vmem>>, %arg12: memref<!tpu.dma_semaphore, #tpu.memory_space<semaphore_mem>>, %arg13: memref<!tpu.dma_semaphore, #tpu.memory_space<semaphore_mem>>) attributes {dimension_semantics = [#tpu.dimension_semantics<core_parallel>, #tpu.dimension_semantics<subcore_parallel>], iteration_bounds = array<i64: 2, 16>, scalar_prefetch = 0 : i64, scratch_operands = 8 : i64, tpu.core_type = #tpu.core_type<sc_vector_subcore>, window_params = [{transform_indices = #map}, {transform_indices = #map}, {transform_indices = #map}, {transform_indices = #map}]} {
    %mul3A = arith.constant 160000 : i32
    %mul3A_0 = arith.muli %arg0, %mul3A : i32
    %mul3A_1 = arith.constant 4 : i32
    %mul3A_2 = arith.muli %arg1, %mul3A_1 : i32
    %jit3A = arith.constant 32 : i32
    %div3A = arith.divsi %mul3A_2, %jit3A : i32
    %sign3A = arith.constant 0 : i32
    %sign3A_3 = arith.cmpi sgt, %mul3A_2, %sign3A : i32
    %sign3A_4 = arith.extui %sign3A_3 : i1 to i32
    %sign3A_5 = arith.constant 0 : i32
    %sign3A_6 = arith.cmpi slt, %mul3A_2, %sign3A_5 : i32
    %sign3A_7 = arith.extui %sign3A_6 : i1 to i32
    %sign3A_8 = arith.subi %sign3A_4, %sign3A_7 : i32
    %sign3A_9 = arith.constant 0 : i32
    %sign3A_10 = arith.cmpi sgt, %jit3A, %sign3A_9 : i32
    %sign3A_11 = arith.extui %sign3A_10 : i1 to i32
    %sign3A_12 = arith.constant 0 : i32
    %sign3A_13 = arith.cmpi slt, %jit3A, %sign3A_12 : i32
    %sign3A_14 = arith.extui %sign3A_13 : i1 to i32
    %sign3A_15 = arith.subi %sign3A_11, %sign3A_14 : i32
    %ne3A = arith.cmpi ne, %sign3A_8, %sign3A_15 : i32
    %rem3A = arith.remsi %mul3A_2, %jit3A : i32
    %ne3A_16 = arith.constant 0 : i32
    %ne3A_17 = arith.cmpi ne, %rem3A, %ne3A_16 : i32
    %and3A = arith.andi %ne3A, %ne3A_17 : i1
    %sub3A = arith.constant 1 : i32
    %sub3A_18 = arith.subi %div3A, %sub3A : i32
    %select_n3A = arith.select %and3A, %sub3A_18, %div3A : i32
    %mul3A_19 = arith.constant 20000 : i32
    %mul3A_20 = arith.muli %arg1, %mul3A_19 : i32
    "tpu.region"() ({
      %run_scoped3A = tpu.sem_alloc : memref<!tpu.dma_semaphore, #tpu.memory_space<semaphore_mem>>
      %dma_start3A_44 = tpu.memref_slice %arg2[%mul3A_20] : memref<320000xi32, #tpu.memory_space<hbm>> -> memref<20000xi32, #tpu.memory_space<hbm>>
      %dma_start3A_45 = tpu.memref_slice %arg2[%mul3A_20] : memref<320000xi32, #tpu.memory_space<hbm>> -> memref<20000xi32, #tpu.memory_space<hbm>>
      tpu.enqueue_dma source(%dma_start3A_45 : memref<20000xi32, #tpu.memory_space<hbm>>) target(%arg6 : memref<20000xi32, #tpu.memory_space<vmem>>) target_semaphore(%run_scoped3A : memref<!tpu.dma_semaphore, #tpu.memory_space<semaphore_mem>>)
      %dma_wait3A = tpu.memref_slice %arg2[%mul3A_20] : memref<320000xi32, #tpu.memory_space<hbm>> -> memref<20000xi32, #tpu.memory_space<hbm>>
      %dma_wait3A_46 = tpu.memref_slice %arg2[%mul3A_20] : memref<320000xi32, #tpu.memory_space<hbm>> -> memref<20000xi32, #tpu.memory_space<hbm>>
      tpu.wait_dma2 semaphore(%run_scoped3A : memref<!tpu.dma_semaphore, #tpu.memory_space<semaphore_mem>>) src(%dma_wait3A_46 : memref<20000xi32, #tpu.memory_space<hbm>>) dst(%arg6 : memref<20000xi32, #tpu.memory_space<vmem>>)
      tpu.yield
    }) : () -> ()
    %broadcast_in_dim3A = arith.constant 0.000000e+00 : f32
    %broadcast_in_dim3A_21 = vector.broadcast %broadcast_in_dim3A : f32 to vector<16xf32>
    %parallel_loop3A = arith.constant 0 : i32
    %parallel_loop3A_22 = arith.constant 40000 : i32
    %parallel_loop3A_23 = arith.constant 16 : i32
    scf.for %parallel_loop3A_44 = %parallel_loop3A to %parallel_loop3A_22 step %parallel_loop3A_23  : i32 {
      %parallel_loop3A_45 = arith.index_cast %parallel_loop3A_44 : i32 to index
      %parallel_loop3A_46 = tpu.vector_load %arg7[%parallel_loop3A_45] {strides = array<i32>} : memref<40000xf32, #tpu.memory_space<vmem>>, vector<16xf32>,
      tpu.vector_store %arg7[%parallel_loop3A_45], %broadcast_in_dim3A_21 {strides = array<i32>} : memref<40000xf32, #tpu.memory_space<vmem>>, vector<16xf32>,
    } {sc.loop_unroll_factor = 8 : i64, sc.parallel_access}
    %add3A = arith.constant 0 : i32
    %add3A_24 = arith.addi %mul3A_0, %add3A : i32
    %dma_start3A = tpu.memref_slice %arg4[%add3A_24] : memref<320000xi32, #tpu.memory_space<hbm>> -> memref<8000xi32, #tpu.memory_space<hbm>>
    %dma_start3A_25 = tpu.memref_slice %arg4[%add3A_24] : memref<320000xi32, #tpu.memory_space<hbm>> -> memref<8000xi32, #tpu.memory_space<hbm>>
    tpu.enqueue_dma source(%dma_start3A_25 : memref<8000xi32, #tpu.memory_space<hbm>>) target(%arg8 : memref<8000xi32, #tpu.memory_space<vmem>>) target_semaphore(%arg12 : memref<!tpu.dma_semaphore, #tpu.memory_space<semaphore_mem>>)
    %mul3A_26 = arith.constant 320000 : i32
    %mul3A_27 = arith.muli %select_n3A, %mul3A_26 : i32
    %add3A_28 = arith.addi %mul3A_27, %mul3A_0 : i32
    %add3A_29 = arith.constant 0 : i32
    %add3A_30 = arith.addi %add3A_28, %add3A_29 : i32
    %dma_start3A_31 = tpu.memref_slice %arg3[%add3A_30] : memref<640000xf32, #tpu.memory_space<hbm>> -> memref<8000xf32, #tpu.memory_space<hbm>>
    %dma_start3A_32 = tpu.memref_slice %arg3[%add3A_30] : memref<640000xf32, #tpu.memory_space<hbm>> -> memref<8000xf32, #tpu.memory_space<hbm>>
    tpu.enqueue_dma source(%dma_start3A_32 : memref<8000xf32, #tpu.memory_space<hbm>>) target(%arg10 : memref<8000xf32, #tpu.memory_space<vmem>>) target_semaphore(%arg13 : memref<!tpu.dma_semaphore, #tpu.memory_space<semaphore_mem>>)
    %scan3A = arith.constant 0 : i32
    %scan3A_33 = arith.constant 0 : i32
    %scan3A_34 = arith.constant 10 : i32
    %scan3A_35 = arith.addi %scan3A_33, %scan3A_34 : i32
    %scan3A_36 = arith.constant 1 : i32
    %scan3A_37 = scf.for %scan3A_44 = %scan3A_33 to %scan3A_35 step %scan3A_36 iter_args(%scan3A_45 = %scan3A) -> (i32)  : i32 {
      %mul3A_46 = arith.constant 2 : i32
      %mul3A_47 = arith.muli %scan3A_44, %mul3A_46 : i32
      %add3A_48 = arith.constant 0 : i32
      %add3A_49 = arith.addi %mul3A_47, %add3A_48 : i32
      %add3A_50 = arith.constant 1 : i32
      %add3A_51 = arith.addi %add3A_49, %add3A_50 : i32
      %lt3A = arith.constant 20 : i32
      %lt3A_52 = arith.cmpi slt, %add3A_51, %lt3A : i32
      %convert_element_type3A = arith.extui %lt3A_52 : i1 to i32
      %cond3A = arith.constant 0 : i32
      %cond3A_53 = arith.cmpi ne, %convert_element_type3A, %cond3A : i32
      scf.if %cond3A_53 {
        %add3A_97 = arith.constant 1 : i32
        %add3A_98 = arith.addi %add3A_49, %add3A_97 : i32
        %mul3A_99 = arith.constant 8000 : i32
        %mul3A_100 = arith.muli %add3A_98, %mul3A_99 : i32
        %add3A_101 = arith.addi %mul3A_0, %mul3A_100 : i32
        %dma_start3A_102 = tpu.memref_slice %arg4[%add3A_101] : memref<320000xi32, #tpu.memory_space<hbm>> -> memref<8000xi32, #tpu.memory_space<hbm>>
        %dma_start3A_103 = tpu.memref_slice %arg4[%add3A_101] : memref<320000xi32, #tpu.memory_space<hbm>> -> memref<8000xi32, #tpu.memory_space<hbm>>
        tpu.enqueue_dma source(%dma_start3A_103 : memref<8000xi32, #tpu.memory_space<hbm>>) target(%arg9 : memref<8000xi32, #tpu.memory_space<vmem>>) target_semaphore(%arg12 : memref<!tpu.dma_semaphore, #tpu.memory_space<semaphore_mem>>)
        %mul3A_104 = arith.constant 320000 : i32
        %mul3A_105 = arith.muli %select_n3A, %mul3A_104 : i32
        %add3A_106 = arith.addi %mul3A_105, %mul3A_0 : i32
        %mul3A_107 = arith.constant 8000 : i32
        %mul3A_108 = arith.muli %add3A_98, %mul3A_107 : i32
        %add3A_109 = arith.addi %add3A_106, %mul3A_108 : i32
        %dma_start3A_110 = tpu.memref_slice %arg3[%add3A_109] : memref<640000xf32, #tpu.memory_space<hbm>> -> memref<8000xf32, #tpu.memory_space<hbm>>
        %dma_start3A_111 = tpu.memref_slice %arg3[%add3A_109] : memref<640000xf32, #tpu.memory_space<hbm>> -> memref<8000xf32, #tpu.memory_space<hbm>>
        tpu.enqueue_dma source(%dma_start3A_111 : memref<8000xf32, #tpu.memory_space<hbm>>) target(%arg11 : memref<8000xf32, #tpu.memory_space<vmem>>) target_semaphore(%arg13 : memref<!tpu.dma_semaphore, #tpu.memory_space<semaphore_mem>>)
      } else {
      }
      %mul3A_54 = arith.constant 8000 : i32
      %mul3A_55 = arith.muli %add3A_49, %mul3A_54 : i32
      %add3A_56 = arith.addi %mul3A_0, %mul3A_55 : i32
      %dma_wait3A = tpu.memref_slice %arg4[%add3A_56] : memref<320000xi32, #tpu.memory_space<hbm>> -> memref<8000xi32, #tpu.memory_space<hbm>>
      %dma_wait3A_57 = tpu.memref_slice %arg4[%add3A_56] : memref<320000xi32, #tpu.memory_space<hbm>> -> memref<8000xi32, #tpu.memory_space<hbm>>
      tpu.wait_dma2 semaphore(%arg12 : memref<!tpu.dma_semaphore, #tpu.memory_space<semaphore_mem>>) src(%dma_wait3A_57 : memref<8000xi32, #tpu.memory_space<hbm>>) dst(%arg8 : memref<8000xi32, #tpu.memory_space<vmem>>)
      %mul3A_58 = arith.constant 320000 : i32
      %mul3A_59 = arith.muli %select_n3A, %mul3A_58 : i32
      %add3A_60 = arith.addi %mul3A_59, %mul3A_0 : i32
      %mul3A_61 = arith.constant 8000 : i32
      %mul3A_62 = arith.muli %add3A_49, %mul3A_61 : i32
      %add3A_63 = arith.addi %add3A_60, %mul3A_62 : i32
      %dma_wait3A_64 = tpu.memref_slice %arg3[%add3A_63] : memref<640000xf32, #tpu.memory_space<hbm>> -> memref<8000xf32, #tpu.memory_space<hbm>>
      %dma_wait3A_65 = tpu.memref_slice %arg3[%add3A_63] : memref<640000xf32, #tpu.memory_space<hbm>> -> memref<8000xf32, #tpu.memory_space<hbm>>
      tpu.wait_dma2 semaphore(%arg13 : memref<!tpu.dma_semaphore, #tpu.memory_space<semaphore_mem>>) src(%dma_wait3A_65 : memref<8000xf32, #tpu.memory_space<hbm>>) dst(%arg10 : memref<8000xf32, #tpu.memory_space<vmem>>)
      %parallel_loop3A_66 = arith.constant 0 : i32
      %parallel_loop3A_67 = arith.constant 8000 : i32
      %parallel_loop3A_68 = arith.constant 16 : i32
      scf.for %parallel_loop3A_97 = %parallel_loop3A_66 to %parallel_loop3A_67 step %parallel_loop3A_68  : i32 {
        %parallel_loop3A_98 = arith.index_cast %parallel_loop3A_97 : i32 to index
        %parallel_loop3A_99 = tpu.vector_load %arg8[%parallel_loop3A_98] {strides = array<i32>} : memref<8000xi32, #tpu.memory_space<vmem>>, vector<16xi32>,
        %parallel_loop3A_100 = arith.constant 14 : i32
        %parallel_loop3A_101 = vector.broadcast %parallel_loop3A_100 : i32 to vector<16xi32>
        %parallel_loop3A_102 = arith.shrsi %parallel_loop3A_99, %parallel_loop3A_101 : vector<16xi32>
        %parallel_loop3A_103 = arith.constant 16383 : i32
        %parallel_loop3A_104 = vector.broadcast %parallel_loop3A_103 : i32 to vector<16xi32>
        %parallel_loop3A_105 = arith.andi %parallel_loop3A_99, %parallel_loop3A_104 : vector<16xi32>
        %parallel_loop3A_106 = arith.index_cast %parallel_loop3A_97 : i32 to index
        %parallel_loop3A_107 = tpu.vector_load %arg10[%parallel_loop3A_106] {strides = array<i32>} : memref<8000xf32, #tpu.memory_space<vmem>>, vector<16xf32>,
        %parallel_loop3A_108 = arith.constant 0 : i32
        %parallel_loop3A_109 = vector.broadcast %parallel_loop3A_108 : i32 to vector<16xi32>
        %parallel_loop3A_110 = arith.addi %parallel_loop3A_105, %parallel_loop3A_109 : vector<16xi32>
        %parallel_loop3A_111 = tpu.vector_load_idx %arg6[%parallel_loop3A_110] : memref<20000xi32, #tpu.memory_space<vmem>>[vector<16xi32>], vector<16xi32>,
        %parallel_loop3A_112 = vector.bitcast %parallel_loop3A_111 : vector<16xi32> to vector<32xbf16>
        %parallel_loop3A_113 = tpu.unpack_subelements %parallel_loop3A_112, 0 {pack_format = #tpu.pack_format<interleaved>} : vector<32xbf16> -> vector<16xf32>
        %parallel_loop3A_114 = tpu.unpack_subelements %parallel_loop3A_112, 1 {pack_format = #tpu.pack_format<interleaved>} : vector<32xbf16> -> vector<16xf32>
        %parallel_loop3A_115 = arith.constant 0 : i32
        %parallel_loop3A_116 = vector.broadcast %parallel_loop3A_115 : i32 to vector<16xi32>
        %parallel_loop3A_117 = arith.addi %parallel_loop3A_102, %parallel_loop3A_116 : vector<16xi32>
        %parallel_loop3A_118 = arith.mulf %parallel_loop3A_107, %parallel_loop3A_113 : vector<16xf32>
        tpu.vector_store_idx %arg7[%parallel_loop3A_117], %parallel_loop3A_118 {add = true} : memref<40000xf32, #tpu.memory_space<vmem>>[vector<16xi32>], vector<16xf32>,
        %parallel_loop3A_119 = arith.constant 10000 : i32
        %parallel_loop3A_120 = vector.broadcast %parallel_loop3A_119 : i32 to vector<16xi32>
        %parallel_loop3A_121 = arith.addi %parallel_loop3A_102, %parallel_loop3A_120 : vector<16xi32>
        %parallel_loop3A_122 = arith.mulf %parallel_loop3A_107, %parallel_loop3A_114 : vector<16xf32>
        tpu.vector_store_idx %arg7[%parallel_loop3A_121], %parallel_loop3A_122 {add = true} : memref<40000xf32, #tpu.memory_space<vmem>>[vector<16xi32>], vector<16xf32>,
        %parallel_loop3A_123 = arith.constant 10000 : i32
        %parallel_loop3A_124 = vector.broadcast %parallel_loop3A_123 : i32 to vector<16xi32>
        %parallel_loop3A_125 = arith.addi %parallel_loop3A_105, %parallel_loop3A_124 : vector<16xi32>
        %parallel_loop3A_126 = tpu.vector_load_idx %arg6[%parallel_loop3A_125] : memref<20000xi32, #tpu.memory_space<vmem>>[vector<16xi32>], vector<16xi32>,
        %parallel_loop3A_127 = vector.bitcast %parallel_loop3A_126 : vector<16xi32> to vector<32xbf16>
        %parallel_loop3A_128 = tpu.unpack_subelements %parallel_loop3A_127, 0 {pack_format = #tpu.pack_format<interleaved>} : vector<32xbf16> -> vector<16xf32>
        %parallel_loop3A_129 = tpu.unpack_subelements %parallel_loop3A_127, 1 {pack_format = #tpu.pack_format<interleaved>} : vector<32xbf16> -> vector<16xf32>
        %parallel_loop3A_130 = arith.constant 20000 : i32
        %parallel_loop3A_131 = vector.broadcast %parallel_loop3A_130 : i32 to vector<16xi32>
        %parallel_loop3A_132 = arith.addi %parallel_loop3A_102, %parallel_loop3A_131 : vector<16xi32>
        %parallel_loop3A_133 = arith.mulf %parallel_loop3A_107, %parallel_loop3A_128 : vector<16xf32>
        tpu.vector_store_idx %arg7[%parallel_loop3A_132], %parallel_loop3A_133 {add = true} : memref<40000xf32, #tpu.memory_space<vmem>>[vector<16xi32>], vector<16xf32>,
        %parallel_loop3A_134 = arith.constant 30000 : i32
        %parallel_loop3A_135 = vector.broadcast %parallel_loop3A_134 : i32 to vector<16xi32>
        %parallel_loop3A_136 = arith.addi %parallel_loop3A_102, %parallel_loop3A_135 : vector<16xi32>
        %parallel_loop3A_137 = arith.mulf %parallel_loop3A_107, %parallel_loop3A_129 : vector<16xf32>
        tpu.vector_store_idx %arg7[%parallel_loop3A_136], %parallel_loop3A_137 {add = true} : memref<40000xf32, #tpu.memory_space<vmem>>[vector<16xi32>], vector<16xf32>,
      } {sc.loop_unroll_factor = 4 : i64, sc.parallel_access}
      %mul3A_69 = arith.constant 2 : i32
      %mul3A_70 = arith.muli %scan3A_44, %mul3A_69 : i32
      %add3A_71 = arith.constant 1 : i32
      %add3A_72 = arith.addi %mul3A_70, %add3A_71 : i32
      %add3A_73 = arith.constant 1 : i32
      %add3A_74 = arith.addi %add3A_72, %add3A_73 : i32
      %lt3A_75 = arith.constant 20 : i32
      %lt3A_76 = arith.cmpi slt, %add3A_74, %lt3A_75 : i32
      %convert_element_type3A_77 = arith.extui %lt3A_76 : i1 to i32
      %cond3A_78 = arith.constant 0 : i32
      %cond3A_79 = arith.cmpi ne, %convert_element_type3A_77, %cond3A_78 : i32
      scf.if %cond3A_79 {
        %add3A_97 = arith.constant 1 : i32
        %add3A_98 = arith.addi %add3A_72, %add3A_97 : i32
        %mul3A_99 = arith.constant 8000 : i32
        %mul3A_100 = arith.muli %add3A_98, %mul3A_99 : i32
        %add3A_101 = arith.addi %mul3A_0, %mul3A_100 : i32
        %dma_start3A_102 = tpu.memref_slice %arg4[%add3A_101] : memref<320000xi32, #tpu.memory_space<hbm>> -> memref<8000xi32, #tpu.memory_space<hbm>>
        %dma_start3A_103 = tpu.memref_slice %arg4[%add3A_101] : memref<320000xi32, #tpu.memory_space<hbm>> -> memref<8000xi32, #tpu.memory_space<hbm>>
        tpu.enqueue_dma source(%dma_start3A_103 : memref<8000xi32, #tpu.memory_space<hbm>>) target(%arg8 : memref<8000xi32, #tpu.memory_space<vmem>>) target_semaphore(%arg12 : memref<!tpu.dma_semaphore, #tpu.memory_space<semaphore_mem>>)
        %mul3A_104 = arith.constant 320000 : i32
        %mul3A_105 = arith.muli %select_n3A, %mul3A_104 : i32
        %add3A_106 = arith.addi %mul3A_105, %mul3A_0 : i32
        %mul3A_107 = arith.constant 8000 : i32
        %mul3A_108 = arith.muli %add3A_98, %mul3A_107 : i32
        %add3A_109 = arith.addi %add3A_106, %mul3A_108 : i32
        %dma_start3A_110 = tpu.memref_slice %arg3[%add3A_109] : memref<640000xf32, #tpu.memory_space<hbm>> -> memref<8000xf32, #tpu.memory_space<hbm>>
        %dma_start3A_111 = tpu.memref_slice %arg3[%add3A_109] : memref<640000xf32, #tpu.memory_space<hbm>> -> memref<8000xf32, #tpu.memory_space<hbm>>
        tpu.enqueue_dma source(%dma_start3A_111 : memref<8000xf32, #tpu.memory_space<hbm>>) target(%arg10 : memref<8000xf32, #tpu.memory_space<vmem>>) target_semaphore(%arg13 : memref<!tpu.dma_semaphore, #tpu.memory_space<semaphore_mem>>)
      } else {
      }
      %mul3A_80 = arith.constant 8000 : i32
      %mul3A_81 = arith.muli %add3A_72, %mul3A_80 : i32
      %add3A_82 = arith.addi %mul3A_0, %mul3A_81 : i32
      %dma_wait3A_83 = tpu.memref_slice %arg4[%add3A_82] : memref<320000xi32, #tpu.memory_space<hbm>> -> memref<8000xi32, #tpu.memory_space<hbm>>
      %dma_wait3A_84 = tpu.memref_slice %arg4[%add3A_82] : memref<320000xi32, #tpu.memory_space<hbm>> -> memref<8000xi32, #tpu.memory_space<hbm>>
      tpu.wait_dma2 semaphore(%arg12 : memref<!tpu.dma_semaphore, #tpu.memory_space<semaphore_mem>>) src(%dma_wait3A_84 : memref<8000xi32, #tpu.memory_space<hbm>>) dst(%arg9 : memref<8000xi32, #tpu.memory_space<vmem>>)
      %mul3A_85 = arith.constant 320000 : i32
      %mul3A_86 = arith.muli %select_n3A, %mul3A_85 : i32
      %add3A_87 = arith.addi %mul3A_86, %mul3A_0 : i32
      %mul3A_88 = arith.constant 8000 : i32
      %mul3A_89 = arith.muli %add3A_72, %mul3A_88 : i32
      %add3A_90 = arith.addi %add3A_87, %mul3A_89 : i32
      %dma_wait3A_91 = tpu.memref_slice %arg3[%add3A_90] : memref<640000xf32, #tpu.memory_space<hbm>> -> memref<8000xf32, #tpu.memory_space<hbm>>
      %dma_wait3A_92 = tpu.memref_slice %arg3[%add3A_90] : memref<640000xf32, #tpu.memory_space<hbm>> -> memref<8000xf32, #tpu.memory_space<hbm>>
      tpu.wait_dma2 semaphore(%arg13 : memref<!tpu.dma_semaphore, #tpu.memory_space<semaphore_mem>>) src(%dma_wait3A_92 : memref<8000xf32, #tpu.memory_space<hbm>>) dst(%arg11 : memref<8000xf32, #tpu.memory_space<vmem>>)
      %parallel_loop3A_93 = arith.constant 0 : i32
      %parallel_loop3A_94 = arith.constant 8000 : i32
      %parallel_loop3A_95 = arith.constant 16 : i32
      scf.for %parallel_loop3A_97 = %parallel_loop3A_93 to %parallel_loop3A_94 step %parallel_loop3A_95  : i32 {
        %parallel_loop3A_98 = arith.index_cast %parallel_loop3A_97 : i32 to index
        %parallel_loop3A_99 = tpu.vector_load %arg9[%parallel_loop3A_98] {strides = array<i32>} : memref<8000xi32, #tpu.memory_space<vmem>>, vector<16xi32>,
        %parallel_loop3A_100 = arith.constant 14 : i32
        %parallel_loop3A_101 = vector.broadcast %parallel_loop3A_100 : i32 to vector<16xi32>
        %parallel_loop3A_102 = arith.shrsi %parallel_loop3A_99, %parallel_loop3A_101 : vector<16xi32>
        %parallel_loop3A_103 = arith.constant 16383 : i32
        %parallel_loop3A_104 = vector.broadcast %parallel_loop3A_103 : i32 to vector<16xi32>
        %parallel_loop3A_105 = arith.andi %parallel_loop3A_99, %parallel_loop3A_104 : vector<16xi32>
        %parallel_loop3A_106 = arith.index_cast %parallel_loop3A_97 : i32 to index
        %parallel_loop3A_107 = tpu.vector_load %arg11[%parallel_loop3A_106] {strides = array<i32>} : memref<8000xf32, #tpu.memory_space<vmem>>, vector<16xf32>,
        %parallel_loop3A_108 = arith.constant 0 : i32
        %parallel_loop3A_109 = vector.broadcast %parallel_loop3A_108 : i32 to vector<16xi32>
        %parallel_loop3A_110 = arith.addi %parallel_loop3A_105, %parallel_loop3A_109 : vector<16xi32>
        %parallel_loop3A_111 = tpu.vector_load_idx %arg6[%parallel_loop3A_110] : memref<20000xi32, #tpu.memory_space<vmem>>[vector<16xi32>], vector<16xi32>,
        %parallel_loop3A_112 = vector.bitcast %parallel_loop3A_111 : vector<16xi32> to vector<32xbf16>
        %parallel_loop3A_113 = tpu.unpack_subelements %parallel_loop3A_112, 0 {pack_format = #tpu.pack_format<interleaved>} : vector<32xbf16> -> vector<16xf32>
        %parallel_loop3A_114 = tpu.unpack_subelements %parallel_loop3A_112, 1 {pack_format = #tpu.pack_format<interleaved>} : vector<32xbf16> -> vector<16xf32>
        %parallel_loop3A_115 = arith.constant 0 : i32
        %parallel_loop3A_116 = vector.broadcast %parallel_loop3A_115 : i32 to vector<16xi32>
        %parallel_loop3A_117 = arith.addi %parallel_loop3A_102, %parallel_loop3A_116 : vector<16xi32>
        %parallel_loop3A_118 = arith.mulf %parallel_loop3A_107, %parallel_loop3A_113 : vector<16xf32>
        tpu.vector_store_idx %arg7[%parallel_loop3A_117], %parallel_loop3A_118 {add = true} : memref<40000xf32, #tpu.memory_space<vmem>>[vector<16xi32>], vector<16xf32>,
        %parallel_loop3A_119 = arith.constant 10000 : i32
        %parallel_loop3A_120 = vector.broadcast %parallel_loop3A_119 : i32 to vector<16xi32>
        %parallel_loop3A_121 = arith.addi %parallel_loop3A_102, %parallel_loop3A_120 : vector<16xi32>
        %parallel_loop3A_122 = arith.mulf %parallel_loop3A_107, %parallel_loop3A_114 : vector<16xf32>
        tpu.vector_store_idx %arg7[%parallel_loop3A_121], %parallel_loop3A_122 {add = true} : memref<40000xf32, #tpu.memory_space<vmem>>[vector<16xi32>], vector<16xf32>,
        %parallel_loop3A_123 = arith.constant 10000 : i32
        %parallel_loop3A_124 = vector.broadcast %parallel_loop3A_123 : i32 to vector<16xi32>
        %parallel_loop3A_125 = arith.addi %parallel_loop3A_105, %parallel_loop3A_124 : vector<16xi32>
        %parallel_loop3A_126 = tpu.vector_load_idx %arg6[%parallel_loop3A_125] : memref<20000xi32, #tpu.memory_space<vmem>>[vector<16xi32>], vector<16xi32>,
        %parallel_loop3A_127 = vector.bitcast %parallel_loop3A_126 : vector<16xi32> to vector<32xbf16>
        %parallel_loop3A_128 = tpu.unpack_subelements %parallel_loop3A_127, 0 {pack_format = #tpu.pack_format<interleaved>} : vector<32xbf16> -> vector<16xf32>
        %parallel_loop3A_129 = tpu.unpack_subelements %parallel_loop3A_127, 1 {pack_format = #tpu.pack_format<interleaved>} : vector<32xbf16> -> vector<16xf32>
        %parallel_loop3A_130 = arith.constant 20000 : i32
        %parallel_loop3A_131 = vector.broadcast %parallel_loop3A_130 : i32 to vector<16xi32>
        %parallel_loop3A_132 = arith.addi %parallel_loop3A_102, %parallel_loop3A_131 : vector<16xi32>
        %parallel_loop3A_133 = arith.mulf %parallel_loop3A_107, %parallel_loop3A_128 : vector<16xf32>
        tpu.vector_store_idx %arg7[%parallel_loop3A_132], %parallel_loop3A_133 {add = true} : memref<40000xf32, #tpu.memory_space<vmem>>[vector<16xi32>], vector<16xf32>,
        %parallel_loop3A_134 = arith.constant 30000 : i32
        %parallel_loop3A_135 = vector.broadcast %parallel_loop3A_134 : i32 to vector<16xi32>
        %parallel_loop3A_136 = arith.addi %parallel_loop3A_102, %parallel_loop3A_135 : vector<16xi32>
        %parallel_loop3A_137 = arith.mulf %parallel_loop3A_107, %parallel_loop3A_129 : vector<16xf32>
        tpu.vector_store_idx %arg7[%parallel_loop3A_136], %parallel_loop3A_137 {add = true} : memref<40000xf32, #tpu.memory_space<vmem>>[vector<16xi32>], vector<16xf32>,
      } {sc.loop_unroll_factor = 4 : i64, sc.parallel_access}
      %scan3A_96 = arith.constant 0 : i32
      scf.yield %scan3A_96 : i32
    }
    %scan3A_38 = arith.constant 10 : i32
    %mul3A_39 = arith.constant 64 : i32
    %mul3A_40 = arith.muli %arg0, %mul3A_39 : i32
    %add3A_41 = arith.addi %mul3A_40, %mul3A_2 : i32
    %mul3A_42 = arith.constant 10000 : i32
    %mul3A_43 = arith.muli %add3A_41, %mul3A_42 : i32
    "tpu.region"() ({
      %run_scoped3A = tpu.sem_alloc : memref<!tpu.dma_semaphore, #tpu.memory_space<semaphore_mem>>
      %dma_start3A_44 = tpu.memref_slice %arg5[%mul3A_43] : memref<1280000xf32, #tpu.memory_space<hbm>> -> memref<40000xf32, #tpu.memory_space<hbm>>
      %dma_start3A_45 = tpu.memref_slice %arg5[%mul3A_43] : memref<1280000xf32, #tpu.memory_space<hbm>> -> memref<40000xf32, #tpu.memory_space<hbm>>
      tpu.enqueue_dma source(%arg7 : memref<40000xf32, #tpu.memory_space<vmem>>) target(%dma_start3A_45 : memref<40000xf32, #tpu.memory_space<hbm>>) target_semaphore(%run_scoped3A : memref<!tpu.dma_semaphore, #tpu.memory_space<semaphore_mem>>)
      %dma_wait3A = tpu.memref_slice %arg5[%mul3A_43] : memref<1280000xf32, #tpu.memory_space<hbm>> -> memref<40000xf32, #tpu.memory_space<hbm>>
      %dma_wait3A_46 = tpu.memref_slice %arg5[%mul3A_43] : memref<1280000xf32, #tpu.memory_space<hbm>> -> memref<40000xf32, #tpu.memory_space<hbm>>
      tpu.wait_dma2 semaphore(%run_scoped3A : memref<!tpu.dma_semaphore, #tpu.memory_space<semaphore_mem>>) src(%arg7 : memref<40000xf32, #tpu.memory_space<vmem>>) dst(%dma_wait3A_46 : memref<40000xf32, #tpu.memory_space<hbm>>)
      tpu.yield
    }) : () -> ()
    return
  }
}

#map = affine_map<(d0, d1) -> (0)>
module attributes {stable_mosaic.version = 14 : i64} {
  func.func @body(%arg0: i32, %arg1: i32, %arg2: memref<80000xf32, #tpu.memory_space<hbm>>, %arg3: memref<80000xf32, #tpu.memory_space<hbm>>, %arg4: memref<320000xi32, #tpu.memory_space<hbm>>, %arg5: memref<640000xf32, #tpu.memory_space<hbm>>, %arg6: memref<640000xf32, #tpu.memory_space<hbm>>, %arg7: memref<20000xf32, #tpu.memory_space<vmem>>, %arg8: memref<20000xf32, #tpu.memory_space<vmem>>, %arg9: memref<20000xf32, #tpu.memory_space<vmem>>, %arg10: memref<20000xf32, #tpu.memory_space<vmem>>, %arg11: memref<10000xi32, #tpu.memory_space<vmem>>) attributes {dimension_semantics = [#tpu.dimension_semantics<core_parallel>, #tpu.dimension_semantics<subcore_parallel>], iteration_bounds = array<i64: 2, 16>, scalar_prefetch = 0 : i64, scratch_operands = 5 : i64, tpu.core_type = #tpu.core_type<sc_vector_subcore>, window_params = [{transform_indices = #map}, {transform_indices = #map}, {transform_indices = #map}, {transform_indices = #map}, {transform_indices = #map}]} {
    %mul3A = arith.constant 2 : i32
    %mul3A_0 = arith.muli %arg1, %mul3A : i32
    %add3A = arith.addi %mul3A_0, %arg0 : i32
    %mul3A_1 = arith.constant 10000 : i32
    %mul3A_2 = arith.muli %add3A, %mul3A_1 : i32
    "tpu.region"() ({
      %run_scoped3A = tpu.sem_alloc : memref<!tpu.dma_semaphore, #tpu.memory_space<semaphore_mem>>
      %dma_start3A = arith.constant 0 : i32
      %dma_start3A_17 = tpu.memref_slice %arg2[%dma_start3A] : memref<80000xf32, #tpu.memory_space<hbm>> -> memref<20000xf32, #tpu.memory_space<hbm>>
      %dma_start3A_18 = arith.constant 0 : i32
      %dma_start3A_19 = tpu.memref_slice %arg2[%dma_start3A_18] : memref<80000xf32, #tpu.memory_space<hbm>> -> memref<20000xf32, #tpu.memory_space<hbm>>
      tpu.enqueue_dma source(%dma_start3A_19 : memref<20000xf32, #tpu.memory_space<hbm>>) target(%arg7 : memref<20000xf32, #tpu.memory_space<vmem>>) target_semaphore(%run_scoped3A : memref<!tpu.dma_semaphore, #tpu.memory_space<semaphore_mem>>)
      %dma_wait3A = arith.constant 0 : i32
      %dma_wait3A_20 = tpu.memref_slice %arg2[%dma_wait3A] : memref<80000xf32, #tpu.memory_space<hbm>> -> memref<20000xf32, #tpu.memory_space<hbm>>
      %dma_wait3A_21 = arith.constant 0 : i32
      %dma_wait3A_22 = tpu.memref_slice %arg2[%dma_wait3A_21] : memref<80000xf32, #tpu.memory_space<hbm>> -> memref<20000xf32, #tpu.memory_space<hbm>>
      tpu.wait_dma2 semaphore(%run_scoped3A : memref<!tpu.dma_semaphore, #tpu.memory_space<semaphore_mem>>) src(%dma_wait3A_22 : memref<20000xf32, #tpu.memory_space<hbm>>) dst(%arg7 : memref<20000xf32, #tpu.memory_space<vmem>>)
      tpu.yield
    }) : () -> ()
    "tpu.region"() ({
      %run_scoped3A = tpu.sem_alloc : memref<!tpu.dma_semaphore, #tpu.memory_space<semaphore_mem>>
      %dma_start3A = arith.constant 0 : i32
      %dma_start3A_17 = tpu.memref_slice %arg3[%dma_start3A] : memref<80000xf32, #tpu.memory_space<hbm>> -> memref<20000xf32, #tpu.memory_space<hbm>>
      %dma_start3A_18 = arith.constant 0 : i32
      %dma_start3A_19 = tpu.memref_slice %arg3[%dma_start3A_18] : memref<80000xf32, #tpu.memory_space<hbm>> -> memref<20000xf32, #tpu.memory_space<hbm>>
      tpu.enqueue_dma source(%dma_start3A_19 : memref<20000xf32, #tpu.memory_space<hbm>>) target(%arg8 : memref<20000xf32, #tpu.memory_space<vmem>>) target_semaphore(%run_scoped3A : memref<!tpu.dma_semaphore, #tpu.memory_space<semaphore_mem>>)
      %dma_wait3A = arith.constant 0 : i32
      %dma_wait3A_20 = tpu.memref_slice %arg3[%dma_wait3A] : memref<80000xf32, #tpu.memory_space<hbm>> -> memref<20000xf32, #tpu.memory_space<hbm>>
      %dma_wait3A_21 = arith.constant 0 : i32
      %dma_wait3A_22 = tpu.memref_slice %arg3[%dma_wait3A_21] : memref<80000xf32, #tpu.memory_space<hbm>> -> memref<20000xf32, #tpu.memory_space<hbm>>
      tpu.wait_dma2 semaphore(%run_scoped3A : memref<!tpu.dma_semaphore, #tpu.memory_space<semaphore_mem>>) src(%dma_wait3A_22 : memref<20000xf32, #tpu.memory_space<hbm>>) dst(%arg8 : memref<20000xf32, #tpu.memory_space<vmem>>)
      tpu.yield
    }) : () -> ()
    "tpu.region"() ({
      %run_scoped3A = tpu.sem_alloc : memref<!tpu.dma_semaphore, #tpu.memory_space<semaphore_mem>>
      %dma_start3A = tpu.memref_slice %arg4[%mul3A_2] : memref<320000xi32, #tpu.memory_space<hbm>> -> memref<10000xi32, #tpu.memory_space<hbm>>
      %dma_start3A_17 = tpu.memref_slice %arg4[%mul3A_2] : memref<320000xi32, #tpu.memory_space<hbm>> -> memref<10000xi32, #tpu.memory_space<hbm>>
      tpu.enqueue_dma source(%dma_start3A_17 : memref<10000xi32, #tpu.memory_space<hbm>>) target(%arg11 : memref<10000xi32, #tpu.memory_space<vmem>>) target_semaphore(%run_scoped3A : memref<!tpu.dma_semaphore, #tpu.memory_space<semaphore_mem>>)
      %dma_wait3A = tpu.memref_slice %arg4[%mul3A_2] : memref<320000xi32, #tpu.memory_space<hbm>> -> memref<10000xi32, #tpu.memory_space<hbm>>
      %dma_wait3A_18 = tpu.memref_slice %arg4[%mul3A_2] : memref<320000xi32, #tpu.memory_space<hbm>> -> memref<10000xi32, #tpu.memory_space<hbm>>
      tpu.wait_dma2 semaphore(%run_scoped3A : memref<!tpu.dma_semaphore, #tpu.memory_space<semaphore_mem>>) src(%dma_wait3A_18 : memref<10000xi32, #tpu.memory_space<hbm>>) dst(%arg11 : memref<10000xi32, #tpu.memory_space<vmem>>)
      tpu.yield
    }) : () -> ()
    %broadcast_in_dim3A = arith.constant 0.000000e+00 : f32
    %broadcast_in_dim3A_3 = vector.broadcast %broadcast_in_dim3A : f32 to vector<16xf32>
    %parallel_loop3A = arith.constant 0 : i32
    %parallel_loop3A_4 = arith.constant 20000 : i32
    %parallel_loop3A_5 = arith.constant 16 : i32
    scf.for %parallel_loop3A_17 = %parallel_loop3A to %parallel_loop3A_4 step %parallel_loop3A_5  : i32 {
      %parallel_loop3A_18 = arith.index_cast %parallel_loop3A_17 : i32 to index
      %parallel_loop3A_19 = tpu.vector_load %arg9[%parallel_loop3A_18] {strides = array<i32>} : memref<20000xf32, #tpu.memory_space<vmem>>, vector<16xf32>,
      tpu.vector_store %arg9[%parallel_loop3A_18], %broadcast_in_dim3A_3 {strides = array<i32>} : memref<20000xf32, #tpu.memory_space<vmem>>, vector<16xf32>,
    } {sc.loop_unroll_factor = 8 : i64, sc.parallel_access}
    %parallel_loop3A_6 = arith.constant 0 : i32
    %parallel_loop3A_7 = arith.constant 10000 : i32
    %parallel_loop3A_8 = arith.constant 16 : i32
    scf.for %parallel_loop3A_17 = %parallel_loop3A_6 to %parallel_loop3A_7 step %parallel_loop3A_8  : i32 {
      %parallel_loop3A_18 = arith.index_cast %parallel_loop3A_17 : i32 to index
      %parallel_loop3A_19 = tpu.vector_load %arg11[%parallel_loop3A_18] {strides = array<i32>} : memref<10000xi32, #tpu.memory_space<vmem>>, vector<16xi32>,
      %parallel_loop3A_20 = arith.constant 14 : i32
      %parallel_loop3A_21 = vector.broadcast %parallel_loop3A_20 : i32 to vector<16xi32>
      %parallel_loop3A_22 = arith.shrsi %parallel_loop3A_19, %parallel_loop3A_21 : vector<16xi32>
      %parallel_loop3A_23 = arith.constant 16383 : i32
      %parallel_loop3A_24 = vector.broadcast %parallel_loop3A_23 : i32 to vector<16xi32>
      %parallel_loop3A_25 = arith.andi %parallel_loop3A_19, %parallel_loop3A_24 : vector<16xi32>
      %parallel_loop3A_26 = arith.constant 0 : i32
      %parallel_loop3A_27 = vector.broadcast %parallel_loop3A_26 : i32 to vector<16xi32>
      %parallel_loop3A_28 = arith.addi %parallel_loop3A_22, %parallel_loop3A_27 : vector<16xi32>
      %parallel_loop3A_29 = tpu.vector_load_idx %arg7[%parallel_loop3A_28] : memref<20000xf32, #tpu.memory_space<vmem>>[vector<16xi32>], vector<16xf32>,
      %parallel_loop3A_30 = arith.constant 0 : i32
      %parallel_loop3A_31 = vector.broadcast %parallel_loop3A_30 : i32 to vector<16xi32>
      %parallel_loop3A_32 = arith.addi %parallel_loop3A_25, %parallel_loop3A_31 : vector<16xi32>
      %parallel_loop3A_33 = tpu.vector_load_idx %arg8[%parallel_loop3A_32] : memref<20000xf32, #tpu.memory_space<vmem>>[vector<16xi32>], vector<16xf32>,
      %parallel_loop3A_34 = arith.addf %parallel_loop3A_29, %parallel_loop3A_33 : vector<16xf32>
      %parallel_loop3A_35 = arith.constant 0.000000e+00 : f32
      %parallel_loop3A_36 = vector.broadcast %parallel_loop3A_35 : f32 to vector<16xf32>
      %parallel_loop3A_37 = arith.cmpf ogt, %parallel_loop3A_34, %parallel_loop3A_36 : vector<16xf32>
      %parallel_loop3A_38 = arith.constant 0.00999999977 : f32
      %parallel_loop3A_39 = vector.broadcast %parallel_loop3A_38 : f32 to vector<16xf32>
      %parallel_loop3A_40 = arith.mulf %parallel_loop3A_39, %parallel_loop3A_34 : vector<16xf32>
      %parallel_loop3A_41 = arith.select %parallel_loop3A_37, %parallel_loop3A_34, %parallel_loop3A_40 : vector<16xi1>, vector<16xf32>
      %parallel_loop3A_42 = math.exp %parallel_loop3A_41 : vector<16xf32>
      %parallel_loop3A_43 = arith.constant 0 : i32
      %parallel_loop3A_44 = arith.addi %parallel_loop3A_43, %parallel_loop3A_17 : i32
      %parallel_loop3A_45 = arith.index_cast %parallel_loop3A_44 : i32 to index
      %parallel_loop3A_46 = tpu.vector_load %arg10[%parallel_loop3A_45] {strides = array<i32>} : memref<20000xf32, #tpu.memory_space<vmem>>, vector<16xf32>,
      tpu.vector_store %arg10[%parallel_loop3A_45], %parallel_loop3A_42 {strides = array<i32>} : memref<20000xf32, #tpu.memory_space<vmem>>, vector<16xf32>,
      %parallel_loop3A_47 = arith.constant 0 : i32
      %parallel_loop3A_48 = vector.broadcast %parallel_loop3A_47 : i32 to vector<16xi32>
      %parallel_loop3A_49 = arith.addi %parallel_loop3A_22, %parallel_loop3A_48 : vector<16xi32>
      tpu.vector_store_idx %arg9[%parallel_loop3A_49], %parallel_loop3A_42 {add = true} : memref<20000xf32, #tpu.memory_space<vmem>>[vector<16xi32>], vector<16xf32>,
      %parallel_loop3A_50 = arith.constant 10000 : i32
      %parallel_loop3A_51 = vector.broadcast %parallel_loop3A_50 : i32 to vector<16xi32>
      %parallel_loop3A_52 = arith.addi %parallel_loop3A_22, %parallel_loop3A_51 : vector<16xi32>
      %parallel_loop3A_53 = tpu.vector_load_idx %arg7[%parallel_loop3A_52] : memref<20000xf32, #tpu.memory_space<vmem>>[vector<16xi32>], vector<16xf32>,
      %parallel_loop3A_54 = arith.constant 10000 : i32
      %parallel_loop3A_55 = vector.broadcast %parallel_loop3A_54 : i32 to vector<16xi32>
      %parallel_loop3A_56 = arith.addi %parallel_loop3A_25, %parallel_loop3A_55 : vector<16xi32>
      %parallel_loop3A_57 = tpu.vector_load_idx %arg8[%parallel_loop3A_56] : memref<20000xf32, #tpu.memory_space<vmem>>[vector<16xi32>], vector<16xf32>,
      %parallel_loop3A_58 = arith.addf %parallel_loop3A_53, %parallel_loop3A_57 : vector<16xf32>
      %parallel_loop3A_59 = arith.constant 0.000000e+00 : f32
      %parallel_loop3A_60 = vector.broadcast %parallel_loop3A_59 : f32 to vector<16xf32>
      %parallel_loop3A_61 = arith.cmpf ogt, %parallel_loop3A_58, %parallel_loop3A_60 : vector<16xf32>
      %parallel_loop3A_62 = arith.constant 0.00999999977 : f32
      %parallel_loop3A_63 = vector.broadcast %parallel_loop3A_62 : f32 to vector<16xf32>
      %parallel_loop3A_64 = arith.mulf %parallel_loop3A_63, %parallel_loop3A_58 : vector<16xf32>
      %parallel_loop3A_65 = arith.select %parallel_loop3A_61, %parallel_loop3A_58, %parallel_loop3A_64 : vector<16xi1>, vector<16xf32>
      %parallel_loop3A_66 = math.exp %parallel_loop3A_65 : vector<16xf32>
      %parallel_loop3A_67 = arith.constant 10000 : i32
      %parallel_loop3A_68 = arith.addi %parallel_loop3A_67, %parallel_loop3A_17 : i32
      %parallel_loop3A_69 = arith.index_cast %parallel_loop3A_68 : i32 to index
      %parallel_loop3A_70 = tpu.vector_load %arg10[%parallel_loop3A_69] {strides = array<i32>} : memref<20000xf32, #tpu.memory_space<vmem>>, vector<16xf32>,
      tpu.vector_store %arg10[%parallel_loop3A_69], %parallel_loop3A_66 {strides = array<i32>} : memref<20000xf32, #tpu.memory_space<vmem>>, vector<16xf32>,
      %parallel_loop3A_71 = arith.constant 10000 : i32
      %parallel_loop3A_72 = vector.broadcast %parallel_loop3A_71 : i32 to vector<16xi32>
      %parallel_loop3A_73 = arith.addi %parallel_loop3A_22, %parallel_loop3A_72 : vector<16xi32>
      tpu.vector_store_idx %arg9[%parallel_loop3A_73], %parallel_loop3A_66 {add = true} : memref<20000xf32, #tpu.memory_space<vmem>>[vector<16xi32>], vector<16xf32>,
    } {sc.loop_unroll_factor = 8 : i64, sc.parallel_access}
    "tpu.region"() ({
      %run_scoped3A = tpu.sem_alloc : memref<!tpu.dma_semaphore, #tpu.memory_space<semaphore_mem>>
      %dma_start3A = arith.constant 0 : i32
      %dma_start3A_17 = tpu.memref_slice %arg10[%dma_start3A] : memref<20000xf32, #tpu.memory_space<vmem>> -> memref<10000xf32, #tpu.memory_space<vmem>>
      %dma_start3A_18 = tpu.memref_slice %arg5[%mul3A_2] : memref<640000xf32, #tpu.memory_space<hbm>> -> memref<10000xf32, #tpu.memory_space<hbm>>
      %dma_start3A_19 = tpu.memref_slice %arg5[%mul3A_2] : memref<640000xf32, #tpu.memory_space<hbm>> -> memref<10000xf32, #tpu.memory_space<hbm>>
      %dma_start3A_20 = arith.constant 0 : i32
      %dma_start3A_21 = tpu.memref_slice %arg10[%dma_start3A_20] : memref<20000xf32, #tpu.memory_space<vmem>> -> memref<10000xf32, #tpu.memory_space<vmem>>
      tpu.enqueue_dma source(%dma_start3A_21 : memref<10000xf32, #tpu.memory_space<vmem>>) target(%dma_start3A_19 : memref<10000xf32, #tpu.memory_space<hbm>>) target_semaphore(%run_scoped3A : memref<!tpu.dma_semaphore, #tpu.memory_space<semaphore_mem>>)
      %dma_wait3A = arith.constant 0 : i32
      %dma_wait3A_22 = tpu.memref_slice %arg10[%dma_wait3A] : memref<20000xf32, #tpu.memory_space<vmem>> -> memref<10000xf32, #tpu.memory_space<vmem>>
      %dma_wait3A_23 = tpu.memref_slice %arg5[%mul3A_2] : memref<640000xf32, #tpu.memory_space<hbm>> -> memref<10000xf32, #tpu.memory_space<hbm>>
      %dma_wait3A_24 = tpu.memref_slice %arg5[%mul3A_2] : memref<640000xf32, #tpu.memory_space<hbm>> -> memref<10000xf32, #tpu.memory_space<hbm>>
      %dma_wait3A_25 = arith.constant 0 : i32
      %dma_wait3A_26 = tpu.memref_slice %arg10[%dma_wait3A_25] : memref<20000xf32, #tpu.memory_space<vmem>> -> memref<10000xf32, #tpu.memory_space<vmem>>
      tpu.wait_dma2 semaphore(%run_scoped3A : memref<!tpu.dma_semaphore, #tpu.memory_space<semaphore_mem>>) src(%dma_wait3A_26 : memref<10000xf32, #tpu.memory_space<vmem>>) dst(%dma_wait3A_24 : memref<10000xf32, #tpu.memory_space<hbm>>)
      tpu.yield
    }) : () -> ()
    %add3A_9 = arith.constant 320000 : i32
    %add3A_10 = arith.addi %add3A_9, %mul3A_2 : i32
    "tpu.region"() ({
      %run_scoped3A = tpu.sem_alloc : memref<!tpu.dma_semaphore, #tpu.memory_space<semaphore_mem>>
      %dma_start3A = arith.constant 10000 : i32
      %dma_start3A_17 = tpu.memref_slice %arg10[%dma_start3A] : memref<20000xf32, #tpu.memory_space<vmem>> -> memref<10000xf32, #tpu.memory_space<vmem>>
      %dma_start3A_18 = tpu.memref_slice %arg5[%add3A_10] : memref<640000xf32, #tpu.memory_space<hbm>> -> memref<10000xf32, #tpu.memory_space<hbm>>
      %dma_start3A_19 = tpu.memref_slice %arg5[%add3A_10] : memref<640000xf32, #tpu.memory_space<hbm>> -> memref<10000xf32, #tpu.memory_space<hbm>>
      %dma_start3A_20 = arith.constant 10000 : i32
      %dma_start3A_21 = tpu.memref_slice %arg10[%dma_start3A_20] : memref<20000xf32, #tpu.memory_space<vmem>> -> memref<10000xf32, #tpu.memory_space<vmem>>
      tpu.enqueue_dma source(%dma_start3A_21 : memref<10000xf32, #tpu.memory_space<vmem>>) target(%dma_start3A_19 : memref<10000xf32, #tpu.memory_space<hbm>>) target_semaphore(%run_scoped3A : memref<!tpu.dma_semaphore, #tpu.memory_space<semaphore_mem>>)
      %dma_wait3A = arith.constant 10000 : i32
      %dma_wait3A_22 = tpu.memref_slice %arg10[%dma_wait3A] : memref<20000xf32, #tpu.memory_space<vmem>> -> memref<10000xf32, #tpu.memory_space<vmem>>
      %dma_wait3A_23 = tpu.memref_slice %arg5[%add3A_10] : memref<640000xf32, #tpu.memory_space<hbm>> -> memref<10000xf32, #tpu.memory_space<hbm>>
      %dma_wait3A_24 = tpu.memref_slice %arg5[%add3A_10] : memref<640000xf32, #tpu.memory_space<hbm>> -> memref<10000xf32, #tpu.memory_space<hbm>>
      %dma_wait3A_25 = arith.constant 10000 : i32
      %dma_wait3A_26 = tpu.memref_slice %arg10[%dma_wait3A_25] : memref<20000xf32, #tpu.memory_space<vmem>> -> memref<10000xf32, #tpu.memory_space<vmem>>
      tpu.wait_dma2 semaphore(%run_scoped3A : memref<!tpu.dma_semaphore, #tpu.memory_space<semaphore_mem>>) src(%dma_wait3A_26 : memref<10000xf32, #tpu.memory_space<vmem>>) dst(%dma_wait3A_24 : memref<10000xf32, #tpu.memory_space<hbm>>)
      tpu.yield
    }) : () -> ()
    %mul3A_11 = arith.constant 10000 : i32
    %mul3A_12 = arith.muli %add3A, %mul3A_11 : i32
    "tpu.region"() ({
      %run_scoped3A = tpu.sem_alloc : memref<!tpu.dma_semaphore, #tpu.memory_space<semaphore_mem>>
      %dma_start3A = arith.constant 0 : i32
      %dma_start3A_17 = tpu.memref_slice %arg9[%dma_start3A] : memref<20000xf32, #tpu.memory_space<vmem>> -> memref<10000xf32, #tpu.memory_space<vmem>>
      %dma_start3A_18 = tpu.memref_slice %arg6[%mul3A_12] : memref<640000xf32, #tpu.memory_space<hbm>> -> memref<10000xf32, #tpu.memory_space<hbm>>
      %dma_start3A_19 = tpu.memref_slice %arg6[%mul3A_12] : memref<640000xf32, #tpu.memory_space<hbm>> -> memref<10000xf32, #tpu.memory_space<hbm>>
      %dma_start3A_20 = arith.constant 0 : i32
      %dma_start3A_21 = tpu.memref_slice %arg9[%dma_start3A_20] : memref<20000xf32, #tpu.memory_space<vmem>> -> memref<10000xf32, #tpu.memory_space<vmem>>
      tpu.enqueue_dma source(%dma_start3A_21 : memref<10000xf32, #tpu.memory_space<vmem>>) target(%dma_start3A_19 : memref<10000xf32, #tpu.memory_space<hbm>>) target_semaphore(%run_scoped3A : memref<!tpu.dma_semaphore, #tpu.memory_space<semaphore_mem>>)
      %dma_wait3A = arith.constant 0 : i32
      %dma_wait3A_22 = tpu.memref_slice %arg9[%dma_wait3A] : memref<20000xf32, #tpu.memory_space<vmem>> -> memref<10000xf32, #tpu.memory_space<vmem>>
      %dma_wait3A_23 = tpu.memref_slice %arg6[%mul3A_12] : memref<640000xf32, #tpu.memory_space<hbm>> -> memref<10000xf32, #tpu.memory_space<hbm>>
      %dma_wait3A_24 = tpu.memref_slice %arg6[%mul3A_12] : memref<640000xf32, #tpu.memory_space<hbm>> -> memref<10000xf32, #tpu.memory_space<hbm>>
      %dma_wait3A_25 = arith.constant 0 : i32
      %dma_wait3A_26 = tpu.memref_slice %arg9[%dma_wait3A_25] : memref<20000xf32, #tpu.memory_space<vmem>> -> memref<10000xf32, #tpu.memory_space<vmem>>
      tpu.wait_dma2 semaphore(%run_scoped3A : memref<!tpu.dma_semaphore, #tpu.memory_space<semaphore_mem>>) src(%dma_wait3A_26 : memref<10000xf32, #tpu.memory_space<vmem>>) dst(%dma_wait3A_24 : memref<10000xf32, #tpu.memory_space<hbm>>)
      tpu.yield
    }) : () -> ()
    %mul3A_13 = arith.constant 10000 : i32
    %mul3A_14 = arith.muli %add3A, %mul3A_13 : i32
    %add3A_15 = arith.constant 320000 : i32
    %add3A_16 = arith.addi %add3A_15, %mul3A_14 : i32
    "tpu.region"() ({
      %run_scoped3A = tpu.sem_alloc : memref<!tpu.dma_semaphore, #tpu.memory_space<semaphore_mem>>
      %dma_start3A = arith.constant 10000 : i32
      %dma_start3A_17 = tpu.memref_slice %arg9[%dma_start3A] : memref<20000xf32, #tpu.memory_space<vmem>> -> memref<10000xf32, #tpu.memory_space<vmem>>
      %dma_start3A_18 = tpu.memref_slice %arg6[%add3A_16] : memref<640000xf32, #tpu.memory_space<hbm>> -> memref<10000xf32, #tpu.memory_space<hbm>>
      %dma_start3A_19 = tpu.memref_slice %arg6[%add3A_16] : memref<640000xf32, #tpu.memory_space<hbm>> -> memref<10000xf32, #tpu.memory_space<hbm>>
      %dma_start3A_20 = arith.constant 10000 : i32
      %dma_start3A_21 = tpu.memref_slice %arg9[%dma_start3A_20] : memref<20000xf32, #tpu.memory_space<vmem>> -> memref<10000xf32, #tpu.memory_space<vmem>>
      tpu.enqueue_dma source(%dma_start3A_21 : memref<10000xf32, #tpu.memory_space<vmem>>) target(%dma_start3A_19 : memref<10000xf32, #tpu.memory_space<hbm>>) target_semaphore(%run_scoped3A : memref<!tpu.dma_semaphore, #tpu.memory_space<semaphore_mem>>)
      %dma_wait3A = arith.constant 10000 : i32
      %dma_wait3A_22 = tpu.memref_slice %arg9[%dma_wait3A] : memref<20000xf32, #tpu.memory_space<vmem>> -> memref<10000xf32, #tpu.memory_space<vmem>>
      %dma_wait3A_23 = tpu.memref_slice %arg6[%add3A_16] : memref<640000xf32, #tpu.memory_space<hbm>> -> memref<10000xf32, #tpu.memory_space<hbm>>
      %dma_wait3A_24 = tpu.memref_slice %arg6[%add3A_16] : memref<640000xf32, #tpu.memory_space<hbm>> -> memref<10000xf32, #tpu.memory_space<hbm>>
      %dma_wait3A_25 = arith.constant 10000 : i32
      %dma_wait3A_26 = tpu.memref_slice %arg9[%dma_wait3A_25] : memref<20000xf32, #tpu.memory_space<vmem>> -> memref<10000xf32, #tpu.memory_space<vmem>>
      tpu.wait_dma2 semaphore(%run_scoped3A : memref<!tpu.dma_semaphore, #tpu.memory_space<semaphore_mem>>) src(%dma_wait3A_26 : memref<10000xf32, #tpu.memory_space<vmem>>) dst(%dma_wait3A_24 : memref<10000xf32, #tpu.memory_space<hbm>>)
      tpu.yield
    }) : () -> ()
    return
  }
}

module attributes {stable_mosaic.version = 14 : i64} {
  func.func @body(%arg0: i32, %arg1: memref<2048x128xf32, #tpu.memory_space<vmem>>, %arg2: memref<32x128xf32, #tpu.memory_space<vmem>>, %arg3: memref<32x128xf32, #tpu.memory_space<vmem>>, %arg4: memref<32x128xf32, #tpu.memory_space<vmem>>, %arg5: memref<32x128xf32, #tpu.memory_space<vmem>>, %arg6: memref<8x32xf32, #tpu.memory_space<vmem>>, %arg7: memref<8x32xf32, #tpu.memory_space<vmem>>, %arg8: memref<8x128xf32, #tpu.memory_space<vmem>>, %arg9: memref<8x32xf32, #tpu.memory_space<vmem>>, %arg10: memref<8x32xf32, #tpu.memory_space<vmem>>, %arg11: memref<8x128xf32, #tpu.memory_space<vmem>>, %arg12: memref<32x2048xi32, #tpu.memory_space<vmem>>, %arg13: memref<8x2048xf32, #tpu.memory_space<vmem>>, %arg14: memref<8x2048xf32, #tpu.memory_space<vmem>>) attributes {dimension_semantics = [#tpu.dimension_semantics<arbitrary>], iteration_bounds = array<i64: 5>, scalar_prefetch = 0 : i64, scratch_operands = 0 : i64, tpu.core_type = #tpu.core_type<tc>, window_params = [{transform_indices = @transform_0, window_bounds = array<i64: 2048, 128>}, {pipeline_mode = #tpu.pipeline_mode<synchronous>, transform_indices = @transform_1, window_bounds = array<i64: 32, 128>}, {pipeline_mode = #tpu.pipeline_mode<synchronous>, transform_indices = @transform_2, window_bounds = array<i64: 32, 128>}, {pipeline_mode = #tpu.pipeline_mode<synchronous>, transform_indices = @transform_3, window_bounds = array<i64: 32, 128>}, {pipeline_mode = #tpu.pipeline_mode<synchronous>, transform_indices = @transform_4, window_bounds = array<i64: 32, 128>}, {pipeline_mode = #tpu.pipeline_mode<synchronous>, transform_indices = @transform_5, window_bounds = array<i64: 8, 32>}, {pipeline_mode = #tpu.pipeline_mode<synchronous>, transform_indices = @transform_6, window_bounds = array<i64: 8, 32>}, {pipeline_mode = #tpu.pipeline_mode<synchronous>, transform_indices = @transform_7, window_bounds = array<i64: 8, 128>}, {pipeline_mode = #tpu.pipeline_mode<synchronous>, transform_indices = @transform_8, window_bounds = array<i64: 8, 32>}, {pipeline_mode = #tpu.pipeline_mode<synchronous>, transform_indices = @transform_9, window_bounds = array<i64: 8, 32>}, {pipeline_mode = #tpu.pipeline_mode<synchronous>, transform_indices = @transform_10, window_bounds = array<i64: 8, 128>}, {transform_indices = @transform_11, window_bounds = array<i64: 32, 2048>}, {transform_indices = @transform_12, window_bounds = array<i64: 8, 2048>}, {transform_indices = @transform_13, window_bounds = array<i64: 8, 2048>}]} {
    %get3A = arith.constant 0 : index
    %get3A_0 = arith.constant 0 : index
    %get3A_1 = vector.load %arg1[%get3A, %get3A_0] : memref<2048x128xf32, #tpu.memory_space<vmem>>, vector<2048x128xf32>
    %get3A_2 = arith.constant 0 : index
    %get3A_3 = arith.constant 0 : index
    %get3A_4 = vector.load %arg2[%get3A_2, %get3A_3] : memref<32x128xf32, #tpu.memory_space<vmem>>, vector<32x128xf32>
    %dot_general3A = arith.constant dense<0.000000e+00> : vector<32x2048xf32>
    %dot_general3A_5 = tpu.matmul %get3A_4, %get3A_1, %dot_general3A {dimension_numbers = #tpu.dot_dimension_numbers<[1], [1], [0], [0], [0, 0, 1, 0], [], []>, transpose_lhs_hint = false} : vector<32x128xf32>, vector<2048x128xf32>, vector<32x2048xf32> -> vector<32x2048xf32>
    %get3A_6 = arith.constant 0 : index
    %get3A_7 = arith.constant 0 : index
    %get3A_8 = vector.load %arg4[%get3A_6, %get3A_7] : memref<32x128xf32, #tpu.memory_space<vmem>>, vector<32x1xf32>
    %add3A = vector.broadcast %get3A_8 : vector<32x1xf32> to vector<32x2048xf32>
    %add3A_9 = arith.addf %dot_general3A_5, %add3A : vector<32x2048xf32>
    %get3A_10 = arith.constant 0 : index
    %get3A_11 = arith.constant 0 : index
    %get3A_12 = vector.load %arg3[%get3A_10, %get3A_11] : memref<32x128xf32, #tpu.memory_space<vmem>>, vector<32x128xf32>
    %dot_general3A_13 = arith.constant dense<0.000000e+00> : vector<32x2048xf32>
    %dot_general3A_14 = tpu.matmul %get3A_12, %get3A_1, %dot_general3A_13 {dimension_numbers = #tpu.dot_dimension_numbers<[1], [1], [0], [0], [0, 0, 1, 0], [], []>, transpose_lhs_hint = false} : vector<32x128xf32>, vector<2048x128xf32>, vector<32x2048xf32> -> vector<32x2048xf32>
    %get3A_15 = arith.constant 0 : index
    %get3A_16 = arith.constant 0 : index
    %get3A_17 = vector.load %arg5[%get3A_15, %get3A_16] : memref<32x128xf32, #tpu.memory_space<vmem>>, vector<32x1xf32>
    %add3A_18 = vector.broadcast %get3A_17 : vector<32x1xf32> to vector<32x2048xf32>
    %add3A_19 = arith.addf %dot_general3A_14, %add3A_18 : vector<32x2048xf32>
    %convert_element_type3A = arith.truncf %add3A_9 : vector<32x2048xf32> to vector<32x2048xbf16>
    %bitcast_convert_type3A = tpu.bitcast %convert_element_type3A : vector<32x2048xbf16> -> vector<32x2048xi16>
    %convert_element_type3A_20 = arith.truncf %add3A_19 : vector<32x2048xf32> to vector<32x2048xbf16>
    %bitcast_convert_type3A_21 = tpu.bitcast %convert_element_type3A_20 : vector<32x2048xbf16> -> vector<32x2048xi16>
    %convert_element_type3A_22 = arith.extui %bitcast_convert_type3A_21 : vector<32x2048xi16> to vector<32x2048xi32>
    %shift_left3A = arith.constant 16 : i32
    %shift_left3A_23 = vector.broadcast %shift_left3A : i32 to vector<32x2048xi32>
    %shift_left3A_24 = arith.shli %convert_element_type3A_22, %shift_left3A_23 : vector<32x2048xi32>
    %convert_element_type3A_25 = arith.extui %bitcast_convert_type3A : vector<32x2048xi16> to vector<32x2048xi32>
    %or3A = arith.ori %shift_left3A_24, %convert_element_type3A_25 : vector<32x2048xi32>
    %bitcast_convert_type3A_26 = tpu.bitcast %or3A : vector<32x2048xi32> -> vector<32x2048xi32>
    %swap3A = arith.constant 0 : index
    %swap3A_27 = arith.constant 0 : index
    %swap3A_28 = vector.load %arg12[%swap3A, %swap3A_27] : memref<32x2048xi32, #tpu.memory_space<vmem>>, vector<32x2048xi32>
    tpu.vector_store %arg12[%swap3A, %swap3A_27], %bitcast_convert_type3A_26 {strides = array<i32>} : memref<32x2048xi32, #tpu.memory_space<vmem>>, vector<32x2048xi32>,
    %get3A_29 = arith.constant 0 : index
    %get3A_30 = arith.constant 0 : index
    %get3A_31 = vector.load %arg6[%get3A_29, %get3A_30] : memref<8x32xf32, #tpu.memory_space<vmem>>, vector<8x32xf32>
    %dot_general3A_32 = arith.constant dense<0.000000e+00> : vector<8x2048xf32>
    %dot_general3A_33 = tpu.matmul %get3A_31, %add3A_9, %dot_general3A_32 {dimension_numbers = #tpu.dot_dimension_numbers<[1], [0], [0], [1], [0, 0, 1, 1], [], []>, transpose_lhs_hint = false} : vector<8x32xf32>, vector<32x2048xf32>, vector<8x2048xf32> -> vector<8x2048xf32>
    %get3A_34 = arith.constant 0 : index
    %get3A_35 = arith.constant 0 : index
    %get3A_36 = vector.load %arg7[%get3A_34, %get3A_35] : memref<8x32xf32, #tpu.memory_space<vmem>>, vector<8x32xf32>
    %dot_general3A_37 = arith.constant dense<0.000000e+00> : vector<8x2048xf32>
    %dot_general3A_38 = tpu.matmul %get3A_36, %add3A_19, %dot_general3A_37 {dimension_numbers = #tpu.dot_dimension_numbers<[1], [0], [0], [1], [0, 0, 1, 1], [], []>, transpose_lhs_hint = false} : vector<8x32xf32>, vector<32x2048xf32>, vector<8x2048xf32> -> vector<8x2048xf32>
    %add3A_39 = arith.addf %dot_general3A_33, %dot_general3A_38 : vector<8x2048xf32>
    %get3A_40 = arith.constant 0 : index
    %get3A_41 = arith.constant 0 : index
    %get3A_42 = vector.load %arg8[%get3A_40, %get3A_41] : memref<8x128xf32, #tpu.memory_space<vmem>>, vector<8x1xf32>
    %add3A_43 = vector.broadcast %get3A_42 : vector<8x1xf32> to vector<8x2048xf32>
    %add3A_44 = arith.addf %add3A_39, %add3A_43 : vector<8x2048xf32>
    %swap3A_45 = arith.constant 0 : index
    %swap3A_46 = arith.constant 0 : index
    %swap3A_47 = vector.load %arg13[%swap3A_45, %swap3A_46] : memref<8x2048xf32, #tpu.memory_space<vmem>>, vector<8x2048xf32>
    tpu.vector_store %arg13[%swap3A_45, %swap3A_46], %add3A_44 {strides = array<i32>} : memref<8x2048xf32, #tpu.memory_space<vmem>>, vector<8x2048xf32>,
    %get3A_48 = arith.constant 0 : index
    %get3A_49 = arith.constant 0 : index
    %get3A_50 = vector.load %arg9[%get3A_48, %get3A_49] : memref<8x32xf32, #tpu.memory_space<vmem>>, vector<8x32xf32>
    %dot_general3A_51 = arith.constant dense<0.000000e+00> : vector<8x2048xf32>
    %dot_general3A_52 = tpu.matmul %get3A_50, %add3A_9, %dot_general3A_51 {dimension_numbers = #tpu.dot_dimension_numbers<[1], [0], [0], [1], [0, 0, 1, 1], [], []>, transpose_lhs_hint = false} : vector<8x32xf32>, vector<32x2048xf32>, vector<8x2048xf32> -> vector<8x2048xf32>
    %get3A_53 = arith.constant 0 : index
    %get3A_54 = arith.constant 0 : index
    %get3A_55 = vector.load %arg10[%get3A_53, %get3A_54] : memref<8x32xf32, #tpu.memory_space<vmem>>, vector<8x32xf32>
    %dot_general3A_56 = arith.constant dense<0.000000e+00> : vector<8x2048xf32>
    %dot_general3A_57 = tpu.matmul %get3A_55, %add3A_19, %dot_general3A_56 {dimension_numbers = #tpu.dot_dimension_numbers<[1], [0], [0], [1], [0, 0, 1, 1], [], []>, transpose_lhs_hint = false} : vector<8x32xf32>, vector<32x2048xf32>, vector<8x2048xf32> -> vector<8x2048xf32>
    %add3A_58 = arith.addf %dot_general3A_52, %dot_general3A_57 : vector<8x2048xf32>
    %get3A_59 = arith.constant 0 : index
    %get3A_60 = arith.constant 0 : index
    %get3A_61 = vector.load %arg11[%get3A_59, %get3A_60] : memref<8x128xf32, #tpu.memory_space<vmem>>, vector<8x1xf32>
    %add3A_62 = vector.broadcast %get3A_61 : vector<8x1xf32> to vector<8x2048xf32>
    %add3A_63 = arith.addf %add3A_58, %add3A_62 : vector<8x2048xf32>
    %swap3A_64 = arith.constant 0 : index
    %swap3A_65 = arith.constant 0 : index
    %swap3A_66 = vector.load %arg14[%swap3A_64, %swap3A_65] : memref<8x2048xf32, #tpu.memory_space<vmem>>, vector<8x2048xf32>
    tpu.vector_store %arg14[%swap3A_64, %swap3A_65], %add3A_63 {strides = array<i32>} : memref<8x2048xf32, #tpu.memory_space<vmem>>, vector<8x2048xf32>,
    return
  }
  func.func @transform_0(%arg0: i32) -> (i32, i32) {
    %c0_i32 = arith.constant 0 : i32
    %c0_i32_0 = arith.constant 0 : i32
    return %arg0, %c0_i32 : i32, i32
  }
  func.func @transform_1(%arg0: i32) -> (i32, i32) {
    %c0_i32 = arith.constant 0 : i32
    %c0_i32_0 = arith.constant 0 : i32
    %c0_i32_1 = arith.constant 0 : i32
    return %c0_i32, %c0_i32_0 : i32, i32
  }
  func.func @transform_2(%arg0: i32) -> (i32, i32) {
    %c0_i32 = arith.constant 0 : i32
    %c0_i32_0 = arith.constant 0 : i32
    %c0_i32_1 = arith.constant 0 : i32
    return %c0_i32, %c0_i32_0 : i32, i32
  }
  func.func @transform_3(%arg0: i32) -> (i32, i32) {
    %c0_i32 = arith.constant 0 : i32
    %c0_i32_0 = arith.constant 0 : i32
    %c0_i32_1 = arith.constant 0 : i32
    return %c0_i32, %c0_i32_0 : i32, i32
  }
  func.func @transform_4(%arg0: i32) -> (i32, i32) {
    %c0_i32 = arith.constant 0 : i32
    %c0_i32_0 = arith.constant 0 : i32
    %c0_i32_1 = arith.constant 0 : i32
    return %c0_i32, %c0_i32_0 : i32, i32
  }
  func.func @transform_5(%arg0: i32) -> (i32, i32) {
    %c0_i32 = arith.constant 0 : i32
    %c0_i32_0 = arith.constant 0 : i32
    %c0_i32_1 = arith.constant 0 : i32
    return %c0_i32, %c0_i32_0 : i32, i32
  }
  func.func @transform_6(%arg0: i32) -> (i32, i32) {
    %c0_i32 = arith.constant 0 : i32
    %c0_i32_0 = arith.constant 0 : i32
    %c0_i32_1 = arith.constant 0 : i32
    return %c0_i32, %c0_i32_0 : i32, i32
  }
  func.func @transform_7(%arg0: i32) -> (i32, i32) {
    %c0_i32 = arith.constant 0 : i32
    %c0_i32_0 = arith.constant 0 : i32
    %c0_i32_1 = arith.constant 0 : i32
    return %c0_i32, %c0_i32_0 : i32, i32
  }
  func.func @transform_8(%arg0: i32) -> (i32, i32) {
    %c0_i32 = arith.constant 0 : i32
    %c0_i32_0 = arith.constant 0 : i32
    %c0_i32_1 = arith.constant 0 : i32
    return %c0_i32, %c0_i32_0 : i32, i32
  }
  func.func @transform_9(%arg0: i32) -> (i32, i32) {
    %c0_i32 = arith.constant 0 : i32
    %c0_i32_0 = arith.constant 0 : i32
    %c0_i32_1 = arith.constant 0 : i32
    return %c0_i32, %c0_i32_0 : i32, i32
  }
  func.func @transform_10(%arg0: i32) -> (i32, i32) {
    %c0_i32 = arith.constant 0 : i32
    %c0_i32_0 = arith.constant 0 : i32
    %c0_i32_1 = arith.constant 0 : i32
    return %c0_i32, %c0_i32_0 : i32, i32
  }
  func.func @transform_11(%arg0: i32) -> (i32, i32) {
    %c0_i32 = arith.constant 0 : i32
    %c0_i32_0 = arith.constant 0 : i32
    return %c0_i32, %arg0 : i32, i32
  }
  func.func @transform_12(%arg0: i32) -> (i32, i32) {
    %c0_i32 = arith.constant 0 : i32
    %c0_i32_0 = arith.constant 0 : i32
    return %c0_i32, %arg0 : i32, i32
  }
  func.func @transform_13(%arg0: i32) -> (i32, i32) {
    %c0_i32 = arith.constant 0 : i32
    %c0_i32_0 = arith.constant 0 : i32
    return %c0_i32, %arg0 : i32, i32
  }
}

module attributes {stable_mosaic.version = 14 : i64} {
  func.func @body(%arg0: i32, %arg1: memref<64x2048xf32, #tpu.memory_space<vmem>>, %arg2: memref<64x2048xf32, #tpu.memory_space<vmem>>, %arg3: memref<64x2048xf32, #tpu.memory_space<vmem>>, %arg4: memref<64x64xf32, #tpu.memory_space<vmem>>, %arg5: memref<64x64xf32, #tpu.memory_space<vmem>>, %arg6: memref<64x128xf32, #tpu.memory_space<vmem>>, %arg7: memref<64x128xf32, #tpu.memory_space<vmem>>, %arg8: memref<8x64xf32, #tpu.memory_space<vmem>>, %arg9: memref<8x64xf32, #tpu.memory_space<vmem>>, %arg10: memref<8x128xf32, #tpu.memory_space<vmem>>, %arg11: memref<8x64xf32, #tpu.memory_space<vmem>>, %arg12: memref<8x64xf32, #tpu.memory_space<vmem>>, %arg13: memref<8x128xf32, #tpu.memory_space<vmem>>, %arg14: memref<64x2048xi32, #tpu.memory_space<vmem>>, %arg15: memref<8x2048xf32, #tpu.memory_space<vmem>>, %arg16: memref<8x2048xf32, #tpu.memory_space<vmem>>) attributes {dimension_semantics = [#tpu.dimension_semantics<arbitrary>], iteration_bounds = array<i64: 5>, scalar_prefetch = 0 : i64, scratch_operands = 0 : i64, tpu.core_type = #tpu.core_type<tc>, window_params = [{transform_indices = @transform_0, window_bounds = array<i64: 64, 2048>}, {transform_indices = @transform_1, window_bounds = array<i64: 64, 2048>}, {transform_indices = @transform_2, window_bounds = array<i64: 64, 2048>}, {pipeline_mode = #tpu.pipeline_mode<synchronous>, transform_indices = @transform_3, window_bounds = array<i64: 64, 64>}, {pipeline_mode = #tpu.pipeline_mode<synchronous>, transform_indices = @transform_4, window_bounds = array<i64: 64, 64>}, {pipeline_mode = #tpu.pipeline_mode<synchronous>, transform_indices = @transform_5, window_bounds = array<i64: 64, 128>}, {pipeline_mode = #tpu.pipeline_mode<synchronous>, transform_indices = @transform_6, window_bounds = array<i64: 64, 128>}, {pipeline_mode = #tpu.pipeline_mode<synchronous>, transform_indices = @transform_7, window_bounds = array<i64: 8, 64>}, {pipeline_mode = #tpu.pipeline_mode<synchronous>, transform_indices = @transform_8, window_bounds = array<i64: 8, 64>}, {pipeline_mode = #tpu.pipeline_mode<synchronous>, transform_indices = @transform_9, window_bounds = array<i64: 8, 128>}, {pipeline_mode = #tpu.pipeline_mode<synchronous>, transform_indices = @transform_10, window_bounds = array<i64: 8, 64>}, {pipeline_mode = #tpu.pipeline_mode<synchronous>, transform_indices = @transform_11, window_bounds = array<i64: 8, 64>}, {pipeline_mode = #tpu.pipeline_mode<synchronous>, transform_indices = @transform_12, window_bounds = array<i64: 8, 128>}, {transform_indices = @transform_13, window_bounds = array<i64: 64, 2048>}, {transform_indices = @transform_14, window_bounds = array<i64: 8, 2048>}, {transform_indices = @transform_15, window_bounds = array<i64: 8, 2048>}]} {
    %get3A = arith.constant 0 : index
    %get3A_0 = arith.constant 0 : index
    %get3A_1 = vector.load %arg3[%get3A, %get3A_0] : memref<64x2048xf32, #tpu.memory_space<vmem>>, vector<64x2048xf32>
    %slice3A = vector.extract_strided_slice %get3A_1 {offsets = [0, 0], sizes = [32, 2048], strides = [1, 1]} : vector<64x2048xf32> to vector<32x2048xf32>
    %reduce_sum3A = arith.constant dense<0.000000e+00> : vector<2048xf32>
    %reduce_sum3A_2 = vector.multi_reduction <add>, %slice3A, %reduce_sum3A [0] : vector<32x2048xf32> to vector<2048xf32>
    %broadcast_in_dim3A = vector.shape_cast %reduce_sum3A_2 : vector<2048xf32> to vector<1x2048xf32>
    %max3A = arith.constant 1.000000e-30 : f32
    %max3A_3 = vector.broadcast %max3A : f32 to vector<1x2048xf32>
    %max3A_4 = arith.maximumf %broadcast_in_dim3A, %max3A_3 : vector<1x2048xf32>
    %div3A = arith.constant 1.000000e+00 : f32
    %div3A_5 = vector.broadcast %div3A : f32 to vector<1x2048xf32>
    %div3A_6 = arith.divf %div3A_5, %max3A_4 : vector<1x2048xf32>
    %slice3A_7 = vector.extract_strided_slice %get3A_1 {offsets = [32, 0], sizes = [32, 2048], strides = [1, 1]} : vector<64x2048xf32> to vector<32x2048xf32>
    %reduce_sum3A_8 = arith.constant dense<0.000000e+00> : vector<2048xf32>
    %reduce_sum3A_9 = vector.multi_reduction <add>, %slice3A_7, %reduce_sum3A_8 [0] : vector<32x2048xf32> to vector<2048xf32>
    %broadcast_in_dim3A_10 = vector.shape_cast %reduce_sum3A_9 : vector<2048xf32> to vector<1x2048xf32>
    %max3A_11 = arith.constant 1.000000e-30 : f32
    %max3A_12 = vector.broadcast %max3A_11 : f32 to vector<1x2048xf32>
    %max3A_13 = arith.maximumf %broadcast_in_dim3A_10, %max3A_12 : vector<1x2048xf32>
    %div3A_14 = arith.constant 1.000000e+00 : f32
    %div3A_15 = vector.broadcast %div3A_14 : f32 to vector<1x2048xf32>
    %div3A_16 = arith.divf %div3A_15, %max3A_13 : vector<1x2048xf32>
    %broadcast_in_dim3A_17 = vector.shape_cast %div3A_6 : vector<1x2048xf32> to vector<1x2048xf32>
    %broadcast_in_dim3A_18 = vector.broadcast %broadcast_in_dim3A_17 : vector<1x2048xf32> to vector<32x2048xf32>
    %broadcast_in_dim3A_19 = vector.shape_cast %div3A_16 : vector<1x2048xf32> to vector<1x2048xf32>
    %broadcast_in_dim3A_20 = vector.broadcast %broadcast_in_dim3A_19 : vector<1x2048xf32> to vector<32x2048xf32>
    %concatenate3A = tpu.concatenate %broadcast_in_dim3A_18, %broadcast_in_dim3A_20 in 0 : vector<32x2048xf32>, vector<32x2048xf32> -> vector<64x2048xf32>
    %get3A_21 = arith.constant 0 : index
    %get3A_22 = arith.constant 0 : index
    %get3A_23 = vector.load %arg1[%get3A_21, %get3A_22] : memref<64x2048xf32, #tpu.memory_space<vmem>>, vector<64x2048xf32>
    %get3A_24 = arith.constant 0 : index
    %get3A_25 = arith.constant 0 : index
    %get3A_26 = vector.load %arg2[%get3A_24, %get3A_25] : memref<64x2048xf32, #tpu.memory_space<vmem>>, vector<64x2048xf32>
    %add3A = arith.addf %get3A_23, %get3A_26 : vector<64x2048xf32>
    %max3A_27 = arith.constant 0.000000e+00 : f32
    %max3A_28 = vector.broadcast %max3A_27 : f32 to vector<64x2048xf32>
    %max3A_29 = arith.maximumf %add3A, %max3A_28 : vector<64x2048xf32>
    %mul3A = arith.mulf %max3A_29, %concatenate3A : vector<64x2048xf32>
    %get3A_30 = arith.constant 0 : index
    %get3A_31 = arith.constant 0 : index
    %get3A_32 = vector.load %arg4[%get3A_30, %get3A_31] : memref<64x64xf32, #tpu.memory_space<vmem>>, vector<64x64xf32>
    %dot_general3A = arith.constant dense<0.000000e+00> : vector<64x2048xf32>
    %dot_general3A_33 = tpu.matmul %get3A_32, %mul3A, %dot_general3A {dimension_numbers = #tpu.dot_dimension_numbers<[1], [0], [0], [1], [0, 0, 1, 1], [], []>, transpose_lhs_hint = false} : vector<64x64xf32>, vector<64x2048xf32>, vector<64x2048xf32> -> vector<64x2048xf32>
    %get3A_34 = arith.constant 0 : index
    %get3A_35 = arith.constant 0 : index
    %get3A_36 = vector.load %arg6[%get3A_34, %get3A_35] : memref<64x128xf32, #tpu.memory_space<vmem>>, vector<64x1xf32>
    %add3A_37 = vector.broadcast %get3A_36 : vector<64x1xf32> to vector<64x2048xf32>
    %add3A_38 = arith.addf %dot_general3A_33, %add3A_37 : vector<64x2048xf32>
    %get3A_39 = arith.constant 0 : index
    %get3A_40 = arith.constant 0 : index
    %get3A_41 = vector.load %arg5[%get3A_39, %get3A_40] : memref<64x64xf32, #tpu.memory_space<vmem>>, vector<64x64xf32>
    %dot_general3A_42 = arith.constant dense<0.000000e+00> : vector<64x2048xf32>
    %dot_general3A_43 = tpu.matmul %get3A_41, %mul3A, %dot_general3A_42 {dimension_numbers = #tpu.dot_dimension_numbers<[1], [0], [0], [1], [0, 0, 1, 1], [], []>, transpose_lhs_hint = false} : vector<64x64xf32>, vector<64x2048xf32>, vector<64x2048xf32> -> vector<64x2048xf32>
    %get3A_44 = arith.constant 0 : index
    %get3A_45 = arith.constant 0 : index
    %get3A_46 = vector.load %arg7[%get3A_44, %get3A_45] : memref<64x128xf32, #tpu.memory_space<vmem>>, vector<64x1xf32>
    %add3A_47 = vector.broadcast %get3A_46 : vector<64x1xf32> to vector<64x2048xf32>
    %add3A_48 = arith.addf %dot_general3A_43, %add3A_47 : vector<64x2048xf32>
    %convert_element_type3A = arith.truncf %add3A_38 : vector<64x2048xf32> to vector<64x2048xbf16>
    %bitcast_convert_type3A = tpu.bitcast %convert_element_type3A : vector<64x2048xbf16> -> vector<64x2048xi16>
    %convert_element_type3A_49 = arith.truncf %add3A_48 : vector<64x2048xf32> to vector<64x2048xbf16>
    %bitcast_convert_type3A_50 = tpu.bitcast %convert_element_type3A_49 : vector<64x2048xbf16> -> vector<64x2048xi16>
    %convert_element_type3A_51 = arith.extui %bitcast_convert_type3A_50 : vector<64x2048xi16> to vector<64x2048xi32>
    %shift_left3A = arith.constant 16 : i32
    %shift_left3A_52 = vector.broadcast %shift_left3A : i32 to vector<64x2048xi32>
    %shift_left3A_53 = arith.shli %convert_element_type3A_51, %shift_left3A_52 : vector<64x2048xi32>
    %convert_element_type3A_54 = arith.extui %bitcast_convert_type3A : vector<64x2048xi16> to vector<64x2048xi32>
    %or3A = arith.ori %shift_left3A_53, %convert_element_type3A_54 : vector<64x2048xi32>
    %bitcast_convert_type3A_55 = tpu.bitcast %or3A : vector<64x2048xi32> -> vector<64x2048xi32>
    %swap3A = arith.constant 0 : index
    %swap3A_56 = arith.constant 0 : index
    %swap3A_57 = vector.load %arg14[%swap3A, %swap3A_56] : memref<64x2048xi32, #tpu.memory_space<vmem>>, vector<64x2048xi32>
    tpu.vector_store %arg14[%swap3A, %swap3A_56], %bitcast_convert_type3A_55 {strides = array<i32>} : memref<64x2048xi32, #tpu.memory_space<vmem>>, vector<64x2048xi32>,
    %get3A_58 = arith.constant 0 : index
    %get3A_59 = arith.constant 0 : index
    %get3A_60 = vector.load %arg8[%get3A_58, %get3A_59] : memref<8x64xf32, #tpu.memory_space<vmem>>, vector<8x64xf32>
    %dot_general3A_61 = arith.constant dense<0.000000e+00> : vector<8x2048xf32>
    %dot_general3A_62 = tpu.matmul %get3A_60, %add3A_38, %dot_general3A_61 {dimension_numbers = #tpu.dot_dimension_numbers<[1], [0], [0], [1], [0, 0, 1, 1], [], []>, transpose_lhs_hint = false} : vector<8x64xf32>, vector<64x2048xf32>, vector<8x2048xf32> -> vector<8x2048xf32>
    %get3A_63 = arith.constant 0 : index
    %get3A_64 = arith.constant 0 : index
    %get3A_65 = vector.load %arg9[%get3A_63, %get3A_64] : memref<8x64xf32, #tpu.memory_space<vmem>>, vector<8x64xf32>
    %dot_general3A_66 = arith.constant dense<0.000000e+00> : vector<8x2048xf32>
    %dot_general3A_67 = tpu.matmul %get3A_65, %add3A_48, %dot_general3A_66 {dimension_numbers = #tpu.dot_dimension_numbers<[1], [0], [0], [1], [0, 0, 1, 1], [], []>, transpose_lhs_hint = false} : vector<8x64xf32>, vector<64x2048xf32>, vector<8x2048xf32> -> vector<8x2048xf32>
    %add3A_68 = arith.addf %dot_general3A_62, %dot_general3A_67 : vector<8x2048xf32>
    %get3A_69 = arith.constant 0 : index
    %get3A_70 = arith.constant 0 : index
    %get3A_71 = vector.load %arg10[%get3A_69, %get3A_70] : memref<8x128xf32, #tpu.memory_space<vmem>>, vector<8x1xf32>
    %add3A_72 = vector.broadcast %get3A_71 : vector<8x1xf32> to vector<8x2048xf32>
    %add3A_73 = arith.addf %add3A_68, %add3A_72 : vector<8x2048xf32>
    %swap3A_74 = arith.constant 0 : index
    %swap3A_75 = arith.constant 0 : index
    %swap3A_76 = vector.load %arg15[%swap3A_74, %swap3A_75] : memref<8x2048xf32, #tpu.memory_space<vmem>>, vector<8x2048xf32>
    tpu.vector_store %arg15[%swap3A_74, %swap3A_75], %add3A_73 {strides = array<i32>} : memref<8x2048xf32, #tpu.memory_space<vmem>>, vector<8x2048xf32>,
    %get3A_77 = arith.constant 0 : index
    %get3A_78 = arith.constant 0 : index
    %get3A_79 = vector.load %arg11[%get3A_77, %get3A_78] : memref<8x64xf32, #tpu.memory_space<vmem>>, vector<8x64xf32>
    %dot_general3A_80 = arith.constant dense<0.000000e+00> : vector<8x2048xf32>
    %dot_general3A_81 = tpu.matmul %get3A_79, %add3A_38, %dot_general3A_80 {dimension_numbers = #tpu.dot_dimension_numbers<[1], [0], [0], [1], [0, 0, 1, 1], [], []>, transpose_lhs_hint = false} : vector<8x64xf32>, vector<64x2048xf32>, vector<8x2048xf32> -> vector<8x2048xf32>
    %get3A_82 = arith.constant 0 : index
    %get3A_83 = arith.constant 0 : index
    %get3A_84 = vector.load %arg12[%get3A_82, %get3A_83] : memref<8x64xf32, #tpu.memory_space<vmem>>, vector<8x64xf32>
    %dot_general3A_85 = arith.constant dense<0.000000e+00> : vector<8x2048xf32>
    %dot_general3A_86 = tpu.matmul %get3A_84, %add3A_48, %dot_general3A_85 {dimension_numbers = #tpu.dot_dimension_numbers<[1], [0], [0], [1], [0, 0, 1, 1], [], []>, transpose_lhs_hint = false} : vector<8x64xf32>, vector<64x2048xf32>, vector<8x2048xf32> -> vector<8x2048xf32>
    %add3A_87 = arith.addf %dot_general3A_81, %dot_general3A_86 : vector<8x2048xf32>
    %get3A_88 = arith.constant 0 : index
    %get3A_89 = arith.constant 0 : index
    %get3A_90 = vector.load %arg13[%get3A_88, %get3A_89] : memref<8x128xf32, #tpu.memory_space<vmem>>, vector<8x1xf32>
    %add3A_91 = vector.broadcast %get3A_90 : vector<8x1xf32> to vector<8x2048xf32>
    %add3A_92 = arith.addf %add3A_87, %add3A_91 : vector<8x2048xf32>
    %swap3A_93 = arith.constant 0 : index
    %swap3A_94 = arith.constant 0 : index
    %swap3A_95 = vector.load %arg16[%swap3A_93, %swap3A_94] : memref<8x2048xf32, #tpu.memory_space<vmem>>, vector<8x2048xf32>
    tpu.vector_store %arg16[%swap3A_93, %swap3A_94], %add3A_92 {strides = array<i32>} : memref<8x2048xf32, #tpu.memory_space<vmem>>, vector<8x2048xf32>,
    return
  }
  func.func @transform_0(%arg0: i32) -> (i32, i32) {
    %c0_i32 = arith.constant 0 : i32
    %c0_i32_0 = arith.constant 0 : i32
    return %c0_i32, %arg0 : i32, i32
  }
  func.func @transform_1(%arg0: i32) -> (i32, i32) {
    %c1_i32 = arith.constant 1 : i32
    %c0_i32 = arith.constant 0 : i32
    return %c1_i32, %arg0 : i32, i32
  }
  func.func @transform_2(%arg0: i32) -> (i32, i32) {
    %c0_i32 = arith.constant 0 : i32
    %c0_i32_0 = arith.constant 0 : i32
    return %c0_i32, %arg0 : i32, i32
  }
  func.func @transform_3(%arg0: i32) -> (i32, i32) {
    %c0_i32 = arith.constant 0 : i32
    %c0_i32_0 = arith.constant 0 : i32
    %c0_i32_1 = arith.constant 0 : i32
    return %c0_i32, %c0_i32_0 : i32, i32
  }
  func.func @transform_4(%arg0: i32) -> (i32, i32) {
    %c0_i32 = arith.constant 0 : i32
    %c0_i32_0 = arith.constant 0 : i32
    %c0_i32_1 = arith.constant 0 : i32
    return %c0_i32, %c0_i32_0 : i32, i32
  }
  func.func @transform_5(%arg0: i32) -> (i32, i32) {
    %c0_i32 = arith.constant 0 : i32
    %c0_i32_0 = arith.constant 0 : i32
    %c0_i32_1 = arith.constant 0 : i32
    return %c0_i32, %c0_i32_0 : i32, i32
  }
  func.func @transform_6(%arg0: i32) -> (i32, i32) {
    %c0_i32 = arith.constant 0 : i32
    %c0_i32_0 = arith.constant 0 : i32
    %c0_i32_1 = arith.constant 0 : i32
    return %c0_i32, %c0_i32_0 : i32, i32
  }
  func.func @transform_7(%arg0: i32) -> (i32, i32) {
    %c0_i32 = arith.constant 0 : i32
    %c0_i32_0 = arith.constant 0 : i32
    %c0_i32_1 = arith.constant 0 : i32
    return %c0_i32, %c0_i32_0 : i32, i32
  }
  func.func @transform_8(%arg0: i32) -> (i32, i32) {
    %c0_i32 = arith.constant 0 : i32
    %c0_i32_0 = arith.constant 0 : i32
    %c0_i32_1 = arith.constant 0 : i32
    return %c0_i32, %c0_i32_0 : i32, i32
  }
  func.func @transform_9(%arg0: i32) -> (i32, i32) {
    %c0_i32 = arith.constant 0 : i32
    %c0_i32_0 = arith.constant 0 : i32
    %c0_i32_1 = arith.constant 0 : i32
    return %c0_i32, %c0_i32_0 : i32, i32
  }
  func.func @transform_10(%arg0: i32) -> (i32, i32) {
    %c0_i32 = arith.constant 0 : i32
    %c0_i32_0 = arith.constant 0 : i32
    %c0_i32_1 = arith.constant 0 : i32
    return %c0_i32, %c0_i32_0 : i32, i32
  }
  func.func @transform_11(%arg0: i32) -> (i32, i32) {
    %c0_i32 = arith.constant 0 : i32
    %c0_i32_0 = arith.constant 0 : i32
    %c0_i32_1 = arith.constant 0 : i32
    return %c0_i32, %c0_i32_0 : i32, i32
  }
  func.func @transform_12(%arg0: i32) -> (i32, i32) {
    %c0_i32 = arith.constant 0 : i32
    %c0_i32_0 = arith.constant 0 : i32
    %c0_i32_1 = arith.constant 0 : i32
    return %c0_i32, %c0_i32_0 : i32, i32
  }
  func.func @transform_13(%arg0: i32) -> (i32, i32) {
    %c0_i32 = arith.constant 0 : i32
    %c0_i32_0 = arith.constant 0 : i32
    return %c0_i32, %arg0 : i32, i32
  }
  func.func @transform_14(%arg0: i32) -> (i32, i32) {
    %c0_i32 = arith.constant 0 : i32
    %c0_i32_0 = arith.constant 0 : i32
    return %c0_i32, %arg0 : i32, i32
  }
  func.func @transform_15(%arg0: i32) -> (i32, i32) {
    %c0_i32 = arith.constant 0 : i32
    %c0_i32_0 = arith.constant 0 : i32
    return %c0_i32, %arg0 : i32, i32
  }
}

module attributes {stable_mosaic.version = 14 : i64} {
  func.func @body(%arg0: i32, %arg1: memref<128x512xf32, #tpu.memory_space<vmem>>, %arg2: memref<64x512xf32, #tpu.memory_space<vmem>>, %arg3: memref<512x128xf32, #tpu.memory_space<vmem>>) attributes {dimension_semantics = [#tpu.dimension_semantics<arbitrary>], iteration_bounds = array<i64: 20>, scalar_prefetch = 0 : i64, scratch_operands = 0 : i64, tpu.core_type = #tpu.core_type<tc>, window_params = [{transform_indices = @transform_0, window_bounds = array<i64: 128, 512>}, {transform_indices = @transform_1, window_bounds = array<i64: 64, 512>}, {transform_indices = @transform_2, window_bounds = array<i64: 512, 128>}]} {
    %get3A = arith.constant 0 : index
    %get3A_0 = arith.constant 0 : index
    %get3A_1 = vector.load %arg2[%get3A, %get3A_0] : memref<64x512xf32, #tpu.memory_space<vmem>>, vector<64x512xf32>
    %slice3A = vector.extract_strided_slice %get3A_1 {offsets = [0, 0], sizes = [32, 512], strides = [1, 1]} : vector<64x512xf32> to vector<32x512xf32>
    %reduce_sum3A = arith.constant dense<0.000000e+00> : vector<512xf32>
    %reduce_sum3A_2 = vector.multi_reduction <add>, %slice3A, %reduce_sum3A [0] : vector<32x512xf32> to vector<512xf32>
    %broadcast_in_dim3A = vector.shape_cast %reduce_sum3A_2 : vector<512xf32> to vector<1x512xf32>
    %max3A = arith.constant 1.000000e-30 : f32
    %max3A_3 = vector.broadcast %max3A : f32 to vector<1x512xf32>
    %max3A_4 = arith.maximumf %broadcast_in_dim3A, %max3A_3 : vector<1x512xf32>
    %div3A = arith.constant 1.000000e+00 : f32
    %div3A_5 = vector.broadcast %div3A : f32 to vector<1x512xf32>
    %div3A_6 = arith.divf %div3A_5, %max3A_4 : vector<1x512xf32>
    %slice3A_7 = vector.extract_strided_slice %get3A_1 {offsets = [32, 0], sizes = [32, 512], strides = [1, 1]} : vector<64x512xf32> to vector<32x512xf32>
    %reduce_sum3A_8 = arith.constant dense<0.000000e+00> : vector<512xf32>
    %reduce_sum3A_9 = vector.multi_reduction <add>, %slice3A_7, %reduce_sum3A_8 [0] : vector<32x512xf32> to vector<512xf32>
    %broadcast_in_dim3A_10 = vector.shape_cast %reduce_sum3A_9 : vector<512xf32> to vector<1x512xf32>
    %max3A_11 = arith.constant 1.000000e-30 : f32
    %max3A_12 = vector.broadcast %max3A_11 : f32 to vector<1x512xf32>
    %max3A_13 = arith.maximumf %broadcast_in_dim3A_10, %max3A_12 : vector<1x512xf32>
    %div3A_14 = arith.constant 1.000000e+00 : f32
    %div3A_15 = vector.broadcast %div3A_14 : f32 to vector<1x512xf32>
    %div3A_16 = arith.divf %div3A_15, %max3A_13 : vector<1x512xf32>
    %broadcast_in_dim3A_17 = vector.shape_cast %div3A_6 : vector<1x512xf32> to vector<1x512xf32>
    %broadcast_in_dim3A_18 = vector.broadcast %broadcast_in_dim3A_17 : vector<1x512xf32> to vector<64x512xf32>
    %broadcast_in_dim3A_19 = vector.shape_cast %div3A_16 : vector<1x512xf32> to vector<1x512xf32>
    %broadcast_in_dim3A_20 = vector.broadcast %broadcast_in_dim3A_19 : vector<1x512xf32> to vector<64x512xf32>
    %concatenate3A = tpu.concatenate %broadcast_in_dim3A_18, %broadcast_in_dim3A_20 in 0 : vector<64x512xf32>, vector<64x512xf32> -> vector<128x512xf32>
    %get3A_21 = arith.constant 0 : index
    %get3A_22 = arith.constant 0 : index
    %get3A_23 = vector.load %arg1[%get3A_21, %get3A_22] : memref<128x512xf32, #tpu.memory_space<vmem>>, vector<128x512xf32>
    %max3A_24 = arith.constant 0.000000e+00 : f32
    %max3A_25 = vector.broadcast %max3A_24 : f32 to vector<128x512xf32>
    %max3A_26 = arith.maximumf %get3A_23, %max3A_25 : vector<128x512xf32>
    %mul3A = arith.mulf %max3A_26, %concatenate3A : vector<128x512xf32>
    %transpose3A = tpu.transpose %mul3A, [1, 0] : vector<128x512xf32> -> vector<512x128xf32>
    %swap3A = arith.constant 0 : index
    %swap3A_27 = arith.constant 0 : index
    %swap3A_28 = vector.load %arg3[%swap3A, %swap3A_27] : memref<512x128xf32, #tpu.memory_space<vmem>>, vector<512x128xf32>
    tpu.vector_store %arg3[%swap3A, %swap3A_27], %transpose3A {strides = array<i32>} : memref<512x128xf32, #tpu.memory_space<vmem>>, vector<512x128xf32>,
    return
  }
  func.func @transform_0(%arg0: i32) -> (i32, i32) {
    %c0_i32 = arith.constant 0 : i32
    %c0_i32_0 = arith.constant 0 : i32
    return %c0_i32, %arg0 : i32, i32
  }
  func.func @transform_1(%arg0: i32) -> (i32, i32) {
    %c0_i32 = arith.constant 0 : i32
    %c0_i32_0 = arith.constant 0 : i32
    return %c0_i32, %arg0 : i32, i32
  }
  func.func @transform_2(%arg0: i32) -> (i32, i32) {
    %c0_i32 = arith.constant 0 : i32
    %c0_i32_0 = arith.constant 0 : i32
    return %arg0, %c0_i32 : i32, i32
  }
}

</mosaic_0001>

<sc_bundles>
// kernel: kernel.12.cloned.1.call-start
scs
__scs_entry_jumppad:
0x0: {  	(pc) =	sbr.rel $0x88, $3  }
0x1: {  	(tag) =	ssettag $0x0;
	lr =	simm.s32 $0x1  }
0x2: {  	[smem:$0x3F93] =	sst lr;
	_ =	strace $0xD0000000  }
0x3: {  	_ = 	snop  }
0x4: {  	_ = 	snop  }
0x5: {  	_ = 	snop  }
0x6: {  	_ = 	snop  }
0x7: {  	_ = 	snop  }
__scs_overlays_trampoline_lowered:
0x8: {  	[smem:$0x3FA2] =	sst s0  }
0x9: {  	[smem:$0x3FA3] =	sst s1  }
0xa: {  	[smem:$0x3FA4] =	sst s2  }
0xb: {  	[smem:$0x3FA5] =	sst s3  }
0xc: {  	[smem:$0x3FA6] =	sst s4  }
0xd: {  	[smem:$0x3FA7] =	sst s5  }
0xe: {  	[smem:$0x3FA8] =	sst s6  }
0xf: {  	[smem:$0x3FA9] =	sst s7  }
0x10: {  	[smem:$0x3FAA] =	sst s8  }
0x11: {  	[smem:$0x3FAB] =	sst s9;
	s0 =	simm.s32 @!p0 $0x0  }
0x12: {  	s1 =	sld [smem:$0x3F91];
	s0 =	simm.s32 @p0 $0x1  }
0x13: {  	[smem:$0x3FAC] =	sst s0;
	s0 =	simm.s32 @!p1 $0x0  }
0x14: {  	s2 =	sld [smem:$0x3F90];
	s0 =	simm.s32 @p1 $0x1  }
0x15: {  	[smem:$0x3FAD] =	sst s0;
	s0 =	simm.s32 @!p2 $0x0  }
0x16: {  	s3 =	sld [smem:$0x3FDB];
	s0 =	simm.s32 @p2 $0x1  }
0x17: {  	s4 =	simm.s32 $0x1BF5;
	[smem:$0x3FAF] =	sst s0  }
0x18: {  	s0 =	sld [smem:$0x3F92];
	_ =	swait.ge [sflag:s4], $0x0  }
0x19: {  	s7 =	sld [smem:$0x3F93]  }
0x1a: {  	s8 =	sadd.s32 $0xFFFFE003, lr  }
0x1b: {  	s9 =	sadd.s32 $0xFFFFFEF7, lr;
	s5 =	simm.s32 $0xFFFFFFFF;
	p2 =	slt.u32 s8, $0xFFFFF086  }
0x1c: {  	p1 =	slt.u32 s9, $0xF7A;
	s5 =	simm.s32 @!p2 $0x0  }
0x1d: {  	s5 =	simm.s32 @p1 $0x1;
	p0 =	seq.s32 s7, s2  }
0x1e: {  	s7 =	smul.u32 @!p0 $0xF7A, s2;
	p2 =	seq.s32 @!p0 s5, $0x0  }
0x1f: {  	s9 =	smul.u32 $0xF7A, s1;
	s8 =	simm.s32 @!p0 $0x1BF5;
	p2 =	por !p2, p0  }
0x20: {  	[sflag:s8] =	ssyncset.s32 @!p0 $0xFFFFF086;
	s6 =	sadd.s32 @!p0 s3, s7;
	s7 =	simm.s32 @!p0 $0x108  }
0x21: {  	s3 =	sadd.s32 s3, s9;
	s6 =	sadd.s32 @!p0 $0x88, s6;
	s7 =	simm.s32 @p2 $0x1082  }
0x22: {  	[simem:s7], [sflag:s8] =	dma.local @!p0 [hbm:s6], $0xF7A  }
0x23: {  	s9 =	sor.u32 $0xD0000000, s2;
	s6 =	simm.s32 $0x108;
	_ =	swait.ge @!p0 [sflag:s8], $0x0  }
0x24: {  	s3 =	sadd.s32 $0x88, s3;
	s6 =	simm.s32 @!p1 $0x1082;
	[sflag:s4] =	ssyncset.s32 $0xFFFFF086  }
0x25: {  	[simem:s6], [sflag:s4] =	dma.local [hbm:s3], $0xF7A  }
0x26: {  	[smem:$0x3F93] =	sst s1;
	(tag) =	ssettag s2;
	_ =	strace s9  }
0x27: {  	s1 =	sld [smem:$0x3FA3]  }
0x28: {  	s2 =	sld [smem:$0x3FA4]  }
0x29: {  	s4 =	sld [smem:$0x3FA6]  }
0x2a: {  	p0 =	seq.s32 s5, $0x0;
	s5 =	sld [smem:$0x3FA7]  }
0x2b: {  	s6 =	sld [smem:$0x3FA8]  }
0x2c: {  	s7 =	sld [smem:$0x3FA9]  }
0x2d: {  	s3 =	simm.s32 $0x108;
	s8 =	sld [smem:$0x3FAA]  }
0x2e: {  	s3 =	simm.s32 @!p0 $0x1082;
	s9 =	sld [smem:$0x3FAB]  }
0x2f: {  	lr =	sadd.s32 s0, s3;
	s0 =	sld [smem:$0x3FA2]  }
0x30: {  	s3 =	sld [smem:$0x3FA5]  }
0x31: {  	[smem:$0x3FAE] =	sst s10  }
0x32: {  	s10 =	sld [smem:$0x3FAC];
	_ =	sdelay $0x3  }
0x33: {  	p0 =	seq.s32 s10, $0x1;
	s10 =	sld [smem:$0x3FAE];
	_ =	sdelay $0x3  }
0x34: {  	[smem:$0x3FAE] =	sst s10  }
0x35: {  	s10 =	sld [smem:$0x3FAD];
	_ =	sdelay $0x3  }
0x36: {  	p1 =	seq.s32 s10, $0x1;
	s10 =	sld [smem:$0x3FAE];
	_ =	sdelay $0x3  }
0x37: {  	[smem:$0x3FAE] =	sst s10  }
0x38: {  	s10 =	sld [smem:$0x3FAF]  }
0x39: {  	_ = 	snop;
	(pc) =	sbr.ind lr, $3  }
0x3a: {  	_ = 	snop  }
0x3b: {  	_ = 	snop  }
0x3c: {  	p2 =	seq.s32 s10, $0x1;
	s10 =	sld [smem:$0x3FAE]  }
0x3d: {  	_ =	shalt  }
0x3e: {  	_ =	shalt  }
0x3f: {  	_ =	shalt  }
0x40: {  	_ =	shalt  }
0x41: {  	_ =	shalt  }
0x42: {  	_ =	shalt  }
0x43: {  	_ =	shalt  }
0x44: {  	_ =	shalt  }
0x45: {  	_ =	shalt  }
0x46: {  	_ =	shalt  }
0x47: {  	_ =	shalt  }
0x48: {  	_ =	shalt  }
0x49: {  	_ =	shalt  }
0x4a: {  	_ =	shalt  }
0x4b: {  	_ =	shalt  }
0x4c: {  	_ =	shalt  }
0x4d: {  	_ =	shalt  }
0x4e: {  	_ =	shalt  }
0x4f: {  	_ =	shalt  }
0x50: {  	_ =	shalt  }
0x51: {  	_ =	shalt  }
0x52: {  	_ =	shalt  }
0x53: {  	_ =	shalt  }
0x54: {  	_ =	shalt  }
0x55: {  	_ =	shalt  }
0x56: {  	_ =	shalt  }
0x57: {  	_ =	shalt  }
0x58: {  	_ =	shalt  }
0x59: {  	_ =	shalt  }
0x5a: {  	_ =	shalt  }
0x5b: {  	_ =	shalt  }
0x5c: {  	_ =	shalt  }
0x5d: {  	_ =	shalt  }
0x5e: {  	_ =	shalt  }
0x5f: {  	_ =	shalt  }
0x60: {  	_ =	shalt  }
0x61: {  	_ =	shalt  }
0x62: {  	_ =	shalt  }
0x63: {  	_ =	shalt  }
0x64: {  	_ =	shalt  }
0x65: {  	_ =	shalt  }
0x66: {  	_ =	shalt  }
0x67: {  	_ =	shalt  }
0x68: {  	_ =	shalt  }
0x69: {  	_ =	shalt  }
0x6a: {  	_ =	shalt  }
0x6b: {  	_ =	shalt  }
0x6c: {  	_ =	shalt  }
0x6d: {  	_ =	shalt  }
0x6e: {  	_ =	shalt  }
0x6f: {  	_ =	shalt  }
0x70: {  	_ =	shalt  }
0x71: {  	_ =	shalt  }
0x72: {  	_ =	shalt  }
0x73: {  	_ =	shalt  }
0x74: {  	_ =	shalt  }
0x75: {  	_ =	shalt  }
0x76: {  	_ =	shalt  }
0x77: {  	_ =	shalt  }
0x78: {  	_ =	shalt  }
0x79: {  	_ =	shalt  }
0x7a: {  	_ =	shalt  }
0x7b: {  	_ =	shalt  }
0x7c: {  	_ =	shalt  }
0x7d: {  	_ =	shalt  }
0x7e: {  	_ =	shalt  }
0x7f: {  	_ =	shalt  }
0x80: {  	_ =	shalt  }
0x81: {  	_ =	shalt  }
0x82: {  	_ =	shalt  }
0x83: {  	_ =	shalt  }
0x84: {  	_ =	shalt  }
0x85: {  	_ =	shalt  }
0x86: {  	_ =	shalt  }
0x87: {  	_ =	shalt  }
.Lfunc_end0:
.L_simem_size_0:
called_computation.1_lowered:
.L_overlay_start_0:
0x88: {  	s2 =	sld [smem:$0x3FD9]  }
0x89: {  	s3 =	sld [smem:$0x3FFE];
	_ =	sdelay $0x1  }
0x8a: {  	s1 =	srdreg.scid  }
0x8b: {  	s0 =	sand.u32 $0x1, s1  }
0x8c: {  	s17 =	sshll.u32 s0, $0xA;
	s2 =	sadd.s32 s3, s2  }
0x8d: {  	s2 =	sadd.s32 s2, s17  }
0x8e: {  	[smem:$0x3FBA] =	sst s2  }
0x8f: {  	_ = 	snop  }
0x90: {  	s2 =	sld [smem:$0x3FD0];
	(tm) =	ssettm $0x1  }
0x91: {  	s18 =	sld [smem:$0x3FFB];
	_ =	sdelay $0x3  }
0x92: {  	_ =	strace s18  }
0x93: {  	s3 =	sld [smem:$0x3FFC];
	_ =	sdelay $0x3  }
0x94: {  	_ =	strace s3  }
0x95: {  	s3 =	sld [smem:$0x3FFD];
	_ =	sdelay $0x3  }
0x96: {  	_ =	strace s3  }
0x97: {  	_ =	strace $0x8FFFFFFF  }
0x98: {  	s19 =	sld [smem:$0x3FDB];
	_ =	sdelay $0x1  }
0x99: {  	s4 =	simm.s32 $_scs_section_size  }
0x9a: {  	s5 =	simm.s32 $_size__tile_overlayer_lowered;
	s6 =	simm.s32 $_tile_overlayer_lowered  }
0x9b: {  	s22 =	simm.s32 $0x1BFF;
	s21 =	sshll.u32 s6, $0x1;
	s3 =	sadd.s32 s4, s19  }
0x9c: {  	s7 =	simm.s32 $0x0;
	s20 =	sshll.u32 s5, $0x1;
	s5 =	sadd.s32 s21, s3  }
0x9d: {  	[timem:s7], [sflag:s22] =	dma.local [hbm:s5], s20  }
0x9e: {  	_ =	swait.ge [sflag:s22], s20  }
0x9f: {  	s4 =	ssub.s32 $0x0, s20;
	[sflag:s22] =	ssyncset.done $0x0  }
0xa0: {  	[sflag:s22] =	ssyncadd.s32 s4;
	_ =	sdelay $0x1  }
0xa1: {  	s23 =	simm.s32 $0x1B8B  }
0xa2: {  	_ =	swait.ge [sflag:s23], $0x1  }
0xa3: {  	[sflag:s23] =	ssyncset.done $0x0  }
0xa4: {  	s25 =	simm.s32 $0x1B8E;
	s24 =	sld [smem:$0x3FFE];
	[sflag:s23] =	ssyncadd.s32 $0xFFFFFFFF  }
0xa5: {  	s26 =	simm.s32 $execute0_lowered;
	[smem:$0x3FD2] =	sst s25  }
0xa6: {  	s5 =	sshll.u32 s26, $0x1;
	_ =	strace $0x80000049;
	[dreg:$0x1] =	wrdreg $0xFFFFFFFF  }
0xa7: {  	s28 =	simm.s32 $_size_execute0_lowered;
	s3 =	sadd.s32 s3, s5;
	[dreg:$0x0] =	wrdreg $0x0  }
0xa8: {  	s5 =	sshll.u32 s28, $0x1;
	[dreg:$0x2] =	wrdreg s3  }
0xa9: {  	[dreg:$0x3] =	wrdreg s5  }
0xaa: {  	[dreg:$0x4] =	wrdreg $0xC0  }
0xab: {  	_ =	task [dreg:s7], $0x5FFFF  }
0xac: {  	[dreg:$0x1] =	wrdreg $0xFFFFFFFF  }
0xad: {  	[dreg:$0x0] =	wrdreg $0x60  }
0xae: {  	[dreg:$0x2] =	wrdreg s24  }
0xaf: {  	[dreg:$0x3] =	wrdreg s2  }
0xb0: {  	[dreg:$0x4] =	wrdreg $0x9  }
0xb1: {  	_ =	task.clear_ibuf [dreg:s7], $0x5FFFF;
	_ =	strace $0x90000049  }
0xb2: {  	s29 =	simm.s32 $0x9;
	_ =	strace $0x8000004B  }
0xb3: {  	_ =	swait.ge [sflag:s29], $0x1  }
0xb4: {  	[sflag:s29] =	ssyncadd.s32 $0xFFFFFFFF  }
0xb5: {  	_ =	strace $0x9000004B  }
0xb6: {  	_ =	sfence  }
0xb7: {  	s30 =	sld [smem:$0x0];
	_ =	sdelay $0x2  }
0xb8: {  	s31 =	sshll.u32 s1, $0xD;
	s1 =	sshrl.u32 s1, $0x2  }
0xb9: {  	s3 =	sand.u32 $0x4000, s31;
	s1 =	sadd.s32 s1, s30  }
0xba: {  	s0 =	sor.u32 s3, s0;
	s1 =	sshll.u32 s1, $0x11  }
0xbb: {  	s0 =	sor.u32 s1, s0  }
0xbc: {  	s0 =	sadd.s32 $0x8F2B, s0  }
0xbd: {  	[sflag:s0] =	ssyncadd.remote.s32 $0x1  }
0xbe: {  	_ =	sfence.sel $0xFFFF  }
0xbf: {  	[dreg:$0x0] =	wrdreg $0xFFFFFFFF;
	(pc) =	sbr.abs _section_cstart, $3  }
0xc0: {  	[dreg:$0x1] =	wrdreg $0xFFFFFFFF  }
0xc1: {  	_ =	task.clear_ibuf [dreg:s7], $0x2FFFF;
	_ =	strace $0x9FFFFFFF  }
0xc2: {  	(tm) =	ssettm $0x7FFFFFFF  }
0xc3: {  	_ =	shalt  }
tec
execute0_lowered:
.L_overlay_start_1:
0x0: {  	(tag) =	ssettag $0x1  }
0x1: {  	s5 =	rddreg [dreg:$0x0]  }
0x2: {  	s10 =	rddreg [dreg:$0x1]  }
0x3: {  	s0 =	rddreg [dreg:$0x2];
	s2 =	simm.s32 $0x0  }
0x4: {  	s1 =	stileid.u32;
	s4 =	srdreg.scid;
	s14 =	simm.s32 $0x12A00  }
0x5: {  	s15 =	simm.s32 $0x10A80;
	s16 =	simm.s32 $0x14980;
	s17 =	simm.s32 $0x1  }
0x6: {  	s18 =	simm.s32 $0x2;
	s19 =	simm.s32 $0x4E80;
	s20 =	simm.s32 $0x0  }
0x7: {  	[smem:$0x7FF] =	sst s2;
	s3 =	smul.u32 $0x9C4, s1;
	s6 =	sand.u32 $0x1, s4  }
0x8: {  	s11 =	sshrl.u32 s1, $0x3;
	s12 =	sshll.u32 s1, $0x2;
	s4 =	smul.u32 $0x27100, s6  }
0x9: {  	_ =	strace $0x8000004A;
	s8 =	ssub.s32 $0x2, s6;
	s11 =	smul.u32 $0x4E200, s11  }
0xa: {  	s6 =	sshll.u32 s6, $0x6;
	s7 =	sadd.s32 s3, s5;
	s3 =	sadd.s32 $0x1C200, s5  }
0xb: {  	s9 =	sshrl.u32 s8, $0x1;
	s5 =	sadd.s32 $0x2FC00, s5;
	s28 =	sor.u32 s12, s6  }
0xc: {  	s12 =	simm.s32 $0x3;
	s13 =	ssub.s32 s8, s9;
	s29 =	sshrl.u32 s4, $0x3  }
0xd: {  	s6 =	sadd.s32 s4, s11;
	s30 =	smul.u32 $0x4E2, s28;
	s7 =	sadd.s32 $0x39A00, s7  }
0xe: {  	s8 =	sadd.s32 s5, s29;
	s31 =	sshrl.u32 s6, $0x3;
	s11 =	smax.u32 s13, $0x1  }
0xf: {  	v0 =	vimm.f32 $0.0e+00;
	s13 =	simm.s32 $0xEB00;
	s9 =	sadd.s32 s3, s31;
	s10 =	sadd.s32 s10, s30  }
.LBB2_1:
0x10: {  	[tilespmem:s2], [sflag:$0x3] =	stream.linear.gather [hbm4b:s7+s2], $0x4E20, $0x38;
	[tilespmem:$0x16900] =	vst v63  }
0x11: {  	_ =	swait.ge [sflag:s12], $0x4E20  }
0x12: {  	[sflag:s12] =	ssyncset.done $0x0  }
0x13: {  	s21 =	simm.s32 $0x4EC0;
	[sflag:s12] =	ssyncadd.s32 $0xFFFFB1E0  }
0x14: {  	[tilespmem:s21+$0xFFFFFFC0] =	vst v0  }
0x15: {  	[tilespmem:s21+$0x30] =	vst v0  }
0x16: {  	[tilespmem:s21+$0x20] =	vst v0  }
0x17: {  	[tilespmem:s21+$0x10] =	vst v0  }
0x18: {  	[tilespmem:s21+$0x0] =	vst v0  }
0x19: {  	[tilespmem:s21+$0xFFFFFFF0] =	vst v0  }
0x1a: {  	s24 =	simm.s32 $0x0;
	s22 =	simm.s32 $0xEA80;
	[tilespmem:s21+$0xFFFFFFE0] =	vst v0  }
.LBB2_2:
0x1b: {  	s24 =	sadd.s32 $0x80, s24;
	[tilespmem:s21+$0xFFFFFFD0] =	vst v0;
	s21 =	sadd.s32 $0x80, s21;
	s23 =	simm.s32 $0x9BF0  }
0x1c: {  	[tilespmem:s21+$0xFFFFFFC0] =	vst v0;
	p0 =	slt.u32 s24, $0x9B80  }
0x1d: {  	[tilespmem:s21+$0x30] =	vst v0  }
.Ltmp0:
0x1e: {  	[tilespmem:s21+$0x20] =	vst v0;
	(pc) =	sbr.rel @p0 .LBB2_2-.Ltmp0, $4  }
0x1f: {  	[tilespmem:s21+$0x10] =	vst v0  }
0x20: {  	[tilespmem:s21+$0x0] =	vst v0  }
0x21: {  	[tilespmem:s21+$0xFFFFFFF0] =	vst v0  }
0x22: {  	[tilespmem:s21+$0xFFFFFFE0] =	vst v0  }
0x23: {  	[tilespmem:s21+$0xFFFFFFD0] =	vst v0  }
.LBB2_4:
0x24: {  	s23 =	sadd.s32 $0x10, s23  }
0x25: {  	p0 =	slt.u32 s23, $0x9C30  }
.Ltmp1:
0x26: {  	_ = 	snop;
	(pc) =	sbr.rel @p0 .LBB2_4-.Ltmp1, $2  }
0x27: {  	_ =	sdelay $0x2  }
0x28: {  	[tilespmem:s22+$0x0] =	vst v0;
	s22 =	sadd.s32 $0x10, s22  }
0x29: {  	s21 =	simm.s32 $0x0  }
0x2a: {  	[tilespmem:s13], [sflag:$0x1] =	stream.linear.gather [hbm4b:s8+s21], $0x1F40, $0x38;
	[tilespmem:$0x16900] =	vst v63  }
0x2b: {  	_ = 	snop  }
0x2c: {  	[tilespmem:s14], [sflag:$0x2] =	stream.linear.gather [hbm4b:s9+s21], $0x1F40, $0x38;
	[tilespmem:$0x16900] =	vst v63  }
.LBB2_6:
0x2d: {  	s22 =	smul.u32 $0x3E80, s21;
	_ =	sdelay $0x1  }
0x2e: {  	s23 =	sadd.s32 $0x1F40, s22  }
0x2f: {  	s24 =	sadd.s32 s4, s23  }
0x30: {  	s23 =	sadd.s32 s6, s23;
	s24 =	sshrl.u32 s24, $0x3  }
0x31: {  	s23 =	sshrl.u32 s23, $0x3;
	s24 =	sadd.s32 s5, s24  }
0x32: {  	[tilespmem:s15], [sflag:$0x1] =	stream.linear.gather [hbm4b:s24+s2], $0x1F40, $0x38;
	[tilespmem:$0x16900] =	vst v63  }
0x33: {  	s23 =	sadd.s32 s3, s23  }
0x34: {  	[tilespmem:s16], [sflag:$0x2] =	stream.linear.gather [hbm4b:s23+s2], $0x1F40, $0x38;
	[tilespmem:$0x16900] =	vst v63  }
0x35: {  	_ =	swait.ge [sflag:s17], $0x1F40  }
0x36: {  	[sflag:s17] =	ssyncset.done $0x0  }
0x37: {  	[sflag:s17] =	ssyncadd.s32 $0xFFFFE0C0  }
0x38: {  	_ =	swait.ge [sflag:s18], $0x1F40  }
0x39: {  	[sflag:s18] =	ssyncset.done $0x0  }
0x3a: {  	s29 =	simm.s32 $0xEB20;
	[sflag:s18] =	ssyncadd.s32 $0xFFFFE0C0  }
0x3b: {  	v1 =	vld [tilespmem:s29+$0x10]  }
0x3c: {  	v3 =	vld [tilespmem:s29+$0xFFFFFFE0];
	_ =	sdelay $0x3  }
0x3d: {  	v5 =	vand.u32 $0x3FFF, v1  }
0x3e: {  	v2 =	vld [tilespmem:s29+$0xFFFFFFF0];
	v7 =	vand.u32 $0x3FFF, v3  }
0x3f: {  	v4 =	vld [tilespmem:s29+$0x0]  }
0x40: {  	s30 =	simm.s32 $0x12A20  }
0x41: {  	v10 =	vld [tilespmem:s30+$0x10]  }
0x42: {  	v9 =	vld.idx.msk [tilespmem:v5+s2+$0x0], $0xffff  }
0x43: {  	v6 =	vand.u32 $0x3FFF, v2;
	v12 =	vld.idx.msk [tilespmem:v7+s2+$0x0], $0xffff  }
0x44: {  	v13 =	vld [tilespmem:s30+$0xFFFFFFE0];
	v8 =	vand.u32 $0x3FFF, v4  }
0x45: {  	v1 =	vshra.s32 v1, $0xE  }
0x46: {  	v17 =	vld [tilespmem:s30+$0xFFFFFFF0];
	v3 =	vshra.s32 v3, $0xE  }
0x47: {  	v19 =	vld [tilespmem:s30+$0x0];
	v14 =	vadd.s32 $0x2710, v1;
	v16 =	vunpack.i.l.bf16.f32 v9  }
0x48: {  	v18 =	vadd.s32 $0x2710, v3;
	v11 =	vld.idx.msk [tilespmem:v6+s2+$0x0], $0xffff;
	v20 =	vunpack.i.l.bf16.f32 v12;
	v16 =	vmul.f32 v16, v10  }
0x49: {  	v15 =	vld.idx.msk [tilespmem:v8+s2+$0x0], $0xffff;
	v5 =	vadd.s32 $0x2710, v5;
	v9 =	vunpack.i.u.bf16.f32 v9;
	v20 =	vmul.f32 v20, v13  }
0x4a: {  	v7 =	vadd.s32 $0x2710, v7;
	v12 =	vunpack.i.u.bf16.f32 v12;
	v9 =	vmul.f32 v9, v10;
	[tilespmem:v1+s19+$0x0] =	vst.idx.add.f32.msk $0xffff, v16  }
0x4b: {  	v2 =	vshra.s32 v2, $0xE;
	v12 =	vmul.f32 v12, v13;
	[tilespmem:v3+s19+$0x0] =	vst.idx.add.f32.msk $0xffff, v20  }
0x4c: {  	v52 =	vadd.s32 $0x2710, v2;
	[tilespmem:v14+s19+$0x0] =	vst.idx.add.f32.msk $0xffff, v9  }
0x4d: {  	v9 =	vshra.s32 v4, $0xE;
	v4 =	vunpack.i.l.bf16.f32 v11;
	[tilespmem:v18+s19+$0x0] =	vst.idx.add.f32.msk $0xffff, v12  }
0x4e: {  	v11 =	vunpack.i.u.bf16.f32 v11;
	v5 =	vld.idx.msk [tilespmem:v5+s2+$0x0], $0xffff;
	v14 =	vadd.s32 $0x2710, v9;
	v4 =	vmul.f32 v4, v17  }
0x4f: {  	v53 =	vunpack.i.l.bf16.f32 v15;
	v11 =	vmul.f32 v11, v17;
	v7 =	vld.idx.msk [tilespmem:v7+s2+$0x0], $0xffff  }
0x50: {  	v6 =	vadd.s32 $0x2710, v6;
	v12 =	vunpack.i.u.bf16.f32 v15;
	v15 =	vmul.f32 v53, v19;
	[tilespmem:v2+s19+$0x0] =	vst.idx.add.f32.msk $0xffff, v4  }
0x51: {  	v4 =	vmul.f32 v12, v19;
	[tilespmem:v52+s19+$0x0] =	vst.idx.add.f32.msk $0xffff, v11;
	v11 =	vadd.s32 $0x4E20, v1  }
0x52: {  	[tilespmem:v9+s19+$0x0] =	vst.idx.add.f32.msk $0xffff, v15  }
0x53: {  	s31 =	simm.s32 $0xEB60;
	v1 =	vadd.s32 $0x7530, v1;
	[tilespmem:v14+s19+$0x0] =	vst.idx.add.f32.msk $0xffff, v4;
	v4 =	vunpack.i.l.bf16.f32 v5  }
0x54: {  	v12 =	vld [tilespmem:s31+$0xFFFFFFE0];
	v4 =	vmul.f32 v4, v10  }
0x55: {  	v6 =	vld.idx.msk [tilespmem:v6+s2+$0x0], $0xffff;
	v5 =	vunpack.i.u.bf16.f32 v5  }
0x56: {  	v5 =	vmul.f32 v5, v10;
	v10 =	vadd.s32 $0x4E20, v3;
	[tilespmem:v11+s19+$0x0] =	vst.idx.add.f32.msk $0xffff, v4  }
0x57: {  	v4 =	vadd.s32 $0x2710, v8;
	v8 =	vld [tilespmem:s31+$0x10]  }
0x58: {  	v3 =	vadd.s32 $0x7530, v3;
	[tilespmem:v1+s19+$0x0] =	vst.idx.add.f32.msk $0xffff, v5;
	v5 =	vunpack.i.l.bf16.f32 v7  }
0x59: {  	v14 =	vld [tilespmem:s31+$0x0];
	v5 =	vmul.f32 v5, v13  }
0x5a: {  	v11 =	vld [tilespmem:s31+$0xFFFFFFF0];
	v1 =	vadd.s32 $0x4E20, v2;
	v7 =	vunpack.i.u.bf16.f32 v7  }
0x5b: {  	v2 =	vadd.s32 $0x7530, v2;
	v7 =	vmul.f32 v7, v13;
	[tilespmem:v10+s19+$0x0] =	vst.idx.add.f32.msk $0xffff, v5  }
0x5c: {  	v15 =	vunpack.i.l.bf16.f32 v6;
	v13 =	vld.idx.msk [tilespmem:v4+s2+$0x0], $0xffff;
	v54 =	vand.u32 $0x3FFF, v8  }
0x5d: {  	s23 =	simm.s32 $0x12A60;
	v4 =	vunpack.i.u.bf16.f32 v6;
	v6 =	vmul.f32 v15, v17;
	[tilespmem:v3+s19+$0x0] =	vst.idx.add.f32.msk $0xffff, v7;
	v3 =	vand.u32 $0x3FFF, v12  }
0x5e: {  	v15 =	vld [tilespmem:s23+$0x10];
	v4 =	vmul.f32 v4, v17  }
0x5f: {  	[tilespmem:v1+s19+$0x0] =	vst.idx.add.f32.msk $0xffff, v6  }
0x60: {  	v5 =	vand.u32 $0x3FFF, v11;
	[tilespmem:v2+s19+$0x0] =	vst.idx.add.f32.msk $0xffff, v4  }
0x61: {  	v7 =	vand.u32 $0x3FFF, v14;
	v2 =	vld.idx.msk [tilespmem:v54+s2+$0x0], $0xffff  }
0x62: {  	v56 =	vld.idx.msk [tilespmem:v3+s2+$0x0], $0xffff  }
0x63: {  	v55 =	vadd.s32 $0x4E20, v9;
	v6 =	vld [tilespmem:s23+$0xFFFFFFE0]  }
0x64: {  	v8 =	vshra.s32 v8, $0xE;
	v4 =	vld [tilespmem:s23+$0xFFFFFFF0]  }
0x65: {  	v12 =	vshra.s32 v12, $0xE;
	v58 =	vshra.s32 v11, $0xE;
	v10 =	vld.idx.msk [tilespmem:v5+s2+$0x0], $0xffff;
	v1 =	vunpack.i.l.bf16.f32 v13  }
0x66: {  	v21 =	vadd.s32 $0x2710, v8;
	v57 =	vld.idx.msk [tilespmem:v7+s2+$0x0], $0xffff;
	v22 =	vmul.f32 v1, v19;
	v23 =	vunpack.i.l.bf16.f32 v2  }
0x67: {  	v16 =	vadd.s32 $0x2710, v54;
	v1 =	vld [tilespmem:s23+$0x0];
	v11 =	vunpack.i.l.bf16.f32 v56;
	v23 =	vmul.f32 v23, v15  }
0x68: {  	v24 =	vadd.s32 $0x2710, v12;
	[tilespmem:v55+s19+$0x0] =	vst.idx.add.f32.msk $0xffff, v22;
	v2 =	vunpack.i.u.bf16.f32 v2;
	v11 =	vmul.f32 v11, v6  }
0x69: {  	v60 =	vshra.s32 v14, $0xE;
	v2 =	vmul.f32 v2, v15;
	[tilespmem:v8+s19+$0x0] =	vst.idx.add.f32.msk $0xffff, v23  }
0x6a: {  	v18 =	vunpack.i.u.bf16.f32 v56;
	[tilespmem:v12+s19+$0x0] =	vst.idx.add.f32.msk $0xffff, v11  }
0x6b: {  	v61 =	vadd.s32 $0x2710, v60;
	v14 =	vmul.f32 v18, v6;
	v11 =	vunpack.i.l.bf16.f32 v57;
	[tilespmem:v21+s19+$0x0] =	vst.idx.add.f32.msk $0xffff, v2  }
0x6c: {  	v3 =	vadd.s32 $0x2710, v3;
	v2 =	vunpack.i.l.bf16.f32 v10;
	v11 =	vmul.f32 v11, v1;
	v16 =	vld.idx.msk [tilespmem:v16+s2+$0x0], $0xffff  }
0x6d: {  	v59 =	vadd.s32 $0x2710, v58;
	[tilespmem:v24+s19+$0x0] =	vst.idx.add.f32.msk $0xffff, v14;
	v14 =	vunpack.i.u.bf16.f32 v57;
	v2 =	vmul.f32 v2, v4  }
0x6e: {  	v5 =	vadd.s32 $0x2710, v5;
	v14 =	vmul.f32 v14, v1;
	[tilespmem:v60+s19+$0x0] =	vst.idx.add.f32.msk $0xffff, v11  }
0x6f: {  	v62 =	vadd.s32 $0x4E20, v8;
	v10 =	vunpack.i.u.bf16.f32 v10;
	[tilespmem:v58+s19+$0x0] =	vst.idx.add.f32.msk $0xffff, v2  }
0x70: {  	v63 =	vadd.s32 $0x7530, v8;
	v10 =	vmul.f32 v10, v4;
	[tilespmem:v61+s19+$0x0] =	vst.idx.add.f32.msk $0xffff, v14  }
0x71: {  	v11 =	vadd.s32 $0x4E20, v12;
	v14 =	vld.idx.msk [tilespmem:v3+s2+$0x0], $0xffff;
	v8 =	vunpack.i.l.bf16.f32 v16  }
0x72: {  	[tilespmem:v59+s19+$0x0] =	vst.idx.add.f32.msk $0xffff, v10;
	v10 =	vadd.s32 $0x2710, v7;
	v3 =	vunpack.i.u.bf16.f32 v16;
	v7 =	vmul.f32 v8, v15  }
0x73: {  	v12 =	vadd.s32 $0x7530, v12;
	v8 =	vunpack.i.u.bf16.f32 v13;
	v13 =	vld.idx.msk [tilespmem:v5+s2+$0x0], $0xffff;
	v15 =	vmul.f32 v3, v15  }
0x74: {  	v2 =	vadd.s32 $0x7530, v9;
	v9 =	vadd.s32 $0x4E20, v58;
	v3 =	vadd.s32 $0x4E20, v60;
	[tilespmem:v62+s19+$0x0] =	vst.idx.add.f32.msk $0xffff, v7  }
0x75: {  	s25 =	simm.s32 $0xEBA0;
	s24 =	simm.s32 $0x40;
	v5 =	vmul.f32 v8, v19;
	v8 =	vadd.s32 $0x7530, v58;
	v7 =	vadd.s32 $0x7530, v60;
	[tilespmem:v63+s19+$0x0] =	vst.idx.add.f32.msk $0xffff, v15  }
.LBB2_7:
0x76: {  	v15 =	vld [tilespmem:s25+$0x10]  }
0x77: {  	v16 =	vld [tilespmem:s25+$0xFFFFFFF0]  }
0x78: {  	s24 =	sadd.s32 $0x40, s24;
	v18 =	vunpack.i.u.bf16.f32 v14;
	v14 =	vunpack.i.l.bf16.f32 v14;
	v17 =	vld [tilespmem:s25+$0x0]  }
0x79: {  	p0 =	slt.u32 s24, $0x1F00;
	v14 =	vmul.f32 v14, v6;
	v20 =	vunpack.i.u.bf16.f32 v13;
	v13 =	vunpack.i.l.bf16.f32 v13;
	v19 =	vld [tilespmem:s25+$0xFFFFFFE0]  }
0x7a: {  	v6 =	vmul.f32 v18, v6;
	v13 =	vmul.f32 v13, v4;
	v18 =	vld.idx.msk [tilespmem:v10+s2+$0x0], $0xffff  }
0x7b: {  	v4 =	vmul.f32 v20, v4;
	v21 =	vand.u32 $0x3FFF, v15;
	[tilespmem:v11+s19+$0x0] =	vst.idx.add.f32.msk $0xffff, v14  }
0x7c: {  	v14 =	vshra.s32 v16, $0xE;
	v16 =	vand.u32 $0x3FFF, v16;
	[tilespmem:v12+s19+$0x0] =	vst.idx.add.f32.msk $0xffff, v6  }
0x7d: {  	v20 =	vadd.s32 $0x2710, v14;
	v22 =	vshra.s32 v17, $0xE;
	v6 =	vand.u32 $0x3FFF, v17;
	[tilespmem:v9+s19+$0x0] =	vst.idx.add.f32.msk $0xffff, v13  }
0x7e: {  	v13 =	vshra.s32 v19, $0xE;
	v17 =	vand.u32 $0x3FFF, v19;
	v19 =	vadd.s32 $0x2710, v22;
	[tilespmem:v8+s19+$0x0] =	vst.idx.add.f32.msk $0xffff, v4  }
0x7f: {  	v25 =	vadd.s32 $0x2710, v16;
	v23 =	vadd.s32 $0x2710, v13;
	v24 =	vadd.s32 $0x2710, v17;
	[tilespmem:v2+s19+$0x0] =	vst.idx.add.f32.msk $0xffff, v5;
	v2 =	vmovc v7  }
0x80: {  	v10 =	vadd.s32 $0x2710, v6;
	v4 =	vunpack.i.u.bf16.f32 v18;
	v5 =	vunpack.i.l.bf16.f32 v18;
	v26 =	vld.idx.msk [tilespmem:v21+s2+$0x0], $0xffff  }
0x81: {  	s23 =	sadd.s32 $0x40, s23;
	v11 =	vadd.s32 $0x4E20, v13;
	v18 =	vmul.f32 v5, v1;
	v5 =	vmul.f32 v4, v1;
	v16 =	vld.idx.msk [tilespmem:v16+s2+$0x0], $0xffff  }
0x82: {  	v9 =	vadd.s32 $0x4E20, v14;
	v8 =	vadd.s32 $0x7530, v14;
	v12 =	vadd.s32 $0x7530, v13;
	v27 =	vld [tilespmem:s23+$0x10]  }
0x83: {  	v28 =	vadd.s32 $0x4E20, v22;
	v7 =	vadd.s32 $0x7530, v22;
	v17 =	vld.idx.msk [tilespmem:v17+s2+$0x0], $0xffff  }
0x84: {  	v15 =	vshra.s32 v15, $0xE;
	v29 =	vld.idx.msk [tilespmem:v6+s2+$0x0], $0xffff  }
0x85: {  	v30 =	vadd.s32 $0x2710, v15;
	v6 =	vld [tilespmem:s23+$0xFFFFFFE0]  }
0x86: {  	v21 =	vadd.s32 $0x2710, v21;
	v31 =	vunpack.i.l.bf16.f32 v26;
	v4 =	vld [tilespmem:s23+$0xFFFFFFF0]  }
0x87: {  	v26 =	vunpack.i.u.bf16.f32 v26;
	v32 =	vunpack.i.u.bf16.f32 v16;
	v1 =	vld [tilespmem:s23+$0x0];
	v31 =	vmul.f32 v31, v27  }
0x88: {  	v16 =	vunpack.i.l.bf16.f32 v16;
	v26 =	vmul.f32 v26, v27;
	[tilespmem:v3+s19+$0x0] =	vst.idx.add.f32.msk $0xffff, v18;
	v3 =	vmov v28  }
0x89: {  	v18 =	vunpack.i.u.bf16.f32 v17;
	v17 =	vunpack.i.l.bf16.f32 v17;
	[tilespmem:v15+s19+$0x0] =	vst.idx.add.f32.msk $0xffff, v31  }
0x8a: {  	v28 =	vunpack.i.u.bf16.f32 v29;
	v29 =	vunpack.i.l.bf16.f32 v29;
	v17 =	vmul.f32 v17, v6;
	[tilespmem:v30+s19+$0x0] =	vst.idx.add.f32.msk $0xffff, v26  }
0x8b: {  	v18 =	vmul.f32 v18, v6;
	v16 =	vmul.f32 v16, v4;
	v21 =	vld.idx.msk [tilespmem:v21+s2+$0x0], $0xffff  }
0x8c: {  	[tilespmem:v13+s19+$0x0] =	vst.idx.add.f32.msk $0xffff, v17;
	v13 =	vmul.f32 v32, v4;
	v17 =	vmul.f32 v29, v1  }
0x8d: {  	[tilespmem:v23+s19+$0x0] =	vst.idx.add.f32.msk $0xffff, v18;
	v18 =	vmul.f32 v28, v1  }
0x8e: {  	[tilespmem:v14+s19+$0x0] =	vst.idx.add.f32.msk $0xffff, v16  }
0x8f: {  	v16 =	vadd.s32 $0x4E20, v15;
	[tilespmem:v20+s19+$0x0] =	vst.idx.add.f32.msk $0xffff, v13  }
0x90: {  	v15 =	vadd.s32 $0x7530, v15;
	[tilespmem:v22+s19+$0x0] =	vst.idx.add.f32.msk $0xffff, v17  }
.Ltmp2:
0x91: {  	v13 =	vunpack.i.l.bf16.f32 v21;
	[tilespmem:v19+s19+$0x0] =	vst.idx.add.f32.msk $0xffff, v18;
	(pc) =	sbr.rel @p0 .LBB2_7-.Ltmp2, $4  }
0x92: {  	v17 =	vunpack.i.u.bf16.f32 v21;
	v18 =	vmul.f32 v13, v27;
	v14 =	vld.idx.msk [tilespmem:v24+s2+$0x0], $0xffff  }
0x93: {  	v17 =	vmul.f32 v17, v27;
	v13 =	vld.idx.msk [tilespmem:v25+s2+$0x0], $0xffff  }
0x94: {  	[tilespmem:v16+s19+$0x0] =	vst.idx.add.f32.msk $0xffff, v18  }
0x95: {  	s25 =	sadd.s32 $0x40, s25;
	[tilespmem:v15+s19+$0x0] =	vst.idx.add.f32.msk $0xffff, v17  }
0x96: {  	_ =	sdelay $0x3  }
0x97: {  	v10 =	vld.idx.msk [tilespmem:v10+s2+$0x0], $0xffff;
	v15 =	vunpack.i.l.bf16.f32 v14  }
0x98: {  	v14 =	vunpack.i.u.bf16.f32 v14;
	v15 =	vmul.f32 v15, v6  }
0x99: {  	v16 =	vunpack.i.l.bf16.f32 v13;
	v6 =	vmul.f32 v14, v6  }
0x9a: {  	v13 =	vunpack.i.u.bf16.f32 v13;
	v14 =	vmul.f32 v16, v4;
	[tilespmem:v11+s19+$0x0] =	vst.idx.add.f32.msk $0xffff, v15  }
0x9b: {  	v4 =	vmul.f32 v13, v4;
	[tilespmem:v12+s19+$0x0] =	vst.idx.add.f32.msk $0xffff, v6  }
0x9c: {  	p0 =	seq.s32 s21, $0x9;
	[tilespmem:v9+s19+$0x0] =	vst.idx.add.f32.msk $0xffff, v14;
	v6 =	vunpack.i.l.bf16.f32 v10  }
0x9d: {  	s22 =	sadd.s32 @!p0 $0x3E80, s22;
	[tilespmem:v8+s19+$0x0] =	vst.idx.add.f32.msk $0xffff, v4;
	v4 =	vunpack.i.u.bf16.f32 v10;
	v6 =	vmul.f32 v6, v1  }
0x9e: {  	[tilespmem:v2+s19+$0x0] =	vst.idx.add.f32.msk $0xffff, v5;
	s23 =	sadd.s32 @!p0 s4, s22;
	v1 =	vmul.f32 v4, v1  }
0x9f: {  	s24 =	simm.s32 @!p0 $0x0;
	s22 =	sadd.s32 @!p0 s6, s22;
	s23 =	sshrl.u32 @!p0 s23, $0x3;
	[tilespmem:v3+s19+$0x0] =	vst.idx.add.f32.msk $0xffff, v6  }
0xa0: {  	s25 =	simm.s32 @!p0 $0xEB00;
	s22 =	sshrl.u32 @!p0 s22, $0x3;
	s23 =	sadd.s32 @!p0 s5, s23;
	[tilespmem:v7+s19+$0x0] =	vst.idx.add.f32.msk $0xffff, v1  }
0xa1: {  	[tilespmem:s25], [sflag:$0x1] =	stream.linear.gather @!p0 [hbm4b:s23+s24], $0x1F40, $0x38;
	[tilespmem:$0x16900] =	vst v63  }
0xa2: {  	s22 =	sadd.s32 @!p0 s3, s22;
	s23 =	simm.s32 @!p0 $0x12A00  }
0xa3: {  	[tilespmem:s23], [sflag:$0x2] =	stream.linear.gather @!p0 [hbm4b:s22+s24], $0x1F40, $0x38;
	[tilespmem:$0x16900] =	vst v63  }
0xa4: {  	_ =	swait.ge [sflag:s17], $0x1F40  }
0xa5: {  	[sflag:s17] =	ssyncset.done $0x0  }
0xa6: {  	[sflag:s17] =	ssyncadd.s32 $0xFFFFE0C0  }
0xa7: {  	_ =	swait.ge [sflag:s18], $0x1F40  }
0xa8: {  	[sflag:s18] =	ssyncset.done $0x0  }
0xa9: {  	s29 =	simm.s32 $0x10AA0;
	[sflag:s18] =	ssyncadd.s32 $0xFFFFE0C0  }
0xaa: {  	v1 =	vld [tilespmem:s29+$0x10]  }
0xab: {  	v3 =	vld [tilespmem:s29+$0xFFFFFFE0];
	_ =	sdelay $0x3  }
0xac: {  	v5 =	vand.u32 $0x3FFF, v1  }
0xad: {  	v2 =	vld [tilespmem:s29+$0xFFFFFFF0];
	v7 =	vand.u32 $0x3FFF, v3  }
0xae: {  	v4 =	vld [tilespmem:s29+$0x0]  }
0xaf: {  	s30 =	simm.s32 $0x149A0  }
0xb0: {  	v10 =	vld [tilespmem:s30+$0x10]  }
0xb1: {  	v9 =	vld.idx.msk [tilespmem:v5+s2+$0x0], $0xffff  }
0xb2: {  	v6 =	vand.u32 $0x3FFF, v2;
	v12 =	vld.idx.msk [tilespmem:v7+s2+$0x0], $0xffff  }
0xb3: {  	v13 =	vld [tilespmem:s30+$0xFFFFFFE0];
	v8 =	vand.u32 $0x3FFF, v4  }
0xb4: {  	v1 =	vshra.s32 v1, $0xE  }
0xb5: {  	v17 =	vld [tilespmem:s30+$0xFFFFFFF0];
	v3 =	vshra.s32 v3, $0xE  }
0xb6: {  	v19 =	vld [tilespmem:s30+$0x0];
	v14 =	vadd.s32 $0x2710, v1;
	v51 =	vunpack.i.l.bf16.f32 v9  }
0xb7: {  	v18 =	vadd.s32 $0x2710, v3;
	v11 =	vld.idx.msk [tilespmem:v6+s2+$0x0], $0xffff;
	v20 =	vunpack.i.l.bf16.f32 v12;
	v16 =	vmul.f32 v51, v10  }
0xb8: {  	v15 =	vld.idx.msk [tilespmem:v8+s2+$0x0], $0xffff;
	v5 =	vadd.s32 $0x2710, v5;
	v9 =	vunpack.i.u.bf16.f32 v9;
	v20 =	vmul.f32 v20, v13  }
0xb9: {  	v7 =	vadd.s32 $0x2710, v7;
	v12 =	vunpack.i.u.bf16.f32 v12;
	v9 =	vmul.f32 v9, v10;
	[tilespmem:v1+s19+$0x0] =	vst.idx.add.f32.msk $0xffff, v16  }
0xba: {  	v2 =	vshra.s32 v2, $0xE;
	v12 =	vmul.f32 v12, v13;
	[tilespmem:v3+s19+$0x0] =	vst.idx.add.f32.msk $0xffff, v20  }
0xbb: {  	v52 =	vadd.s32 $0x2710, v2;
	[tilespmem:v14+s19+$0x0] =	vst.idx.add.f32.msk $0xffff, v9  }
0xbc: {  	v9 =	vshra.s32 v4, $0xE;
	v4 =	vunpack.i.l.bf16.f32 v11;
	[tilespmem:v18+s19+$0x0] =	vst.idx.add.f32.msk $0xffff, v12  }
0xbd: {  	v11 =	vunpack.i.u.bf16.f32 v11;
	v5 =	vld.idx.msk [tilespmem:v5+s2+$0x0], $0xffff;
	v14 =	vadd.s32 $0x2710, v9;
	v4 =	vmul.f32 v4, v17  }
0xbe: {  	v53 =	vunpack.i.l.bf16.f32 v15;
	v11 =	vmul.f32 v11, v17;
	v7 =	vld.idx.msk [tilespmem:v7+s2+$0x0], $0xffff  }
0xbf: {  	v6 =	vadd.s32 $0x2710, v6;
	v12 =	vunpack.i.u.bf16.f32 v15;
	v15 =	vmul.f32 v53, v19;
	[tilespmem:v2+s19+$0x0] =	vst.idx.add.f32.msk $0xffff, v4  }
0xc0: {  	v4 =	vmul.f32 v12, v19;
	[tilespmem:v52+s19+$0x0] =	vst.idx.add.f32.msk $0xffff, v11;
	v11 =	vadd.s32 $0x4E20, v1  }
0xc1: {  	[tilespmem:v9+s19+$0x0] =	vst.idx.add.f32.msk $0xffff, v15  }
0xc2: {  	s31 =	simm.s32 $0x10AE0;
	v1 =	vadd.s32 $0x7530, v1;
	[tilespmem:v14+s19+$0x0] =	vst.idx.add.f32.msk $0xffff, v4;
	v4 =	vunpack.i.l.bf16.f32 v5  }
0xc3: {  	v12 =	vld [tilespmem:s31+$0xFFFFFFE0];
	v4 =	vmul.f32 v4, v10  }
0xc4: {  	v6 =	vld.idx.msk [tilespmem:v6+s2+$0x0], $0xffff;
	v5 =	vunpack.i.u.bf16.f32 v5  }
0xc5: {  	v5 =	vmul.f32 v5, v10;
	v10 =	vadd.s32 $0x4E20, v3;
	[tilespmem:v11+s19+$0x0] =	vst.idx.add.f32.msk $0xffff, v4  }
0xc6: {  	v4 =	vadd.s32 $0x2710, v8;
	v8 =	vld [tilespmem:s31+$0x10]  }
0xc7: {  	v3 =	vadd.s32 $0x7530, v3;
	[tilespmem:v1+s19+$0x0] =	vst.idx.add.f32.msk $0xffff, v5;
	v5 =	vunpack.i.l.bf16.f32 v7  }
0xc8: {  	v14 =	vld [tilespmem:s31+$0x0];
	v5 =	vmul.f32 v5, v13  }
0xc9: {  	v11 =	vld [tilespmem:s31+$0xFFFFFFF0];
	v1 =	vadd.s32 $0x4E20, v2;
	v7 =	vunpack.i.u.bf16.f32 v7  }
0xca: {  	v2 =	vadd.s32 $0x7530, v2;
	v7 =	vmul.f32 v7, v13;
	[tilespmem:v10+s19+$0x0] =	vst.idx.add.f32.msk $0xffff, v5  }
0xcb: {  	v15 =	vunpack.i.l.bf16.f32 v6;
	v13 =	vld.idx.msk [tilespmem:v4+s2+$0x0], $0xffff;
	v54 =	vand.u32 $0x3FFF, v8  }
0xcc: {  	s22 =	simm.s32 $0x149E0;
	v4 =	vunpack.i.u.bf16.f32 v6;
	v6 =	vmul.f32 v15, v17;
	[tilespmem:v3+s19+$0x0] =	vst.idx.add.f32.msk $0xffff, v7;
	v3 =	vand.u32 $0x3FFF, v12  }
0xcd: {  	v15 =	vld [tilespmem:s22+$0x10];
	v4 =	vmul.f32 v4, v17  }
0xce: {  	[tilespmem:v1+s19+$0x0] =	vst.idx.add.f32.msk $0xffff, v6  }
0xcf: {  	v10 =	vand.u32 $0x3FFF, v11;
	[tilespmem:v2+s19+$0x0] =	vst.idx.add.f32.msk $0xffff, v4  }
0xd0: {  	v2 =	vld.idx.msk [tilespmem:v54+s2+$0x0], $0xffff  }
0xd1: {  	v6 =	vand.u32 $0x3FFF, v14;
	v56 =	vld.idx.msk [tilespmem:v3+s2+$0x0], $0xffff  }
0xd2: {  	v55 =	vadd.s32 $0x4E20, v9;
	v5 =	vld [tilespmem:s22+$0xFFFFFFE0]  }
0xd3: {  	v8 =	vshra.s32 v8, $0xE;
	v4 =	vld [tilespmem:s22+$0xFFFFFFF0]  }
0xd4: {  	v12 =	vshra.s32 v12, $0xE;
	v58 =	vshra.s32 v11, $0xE;
	v7 =	vld.idx.msk [tilespmem:v10+s2+$0x0], $0xffff;
	v1 =	vunpack.i.l.bf16.f32 v13  }
0xd5: {  	v21 =	vadd.s32 $0x2710, v8;
	v22 =	vmul.f32 v1, v19;
	v1 =	vld [tilespmem:s22+$0x0];
	v23 =	vunpack.i.l.bf16.f32 v2  }
0xd6: {  	v16 =	vadd.s32 $0x2710, v54;
	v57 =	vld.idx.msk [tilespmem:v6+s2+$0x0], $0xffff;
	v11 =	vunpack.i.l.bf16.f32 v56;
	v23 =	vmul.f32 v23, v15  }
0xd7: {  	v24 =	vadd.s32 $0x2710, v12;
	[tilespmem:v55+s19+$0x0] =	vst.idx.add.f32.msk $0xffff, v22;
	v2 =	vunpack.i.u.bf16.f32 v2;
	v11 =	vmul.f32 v11, v5  }
0xd8: {  	v2 =	vmul.f32 v2, v15;
	[tilespmem:v8+s19+$0x0] =	vst.idx.add.f32.msk $0xffff, v23  }
0xd9: {  	v60 =	vshra.s32 v14, $0xE;
	v59 =	vadd.s32 $0x2710, v58;
	v18 =	vunpack.i.u.bf16.f32 v56;
	[tilespmem:v12+s19+$0x0] =	vst.idx.add.f32.msk $0xffff, v11  }
0xda: {  	v3 =	vadd.s32 $0x2710, v3;
	v14 =	vmul.f32 v18, v5;
	[tilespmem:v21+s19+$0x0] =	vst.idx.add.f32.msk $0xffff, v2;
	v2 =	vunpack.i.l.bf16.f32 v7  }
0xdb: {  	v7 =	vunpack.i.u.bf16.f32 v7;
	v16 =	vld.idx.msk [tilespmem:v16+s2+$0x0], $0xffff;
	v2 =	vmul.f32 v2, v4  }
0xdc: {  	v61 =	vadd.s32 $0x2710, v60;
	[tilespmem:v24+s19+$0x0] =	vst.idx.add.f32.msk $0xffff, v14;
	v7 =	vmul.f32 v7, v4  }
0xdd: {  	v62 =	vadd.s32 $0x2710, v10;
	v11 =	vunpack.i.l.bf16.f32 v57;
	[tilespmem:v58+s19+$0x0] =	vst.idx.add.f32.msk $0xffff, v2  }
0xde: {  	v10 =	vunpack.i.u.bf16.f32 v57;
	v11 =	vmul.f32 v11, v1;
	[tilespmem:v59+s19+$0x0] =	vst.idx.add.f32.msk $0xffff, v7;
	v7 =	vadd.s32 $0x4E20, v8  }
0xdf: {  	v63 =	vadd.s32 $0x7530, v8;
	v10 =	vmul.f32 v10, v1;
	v14 =	vld.idx.msk [tilespmem:v3+s2+$0x0], $0xffff  }
0xe0: {  	[tilespmem:v60+s19+$0x0] =	vst.idx.add.f32.msk $0xffff, v11;
	v11 =	vadd.s32 $0x4E20, v12;
	v8 =	vunpack.i.l.bf16.f32 v16  }
0xe1: {  	v12 =	vadd.s32 $0x7530, v12;
	[tilespmem:v61+s19+$0x0] =	vst.idx.add.f32.msk $0xffff, v10;
	v3 =	vunpack.i.u.bf16.f32 v16;
	v8 =	vmul.f32 v8, v15  }
0xe2: {  	v10 =	vadd.s32 $0x2710, v6;
	v6 =	vunpack.i.u.bf16.f32 v13;
	v13 =	vld.idx.msk [tilespmem:v62+s2+$0x0], $0xffff;
	v15 =	vmul.f32 v3, v15  }
0xe3: {  	v2 =	vadd.s32 $0x7530, v9;
	v9 =	vadd.s32 $0x4E20, v58;
	v6 =	vmul.f32 v6, v19;
	[tilespmem:v7+s19+$0x0] =	vst.idx.add.f32.msk $0xffff, v8  }
0xe4: {  	s23 =	simm.s32 $0x40;
	s24 =	simm.s32 $0x10B20;
	v3 =	vadd.s32 $0x4E20, v60;
	v8 =	vadd.s32 $0x7530, v58;
	v7 =	vadd.s32 $0x7530, v60;
	[tilespmem:v63+s19+$0x0] =	vst.idx.add.f32.msk $0xffff, v15  }
.LBB2_9:
0xe5: {  	v15 =	vld [tilespmem:s24+$0x10]  }
0xe6: {  	v16 =	vld [tilespmem:s24+$0xFFFFFFF0]  }
0xe7: {  	s23 =	sadd.s32 $0x40, s23;
	v18 =	vunpack.i.u.bf16.f32 v14;
	v14 =	vunpack.i.l.bf16.f32 v14;
	v17 =	vld [tilespmem:s24+$0x0]  }
0xe8: {  	p0 =	slt.u32 s23, $0x1F00;
	v14 =	vmul.f32 v14, v5;
	v20 =	vunpack.i.u.bf16.f32 v13;
	v13 =	vunpack.i.l.bf16.f32 v13;
	v19 =	vld [tilespmem:s24+$0xFFFFFFE0]  }
0xe9: {  	v5 =	vmul.f32 v18, v5;
	v13 =	vmul.f32 v13, v4;
	v18 =	vld.idx.msk [tilespmem:v10+s2+$0x0], $0xffff  }
0xea: {  	v4 =	vmul.f32 v20, v4;
	v21 =	vand.u32 $0x3FFF, v15;
	[tilespmem:v11+s19+$0x0] =	vst.idx.add.f32.msk $0xffff, v14  }
0xeb: {  	v14 =	vshra.s32 v16, $0xE;
	v16 =	vand.u32 $0x3FFF, v16;
	[tilespmem:v12+s19+$0x0] =	vst.idx.add.f32.msk $0xffff, v5  }
0xec: {  	v20 =	vadd.s32 $0x2710, v14;
	v22 =	vshra.s32 v17, $0xE;
	v5 =	vand.u32 $0x3FFF, v17;
	[tilespmem:v9+s19+$0x0] =	vst.idx.add.f32.msk $0xffff, v13  }
0xed: {  	v13 =	vshra.s32 v19, $0xE;
	v17 =	vand.u32 $0x3FFF, v19;
	v19 =	vadd.s32 $0x2710, v22;
	[tilespmem:v8+s19+$0x0] =	vst.idx.add.f32.msk $0xffff, v4  }
0xee: {  	v25 =	vadd.s32 $0x2710, v16;
	v23 =	vadd.s32 $0x2710, v13;
	v24 =	vadd.s32 $0x2710, v17;
	[tilespmem:v2+s19+$0x0] =	vst.idx.add.f32.msk $0xffff, v6;
	v2 =	vmovc v7  }
0xef: {  	v10 =	vadd.s32 $0x2710, v5;
	v4 =	vunpack.i.u.bf16.f32 v18;
	v6 =	vunpack.i.l.bf16.f32 v18;
	v26 =	vld.idx.msk [tilespmem:v21+s2+$0x0], $0xffff  }
0xf0: {  	s22 =	sadd.s32 $0x40, s22;
	v11 =	vadd.s32 $0x4E20, v13;
	v18 =	vmul.f32 v6, v1;
	v6 =	vmul.f32 v4, v1;
	v16 =	vld.idx.msk [tilespmem:v16+s2+$0x0], $0xffff  }
0xf1: {  	v9 =	vadd.s32 $0x4E20, v14;
	v8 =	vadd.s32 $0x7530, v14;
	v12 =	vadd.s32 $0x7530, v13;
	v27 =	vld [tilespmem:s22+$0x10]  }
0xf2: {  	v28 =	vadd.s32 $0x4E20, v22;
	v7 =	vadd.s32 $0x7530, v22;
	v17 =	vld.idx.msk [tilespmem:v17+s2+$0x0], $0xffff  }
0xf3: {  	v15 =	vshra.s32 v15, $0xE;
	v29 =	vld.idx.msk [tilespmem:v5+s2+$0x0], $0xffff  }
0xf4: {  	v30 =	vadd.s32 $0x2710, v15;
	v5 =	vld [tilespmem:s22+$0xFFFFFFE0]  }
0xf5: {  	v21 =	vadd.s32 $0x2710, v21;
	v31 =	vunpack.i.l.bf16.f32 v26;
	v4 =	vld [tilespmem:s22+$0xFFFFFFF0]  }
0xf6: {  	v26 =	vunpack.i.u.bf16.f32 v26;
	v32 =	vunpack.i.u.bf16.f32 v16;
	v1 =	vld [tilespmem:s22+$0x0];
	v31 =	vmul.f32 v31, v27  }
0xf7: {  	v16 =	vunpack.i.l.bf16.f32 v16;
	v26 =	vmul.f32 v26, v27;
	[tilespmem:v3+s19+$0x0] =	vst.idx.add.f32.msk $0xffff, v18;
	v3 =	vmov v28  }
0xf8: {  	v18 =	vunpack.i.u.bf16.f32 v17;
	v17 =	vunpack.i.l.bf16.f32 v17;
	[tilespmem:v15+s19+$0x0] =	vst.idx.add.f32.msk $0xffff, v31  }
0xf9: {  	v28 =	vunpack.i.u.bf16.f32 v29;
	v29 =	vunpack.i.l.bf16.f32 v29;
	v17 =	vmul.f32 v17, v5;
	[tilespmem:v30+s19+$0x0] =	vst.idx.add.f32.msk $0xffff, v26  }
0xfa: {  	v18 =	vmul.f32 v18, v5;
	v16 =	vmul.f32 v16, v4;
	v21 =	vld.idx.msk [tilespmem:v21+s2+$0x0], $0xffff  }
0xfb: {  	[tilespmem:v13+s19+$0x0] =	vst.idx.add.f32.msk $0xffff, v17;
	v13 =	vmul.f32 v32, v4;
	v17 =	vmul.f32 v29, v1  }
0xfc: {  	[tilespmem:v23+s19+$0x0] =	vst.idx.add.f32.msk $0xffff, v18;
	v18 =	vmul.f32 v28, v1  }
0xfd: {  	[tilespmem:v14+s19+$0x0] =	vst.idx.add.f32.msk $0xffff, v16  }
0xfe: {  	v16 =	vadd.s32 $0x4E20, v15;
	[tilespmem:v20+s19+$0x0] =	vst.idx.add.f32.msk $0xffff, v13  }
0xff: {  	v15 =	vadd.s32 $0x7530, v15;
	[tilespmem:v22+s19+$0x0] =	vst.idx.add.f32.msk $0xffff, v17  }
.Ltmp3:
0x100: {  	v13 =	vunpack.i.l.bf16.f32 v21;
	[tilespmem:v19+s19+$0x0] =	vst.idx.add.f32.msk $0xffff, v18;
	(pc) =	sbr.rel @p0 .LBB2_9-.Ltmp3, $4  }
0x101: {  	v17 =	vunpack.i.u.bf16.f32 v21;
	v18 =	vmul.f32 v13, v27;
	v14 =	vld.idx.msk [tilespmem:v24+s2+$0x0], $0xffff  }
0x102: {  	v17 =	vmul.f32 v17, v27;
	v13 =	vld.idx.msk [tilespmem:v25+s2+$0x0], $0xffff  }
0x103: {  	[tilespmem:v16+s19+$0x0] =	vst.idx.add.f32.msk $0xffff, v18  }
0x104: {  	s24 =	sadd.s32 $0x40, s24;
	[tilespmem:v15+s19+$0x0] =	vst.idx.add.f32.msk $0xffff, v17  }
0x105: {  	_ =	sdelay $0x3  }
0x106: {  	v10 =	vld.idx.msk [tilespmem:v10+s2+$0x0], $0xffff  }
0x107: {  	v15 =	vunpack.i.l.bf16.f32 v14  }
0x108: {  	v57 =	vunpack.i.u.bf16.f32 v14;
	v15 =	vmul.f32 v15, v5  }
0x109: {  	[tilespmem:v2+s19+$0x0] =	vst.idx.add.f32.msk $0xffff, v6;
	s21 =	sadd.s32 $0x1, s21;
	v16 =	vunpack.i.l.bf16.f32 v13;
	v58 =	vmul.f32 v57, v5  }
0x10a: {  	p0 =	sne.s32 s21, $0xA;
	v59 =	vunpack.i.u.bf16.f32 v13;
	v60 =	vmul.f32 v16, v4;
	[tilespmem:v11+s19+$0x0] =	vst.idx.add.f32.msk $0xffff, v15  }
.Ltmp4:
0x10b: {  	v61 =	vmul.f32 v59, v4;
	[tilespmem:v12+s19+$0x0] =	vst.idx.add.f32.msk $0xffff, v58;
	v62 =	vunpack.i.l.bf16.f32 v10;
	(pc) =	sbr.rel @p0 .LBB2_6-.Ltmp4, $4  }
0x10c: {  	[tilespmem:v9+s19+$0x0] =	vst.idx.add.f32.msk $0xffff, v60;
	v63 =	vunpack.i.u.bf16.f32 v10;
	v5 =	vmul.f32 v62, v1  }
0x10d: {  	[tilespmem:v8+s19+$0x0] =	vst.idx.add.f32.msk $0xffff, v61;
	v1 =	vmul.f32 v63, v1  }
0x10e: {  	[tilespmem:v3+s19+$0x0] =	vst.idx.add.f32.msk $0xffff, v5  }
0x10f: {  	[tilespmem:v7+s19+$0x0] =	vst.idx.add.f32.msk $0xffff, v1  }
0x110: {  	s20 =	sadd.s32 $0x1, s20  }
0x111: {  	p0 =	sne.s32 s20, s11  }
.Ltmp5:
0x112: {  	_ = 	snop;
	(pc) =	sbr.rel @p0 .LBB2_1-.Ltmp5, $4  }
0x113: {  	[hbm4b:s10+s2] =	stream.linear.scatter [tilespmem:s19], [sflag:$0x3], $0x9C40, $0x38;
	[tilespmem:$0x16900] =	vst v63  }
0x114: {  	_ =	swait.ge [sflag:s12], $0x9C40  }
0x115: {  	[sflag:s12] =	ssyncset.done $0x0  }
0x116: {  	[sflag:s12] =	ssyncadd.s32 $0xFFFF63C0  }
0x117: {  	_ =	sfence.sel $0x180000  }
0x118: {  	[bflag:$0x0] =	sbarrier.arrive $0xFFFF  }
0x119: {  	p0 =	sne.s32 s1, $0x0;
	_ =	strace $0x9000004A  }
0x11a: {  	s0 =	sadd.s32 @!p0 $0x100000, s0;
	[bflag:$0x2] =	sbarrier.arrive $0xFFFF  }
0x11b: {  	[sflag:s0] =	ssyncadd.tile.s32 @!p0 $0x1;
	_ =	shalt  }
.Lfunc_end2:
_tile_overlayer_lowered:
.L_overlay_start_2:
0x11c: {  	(tag) =	ssettag $0x2  }
0x11d: {  	s0 =	rddreg [dreg:$0x0];
	s2 =	stileid.u32  }
0x11e: {  	s1 =	rddreg [dreg:$0x1];
	p0 =	sne.s32 s2, $0x0  }
0x11f: {  	s3 =	rddreg [dreg:$0x2];
	[bflag:$0x3] =	sbarrier.arrive $0xFFFF;
	s2 =	simm.s32 @!p0 $0x1C03  }
0x120: {  	[timem:s3], [sflag:s2] =	dma.local @!p0 [hbm:s0], s1  }
0x121: {  	s0 =	simm.s32 @!p0 $0x3  }
0x122: {  	_ =	swait.ge @!p0 [sflag:s0], s1  }
0x123: {  	s1 =	ssub.s32 @!p0 $0x0, s1;
	[sflag:s0] =	ssyncset.done @!p0 $0x0  }
0x124: {  	[sflag:s0] =	ssyncadd.s32 @!p0 s1  }
0x125: {  	[bflag:$0x3] =	sbarrier.arrive $0xFFFF  }
0x126: {  	_ =	shalt  }

// kernel: kernel.15.cloned.1.call-start
scs
__scs_entry_jumppad:
0x0: {  	(pc) =	sbr.rel $0x88, $3  }
0x1: {  	(tag) =	ssettag $0x0;
	lr =	simm.s32 $0x1  }
0x2: {  	[smem:$0x3F93] =	sst lr;
	_ =	strace $0xD0000000  }
0x3: {  	_ = 	snop  }
0x4: {  	_ = 	snop  }
0x5: {  	_ = 	snop  }
0x6: {  	_ = 	snop  }
0x7: {  	_ = 	snop  }
__scs_overlays_trampoline_lowered:
0x8: {  	[smem:$0x3FA2] =	sst s0  }
0x9: {  	[smem:$0x3FA3] =	sst s1  }
0xa: {  	[smem:$0x3FA4] =	sst s2  }
0xb: {  	[smem:$0x3FA5] =	sst s3  }
0xc: {  	[smem:$0x3FA6] =	sst s4  }
0xd: {  	[smem:$0x3FA7] =	sst s5  }
0xe: {  	[smem:$0x3FA8] =	sst s6  }
0xf: {  	[smem:$0x3FA9] =	sst s7  }
0x10: {  	[smem:$0x3FAA] =	sst s8  }
0x11: {  	[smem:$0x3FAB] =	sst s9;
	s0 =	simm.s32 @!p0 $0x0  }
0x12: {  	s1 =	sld [smem:$0x3F91];
	s0 =	simm.s32 @p0 $0x1  }
0x13: {  	[smem:$0x3FAC] =	sst s0;
	s0 =	simm.s32 @!p1 $0x0  }
0x14: {  	s2 =	sld [smem:$0x3F90];
	s0 =	simm.s32 @p1 $0x1  }
0x15: {  	[smem:$0x3FAD] =	sst s0;
	s0 =	simm.s32 @!p2 $0x0  }
0x16: {  	s3 =	sld [smem:$0x3FDB];
	s0 =	simm.s32 @p2 $0x1  }
0x17: {  	s4 =	simm.s32 $0x1BF5;
	[smem:$0x3FAF] =	sst s0  }
0x18: {  	s0 =	sld [smem:$0x3F92];
	_ =	swait.ge [sflag:s4], $0x0  }
0x19: {  	s7 =	sld [smem:$0x3F93]  }
0x1a: {  	s8 =	sadd.s32 $0xFFFFE003, lr  }
0x1b: {  	s9 =	sadd.s32 $0xFFFFFEF7, lr;
	s5 =	simm.s32 $0xFFFFFFFF;
	p2 =	slt.u32 s8, $0xFFFFF086  }
0x1c: {  	p1 =	slt.u32 s9, $0xF7A;
	s5 =	simm.s32 @!p2 $0x0  }
0x1d: {  	s5 =	simm.s32 @p1 $0x1;
	p0 =	seq.s32 s7, s2  }
0x1e: {  	s7 =	smul.u32 @!p0 $0xF7A, s2;
	p2 =	seq.s32 @!p0 s5, $0x0  }
0x1f: {  	s9 =	smul.u32 $0xF7A, s1;
	s8 =	simm.s32 @!p0 $0x1BF5;
	p2 =	por !p2, p0  }
0x20: {  	[sflag:s8] =	ssyncset.s32 @!p0 $0xFFFFF086;
	s6 =	sadd.s32 @!p0 s3, s7;
	s7 =	simm.s32 @!p0 $0x108  }
0x21: {  	s3 =	sadd.s32 s3, s9;
	s6 =	sadd.s32 @!p0 $0x88, s6;
	s7 =	simm.s32 @p2 $0x1082  }
0x22: {  	[simem:s7], [sflag:s8] =	dma.local @!p0 [hbm:s6], $0xF7A  }
0x23: {  	s9 =	sor.u32 $0xD0000000, s2;
	s6 =	simm.s32 $0x108;
	_ =	swait.ge @!p0 [sflag:s8], $0x0  }
0x24: {  	s3 =	sadd.s32 $0x88, s3;
	s6 =	simm.s32 @!p1 $0x1082;
	[sflag:s4] =	ssyncset.s32 $0xFFFFF086  }
0x25: {  	[simem:s6], [sflag:s4] =	dma.local [hbm:s3], $0xF7A  }
0x26: {  	[smem:$0x3F93] =	sst s1;
	(tag) =	ssettag s2;
	_ =	strace s9  }
0x27: {  	s1 =	sld [smem:$0x3FA3]  }
0x28: {  	s2 =	sld [smem:$0x3FA4]  }
0x29: {  	s4 =	sld [smem:$0x3FA6]  }
0x2a: {  	p0 =	seq.s32 s5, $0x0;
	s5 =	sld [smem:$0x3FA7]  }
0x2b: {  	s6 =	sld [smem:$0x3FA8]  }
0x2c: {  	s7 =	sld [smem:$0x3FA9]  }
0x2d: {  	s3 =	simm.s32 $0x108;
	s8 =	sld [smem:$0x3FAA]  }
0x2e: {  	s3 =	simm.s32 @!p0 $0x1082;
	s9 =	sld [smem:$0x3FAB]  }
0x2f: {  	lr =	sadd.s32 s0, s3;
	s0 =	sld [smem:$0x3FA2]  }
0x30: {  	s3 =	sld [smem:$0x3FA5]  }
0x31: {  	[smem:$0x3FAE] =	sst s10  }
0x32: {  	s10 =	sld [smem:$0x3FAC];
	_ =	sdelay $0x3  }
0x33: {  	p0 =	seq.s32 s10, $0x1;
	s10 =	sld [smem:$0x3FAE];
	_ =	sdelay $0x3  }
0x34: {  	[smem:$0x3FAE] =	sst s10  }
0x35: {  	s10 =	sld [smem:$0x3FAD];
	_ =	sdelay $0x3  }
0x36: {  	p1 =	seq.s32 s10, $0x1;
	s10 =	sld [smem:$0x3FAE];
	_ =	sdelay $0x3  }
0x37: {  	[smem:$0x3FAE] =	sst s10  }
0x38: {  	s10 =	sld [smem:$0x3FAF]  }
0x39: {  	_ = 	snop;
	(pc) =	sbr.ind lr, $3  }
0x3a: {  	_ = 	snop  }
0x3b: {  	_ = 	snop  }
0x3c: {  	p2 =	seq.s32 s10, $0x1;
	s10 =	sld [smem:$0x3FAE]  }
0x3d: {  	_ =	shalt  }
0x3e: {  	_ =	shalt  }
0x3f: {  	_ =	shalt  }
0x40: {  	_ =	shalt  }
0x41: {  	_ =	shalt  }
0x42: {  	_ =	shalt  }
0x43: {  	_ =	shalt  }
0x44: {  	_ =	shalt  }
0x45: {  	_ =	shalt  }
0x46: {  	_ =	shalt  }
0x47: {  	_ =	shalt  }
0x48: {  	_ =	shalt  }
0x49: {  	_ =	shalt  }
0x4a: {  	_ =	shalt  }
0x4b: {  	_ =	shalt  }
0x4c: {  	_ =	shalt  }
0x4d: {  	_ =	shalt  }
0x4e: {  	_ =	shalt  }
0x4f: {  	_ =	shalt  }
0x50: {  	_ =	shalt  }
0x51: {  	_ =	shalt  }
0x52: {  	_ =	shalt  }
0x53: {  	_ =	shalt  }
0x54: {  	_ =	shalt  }
0x55: {  	_ =	shalt  }
0x56: {  	_ =	shalt  }
0x57: {  	_ =	shalt  }
0x58: {  	_ =	shalt  }
0x59: {  	_ =	shalt  }
0x5a: {  	_ =	shalt  }
0x5b: {  	_ =	shalt  }
0x5c: {  	_ =	shalt  }
0x5d: {  	_ =	shalt  }
0x5e: {  	_ =	shalt  }
0x5f: {  	_ =	shalt  }
0x60: {  	_ =	shalt  }
0x61: {  	_ =	shalt  }
0x62: {  	_ =	shalt  }
0x63: {  	_ =	shalt  }
0x64: {  	_ =	shalt  }
0x65: {  	_ =	shalt  }
0x66: {  	_ =	shalt  }
0x67: {  	_ =	shalt  }
0x68: {  	_ =	shalt  }
0x69: {  	_ =	shalt  }
0x6a: {  	_ =	shalt  }
0x6b: {  	_ =	shalt  }
0x6c: {  	_ =	shalt  }
0x6d: {  	_ =	shalt  }
0x6e: {  	_ =	shalt  }
0x6f: {  	_ =	shalt  }
0x70: {  	_ =	shalt  }
0x71: {  	_ =	shalt  }
0x72: {  	_ =	shalt  }
0x73: {  	_ =	shalt  }
0x74: {  	_ =	shalt  }
0x75: {  	_ =	shalt  }
0x76: {  	_ =	shalt  }
0x77: {  	_ =	shalt  }
0x78: {  	_ =	shalt  }
0x79: {  	_ =	shalt  }
0x7a: {  	_ =	shalt  }
0x7b: {  	_ =	shalt  }
0x7c: {  	_ =	shalt  }
0x7d: {  	_ =	shalt  }
0x7e: {  	_ =	shalt  }
0x7f: {  	_ =	shalt  }
0x80: {  	_ =	shalt  }
0x81: {  	_ =	shalt  }
0x82: {  	_ =	shalt  }
0x83: {  	_ =	shalt  }
0x84: {  	_ =	shalt  }
0x85: {  	_ =	shalt  }
0x86: {  	_ =	shalt  }
0x87: {  	_ =	shalt  }
.Lfunc_end0:
.L_simem_size_0:
called_computation.2_lowered:
.L_overlay_start_0:
0x88: {  	s2 =	sld [smem:$0x3FD9]  }
0x89: {  	s3 =	sld [smem:$0x3FFE];
	_ =	sdelay $0x1  }
0x8a: {  	s1 =	srdreg.scid  }
0x8b: {  	s0 =	sand.u32 $0x1, s1  }
0x8c: {  	s17 =	sshll.u32 s0, $0xA;
	s2 =	sadd.s32 s3, s2  }
0x8d: {  	s2 =	sadd.s32 s2, s17  }
0x8e: {  	[smem:$0x3FBA] =	sst s2  }
0x8f: {  	_ = 	snop  }
0x90: {  	s2 =	sld [smem:$0x3FD0];
	(tm) =	ssettm $0x1  }
0x91: {  	s18 =	sld [smem:$0x3FFB];
	_ =	sdelay $0x3  }
0x92: {  	_ =	strace s18  }
0x93: {  	s3 =	sld [smem:$0x3FFC];
	_ =	sdelay $0x3  }
0x94: {  	_ =	strace s3  }
0x95: {  	s3 =	sld [smem:$0x3FFD];
	_ =	sdelay $0x3  }
0x96: {  	_ =	strace s3  }
0x97: {  	_ =	strace $0x8FFFFFFF  }
0x98: {  	s19 =	sld [smem:$0x3FDB];
	_ =	sdelay $0x1  }
0x99: {  	s4 =	simm.s32 $_scs_section_size  }
0x9a: {  	s5 =	simm.s32 $_size__tile_overlayer_lowered;
	s6 =	simm.s32 $_tile_overlayer_lowered  }
0x9b: {  	s22 =	simm.s32 $0x1BFF;
	s21 =	sshll.u32 s6, $0x1;
	s3 =	sadd.s32 s4, s19  }
0x9c: {  	s7 =	simm.s32 $0x0;
	s20 =	sshll.u32 s5, $0x1;
	s5 =	sadd.s32 s21, s3  }
0x9d: {  	[timem:s7], [sflag:s22] =	dma.local [hbm:s5], s20  }
0x9e: {  	_ =	swait.ge [sflag:s22], s20  }
0x9f: {  	s4 =	ssub.s32 $0x0, s20;
	[sflag:s22] =	ssyncset.done $0x0  }
0xa0: {  	[sflag:s22] =	ssyncadd.s32 s4;
	_ =	sdelay $0x1  }
0xa1: {  	s23 =	simm.s32 $0x1B8B  }
0xa2: {  	_ =	swait.ge [sflag:s23], $0x1  }
0xa3: {  	[sflag:s23] =	ssyncset.done $0x0  }
0xa4: {  	s25 =	simm.s32 $0x1B8E;
	s24 =	sld [smem:$0x3FFE];
	[sflag:s23] =	ssyncadd.s32 $0xFFFFFFFF  }
0xa5: {  	s26 =	simm.s32 $execute0_lowered;
	[smem:$0x3FD2] =	sst s25  }
0xa6: {  	s5 =	sshll.u32 s26, $0x1;
	_ =	strace $0x8000004C;
	[dreg:$0x1] =	wrdreg $0xFFFFFFFF  }
0xa7: {  	s28 =	simm.s32 $_size_execute0_lowered;
	s3 =	sadd.s32 s3, s5;
	[dreg:$0x0] =	wrdreg $0x0  }
0xa8: {  	s5 =	sshll.u32 s28, $0x1;
	[dreg:$0x2] =	wrdreg s3  }
0xa9: {  	[dreg:$0x3] =	wrdreg s5  }
0xaa: {  	[dreg:$0x4] =	wrdreg $0xC0  }
0xab: {  	_ =	task [dreg:s7], $0x5FFFF  }
0xac: {  	[dreg:$0x1] =	wrdreg $0xFFFFFFFF  }
0xad: {  	[dreg:$0x0] =	wrdreg $0x60  }
0xae: {  	[dreg:$0x2] =	wrdreg s2  }
0xaf: {  	[dreg:$0x3] =	wrdreg s24  }
0xb0: {  	[dreg:$0x4] =	wrdreg $0x9  }
0xb1: {  	_ =	task.clear_ibuf [dreg:s7], $0x5FFFF;
	_ =	strace $0x9000004C  }
0xb2: {  	s29 =	simm.s32 $0x9;
	_ =	strace $0x8000004E  }
0xb3: {  	_ =	swait.ge [sflag:s29], $0x1  }
0xb4: {  	[sflag:s29] =	ssyncadd.s32 $0xFFFFFFFF  }
0xb5: {  	_ =	strace $0x9000004E  }
0xb6: {  	_ =	sfence  }
0xb7: {  	s30 =	sld [smem:$0x0];
	_ =	sdelay $0x2  }
0xb8: {  	s31 =	sshll.u32 s1, $0xD;
	s1 =	sshrl.u32 s1, $0x2  }
0xb9: {  	s3 =	sand.u32 $0x4000, s31;
	s1 =	sadd.s32 s1, s30  }
0xba: {  	s0 =	sor.u32 s3, s0;
	s1 =	sshll.u32 s1, $0x11  }
0xbb: {  	s0 =	sor.u32 s1, s0  }
0xbc: {  	s0 =	sadd.s32 $0x8F2B, s0  }
0xbd: {  	[sflag:s0] =	ssyncadd.remote.s32 $0x1  }
0xbe: {  	_ =	sfence.sel $0xFFFF  }
0xbf: {  	[dreg:$0x0] =	wrdreg $0xFFFFFFFF;
	(pc) =	sbr.abs _section_cstart, $3  }
0xc0: {  	[dreg:$0x1] =	wrdreg $0xFFFFFFFF  }
0xc1: {  	_ =	task.clear_ibuf [dreg:s7], $0x2FFFF;
	_ =	strace $0x9FFFFFFF  }
0xc2: {  	(tm) =	ssettm $0x7FFFFFFF  }
0xc3: {  	_ =	shalt  }
tec
execute0_lowered:
.L_overlay_start_1:
0x0: {  	(tag) =	ssettag $0x1  }
0x1: {  	s1 =	srdreg.scid;
	s2 =	rddreg [dreg:$0x0]  }
0x2: {  	s0 =	stileid.u32;
	s5 =	rddreg [dreg:$0x1];
	s3 =	simm.s32 $0x0  }
0x3: {  	s13 =	simm.s32 $0x13A00;
	s14 =	simm.s32 $0x9D00;
	s15 =	simm.s32 $0xEB80  }
0x4: {  	s16 =	simm.s32 $0x11290;
	s4 =	sand.u32 $0x1, s1;
	s29 =	sshll.u32 s0, $0x1  }
0x5: {  	s17 =	simm.s32 $0xC410;
	s1 =	rddreg [dreg:$0x2];
	s6 =	sor.u32 s4, s29  }
0x6: {  	s18 =	simm.s32 $0x0;
	[smem:$0x7FF] =	sst s3;
	s6 =	smul.u32 $0x2710, s6  }
0x7: {  	s10 =	sadd.s32 $0x19A00, s5;
	s11 =	sadd.s32 $0x6000, s5;
	s30 =	ssub.s32 $0x2, s4  }
0x8: {  	_ =	strace $0x8000004D;
	s9 =	sshrl.u32 s30, $0x1;
	s8 =	sshrl.u32 s6, $0x3  }
0x9: {  	s4 =	sadd.s32 $0x3800, s5;
	s12 =	ssub.s32 s30, s9;
	s7 =	sadd.s32 s8, s5  }
0xa: {  	s6 =	sadd.s32 s10, s8;
	s31 =	sadd.s32 $0x9C40, s8;
	s8 =	sadd.s32 s11, s8  }
0xb: {  	s5 =	sadd.s32 $0x2FC00, s7;
	s7 =	sadd.s32 s10, s31;
	s9 =	sadd.s32 s11, s31  }
0xc: {  	v0 =	vimm.f32 $0.0e+00;
	s10 =	smax.u32 s12, $0x1;
	s11 =	simm.s32 $0x1;
	s12 =	simm.s32 $0x4E80  }
.LBB2_1:
0xd: {  	[tilespmem:s3], [sflag:$0x1] =	stream.linear.gather [hbm4b:s2+s3], $0x4E20, $0x38;
	[tilespmem:$0x16180] =	vst v63  }
0xe: {  	_ =	swait.ge [sflag:s11], $0x4E20  }
0xf: {  	[sflag:s11] =	ssyncset.done $0x0  }
0x10: {  	[sflag:s11] =	ssyncadd.s32 $0xFFFFB1E0  }
0x11: {  	[tilespmem:s12], [sflag:$0x1] =	stream.linear.gather [hbm4b:s4+s3], $0x4E20, $0x38;
	[tilespmem:$0x16180] =	vst v63  }
0x12: {  	_ =	swait.ge [sflag:s11], $0x4E20  }
0x13: {  	[sflag:s11] =	ssyncset.done $0x0  }
0x14: {  	[sflag:s11] =	ssyncadd.s32 $0xFFFFB1E0  }
0x15: {  	[tilespmem:s13], [sflag:$0x1] =	stream.linear.gather [hbm4b:s5+s3], $0x2710, $0x38;
	[tilespmem:$0x16180] =	vst v63  }
0x16: {  	_ =	swait.ge [sflag:s11], $0x2710  }
0x17: {  	[sflag:s11] =	ssyncset.done $0x0  }
0x18: {  	s19 =	simm.s32 $0x9D40;
	[sflag:s11] =	ssyncadd.s32 $0xFFFFD8F0  }
0x19: {  	[tilespmem:s19+$0xFFFFFFC0] =	vst v0  }
0x1a: {  	[tilespmem:s19+$0x30] =	vst v0  }
0x1b: {  	[tilespmem:s19+$0x20] =	vst v0  }
0x1c: {  	[tilespmem:s19+$0x10] =	vst v0  }
0x1d: {  	[tilespmem:s19+$0x0] =	vst v0  }
0x1e: {  	[tilespmem:s19+$0xFFFFFFF0] =	vst v0  }
0x1f: {  	s22 =	simm.s32 $0x0;
	s20 =	simm.s32 $0xEB00;
	[tilespmem:s19+$0xFFFFFFE0] =	vst v0  }
.LBB2_2:
0x20: {  	s22 =	sadd.s32 $0x80, s22;
	[tilespmem:s19+$0xFFFFFFD0] =	vst v0;
	s19 =	sadd.s32 $0x80, s19;
	s21 =	simm.s32 $0x4DF0  }
0x21: {  	[tilespmem:s19+$0xFFFFFFC0] =	vst v0;
	p0 =	slt.u32 s22, $0x4D80  }
0x22: {  	[tilespmem:s19+$0x30] =	vst v0  }
.Ltmp0:
0x23: {  	[tilespmem:s19+$0x20] =	vst v0;
	(pc) =	sbr.rel @p0 .LBB2_2-.Ltmp0, $4  }
0x24: {  	[tilespmem:s19+$0x10] =	vst v0  }
0x25: {  	[tilespmem:s19+$0x0] =	vst v0  }
0x26: {  	[tilespmem:s19+$0xFFFFFFF0] =	vst v0  }
0x27: {  	[tilespmem:s19+$0xFFFFFFE0] =	vst v0  }
0x28: {  	[tilespmem:s19+$0xFFFFFFD0] =	vst v0  }
.LBB2_4:
0x29: {  	s21 =	sadd.s32 $0x10, s21  }
0x2a: {  	p0 =	slt.u32 s21, $0x4E10  }
.Ltmp1:
0x2b: {  	_ = 	snop;
	(pc) =	sbr.rel @p0 .LBB2_4-.Ltmp1, $2  }
0x2c: {  	_ =	sdelay $0x2  }
0x2d: {  	[tilespmem:s20+$0x0] =	vst v0;
	s20 =	sadd.s32 $0x10, s20;
	s19 =	simm.s32 $0x11300;
	s22 =	simm.s32 $0x13A40  }
0x2e: {  	v1 =	vld [tilespmem:s22+$0xFFFFFFC0];
	_ =	sdelay $0x3  }
0x2f: {  	v2 =	vld [tilespmem:s22+$0x20]  }
0x30: {  	v3 =	vand.u32 $0x3FFF, v1  }
0x31: {  	v4 =	vld [tilespmem:s22+$0x30];
	v1 =	vshra.s32 v1, $0xE;
	_ =	sdelay $0x1  }
0x32: {  	v7 =	vld [tilespmem:s22+$0x10]  }
0x33: {  	v5 =	vld [tilespmem:s22+$0xFFFFFFE0];
	v6 =	vand.u32 $0x3FFF, v2  }
0x34: {  	v2 =	vshra.s32 v2, $0xE;
	v8 =	vld.idx.msk [tilespmem:v3+s12+$0x0], $0xffff  }
0x35: {  	v11 =	vand.u32 $0x3FFF, v4;
	v12 =	vld.idx.msk [tilespmem:v1+s3+$0x0], $0xffff  }
0x36: {  	v9 =	vld [tilespmem:s22+$0x0];
	v4 =	vshra.s32 v4, $0xE  }
0x37: {  	v10 =	vld [tilespmem:s22+$0xFFFFFFF0];
	v16 =	vand.u32 $0x3FFF, v7  }
0x38: {  	v14 =	vshra.s32 v7, $0xE;
	v13 =	vld.idx.msk [tilespmem:v6+s12+$0x0], $0xffff  }
0x39: {  	v7 =	vld.idx.msk [tilespmem:v2+s3+$0x0], $0xffff  }
0x3a: {  	v17 =	vld.idx.msk [tilespmem:v11+s12+$0x0], $0xffff;
	v8 =	vadd.f32 v8, v12  }
0x3b: {  	v18 =	vld.idx.msk [tilespmem:v4+s3+$0x0], $0xffff  }
0x3c: {  	v19 =	vshra.s32 v5, $0xE;
	v20 =	vld.idx.msk [tilespmem:v16+s12+$0x0], $0xffff;
	v21 =	vmul.f32 $9.999999770e-03, v8  }
0x3d: {  	v23 =	vshra.s32 v10, $0xE;
	v12 =	vld.idx.msk [tilespmem:v14+s3+$0x0], $0xffff;
	vm0 =	vgt.f32 v8, $0.0e+00  }
0x3e: {  	v15 =	vld [tilespmem:s22+$0xFFFFFFD0];
	v5 =	vand.u32 $0x3FFF, v5;
	v8 =	vsel vm0, v8, v21  }
0x3f: {  	v7 =	vadd.f32 v13, v7;
	v21 =	vand.u32 $0x3FFF, v10;
	v8 =	vmul.f32 $1.442695020e+00, v8  }
0x40: {  	v22 =	vshra.s32 v9, $0xE;
	v13 =	vadd.f32 v17, v18  }
0x41: {  	v9 =	vand.u32 $0x3FFF, v9;
	v17 =	vld.idx.msk [tilespmem:v19+s3+$0x0], $0xffff;
	v10 =	vmul.f32 $9.999999770e-03, v7;
	(erf) = vpow2.f32 v8  }
0x42: {  	v18 =	vld.idx.msk [tilespmem:v23+s3+$0x0], $0xffff;
	vm0 =	vgt.f32 v7, $0.0e+00;
	v12 =	vadd.f32 v20, v12;
	v8 =	vmul.f32 $9.999999770e-03, v13  }
0x43: {  	v24 =	vshra.s32 v15, $0xE;
	v7 =	vsel vm0, v7, v10;
	v10 =	vld.idx.msk [tilespmem:v5+s12+$0x0], $0xffff;
	vm0 =	vgt.f32 v13, $0.0e+00  }
0x44: {  	v7 =	vmul.f32 $1.442695020e+00, v7;
	v20 =	vmul.f32 $9.999999770e-03, v12;
	v8 =	vsel vm0, v13, v8;
	v13 =	vld.idx.msk [tilespmem:v21+s12+$0x0], $0xffff  }
0x45: {  	v15 =	vand.u32 $0x3FFF, v15;
	v25 =	vld.idx.msk [tilespmem:v22+s3+$0x0], $0xffff;
	vm0 =	vgt.f32 v12, $0.0e+00  }
0x46: {  	(erf) = vpow2.f32 v7;
	v7 =	vmul.f32 $1.442695020e+00, v8;
	v8 =	vsel vm0, v12, v20;
	v12 =	vld.idx.msk [tilespmem:v9+s12+$0x0], $0xffff  }
0x47: {  	v8 =	vmul.f32 $1.442695020e+00, v8  }
0x48: {  	(erf) = vpow2.f32 v7;
	v7 =	vadd.f32 v10, v17;
	v17 =	vadd.s32 $0x2710, v1  }
0x49: {  	v3 =	vadd.s32 $0x2710, v3;
	v20 =	vld.idx.msk [tilespmem:v24+s3+$0x0], $0xffff;
	(erf) = vpow2.f32 v8;
	v13 =	vadd.f32 v13, v18  }
0x4a: {  	s21 =	simm.s32 $0x13AC0;
	v10 =	vld.idx.msk [tilespmem:v15+s12+$0x0], $0xffff;
	v26 =	vmul.f32 $9.999999770e-03, v7;
	v18 =	vpop (erf)  }
0x4b: {  	v28 =	vld [tilespmem:s21+$0x30];
	vm0 =	vgt.f32 v7, $0.0e+00;
	v12 =	vadd.f32 v12, v25;
	v27 =	vmul.f32 $9.999999770e-03, v13;
	[tilespmem:s19+$0xFFFFD880] =	vst v18  }
0x4c: {  	v26 =	vsel vm0, v7, v26;
	vm0 =	vgt.f32 v13, $0.0e+00;
	[tilespmem:v1+s14+$0x0] =	vst.idx.add.f32.msk $0xffff, v18  }
0x4d: {  	v1 =	vmul.f32 $1.442695020e+00, v26;
	v13 =	vsel vm0, v13, v27;
	v26 =	vmul.f32 $9.999999770e-03, v12;
	v18 =	vld.idx.msk [tilespmem:v17+s3+$0x0], $0xffff  }
0x4e: {  	v7 =	vadd.s32 $0x2710, v2;
	vm0 =	vgt.f32 v12, $0.0e+00;
	v3 =	vld.idx.msk [tilespmem:v3+s12+$0x0], $0xffff;
	v13 =	vmul.f32 $1.442695020e+00, v13  }
0x4f: {  	v8 =	vld [tilespmem:s21+$0xFFFFFFE0];
	v10 =	vadd.f32 v10, v20;
	v27 =	vpop (erf);
	(erf) = vpow2.f32 v1;
	v12 =	vsel vm0, v12, v26  }
0x50: {  	v16 =	vadd.s32 $0x2710, v16;
	v25 =	vld [tilespmem:s21+$0xFFFFFFC0];
	[tilespmem:s19+$0xFFFFD8E0] =	vst v27;
	v12 =	vmul.f32 $1.442695020e+00, v12  }
0x51: {  	v6 =	vadd.s32 $0x2710, v6;
	(erf) = vpow2.f32 v13;
	v26 =	vpop (erf);
	[tilespmem:v2+s14+$0x0] =	vst.idx.add.f32.msk $0xffff, v27;
	v2 =	vmul.f32 $9.999999770e-03, v10  }
0x52: {  	v20 =	vld [tilespmem:s21+$0x20];
	v1 =	vadd.s32 $0x2710, v14;
	vm0 =	vgt.f32 v10, $0.0e+00;
	v13 =	vpop (erf)  }
0x53: {  	v27 =	vld.idx.msk [tilespmem:v7+s3+$0x0], $0xffff;
	(erf) = vpow2.f32 v12;
	[tilespmem:s19+$0xFFFFD8D0] =	vst v13;
	v2 =	vsel vm0, v10, v2;
	v3 =	vadd.f32 v3, v18  }
0x54: {  	v11 =	vadd.s32 $0x2710, v11;
	[tilespmem:v14+s14+$0x0] =	vst.idx.add.f32.msk $0xffff, v13;
	v2 =	vmul.f32 $1.442695020e+00, v2  }
0x55: {  	v14 =	vld.idx.msk [tilespmem:v16+s12+$0x0], $0xffff;
	v16 =	vmul.f32 $9.999999770e-03, v3  }
0x56: {  	v6 =	vld.idx.msk [tilespmem:v6+s12+$0x0], $0xffff;
	v13 =	vadd.s32 $0x2710, v4;
	vm0 =	vgt.f32 v3, $0.0e+00  }
0x57: {  	[tilespmem:s19+$0xFFFFD8F0] =	vst v26;
	v12 =	vld.idx.msk [tilespmem:v1+s3+$0x0], $0xffff;
	v3 =	vsel vm0, v3, v16  }
0x58: {  	v10 =	vadd.s32 $0x2710, v19;
	[tilespmem:v4+s14+$0x0] =	vst.idx.add.f32.msk $0xffff, v26;
	(erf) = vpow2.f32 v2;
	v2 =	vpop (erf);
	v16 =	vmul.f32 $1.442695020e+00, v3  }
0x59: {  	v4 =	vadd.s32 $0x2710, v5;
	v5 =	vld.idx.msk [tilespmem:v11+s12+$0x0], $0xffff;
	[tilespmem:s19+$0xFFFFD8A0] =	vst v2  }
0x5a: {  	v18 =	vpop (erf);
	[tilespmem:v19+s14+$0x0] =	vst.idx.add.f32.msk $0xffff, v2  }
0x5b: {  	v21 =	vadd.s32 $0x2710, v21;
	v11 =	vld.idx.msk [tilespmem:v13+s3+$0x0], $0xffff;
	[tilespmem:s19+$0xFFFFD8B0] =	vst v18  }
0x5c: {  	v3 =	vadd.s32 $0x2710, v23;
	v14 =	vadd.f32 v14, v12;
	(erf) = vpow2.f32 v16;
	[tilespmem:v23+s14+$0x0] =	vst.idx.add.f32.msk $0xffff, v18;
	v16 =	vpop (erf)  }
0x5d: {  	v2 =	vadd.s32 $0x2710, v22;
	v19 =	vld.idx.msk [tilespmem:v10+s3+$0x0], $0xffff;
	[tilespmem:s19+$0xFFFFD8C0] =	vst v16  }
0x5e: {  	v6 =	vadd.f32 v6, v27;
	v12 =	vand.u32 $0x3FFF, v25;
	[tilespmem:v22+s14+$0x0] =	vst.idx.add.f32.msk $0xffff, v16;
	v16 =	vmul.f32 $9.999999770e-03, v14  }
0x5f: {  	v15 =	vadd.s32 $0x2710, v15;
	v18 =	vld.idx.msk [tilespmem:v4+s12+$0x0], $0xffff  }
0x60: {  	vm1 =	vgt.f32 v6, $0.0e+00;
	vm0 =	vgt.f32 v14, $0.0e+00;
	v21 =	vld.idx.msk [tilespmem:v21+s12+$0x0], $0xffff;
	v22 =	vmul.f32 $9.999999770e-03, v6  }
0x61: {  	v4 =	vadd.s32 $0x2710, v24;
	v23 =	vld.idx.msk [tilespmem:v3+s3+$0x0], $0xffff;
	v5 =	vadd.f32 v5, v11;
	v14 =	vsel vm0, v14, v16  }
0x62: {  	v29 =	vld.idx.msk [tilespmem:v2+s3+$0x0], $0xffff;
	v6 =	vsel vm1, v6, v22;
	v22 =	vadd.s32 $0x2710, v9;
	v9 =	vmul.f32 $1.442695020e+00, v14;
	v16 =	vpop (erf)  }
0x63: {  	v27 =	vld.idx.msk [tilespmem:v12+s12+$0x0], $0xffff;
	v11 =	vmul.f32 $9.999999770e-03, v5;
	v6 =	vmul.f32 $1.442695020e+00, v6;
	[tilespmem:s19+$0xFFFFD890] =	vst v16  }
0x64: {  	vm0 =	vgt.f32 v5, $0.0e+00;
	(erf) = vpow2.f32 v9;
	[tilespmem:v24+s14+$0x0] =	vst.idx.add.f32.msk $0xffff, v16  }
0x65: {  	v5 =	vsel vm0, v5, v11;
	(erf) = vpow2.f32 v6;
	v24 =	vld [tilespmem:s21+$0x10]  }
0x66: {  	v5 =	vmul.f32 $1.442695020e+00, v5;
	v6 =	vadd.f32 v18, v19;
	v14 =	vld.idx.msk [tilespmem:v15+s12+$0x0], $0xffff  }
0x67: {  	v19 =	vld.idx.msk [tilespmem:v4+s3+$0x0], $0xffff  }
0x68: {  	v9 =	vand.u32 $0x3FFF, v20;
	v15 =	vpop (erf);
	v22 =	vld.idx.msk [tilespmem:v22+s12+$0x0], $0xffff;
	(erf) = vpow2.f32 v5;
	v11 =	vmul.f32 $9.999999770e-03, v6  }
0x69: {  	v16 =	vshra.s32 v20, $0xE;
	v5 =	vld [tilespmem:s21+$0x0];
	[tilespmem:s19+$0xFFFFFF90] =	vst v15;
	vm0 =	vgt.f32 v6, $0.0e+00  }
0x6a: {  	v18 =	vshra.s32 v25, $0xE;
	[tilespmem:v17+s14+$0x0] =	vst.idx.add.f32.msk $0xffff, v15;
	v17 =	vadd.f32 v21, v23;
	v6 =	vsel vm0, v6, v11  }
0x6b: {  	v23 =	vld [tilespmem:s21+$0xFFFFFFF0];
	v15 =	vand.u32 $0x3FFF, v28;
	v11 =	vshra.s32 v28, $0xE;
	v6 =	vmul.f32 $1.442695020e+00, v6  }
0x6c: {  	v21 =	vld [tilespmem:s21+$0xFFFFFFD0];
	v20 =	vmul.f32 $9.999999770e-03, v17;
	vm0 =	vgt.f32 v17, $0.0e+00;
	v30 =	vadd.f32 v14, v19  }
0x6d: {  	v26 =	vld.idx.msk [tilespmem:v9+s12+$0x0], $0xffff;
	v28 =	vadd.f32 v22, v29;
	v19 =	vand.u32 $0x3FFF, v24;
	(erf) = vpow2.f32 v6;
	v14 =	vpop (erf)  }
0x6e: {  	v31 =	vld.idx.msk [tilespmem:v16+s3+$0x0], $0xffff;
	v25 =	vsel vm0, v17, v20;
	v17 =	vshra.s32 v24, $0xE;
	v6 =	vshra.s32 v5, $0xE;
	[tilespmem:s19+$0xFFFFFFE0] =	vst v14;
	v24 =	vpop (erf)  }
0x6f: {  	s22 =	simm.s32 $0x80;
	s20 =	simm.s32 $0x11300;
	v29 =	vld.idx.msk [tilespmem:v18+s3+$0x0], $0xffff;
	v5 =	vand.u32 $0x3FFF, v5;
	vm0 =	vgt.f32 v30, $0.0e+00;
	v32 =	vmul.f32 $9.999999770e-03, v30;
	[tilespmem:s19+$0xFFFFFFF0] =	vst v24  }
.LBB2_6:
0x70: {  	s22 =	sadd.s32 $0x80, s22;
	v22 =	vshra.s32 v23, $0xE;
	v23 =	vand.u32 $0x3FFF, v23;
	v33 =	vmul.f32 $1.442695020e+00, v25;
	[tilespmem:v7+s14+$0x0] =	vst.idx.add.f32.msk $0xffff, v24;
	s19 =	sadd.s32 $0x80, s19  }
0x71: {  	v24 =	vshra.s32 v8, $0xE;
	v25 =	vand.u32 $0x3FFF, v8;
	p0 =	slt.u32 s22, $0x2680;
	v7 =	vld.idx.msk [tilespmem:v15+s12+$0x0], $0xffff;
	v8 =	vsel vm0, v30, v32;
	v30 =	vpop (erf)  }
0x72: {  	v20 =	vshra.s32 v21, $0xE;
	v21 =	vand.u32 $0x3FFF, v21;
	v32 =	vld.idx.msk [tilespmem:v11+s3+$0x0], $0xffff;
	[tilespmem:s20+$0x0] =	vst v30;
	(erf) = vpow2.f32 v33  }
0x73: {  	vm0 =	vgt.f32 v28, $0.0e+00;
	v8 =	vmul.f32 $1.442695020e+00, v8;
	v33 =	vmul.f32 $9.999999770e-03, v28;
	[tilespmem:v13+s14+$0x0] =	vst.idx.add.f32.msk $0xffff, v30  }
0x74: {  	v13 =	vadd.f32 v27, v29;
	v27 =	vld.idx.msk [tilespmem:v17+s3+$0x0], $0xffff  }
0x75: {  	v26 =	vadd.f32 v26, v31;
	v28 =	vsel vm0, v28, v33;
	v29 =	vld.idx.msk [tilespmem:v19+s12+$0x0], $0xffff;
	(erf) = vpow2.f32 v8  }
0x76: {  	v8 =	vmul.f32 $9.999999770e-03, v13;
	v28 =	vmul.f32 $1.442695020e+00, v28;
	v30 =	vld.idx.msk [tilespmem:v22+s3+$0x0], $0xffff;
	v31 =	vpop (erf)  }
0x77: {  	vm0 =	vgt.f32 v13, $0.0e+00;
	vm1 =	vgt.f32 v26, $0.0e+00;
	v34 =	vmul.f32 $9.999999770e-03, v26;
	v33 =	vld.idx.msk [tilespmem:v6+s3+$0x0], $0xffff;
	[tilespmem:s20+$0xFFFFFFB0] =	vst v31  }
0x78: {  	v8 =	vsel vm0, v13, v8;
	v7 =	vadd.f32 v7, v32;
	v13 =	vld.idx.msk [tilespmem:v20+s3+$0x0], $0xffff;
	(erf) = vpow2.f32 v28  }
0x79: {  	v32 =	vmul.f32 $1.442695020e+00, v8;
	v26 =	vsel vm1, v26, v34;
	[tilespmem:v10+s14+$0x0] =	vst.idx.add.f32.msk $0xffff, v31  }
0x7a: {  	v26 =	vmul.f32 $1.442695020e+00, v26;
	v28 =	vmul.f32 $9.999999770e-03, v7;
	v10 =	vld.idx.msk [tilespmem:v24+s3+$0x0], $0xffff  }
0x7b: {  	vm0 =	vgt.f32 v7, $0.0e+00;
	v27 =	vadd.f32 v29, v27;
	v31 =	vld.idx.msk [tilespmem:v25+s12+$0x0], $0xffff;
	(erf) = vpow2.f32 v32;
	v8 =	vpop (erf)  }
0x7c: {  	v7 =	vsel vm0, v7, v28;
	v29 =	vld.idx.msk [tilespmem:v5+s12+$0x0], $0xffff;
	(erf) = vpow2.f32 v26;
	[tilespmem:s20+$0xFFFFFFC0] =	vst v8  }
0x7d: {  	v26 =	vmul.f32 $9.999999770e-03, v27;
	v7 =	vmul.f32 $1.442695020e+00, v7;
	v28 =	vld.idx.msk [tilespmem:v23+s12+$0x0], $0xffff  }
0x7e: {  	vm0 =	vgt.f32 v27, $0.0e+00;
	[tilespmem:v3+s14+$0x0] =	vst.idx.add.f32.msk $0xffff, v8;
	v3 =	vpop (erf)  }
0x7f: {  	v8 =	vsel vm0, v27, v26;
	v32 =	vld.idx.msk [tilespmem:v21+s12+$0x0], $0xffff;
	(erf) = vpow2.f32 v7;
	[tilespmem:s20+$0xFFFFFFA0] =	vst v3  }
0x80: {  	v7 =	vmul.f32 $1.442695020e+00, v8;
	[tilespmem:v4+s14+$0x0] =	vst.idx.add.f32.msk $0xffff, v3  }
0x81: {  	s21 =	sadd.s32 $0x80, s21;
	v3 =	vadd.f32 v31, v10;
	[tilespmem:v1+s14+$0x0] =	vst.idx.add.f32.msk $0xffff, v14;
	v1 =	vpop (erf)  }
0x82: {  	v26 =	vadd.s32 $0x2710, v18;
	v8 =	vld [tilespmem:s21+$0xFFFFFFE0];
	(erf) = vpow2.f32 v7;
	[tilespmem:s20+$0xFFFFFFD0] =	vst v1;
	s20 =	smov.u32 s19  }
0x83: {  	v4 =	vadd.s32 $0x2710, v12;
	v7 =	vmul.f32 $9.999999770e-03, v3;
	v10 =	vadd.f32 v28, v30;
	[tilespmem:v2+s14+$0x0] =	vst.idx.add.f32.msk $0xffff, v1  }
0x84: {  	vm0 =	vgt.f32 v3, $0.0e+00;
	v1 =	vadd.f32 v29, v33;
	v2 =	vadd.s32 $0x2710, v9;
	v14 =	vld [tilespmem:s21+$0x30];
	v9 =	vpop (erf)  }
0x85: {  	v3 =	vsel vm0, v3, v7;
	v12 =	vmul.f32 $9.999999770e-03, v10;
	v7 =	vadd.s32 $0x2710, v16;
	v28 =	vld [tilespmem:s21+$0xFFFFFFC0];
	[tilespmem:s19+$0xFFFFD880] =	vst v9;
	v27 =	vpop (erf)  }
0x86: {  	vm0 =	vgt.f32 v10, $0.0e+00;
	[tilespmem:v18+s14+$0x0] =	vst.idx.add.f32.msk $0xffff, v9;
	v9 =	vadd.f32 v32, v13;
	v13 =	vmul.f32 $1.442695020e+00, v3  }
0x87: {  	v19 =	vadd.s32 $0x2710, v19;
	v10 =	vsel vm0, v10, v12;
	v12 =	vmul.f32 $9.999999770e-03, v1;
	v18 =	vld.idx.msk [tilespmem:v26+s3+$0x0], $0xffff;
	[tilespmem:s19+$0xFFFFD8E0] =	vst v27  }
0x88: {  	vm0 =	vgt.f32 v1, $0.0e+00;
	v30 =	vmul.f32 $1.442695020e+00, v10;
	v4 =	vld.idx.msk [tilespmem:v4+s12+$0x0], $0xffff;
	(erf) = vpow2.f32 v13;
	v3 =	vpop (erf)  }
0x89: {  	v13 =	vmul.f32 $9.999999770e-03, v9;
	v12 =	vsel vm0, v1, v12;
	v1 =	vadd.s32 $0x2710, v17;
	v29 =	vld [tilespmem:s21+$0x20];
	[tilespmem:s19+$0xFFFFD8F0] =	vst v3  }
0x8a: {  	vm0 =	vgt.f32 v9, $0.0e+00;
	v12 =	vmul.f32 $1.442695020e+00, v12;
	[tilespmem:v16+s14+$0x0] =	vst.idx.add.f32.msk $0xffff, v27;
	(erf) = vpow2.f32 v30  }
0x8b: {  	v9 =	vsel vm0, v9, v13;
	v16 =	vld.idx.msk [tilespmem:v7+s3+$0x0], $0xffff;
	v10 =	vpop (erf)  }
0x8c: {  	v15 =	vadd.s32 $0x2710, v15;
	v27 =	vmul.f32 $1.442695020e+00, v9;
	[tilespmem:s19+$0xFFFFD8D0] =	vst v10;
	v2 =	vld.idx.msk [tilespmem:v2+s12+$0x0], $0xffff;
	(erf) = vpow2.f32 v12  }
0x8d: {  	v13 =	vadd.s32 $0x2710, v11;
	[tilespmem:v17+s14+$0x0] =	vst.idx.add.f32.msk $0xffff, v10  }
0x8e: {  	v4 =	vadd.f32 v4, v18;
	v9 =	vand.u32 $0x3FFF, v29;
	v12 =	vld.idx.msk [tilespmem:v1+s3+$0x0], $0xffff  }
0x8f: {  	v10 =	vadd.s32 $0x2710, v24;
	v17 =	vld.idx.msk [tilespmem:v19+s12+$0x0], $0xffff  }
0x90: {  	v18 =	vmul.f32 $9.999999770e-03, v4;
	[tilespmem:v11+s14+$0x0] =	vst.idx.add.f32.msk $0xffff, v3;
	(erf) = vpow2.f32 v27  }
0x91: {  	vm0 =	vgt.f32 v4, $0.0e+00;
	v11 =	vadd.s32 $0x2710, v25;
	v15 =	vld.idx.msk [tilespmem:v15+s12+$0x0], $0xffff;
	v3 =	vpop (erf)  }
0x92: {  	v4 =	vsel vm0, v4, v18;
	v16 =	vadd.f32 v2, v16;
	[tilespmem:s19+$0xFFFFD8A0] =	vst v3;
	v18 =	vld.idx.msk [tilespmem:v13+s3+$0x0], $0xffff  }
0x93: {  	v27 =	vmul.f32 $1.442695020e+00, v4;
	[tilespmem:v24+s14+$0x0] =	vst.idx.add.f32.msk $0xffff, v3;
	v3 =	vadd.s32 $0x2710, v22;
	v19 =	vpop (erf)  }
0x94: {  	v23 =	vadd.s32 $0x2710, v23;
	v2 =	vadd.s32 $0x2710, v6;
	v25 =	vmul.f32 $9.999999770e-03, v16;
	v24 =	vld.idx.msk [tilespmem:v10+s3+$0x0], $0xffff;
	[tilespmem:s19+$0xFFFFD8B0] =	vst v19  }
0x95: {  	vm0 =	vgt.f32 v16, $0.0e+00;
	v17 =	vadd.f32 v17, v12;
	[tilespmem:v22+s14+$0x0] =	vst.idx.add.f32.msk $0xffff, v19;
	(erf) = vpow2.f32 v27;
	v4 =	vpop (erf)  }
0x96: {  	v16 =	vsel vm0, v16, v25;
	v11 =	vld.idx.msk [tilespmem:v11+s12+$0x0], $0xffff;
	[tilespmem:s19+$0xFFFFD8C0] =	vst v4  }
0x97: {  	v12 =	vand.u32 $0x3FFF, v28;
	v16 =	vmul.f32 $1.442695020e+00, v16;
	[tilespmem:v6+s14+$0x0] =	vst.idx.add.f32.msk $0xffff, v4;
	v6 =	vmul.f32 $9.999999770e-03, v17  }
0x98: {  	v19 =	vadd.s32 $0x2710, v21;
	vm0 =	vgt.f32 v17, $0.0e+00;
	v15 =	vadd.f32 v15, v18;
	v21 =	vld.idx.msk [tilespmem:v3+s3+$0x0], $0xffff  }
0x99: {  	v4 =	vadd.s32 $0x2710, v20;
	v22 =	vld.idx.msk [tilespmem:v2+s3+$0x0], $0xffff;
	v6 =	vsel vm0, v17, v6;
	v17 =	vpop (erf)  }
0x9a: {  	v5 =	vadd.s32 $0x2710, v5;
	[tilespmem:s19+$0xFFFFD890] =	vst v17;
	v18 =	vld.idx.msk [tilespmem:v23+s12+$0x0], $0xffff;
	v6 =	vmul.f32 $1.442695020e+00, v6;
	v23 =	vmul.f32 $9.999999770e-03, v15  }
0x9b: {  	vm0 =	vgt.f32 v15, $0.0e+00;
	[tilespmem:v20+s14+$0x0] =	vst.idx.add.f32.msk $0xffff, v17  }
0x9c: {  	v11 =	vadd.f32 v11, v24;
	v27 =	vld.idx.msk [tilespmem:v12+s12+$0x0], $0xffff;
	v15 =	vsel vm0, v15, v23;
	(erf) = vpow2.f32 v6  }
0x9d: {  	v6 =	vld.idx.msk [tilespmem:v19+s12+$0x0], $0xffff;
	v15 =	vmul.f32 $1.442695020e+00, v15;
	(erf) = vpow2.f32 v16  }
0x9e: {  	v16 =	vmul.f32 $9.999999770e-03, v11;
	v17 =	vld.idx.msk [tilespmem:v4+s3+$0x0], $0xffff;
	v19 =	vpop (erf)  }
0x9f: {  	vm0 =	vgt.f32 v11, $0.0e+00;
	[tilespmem:s19+$0xFFFFFF90] =	vst v19;
	v5 =	vld.idx.msk [tilespmem:v5+s12+$0x0], $0xffff  }
0xa0: {  	v11 =	vsel vm0, v11, v16;
	[tilespmem:v26+s14+$0x0] =	vst.idx.add.f32.msk $0xffff, v19;
	v19 =	vadd.f32 v18, v21;
	(erf) = vpow2.f32 v15  }
0xa1: {  	v18 =	vshra.s32 v28, $0xE;
	v20 =	vld [tilespmem:s21+$0x10]  }
0xa2: {  	v16 =	vshra.s32 v29, $0xE;
	v24 =	vmul.f32 $1.442695020e+00, v11;
	v31 =	vld [tilespmem:s21+$0x0];
	v25 =	vmul.f32 $9.999999770e-03, v19  }
.Ltmp2:
0xa3: {  	vm0 =	vgt.f32 v19, $0.0e+00;
	v23 =	vld [tilespmem:s21+$0xFFFFFFF0];
	(pc) =	sbr.rel @p0 .LBB2_6-.Ltmp2, $4  }
0xa4: {  	v11 =	vshra.s32 v14, $0xE;
	v15 =	vand.u32 $0x3FFF, v14;
	v30 =	vadd.f32 v6, v17;
	v26 =	vld.idx.msk [tilespmem:v9+s12+$0x0], $0xffff  }
0xa5: {  	v25 =	vsel vm0, v19, v25;
	v28 =	vadd.f32 v5, v22;
	v21 =	vld [tilespmem:s21+$0xFFFFFFD0];
	(erf) = vpow2.f32 v24;
	v14 =	vpop (erf)  }
0xa6: {  	vm0 =	vgt.f32 v30, $0.0e+00;
	v29 =	vld.idx.msk [tilespmem:v18+s3+$0x0], $0xffff;
	v17 =	vshra.s32 v20, $0xE;
	v19 =	vand.u32 $0x3FFF, v20;
	[tilespmem:s19+$0xFFFFFFE0] =	vst v14;
	v24 =	vpop (erf)  }
0xa7: {  	v32 =	vmul.f32 $9.999999770e-03, v30;
	v6 =	vshra.s32 v31, $0xE;
	v5 =	vand.u32 $0x3FFF, v31;
	v31 =	vld.idx.msk [tilespmem:v16+s3+$0x0], $0xffff;
	[tilespmem:s19+$0xFFFFFFF0] =	vst v24  }
0xa8: {  	_ =	sdelay $0x3  }
0xa9: {  	v20 =	vshra.s32 v23, $0xE;
	v22 =	vand.u32 $0x3FFF, v23;
	v50 =	vld.idx.msk [tilespmem:v15+s12+$0x0], $0xffff  }
0xaa: {  	v25 =	vmul.f32 $1.442695020e+00, v25;
	v33 =	vshra.s32 v8, $0xE;
	v34 =	vand.u32 $0x3FFF, v8;
	v35 =	vld.idx.msk [tilespmem:v11+s3+$0x0], $0xffff  }
0xab: {  	v52 =	vmul.f32 $9.999999770e-03, v28;
	v53 =	vld.idx.msk [tilespmem:v17+s3+$0x0], $0xffff;
	v51 =	vsel vm0, v30, v32;
	v27 =	vadd.f32 v27, v29  }
0xac: {  	vm10 =	vgt.f32 v28, $0.0e+00;
	v55 =	vld.idx.msk [tilespmem:v19+s12+$0x0], $0xffff;
	(erf) = vpow2.f32 v25;
	v54 =	vmul.f32 $1.442695020e+00, v51  }
0xad: {  	v28 =	vsel vm10, v28, v52;
	v8 =	vshra.s32 v21, $0xE;
	v56 =	vmul.f32 $9.999999770e-03, v27  }
0xae: {  	v21 =	vand.u32 $0x3FFF, v21;
	v26 =	vadd.f32 v26, v31;
	vm11 =	vgt.f32 v27, $0.0e+00  }
0xaf: {  	v57 =	vmul.f32 $1.442695020e+00, v28;
	(erf) = vpow2.f32 v54;
	v27 =	vsel vm11, v27, v56  }
0xb0: {  	v63 =	vld.idx.msk [tilespmem:v6+s3+$0x0], $0xffff;
	v23 =	vadd.f32 v50, v35;
	v59 =	vmul.f32 $9.999999770e-03, v26;
	v27 =	vmul.f32 $1.442695020e+00, v27  }
0xb1: {  	(erf) = vpow2.f32 v57;
	v60 =	vld.idx.msk [tilespmem:v33+s3+$0x0], $0xffff;
	v29 =	vadd.f32 v55, v53;
	vm12 =	vgt.f32 v26, $0.0e+00  }
0xb2: {  	v62 =	vld.idx.msk [tilespmem:v34+s12+$0x0], $0xffff;
	v61 =	vmul.f32 $9.999999770e-03, v23;
	v26 =	vsel vm12, v26, v59;
	(erf) = vpow2.f32 v27  }
0xb3: {  	v58 =	vld.idx.msk [tilespmem:v20+s3+$0x0], $0xffff;
	vm13 =	vgt.f32 v23, $0.0e+00;
	v32 =	vmul.f32 $9.999999770e-03, v29;
	v26 =	vmul.f32 $1.442695020e+00, v26  }
0xb4: {  	v36 =	vld.idx.msk [tilespmem:v22+s12+$0x0], $0xffff;
	vm14 =	vgt.f32 v29, $0.0e+00;
	v23 =	vsel vm13, v23, v61  }
0xb5: {  	v37 =	vld.idx.msk [tilespmem:v5+s12+$0x0], $0xffff;
	v29 =	vsel vm14, v29, v32;
	v23 =	vmul.f32 $1.442695020e+00, v23;
	(erf) = vpow2.f32 v26  }
0xb6: {  	[tilespmem:v7+s14+$0x0] =	vst.idx.add.f32.msk $0xffff, v24;
	v38 =	vpop (erf);
	v39 =	vmul.f32 $1.442695020e+00, v29  }
0xb7: {  	v40 =	vpop (erf);
	v41 =	vld.idx.msk [tilespmem:v8+s3+$0x0], $0xffff;
	v42 =	vadd.f32 v62, v60;
	(erf) = vpow2.f32 v23  }
0xb8: {  	[tilespmem:s20+$0x0] =	vst v38;
	v43 =	vld.idx.msk [tilespmem:v21+s12+$0x0], $0xffff;
	v25 =	vpop (erf);
	(erf) = vpow2.f32 v39  }
0xb9: {  	v7 =	vadd.s32 $0x2710, v18;
	[tilespmem:v13+s14+$0x0] =	vst.idx.add.f32.msk $0xffff, v38;
	v28 =	vadd.f32 v36, v58;
	v44 =	vmul.f32 $9.999999770e-03, v42;
	v13 =	vpop (erf)  }
0xba: {  	v12 =	vadd.s32 $0x2710, v12;
	v45 =	vadd.s32 $0x2710, v9;
	[tilespmem:s20+$0xFFFFFFB0] =	vst v40;
	vm15 =	vgt.f32 v42, $0.0e+00;
	v30 =	vpop (erf)  }
0xbb: {  	s19 =	sadd.s32 $0x80, s19;
	[tilespmem:v10+s14+$0x0] =	vst.idx.add.f32.msk $0xffff, v40;
	v26 =	vadd.f32 v37, v63;
	v47 =	vmul.f32 $9.999999770e-03, v28;
	v23 =	vsel vm15, v42, v44;
	v46 =	vpop (erf)  }
0xbc: {  	v9 =	vadd.s32 $0x2710, v16;
	vm4 =	vgt.f32 v28, $0.0e+00;
	v23 =	vmul.f32 $1.442695020e+00, v23;
	[tilespmem:s19+$0xFFFFD880] =	vst v46  }
0xbd: {  	v48 =	vadd.f32 v43, v41;
	v50 =	vmul.f32 $9.999999770e-03, v26;
	v49 =	vsel vm4, v28, v47;
	[tilespmem:v18+s14+$0x0] =	vst.idx.add.f32.msk $0xffff, v46  }
0xbe: {  	v24 =	vmul.f32 $1.442695020e+00, v49;
	(erf) = vpow2.f32 v23;
	v51 =	vpop (erf);
	v52 =	vld.idx.msk [tilespmem:v7+s3+$0x0], $0xffff  }
0xbf: {  	v59 =	vadd.s32 $0x2710, v15;
	vm5 =	vgt.f32 v26, $0.0e+00;
	v54 =	vmul.f32 $9.999999770e-03, v48;
	[tilespmem:s19+$0xFFFFD8E0] =	vst v51;
	v12 =	vld.idx.msk [tilespmem:v12+s12+$0x0], $0xffff  }
0xc0: {  	vm6 =	vgt.f32 v48, $0.0e+00;
	v26 =	vsel vm5, v26, v50;
	(erf) = vpow2.f32 v24;
	v55 =	vpop (erf);
	[tilespmem:v16+s14+$0x0] =	vst.idx.add.f32.msk $0xffff, v51  }
0xc1: {  	v31 =	vadd.s32 $0x2710, v17;
	v56 =	vmul.f32 $1.442695020e+00, v26;
	v18 =	vsel vm6, v48, v54;
	v58 =	vpop (erf);
	[tilespmem:s19+$0xFFFFD8F0] =	vst v55;
	v57 =	vld.idx.msk [tilespmem:v9+s3+$0x0], $0xffff  }
0xc2: {  	v53 =	vadd.s32 $0x2710, v19;
	v18 =	vmul.f32 $1.442695020e+00, v18;
	[tilespmem:s19+$0xFFFFD8D0] =	vst v58;
	v10 =	vld.idx.msk [tilespmem:v45+s12+$0x0], $0xffff  }
0xc3: {  	(erf) = vpow2.f32 v56;
	v16 =	vadd.s32 $0x2710, v11;
	[tilespmem:v11+s14+$0x0] =	vst.idx.add.f32.msk $0xffff, v55  }
0xc4: {  	[tilespmem:v17+s14+$0x0] =	vst.idx.add.f32.msk $0xffff, v58;
	(erf) = vpow2.f32 v18  }
0xc5: {  	v18 =	vadd.s32 $0x2710, v33;
	v15 =	vld.idx.msk [tilespmem:v59+s12+$0x0], $0xffff  }
0xc6: {  	v17 =	vld.idx.msk [tilespmem:v31+s3+$0x0], $0xffff  }
0xc7: {  	v61 =	vadd.s32 $0x2710, v34;
	v19 =	vld.idx.msk [tilespmem:v53+s12+$0x0], $0xffff;
	v62 =	vpop (erf)  }
0xc8: {  	v36 =	vadd.s32 $0x2710, v20;
	[tilespmem:s19+$0xFFFFD8A0] =	vst v62;
	v63 =	vld.idx.msk [tilespmem:v16+s3+$0x0], $0xffff  }
0xc9: {  	v22 =	vadd.s32 $0x2710, v22;
	v38 =	vpop (erf);
	[tilespmem:v33+s14+$0x0] =	vst.idx.add.f32.msk $0xffff, v62  }
0xca: {  	v60 =	vadd.f32 v12, v52;
	[tilespmem:s19+$0xFFFFD8B0] =	vst v38;
	v39 =	vld.idx.msk [tilespmem:v18+s3+$0x0], $0xffff  }
0xcb: {  	v40 =	vadd.s32 $0x2710, v21;
	[tilespmem:v20+s14+$0x0] =	vst.idx.add.f32.msk $0xffff, v38  }
0xcc: {  	v42 =	vadd.s32 $0x2710, v8;
	v41 =	vpop (erf);
	v37 =	vmul.f32 $9.999999770e-03, v60;
	v12 =	vld.idx.msk [tilespmem:v61+s12+$0x0], $0xffff  }
0xcd: {  	vm7 =	vgt.f32 v60, $0.0e+00;
	v17 =	vadd.f32 v19, v17;
	v43 =	vld.idx.msk [tilespmem:v36+s3+$0x0], $0xffff;
	v44 =	vpop (erf)  }
0xce: {  	v48 =	vadd.s32 $0x2710, v5;
	v45 =	vadd.s32 $0x2710, v6;
	v22 =	vld.idx.msk [tilespmem:v22+s12+$0x0], $0xffff;
	v11 =	vsel vm7, v60, v37;
	[tilespmem:s19+$0xFFFFD890] =	vst v44  }
0xcf: {  	v10 =	vadd.f32 v10, v57;
	v11 =	vmul.f32 $1.442695020e+00, v11;
	v47 =	vmul.f32 $9.999999770e-03, v17;
	[tilespmem:v8+s14+$0x0] =	vst.idx.add.f32.msk $0xffff, v44  }
0xd0: {  	vm8 =	vgt.f32 v17, $0.0e+00;
	v15 =	vadd.f32 v15, v63;
	v50 =	vld.idx.msk [tilespmem:v40+s12+$0x0], $0xffff  }
0xd1: {  	[tilespmem:s19+$0xFFFFD8C0] =	vst v41;
	v46 =	vmul.f32 $9.999999770e-03, v10;
	(erf) = vpow2.f32 v11;
	v49 =	vsel vm8, v17, v47;
	v52 =	vld.idx.msk [tilespmem:v42+s3+$0x0], $0xffff  }
0xd2: {  	vm1 =	vgt.f32 v10, $0.0e+00;
	[tilespmem:v6+s14+$0x0] =	vst.idx.add.f32.msk $0xffff, v41;
	v51 =	vmul.f32 $9.999999770e-03, v15;
	v8 =	vmul.f32 $1.442695020e+00, v49  }
0xd3: {  	v55 =	vld.idx.msk [tilespmem:v45+s3+$0x0], $0xffff;
	v10 =	vsel vm1, v10, v46;
	vm9 =	vgt.f32 v15, $0.0e+00;
	v54 =	vadd.f32 v12, v39  }
0xd4: {  	v5 =	vld.idx.msk [tilespmem:v48+s12+$0x0], $0xffff;
	v53 =	vmul.f32 $1.442695020e+00, v10;
	v15 =	vsel vm9, v15, v51;
	(erf) = vpow2.f32 v8  }
0xd5: {  	[tilespmem:v1+s14+$0x0] =	vst.idx.add.f32.msk $0xffff, v14;
	v56 =	vadd.f32 v22, v43;
	v57 =	vmul.f32 $9.999999770e-03, v54;
	v15 =	vmul.f32 $1.442695020e+00, v15  }
0xd6: {  	[tilespmem:s20+$0xFFFFFFC0] =	vst v25;
	vm10 =	vgt.f32 v54, $0.0e+00;
	(erf) = vpow2.f32 v53;
	v59 =	vadd.f32 v50, v52  }
0xd7: {  	[tilespmem:v3+s14+$0x0] =	vst.idx.add.f32.msk $0xffff, v25;
	v58 =	vmul.f32 $9.999999770e-03, v56;
	v3 =	vsel vm10, v54, v57;
	(erf) = vpow2.f32 v15  }
0xd8: {  	[tilespmem:s20+$0xFFFFFFA0] =	vst v13;
	vm11 =	vgt.f32 v56, $0.0e+00;
	v3 =	vmul.f32 $1.442695020e+00, v3;
	v60 =	vmul.f32 $9.999999770e-03, v59  }
0xd9: {  	[tilespmem:v4+s14+$0x0] =	vst.idx.add.f32.msk $0xffff, v13;
	v1 =	vadd.f32 v5, v55;
	v6 =	vsel vm11, v56, v58;
	vm12 =	vgt.f32 v59, $0.0e+00  }
0xda: {  	[tilespmem:s20+$0xFFFFFFD0] =	vst v30;
	v6 =	vmul.f32 $1.442695020e+00, v6;
	(erf) = vpow2.f32 v3;
	v3 =	vsel vm12, v59, v60  }
0xdb: {  	[tilespmem:v2+s14+$0x0] =	vst.idx.add.f32.msk $0xffff, v30;
	v61 =	vpop (erf);
	v2 =	vmul.f32 $1.442695020e+00, v3;
	v3 =	vmul.f32 $9.999999770e-03, v1  }
0xdc: {  	vm13 =	vgt.f32 v1, $0.0e+00;
	(erf) = vpow2.f32 v6;
	[tilespmem:s19+$0xFFFFFF90] =	vst v61  }
0xdd: {  	[tilespmem:v7+s14+$0x0] =	vst.idx.add.f32.msk $0xffff, v61;
	v62 =	vpop (erf);
	v1 =	vsel vm13, v1, v3  }
0xde: {  	[tilespmem:s19+$0xFFFFFFE0] =	vst v62;
	(erf) = vpow2.f32 v2;
	v1 =	vmul.f32 $1.442695020e+00, v1  }
0xdf: {  	[tilespmem:v31+s14+$0x0] =	vst.idx.add.f32.msk $0xffff, v62;
	v2 =	vpop (erf)  }
0xe0: {  	[tilespmem:s19+$0xFFFFFFF0] =	vst v2;
	(erf) = vpow2.f32 v1  }
0xe1: {  	[tilespmem:v9+s14+$0x0] =	vst.idx.add.f32.msk $0xffff, v2;
	v2 =	vpop (erf)  }
0xe2: {  	[tilespmem:s19+$0x0] =	vst v2  }
0xe3: {  	v1 =	vpop (erf);
	[tilespmem:v16+s14+$0x0] =	vst.idx.add.f32.msk $0xffff, v2  }
0xe4: {  	[tilespmem:s19+$0xFFFFFFB0] =	vst v1  }
0xe5: {  	[tilespmem:v18+s14+$0x0] =	vst.idx.add.f32.msk $0xffff, v1;
	v1 =	vpop (erf)  }
0xe6: {  	[tilespmem:s19+$0xFFFFFFC0] =	vst v1  }
0xe7: {  	[tilespmem:v36+s14+$0x0] =	vst.idx.add.f32.msk $0xffff, v1;
	v1 =	vpop (erf)  }
0xe8: {  	[tilespmem:s19+$0xFFFFFFA0] =	vst v1  }
0xe9: {  	[tilespmem:v42+s14+$0x0] =	vst.idx.add.f32.msk $0xffff, v1;
	v1 =	vpop (erf)  }
0xea: {  	[tilespmem:s19+$0xFFFFFFD0] =	vst v1  }
0xeb: {  	[tilespmem:v45+s14+$0x0] =	vst.idx.add.f32.msk $0xffff, v1  }
0xec: {  	v1 =	vld [tilespmem:$0x16100];
	_ =	sdelay $0x4  }
0xed: {  	v2 =	vshra.s32 v1, $0xE  }
0xee: {  	v1 =	vand.u32 $0x3FFF, v1;
	_ =	sdelay $0x3  }
0xef: {  	v3 =	vld.idx.msk [tilespmem:v2+s3+$0x0], $0xffff  }
0xf0: {  	v4 =	vld.idx.msk [tilespmem:v1+s12+$0x0], $0xffff;
	_ =	sdelay $0x4  }
0xf1: {  	v3 =	vadd.f32 v4, v3;
	_ =	sdelay $0x1  }
0xf2: {  	v4 =	vmul.f32 $9.999999770e-03, v3  }
0xf3: {  	vm14 =	vgt.f32 v3, $0.0e+00  }
0xf4: {  	v3 =	vsel vm14, v3, v4  }
0xf5: {  	v3 =	vmul.f32 $1.442695020e+00, v3;
	_ =	sdelay $0x1  }
0xf6: {  	(erf) = vpow2.f32 v3;
	_ =	sdelay $0x6  }
0xf7: {  	v3 =	vadd.s32 $0x2710, v2  }
0xf8: {  	v1 =	vadd.s32 $0x2710, v1  }
0xf9: {  	v63 =	vpop (erf)  }
0xfa: {  	[tilespmem:$0x11280] =	vst v63  }
0xfb: {  	[tilespmem:v2+s14+$0x0] =	vst.idx.add.f32.msk $0xffff, v63  }
0xfc: {  	v2 =	vld.idx.msk [tilespmem:v3+s3+$0x0], $0xffff  }
0xfd: {  	v1 =	vld.idx.msk [tilespmem:v1+s12+$0x0], $0xffff;
	_ =	sdelay $0x4  }
0xfe: {  	v1 =	vadd.f32 v1, v2;
	_ =	sdelay $0x1  }
0xff: {  	v2 =	vmul.f32 $9.999999770e-03, v1  }
0x100: {  	vm15 =	vgt.f32 v1, $0.0e+00  }
0x101: {  	v1 =	vsel vm15, v1, v2  }
0x102: {  	v1 =	vmul.f32 $1.442695020e+00, v1;
	_ =	sdelay $0x1  }
0x103: {  	(erf) = vpow2.f32 v1;
	_ =	sdelay $0x8  }
0x104: {  	v1 =	vpop (erf)  }
0x105: {  	[tilespmem:$0x13990] =	vst v1  }
0x106: {  	[tilespmem:v3+s14+$0x0] =	vst.idx.add.f32.msk $0xffff, v1  }
0x107: {  	[hbm4b:s6+s3] =	stream.linear.scatter [tilespmem:s15], [sflag:$0x1], $0x2710, $0x38;
	[tilespmem:$0x16180] =	vst v63  }
0x108: {  	_ =	swait.ge [sflag:s11], $0x2710  }
0x109: {  	[sflag:s11] =	ssyncset.done $0x0  }
0x10a: {  	[sflag:s11] =	ssyncadd.s32 $0xFFFFD8F0  }
0x10b: {  	[hbm4b:s7+s3] =	stream.linear.scatter [tilespmem:s16], [sflag:$0x1], $0x2710, $0x38;
	[tilespmem:$0x16180] =	vst v63  }
0x10c: {  	_ =	swait.ge [sflag:s11], $0x2710  }
0x10d: {  	[sflag:s11] =	ssyncset.done $0x0  }
0x10e: {  	[sflag:s11] =	ssyncadd.s32 $0xFFFFD8F0  }
0x10f: {  	[hbm4b:s8+s3] =	stream.linear.scatter [tilespmem:s14], [sflag:$0x1], $0x2710, $0x38;
	[tilespmem:$0x16180] =	vst v63  }
0x110: {  	s18 =	sadd.s32 $0x1, s18;
	_ =	swait.ge [sflag:s11], $0x2710  }
0x111: {  	p0 =	sne.s32 s18, s10;
	[sflag:s11] =	ssyncset.done $0x0  }
.Ltmp3:
0x112: {  	[sflag:s11] =	ssyncadd.s32 $0xFFFFD8F0;
	(pc) =	sbr.rel @p0 .LBB2_1-.Ltmp3, $4  }
0x113: {  	[hbm4b:s9+s3] =	stream.linear.scatter [tilespmem:s17], [sflag:$0x1], $0x2710, $0x38;
	[tilespmem:$0x16180] =	vst v63  }
0x114: {  	_ =	swait.ge [sflag:s11], $0x2710  }
0x115: {  	[sflag:s11] =	ssyncset.done $0x0  }
0x116: {  	[sflag:s11] =	ssyncadd.s32 $0xFFFFD8F0  }
0x117: {  	_ =	sfence.sel $0x180000  }
0x118: {  	[bflag:$0x0] =	sbarrier.arrive $0xFFFF  }
0x119: {  	p0 =	sne.s32 s0, $0x0;
	_ =	strace $0x9000004D  }
0x11a: {  	s0 =	sadd.s32 @!p0 $0x100000, s1;
	[bflag:$0x2] =	sbarrier.arrive $0xFFFF  }
0x11b: {  	[sflag:s0] =	ssyncadd.tile.s32 @!p0 $0x1;
	_ =	shalt  }
.Lfunc_end2:
_tile_overlayer_lowered:
.L_overlay_start_2:
0x11c: {  	(tag) =	ssettag $0x2  }
0x11d: {  	s0 =	rddreg [dreg:$0x0];
	s2 =	stileid.u32  }
0x11e: {  	s1 =	rddreg [dreg:$0x1];
	p0 =	sne.s32 s2, $0x0  }
0x11f: {  	s3 =	rddreg [dreg:$0x2];
	[bflag:$0x3] =	sbarrier.arrive $0xFFFF;
	s2 =	simm.s32 @!p0 $0x1C01  }
0x120: {  	[timem:s3], [sflag:s2] =	dma.local @!p0 [hbm:s0], s1  }
0x121: {  	s0 =	simm.s32 @!p0 $0x1  }
0x122: {  	_ =	swait.ge @!p0 [sflag:s0], s1  }
0x123: {  	s1 =	ssub.s32 @!p0 $0x0, s1;
	[sflag:s0] =	ssyncset.done @!p0 $0x0  }
0x124: {  	[sflag:s0] =	ssyncadd.s32 @!p0 s1  }
0x125: {  	[bflag:$0x3] =	sbarrier.arrive $0xFFFF  }
0x126: {  	_ =	shalt  }

// kernel: kernel.18.cloned.1.call-start
scs
__scs_entry_jumppad:
0x0: {  	(pc) =	sbr.rel $0x88, $3  }
0x1: {  	(tag) =	ssettag $0x0;
	lr =	simm.s32 $0x1  }
0x2: {  	[smem:$0x3F93] =	sst lr;
	_ =	strace $0xD0000000  }
0x3: {  	_ = 	snop  }
0x4: {  	_ = 	snop  }
0x5: {  	_ = 	snop  }
0x6: {  	_ = 	snop  }
0x7: {  	_ = 	snop  }
__scs_overlays_trampoline_lowered:
0x8: {  	[smem:$0x3FA2] =	sst s0  }
0x9: {  	[smem:$0x3FA3] =	sst s1  }
0xa: {  	[smem:$0x3FA4] =	sst s2  }
0xb: {  	[smem:$0x3FA5] =	sst s3  }
0xc: {  	[smem:$0x3FA6] =	sst s4  }
0xd: {  	[smem:$0x3FA7] =	sst s5  }
0xe: {  	[smem:$0x3FA8] =	sst s6  }
0xf: {  	[smem:$0x3FA9] =	sst s7  }
0x10: {  	[smem:$0x3FAA] =	sst s8  }
0x11: {  	[smem:$0x3FAB] =	sst s9;
	s0 =	simm.s32 @!p0 $0x0  }
0x12: {  	s1 =	sld [smem:$0x3F91];
	s0 =	simm.s32 @p0 $0x1  }
0x13: {  	[smem:$0x3FAC] =	sst s0;
	s0 =	simm.s32 @!p1 $0x0  }
0x14: {  	s2 =	sld [smem:$0x3F90];
	s0 =	simm.s32 @p1 $0x1  }
0x15: {  	[smem:$0x3FAD] =	sst s0;
	s0 =	simm.s32 @!p2 $0x0  }
0x16: {  	s3 =	sld [smem:$0x3FDB];
	s0 =	simm.s32 @p2 $0x1  }
0x17: {  	s4 =	simm.s32 $0x1BF5;
	[smem:$0x3FAF] =	sst s0  }
0x18: {  	s0 =	sld [smem:$0x3F92];
	_ =	swait.ge [sflag:s4], $0x0  }
0x19: {  	s7 =	sld [smem:$0x3F93]  }
0x1a: {  	s8 =	sadd.s32 $0xFFFFE003, lr  }
0x1b: {  	s9 =	sadd.s32 $0xFFFFFEF7, lr;
	s5 =	simm.s32 $0xFFFFFFFF;
	p2 =	slt.u32 s8, $0xFFFFF086  }
0x1c: {  	p1 =	slt.u32 s9, $0xF7A;
	s5 =	simm.s32 @!p2 $0x0  }
0x1d: {  	s5 =	simm.s32 @p1 $0x1;
	p0 =	seq.s32 s7, s2  }
0x1e: {  	s7 =	smul.u32 @!p0 $0xF7A, s2;
	p2 =	seq.s32 @!p0 s5, $0x0  }
0x1f: {  	s9 =	smul.u32 $0xF7A, s1;
	s8 =	simm.s32 @!p0 $0x1BF5;
	p2 =	por !p2, p0  }
0x20: {  	[sflag:s8] =	ssyncset.s32 @!p0 $0xFFFFF086;
	s6 =	sadd.s32 @!p0 s3, s7;
	s7 =	simm.s32 @!p0 $0x108  }
0x21: {  	s3 =	sadd.s32 s3, s9;
	s6 =	sadd.s32 @!p0 $0x88, s6;
	s7 =	simm.s32 @p2 $0x1082  }
0x22: {  	[simem:s7], [sflag:s8] =	dma.local @!p0 [hbm:s6], $0xF7A  }
0x23: {  	s9 =	sor.u32 $0xD0000000, s2;
	s6 =	simm.s32 $0x108;
	_ =	swait.ge @!p0 [sflag:s8], $0x0  }
0x24: {  	s3 =	sadd.s32 $0x88, s3;
	s6 =	simm.s32 @!p1 $0x1082;
	[sflag:s4] =	ssyncset.s32 $0xFFFFF086  }
0x25: {  	[simem:s6], [sflag:s4] =	dma.local [hbm:s3], $0xF7A  }
0x26: {  	[smem:$0x3F93] =	sst s1;
	(tag) =	ssettag s2;
	_ =	strace s9  }
0x27: {  	s1 =	sld [smem:$0x3FA3]  }
0x28: {  	s2 =	sld [smem:$0x3FA4]  }
0x29: {  	s4 =	sld [smem:$0x3FA6]  }
0x2a: {  	p0 =	seq.s32 s5, $0x0;
	s5 =	sld [smem:$0x3FA7]  }
0x2b: {  	s6 =	sld [smem:$0x3FA8]  }
0x2c: {  	s7 =	sld [smem:$0x3FA9]  }
0x2d: {  	s3 =	simm.s32 $0x108;
	s8 =	sld [smem:$0x3FAA]  }
0x2e: {  	s3 =	simm.s32 @!p0 $0x1082;
	s9 =	sld [smem:$0x3FAB]  }
0x2f: {  	lr =	sadd.s32 s0, s3;
	s0 =	sld [smem:$0x3FA2]  }
0x30: {  	s3 =	sld [smem:$0x3FA5]  }
0x31: {  	[smem:$0x3FAE] =	sst s10  }
0x32: {  	s10 =	sld [smem:$0x3FAC];
	_ =	sdelay $0x3  }
0x33: {  	p0 =	seq.s32 s10, $0x1;
	s10 =	sld [smem:$0x3FAE];
	_ =	sdelay $0x3  }
0x34: {  	[smem:$0x3FAE] =	sst s10  }
0x35: {  	s10 =	sld [smem:$0x3FAD];
	_ =	sdelay $0x3  }
0x36: {  	p1 =	seq.s32 s10, $0x1;
	s10 =	sld [smem:$0x3FAE];
	_ =	sdelay $0x3  }
0x37: {  	[smem:$0x3FAE] =	sst s10  }
0x38: {  	s10 =	sld [smem:$0x3FAF]  }
0x39: {  	_ = 	snop;
	(pc) =	sbr.ind lr, $3  }
0x3a: {  	_ = 	snop  }
0x3b: {  	_ = 	snop  }
0x3c: {  	p2 =	seq.s32 s10, $0x1;
	s10 =	sld [smem:$0x3FAE]  }
0x3d: {  	_ =	shalt  }
0x3e: {  	_ =	shalt  }
0x3f: {  	_ =	shalt  }
0x40: {  	_ =	shalt  }
0x41: {  	_ =	shalt  }
0x42: {  	_ =	shalt  }
0x43: {  	_ =	shalt  }
0x44: {  	_ =	shalt  }
0x45: {  	_ =	shalt  }
0x46: {  	_ =	shalt  }
0x47: {  	_ =	shalt  }
0x48: {  	_ =	shalt  }
0x49: {  	_ =	shalt  }
0x4a: {  	_ =	shalt  }
0x4b: {  	_ =	shalt  }
0x4c: {  	_ =	shalt  }
0x4d: {  	_ =	shalt  }
0x4e: {  	_ =	shalt  }
0x4f: {  	_ =	shalt  }
0x50: {  	_ =	shalt  }
0x51: {  	_ =	shalt  }
0x52: {  	_ =	shalt  }
0x53: {  	_ =	shalt  }
0x54: {  	_ =	shalt  }
0x55: {  	_ =	shalt  }
0x56: {  	_ =	shalt  }
0x57: {  	_ =	shalt  }
0x58: {  	_ =	shalt  }
0x59: {  	_ =	shalt  }
0x5a: {  	_ =	shalt  }
0x5b: {  	_ =	shalt  }
0x5c: {  	_ =	shalt  }
0x5d: {  	_ =	shalt  }
0x5e: {  	_ =	shalt  }
0x5f: {  	_ =	shalt  }
0x60: {  	_ =	shalt  }
0x61: {  	_ =	shalt  }
0x62: {  	_ =	shalt  }
0x63: {  	_ =	shalt  }
0x64: {  	_ =	shalt  }
0x65: {  	_ =	shalt  }
0x66: {  	_ =	shalt  }
0x67: {  	_ =	shalt  }
0x68: {  	_ =	shalt  }
0x69: {  	_ =	shalt  }
0x6a: {  	_ =	shalt  }
0x6b: {  	_ =	shalt  }
0x6c: {  	_ =	shalt  }
0x6d: {  	_ =	shalt  }
0x6e: {  	_ =	shalt  }
0x6f: {  	_ =	shalt  }
0x70: {  	_ =	shalt  }
0x71: {  	_ =	shalt  }
0x72: {  	_ =	shalt  }
0x73: {  	_ =	shalt  }
0x74: {  	_ =	shalt  }
0x75: {  	_ =	shalt  }
0x76: {  	_ =	shalt  }
0x77: {  	_ =	shalt  }
0x78: {  	_ =	shalt  }
0x79: {  	_ =	shalt  }
0x7a: {  	_ =	shalt  }
0x7b: {  	_ =	shalt  }
0x7c: {  	_ =	shalt  }
0x7d: {  	_ =	shalt  }
0x7e: {  	_ =	shalt  }
0x7f: {  	_ =	shalt  }
0x80: {  	_ =	shalt  }
0x81: {  	_ =	shalt  }
0x82: {  	_ =	shalt  }
0x83: {  	_ =	shalt  }
0x84: {  	_ =	shalt  }
0x85: {  	_ =	shalt  }
0x86: {  	_ =	shalt  }
0x87: {  	_ =	shalt  }
.Lfunc_end0:
.L_simem_size_0:
called_computation.3_lowered:
.L_overlay_start_0:
0x88: {  	s2 =	sld [smem:$0x3FD9]  }
0x89: {  	s3 =	sld [smem:$0x3FFE];
	_ =	sdelay $0x1  }
0x8a: {  	s1 =	srdreg.scid  }
0x8b: {  	s0 =	sand.u32 $0x1, s1  }
0x8c: {  	s17 =	sshll.u32 s0, $0xA;
	s2 =	sadd.s32 s3, s2  }
0x8d: {  	s2 =	sadd.s32 s2, s17  }
0x8e: {  	[smem:$0x3FBA] =	sst s2  }
0x8f: {  	_ = 	snop  }
0x90: {  	s2 =	sld [smem:$0x3FD0];
	(tm) =	ssettm $0x1  }
0x91: {  	s18 =	sld [smem:$0x3FFB];
	_ =	sdelay $0x3  }
0x92: {  	_ =	strace s18  }
0x93: {  	s3 =	sld [smem:$0x3FFC];
	_ =	sdelay $0x3  }
0x94: {  	_ =	strace s3  }
0x95: {  	s3 =	sld [smem:$0x3FFD];
	_ =	sdelay $0x3  }
0x96: {  	_ =	strace s3  }
0x97: {  	_ =	strace $0x8FFFFFFF  }
0x98: {  	s19 =	sld [smem:$0x3FDB];
	_ =	sdelay $0x1  }
0x99: {  	s4 =	simm.s32 $_scs_section_size  }
0x9a: {  	s5 =	simm.s32 $_size__tile_overlayer_lowered;
	s6 =	simm.s32 $_tile_overlayer_lowered  }
0x9b: {  	s22 =	simm.s32 $0x1BFF;
	s21 =	sshll.u32 s6, $0x1;
	s3 =	sadd.s32 s4, s19  }
0x9c: {  	s7 =	simm.s32 $0x0;
	s20 =	sshll.u32 s5, $0x1;
	s5 =	sadd.s32 s21, s3  }
0x9d: {  	[timem:s7], [sflag:s22] =	dma.local [hbm:s5], s20  }
0x9e: {  	_ =	swait.ge [sflag:s22], s20  }
0x9f: {  	s4 =	ssub.s32 $0x0, s20;
	[sflag:s22] =	ssyncset.done $0x0  }
0xa0: {  	[sflag:s22] =	ssyncadd.s32 s4;
	_ =	sdelay $0x1  }
0xa1: {  	s23 =	simm.s32 $0x1B8B  }
0xa2: {  	_ =	swait.ge [sflag:s23], $0x1  }
0xa3: {  	[sflag:s23] =	ssyncset.done $0x0  }
0xa4: {  	s25 =	simm.s32 $0x1B8E;
	s24 =	sld [smem:$0x3FFE];
	[sflag:s23] =	ssyncadd.s32 $0xFFFFFFFF  }
0xa5: {  	s26 =	simm.s32 $execute0_lowered;
	[smem:$0x3FD2] =	sst s25  }
0xa6: {  	s5 =	sshll.u32 s26, $0x1;
	_ =	strace $0x8000004F;
	[dreg:$0x1] =	wrdreg $0xFFFFFFFF  }
0xa7: {  	s28 =	simm.s32 $_size_execute0_lowered;
	s3 =	sadd.s32 s3, s5;
	[dreg:$0x0] =	wrdreg $0x0  }
0xa8: {  	s5 =	sshll.u32 s28, $0x1;
	[dreg:$0x2] =	wrdreg s3  }
0xa9: {  	[dreg:$0x3] =	wrdreg s5  }
0xaa: {  	[dreg:$0x4] =	wrdreg $0xC0  }
0xab: {  	_ =	task [dreg:s7], $0x5FFFF  }
0xac: {  	[dreg:$0x1] =	wrdreg $0xFFFFFFFF  }
0xad: {  	[dreg:$0x0] =	wrdreg $0x60  }
0xae: {  	[dreg:$0x2] =	wrdreg s24  }
0xaf: {  	[dreg:$0x3] =	wrdreg s2  }
0xb0: {  	[dreg:$0x4] =	wrdreg $0x9  }
0xb1: {  	_ =	task.clear_ibuf [dreg:s7], $0x5FFFF;
	_ =	strace $0x9000004F  }
0xb2: {  	s29 =	simm.s32 $0x9;
	_ =	strace $0x80000051  }
0xb3: {  	_ =	swait.ge [sflag:s29], $0x1  }
0xb4: {  	[sflag:s29] =	ssyncadd.s32 $0xFFFFFFFF  }
0xb5: {  	_ =	strace $0x90000051  }
0xb6: {  	_ =	sfence  }
0xb7: {  	s30 =	sld [smem:$0x0];
	_ =	sdelay $0x2  }
0xb8: {  	s31 =	sshll.u32 s1, $0xD;
	s1 =	sshrl.u32 s1, $0x2  }
0xb9: {  	s3 =	sand.u32 $0x4000, s31;
	s1 =	sadd.s32 s1, s30  }
0xba: {  	s0 =	sor.u32 s3, s0;
	s1 =	sshll.u32 s1, $0x11  }
0xbb: {  	s0 =	sor.u32 s1, s0  }
0xbc: {  	s0 =	sadd.s32 $0x8F2B, s0  }
0xbd: {  	[sflag:s0] =	ssyncadd.remote.s32 $0x1  }
0xbe: {  	_ =	sfence.sel $0xFFFF  }
0xbf: {  	[dreg:$0x0] =	wrdreg $0xFFFFFFFF;
	(pc) =	sbr.abs _section_cstart, $3  }
0xc0: {  	[dreg:$0x1] =	wrdreg $0xFFFFFFFF  }
0xc1: {  	_ =	task.clear_ibuf [dreg:s7], $0x2FFFF;
	_ =	strace $0x9FFFFFFF  }
0xc2: {  	(tm) =	ssettm $0x7FFFFFFF  }
0xc3: {  	_ =	shalt  }
tec
execute0_lowered:
.L_overlay_start_1:
0x0: {  	(tag) =	ssettag $0x1  }
0x1: {  	s1 =	srdreg.scid;
	s5 =	rddreg [dreg:$0x0]  }
0x2: {  	s0 =	stileid.u32;
	s8 =	rddreg [dreg:$0x1];
	s2 =	simm.s32 $0x0  }
0x3: {  	s12 =	simm.s32 $0x12A00;
	s13 =	simm.s32 $0x10A80;
	s14 =	simm.s32 $0x14980  }
0x4: {  	s15 =	simm.s32 $0x1;
	s16 =	simm.s32 $0x2;
	s17 =	simm.s32 $0x4E80  }
0x5: {  	s18 =	simm.s32 $0x0;
	s4 =	sand.u32 $0x1, s1;
	s1 =	rddreg [dreg:$0x2]  }
0x6: {  	s29 =	sshll.u32 s0, $0x1;
	[smem:$0x7FF] =	sst s2;
	s9 =	sshrl.u32 s0, $0x3  }
0x7: {  	s6 =	sor.u32 s4, s29;
	s10 =	ssub.s32 $0x2, s4;
	s4 =	smul.u32 $0x4E200, s9  }
0x8: {  	_ =	strace $0x80000050;
	s3 =	smul.u32 $0x9C4, s6;
	s30 =	sshrl.u32 s10, $0x1  }
0x9: {  	s11 =	smul.u32 $0x1388, s6;
	s9 =	ssub.s32 s10, s30;
	s31 =	sshrl.u32 s4, $0x3  }
0xa: {  	s10 =	simm.s32 $0x3;
	s7 =	sadd.s32 s3, s5;
	s3 =	sadd.s32 $0x19A00, s5  }
0xb: {  	s5 =	sadd.s32 $0x2FC00, s5;
	s8 =	sadd.s32 s8, s11;
	s9 =	smax.u32 s9, $0x1  }
0xc: {  	v0 =	vimm.f32 $0.0e+00;
	s11 =	simm.s32 $0xEB00;
	s6 =	sadd.s32 $0x39A00, s7;
	s7 =	sadd.s32 s3, s31  }
.LBB2_1:
0xd: {  	[tilespmem:s2], [sflag:$0x3] =	stream.linear.gather [hbm4b:s6+s2], $0x4E20, $0x38;
	[tilespmem:$0x16900] =	vst v63  }
0xe: {  	_ =	swait.ge [sflag:s10], $0x4E20  }
0xf: {  	[sflag:s10] =	ssyncset.done $0x0  }
0x10: {  	s19 =	simm.s32 $0x4EC0;
	[sflag:s10] =	ssyncadd.s32 $0xFFFFB1E0  }
0x11: {  	[tilespmem:s19+$0xFFFFFFC0] =	vst v0  }
0x12: {  	[tilespmem:s19+$0x30] =	vst v0  }
0x13: {  	[tilespmem:s19+$0x20] =	vst v0  }
0x14: {  	[tilespmem:s19+$0x10] =	vst v0  }
0x15: {  	[tilespmem:s19+$0x0] =	vst v0  }
0x16: {  	[tilespmem:s19+$0xFFFFFFF0] =	vst v0  }
0x17: {  	s22 =	simm.s32 $0x0;
	s20 =	simm.s32 $0xEA80;
	[tilespmem:s19+$0xFFFFFFE0] =	vst v0  }
.LBB2_2:
0x18: {  	s22 =	sadd.s32 $0x80, s22;
	[tilespmem:s19+$0xFFFFFFD0] =	vst v0;
	s19 =	sadd.s32 $0x80, s19;
	s21 =	simm.s32 $0x9BF0  }
0x19: {  	[tilespmem:s19+$0xFFFFFFC0] =	vst v0;
	p0 =	slt.u32 s22, $0x9B80  }
0x1a: {  	[tilespmem:s19+$0x30] =	vst v0  }
.Ltmp0:
0x1b: {  	[tilespmem:s19+$0x20] =	vst v0;
	(pc) =	sbr.rel @p0 .LBB2_2-.Ltmp0, $4  }
0x1c: {  	[tilespmem:s19+$0x10] =	vst v0  }
0x1d: {  	[tilespmem:s19+$0x0] =	vst v0  }
0x1e: {  	[tilespmem:s19+$0xFFFFFFF0] =	vst v0  }
0x1f: {  	[tilespmem:s19+$0xFFFFFFE0] =	vst v0  }
0x20: {  	[tilespmem:s19+$0xFFFFFFD0] =	vst v0  }
.LBB2_4:
0x21: {  	s21 =	sadd.s32 $0x10, s21  }
0x22: {  	p0 =	slt.u32 s21, $0x9C30  }
.Ltmp1:
0x23: {  	_ = 	snop;
	(pc) =	sbr.rel @p0 .LBB2_4-.Ltmp1, $2  }
0x24: {  	_ =	sdelay $0x2  }
0x25: {  	[tilespmem:s20+$0x0] =	vst v0;
	s20 =	sadd.s32 $0x10, s20  }
0x26: {  	s19 =	simm.s32 $0x0  }
0x27: {  	[tilespmem:s11], [sflag:$0x1] =	stream.linear.gather [hbm4b:s5+s19], $0x1F40, $0x38;
	[tilespmem:$0x16900] =	vst v63  }
0x28: {  	_ = 	snop  }
0x29: {  	[tilespmem:s12], [sflag:$0x2] =	stream.linear.gather [hbm4b:s7+s19], $0x1F40, $0x38;
	[tilespmem:$0x16900] =	vst v63  }
.LBB2_6:
0x2a: {  	s20 =	smul.u32 $0x3E80, s19;
	_ =	sdelay $0x1  }
0x2b: {  	s21 =	sadd.s32 $0x1F40, s20  }
0x2c: {  	s22 =	sshrl.u32 s21, $0x3;
	s21 =	sadd.s32 s4, s21  }
0x2d: {  	s22 =	sadd.s32 s5, s22;
	s21 =	sshrl.u32 s21, $0x3  }
0x2e: {  	[tilespmem:s13], [sflag:$0x1] =	stream.linear.gather [hbm4b:s22+s2], $0x1F40, $0x38;
	[tilespmem:$0x16900] =	vst v63  }
0x2f: {  	s21 =	sadd.s32 s3, s21  }
0x30: {  	[tilespmem:s14], [sflag:$0x2] =	stream.linear.gather [hbm4b:s21+s2], $0x1F40, $0x38;
	[tilespmem:$0x16900] =	vst v63  }
0x31: {  	_ =	swait.ge [sflag:s15], $0x1F40  }
0x32: {  	[sflag:s15] =	ssyncset.done $0x0  }
0x33: {  	[sflag:s15] =	ssyncadd.s32 $0xFFFFE0C0  }
0x34: {  	_ =	swait.ge [sflag:s16], $0x1F40  }
0x35: {  	[sflag:s16] =	ssyncset.done $0x0  }
0x36: {  	s29 =	simm.s32 $0xEB20;
	[sflag:s16] =	ssyncadd.s32 $0xFFFFE0C0  }
0x37: {  	v1 =	vld [tilespmem:s29+$0x10]  }
0x38: {  	v3 =	vld [tilespmem:s29+$0xFFFFFFE0];
	_ =	sdelay $0x3  }
0x39: {  	v5 =	vand.u32 $0x3FFF, v1  }
0x3a: {  	v2 =	vld [tilespmem:s29+$0xFFFFFFF0];
	v7 =	vand.u32 $0x3FFF, v3  }
0x3b: {  	v4 =	vld [tilespmem:s29+$0x0]  }
0x3c: {  	s30 =	simm.s32 $0x12A20  }
0x3d: {  	v10 =	vld [tilespmem:s30+$0x10]  }
0x3e: {  	v9 =	vld.idx.msk [tilespmem:v5+s2+$0x0], $0xffff  }
0x3f: {  	v6 =	vand.u32 $0x3FFF, v2;
	v12 =	vld.idx.msk [tilespmem:v7+s2+$0x0], $0xffff  }
0x40: {  	v13 =	vld [tilespmem:s30+$0xFFFFFFE0];
	v8 =	vand.u32 $0x3FFF, v4  }
0x41: {  	v1 =	vshra.s32 v1, $0xE  }
0x42: {  	v17 =	vld [tilespmem:s30+$0xFFFFFFF0];
	v3 =	vshra.s32 v3, $0xE  }
0x43: {  	v19 =	vld [tilespmem:s30+$0x0];
	v14 =	vadd.s32 $0x2710, v1;
	v16 =	vunpack.i.l.bf16.f32 v9  }
0x44: {  	v18 =	vadd.s32 $0x2710, v3;
	v11 =	vld.idx.msk [tilespmem:v6+s2+$0x0], $0xffff;
	v20 =	vunpack.i.l.bf16.f32 v12;
	v16 =	vmul.f32 v16, v10  }
0x45: {  	v15 =	vld.idx.msk [tilespmem:v8+s2+$0x0], $0xffff;
	v5 =	vadd.s32 $0x2710, v5;
	v9 =	vunpack.i.u.bf16.f32 v9;
	v20 =	vmul.f32 v20, v13  }
0x46: {  	v7 =	vadd.s32 $0x2710, v7;
	v12 =	vunpack.i.u.bf16.f32 v12;
	v9 =	vmul.f32 v9, v10;
	[tilespmem:v1+s17+$0x0] =	vst.idx.add.f32.msk $0xffff, v16  }
0x47: {  	v2 =	vshra.s32 v2, $0xE;
	v12 =	vmul.f32 v12, v13;
	[tilespmem:v3+s17+$0x0] =	vst.idx.add.f32.msk $0xffff, v20  }
0x48: {  	v52 =	vadd.s32 $0x2710, v2;
	[tilespmem:v14+s17+$0x0] =	vst.idx.add.f32.msk $0xffff, v9  }
0x49: {  	v9 =	vshra.s32 v4, $0xE;
	v4 =	vunpack.i.l.bf16.f32 v11;
	[tilespmem:v18+s17+$0x0] =	vst.idx.add.f32.msk $0xffff, v12  }
0x4a: {  	v11 =	vunpack.i.u.bf16.f32 v11;
	v5 =	vld.idx.msk [tilespmem:v5+s2+$0x0], $0xffff;
	v14 =	vadd.s32 $0x2710, v9;
	v4 =	vmul.f32 v4, v17  }
0x4b: {  	v53 =	vunpack.i.l.bf16.f32 v15;
	v11 =	vmul.f32 v11, v17;
	v7 =	vld.idx.msk [tilespmem:v7+s2+$0x0], $0xffff  }
0x4c: {  	v6 =	vadd.s32 $0x2710, v6;
	v12 =	vunpack.i.u.bf16.f32 v15;
	v15 =	vmul.f32 v53, v19;
	[tilespmem:v2+s17+$0x0] =	vst.idx.add.f32.msk $0xffff, v4  }
0x4d: {  	v4 =	vmul.f32 v12, v19;
	[tilespmem:v52+s17+$0x0] =	vst.idx.add.f32.msk $0xffff, v11;
	v11 =	vadd.s32 $0x4E20, v1  }
0x4e: {  	[tilespmem:v9+s17+$0x0] =	vst.idx.add.f32.msk $0xffff, v15  }
0x4f: {  	s31 =	simm.s32 $0xEB60;
	v1 =	vadd.s32 $0x7530, v1;
	[tilespmem:v14+s17+$0x0] =	vst.idx.add.f32.msk $0xffff, v4;
	v4 =	vunpack.i.l.bf16.f32 v5  }
0x50: {  	v12 =	vld [tilespmem:s31+$0xFFFFFFE0];
	v4 =	vmul.f32 v4, v10  }
0x51: {  	v6 =	vld.idx.msk [tilespmem:v6+s2+$0x0], $0xffff;
	v5 =	vunpack.i.u.bf16.f32 v5  }
0x52: {  	v5 =	vmul.f32 v5, v10;
	v10 =	vadd.s32 $0x4E20, v3;
	[tilespmem:v11+s17+$0x0] =	vst.idx.add.f32.msk $0xffff, v4  }
0x53: {  	v4 =	vadd.s32 $0x2710, v8;
	v8 =	vld [tilespmem:s31+$0x10]  }
0x54: {  	v3 =	vadd.s32 $0x7530, v3;
	[tilespmem:v1+s17+$0x0] =	vst.idx.add.f32.msk $0xffff, v5;
	v5 =	vunpack.i.l.bf16.f32 v7  }
0x55: {  	v14 =	vld [tilespmem:s31+$0x0];
	v5 =	vmul.f32 v5, v13  }
0x56: {  	v11 =	vld [tilespmem:s31+$0xFFFFFFF0];
	v1 =	vadd.s32 $0x4E20, v2;
	v7 =	vunpack.i.u.bf16.f32 v7  }
0x57: {  	v2 =	vadd.s32 $0x7530, v2;
	v7 =	vmul.f32 v7, v13;
	[tilespmem:v10+s17+$0x0] =	vst.idx.add.f32.msk $0xffff, v5  }
0x58: {  	v15 =	vunpack.i.l.bf16.f32 v6;
	v13 =	vld.idx.msk [tilespmem:v4+s2+$0x0], $0xffff;
	v54 =	vand.u32 $0x3FFF, v8  }
0x59: {  	s21 =	simm.s32 $0x12A60;
	v4 =	vunpack.i.u.bf16.f32 v6;
	v6 =	vmul.f32 v15, v17;
	[tilespmem:v3+s17+$0x0] =	vst.idx.add.f32.msk $0xffff, v7;
	v3 =	vand.u32 $0x3FFF, v12  }
0x5a: {  	v15 =	vld [tilespmem:s21+$0x10];
	v4 =	vmul.f32 v4, v17  }
0x5b: {  	[tilespmem:v1+s17+$0x0] =	vst.idx.add.f32.msk $0xffff, v6  }
0x5c: {  	v10 =	vand.u32 $0x3FFF, v11;
	[tilespmem:v2+s17+$0x0] =	vst.idx.add.f32.msk $0xffff, v4  }
0x5d: {  	v2 =	vld.idx.msk [tilespmem:v54+s2+$0x0], $0xffff  }
0x5e: {  	v6 =	vand.u32 $0x3FFF, v14;
	v56 =	vld.idx.msk [tilespmem:v3+s2+$0x0], $0xffff  }
0x5f: {  	v55 =	vadd.s32 $0x4E20, v9;
	v5 =	vld [tilespmem:s21+$0xFFFFFFE0]  }
0x60: {  	v8 =	vshra.s32 v8, $0xE;
	v4 =	vld [tilespmem:s21+$0xFFFFFFF0]  }
0x61: {  	v12 =	vshra.s32 v12, $0xE;
	v58 =	vshra.s32 v11, $0xE;
	v7 =	vld.idx.msk [tilespmem:v10+s2+$0x0], $0xffff;
	v1 =	vunpack.i.l.bf16.f32 v13  }
0x62: {  	v21 =	vadd.s32 $0x2710, v8;
	v22 =	vmul.f32 v1, v19;
	v1 =	vld [tilespmem:s21+$0x0];
	v23 =	vunpack.i.l.bf16.f32 v2  }
0x63: {  	v16 =	vadd.s32 $0x2710, v54;
	v57 =	vld.idx.msk [tilespmem:v6+s2+$0x0], $0xffff;
	v11 =	vunpack.i.l.bf16.f32 v56;
	v23 =	vmul.f32 v23, v15  }
0x64: {  	v24 =	vadd.s32 $0x2710, v12;
	[tilespmem:v55+s17+$0x0] =	vst.idx.add.f32.msk $0xffff, v22;
	v2 =	vunpack.i.u.bf16.f32 v2;
	v11 =	vmul.f32 v11, v5  }
0x65: {  	v2 =	vmul.f32 v2, v15;
	[tilespmem:v8+s17+$0x0] =	vst.idx.add.f32.msk $0xffff, v23  }
0x66: {  	v60 =	vshra.s32 v14, $0xE;
	v59 =	vadd.s32 $0x2710, v58;
	v18 =	vunpack.i.u.bf16.f32 v56;
	[tilespmem:v12+s17+$0x0] =	vst.idx.add.f32.msk $0xffff, v11  }
0x67: {  	v3 =	vadd.s32 $0x2710, v3;
	v14 =	vmul.f32 v18, v5;
	[tilespmem:v21+s17+$0x0] =	vst.idx.add.f32.msk $0xffff, v2;
	v2 =	vunpack.i.l.bf16.f32 v7  }
0x68: {  	v7 =	vunpack.i.u.bf16.f32 v7;
	v16 =	vld.idx.msk [tilespmem:v16+s2+$0x0], $0xffff;
	v2 =	vmul.f32 v2, v4  }
0x69: {  	v61 =	vadd.s32 $0x2710, v60;
	[tilespmem:v24+s17+$0x0] =	vst.idx.add.f32.msk $0xffff, v14;
	v7 =	vmul.f32 v7, v4  }
0x6a: {  	v62 =	vadd.s32 $0x2710, v10;
	v11 =	vunpack.i.l.bf16.f32 v57;
	[tilespmem:v58+s17+$0x0] =	vst.idx.add.f32.msk $0xffff, v2  }
0x6b: {  	v10 =	vunpack.i.u.bf16.f32 v57;
	v11 =	vmul.f32 v11, v1;
	[tilespmem:v59+s17+$0x0] =	vst.idx.add.f32.msk $0xffff, v7;
	v7 =	vadd.s32 $0x4E20, v8  }
0x6c: {  	v63 =	vadd.s32 $0x7530, v8;
	v10 =	vmul.f32 v10, v1;
	v14 =	vld.idx.msk [tilespmem:v3+s2+$0x0], $0xffff  }
0x6d: {  	[tilespmem:v60+s17+$0x0] =	vst.idx.add.f32.msk $0xffff, v11;
	v11 =	vadd.s32 $0x4E20, v12;
	v8 =	vunpack.i.l.bf16.f32 v16  }
0x6e: {  	v12 =	vadd.s32 $0x7530, v12;
	[tilespmem:v61+s17+$0x0] =	vst.idx.add.f32.msk $0xffff, v10;
	v3 =	vunpack.i.u.bf16.f32 v16;
	v8 =	vmul.f32 v8, v15  }
0x6f: {  	v10 =	vadd.s32 $0x2710, v6;
	v6 =	vunpack.i.u.bf16.f32 v13;
	v13 =	vld.idx.msk [tilespmem:v62+s2+$0x0], $0xffff;
	v15 =	vmul.f32 v3, v15  }
0x70: {  	v2 =	vadd.s32 $0x7530, v9;
	v9 =	vadd.s32 $0x4E20, v58;
	v6 =	vmul.f32 v6, v19;
	[tilespmem:v7+s17+$0x0] =	vst.idx.add.f32.msk $0xffff, v8  }
0x71: {  	s23 =	simm.s32 $0xEBA0;
	s22 =	simm.s32 $0x40;
	v3 =	vadd.s32 $0x4E20, v60;
	v8 =	vadd.s32 $0x7530, v58;
	v7 =	vadd.s32 $0x7530, v60;
	[tilespmem:v63+s17+$0x0] =	vst.idx.add.f32.msk $0xffff, v15  }
.LBB2_7:
0x72: {  	v15 =	vld [tilespmem:s23+$0x10]  }
0x73: {  	v16 =	vld [tilespmem:s23+$0xFFFFFFF0]  }
0x74: {  	s22 =	sadd.s32 $0x40, s22;
	v18 =	vunpack.i.u.bf16.f32 v14;
	v14 =	vunpack.i.l.bf16.f32 v14;
	v17 =	vld [tilespmem:s23+$0x0]  }
0x75: {  	p0 =	slt.u32 s22, $0x1F00;
	v14 =	vmul.f32 v14, v5;
	v20 =	vunpack.i.u.bf16.f32 v13;
	v13 =	vunpack.i.l.bf16.f32 v13;
	v19 =	vld [tilespmem:s23+$0xFFFFFFE0]  }
0x76: {  	v5 =	vmul.f32 v18, v5;
	v13 =	vmul.f32 v13, v4;
	v18 =	vld.idx.msk [tilespmem:v10+s2+$0x0], $0xffff  }
0x77: {  	v4 =	vmul.f32 v20, v4;
	v21 =	vand.u32 $0x3FFF, v15;
	[tilespmem:v11+s17+$0x0] =	vst.idx.add.f32.msk $0xffff, v14  }
0x78: {  	v14 =	vshra.s32 v16, $0xE;
	v16 =	vand.u32 $0x3FFF, v16;
	[tilespmem:v12+s17+$0x0] =	vst.idx.add.f32.msk $0xffff, v5  }
0x79: {  	v20 =	vadd.s32 $0x2710, v14;
	v22 =	vshra.s32 v17, $0xE;
	v5 =	vand.u32 $0x3FFF, v17;
	[tilespmem:v9+s17+$0x0] =	vst.idx.add.f32.msk $0xffff, v13  }
0x7a: {  	v13 =	vshra.s32 v19, $0xE;
	v17 =	vand.u32 $0x3FFF, v19;
	v19 =	vadd.s32 $0x2710, v22;
	[tilespmem:v8+s17+$0x0] =	vst.idx.add.f32.msk $0xffff, v4  }
0x7b: {  	v25 =	vadd.s32 $0x2710, v16;
	v23 =	vadd.s32 $0x2710, v13;
	v24 =	vadd.s32 $0x2710, v17;
	[tilespmem:v2+s17+$0x0] =	vst.idx.add.f32.msk $0xffff, v6;
	v2 =	vmovc v7  }
0x7c: {  	v10 =	vadd.s32 $0x2710, v5;
	v4 =	vunpack.i.u.bf16.f32 v18;
	v6 =	vunpack.i.l.bf16.f32 v18;
	v26 =	vld.idx.msk [tilespmem:v21+s2+$0x0], $0xffff  }
0x7d: {  	s21 =	sadd.s32 $0x40, s21;
	v11 =	vadd.s32 $0x4E20, v13;
	v18 =	vmul.f32 v6, v1;
	v6 =	vmul.f32 v4, v1;
	v16 =	vld.idx.msk [tilespmem:v16+s2+$0x0], $0xffff  }
0x7e: {  	v9 =	vadd.s32 $0x4E20, v14;
	v8 =	vadd.s32 $0x7530, v14;
	v12 =	vadd.s32 $0x7530, v13;
	v27 =	vld [tilespmem:s21+$0x10]  }
0x7f: {  	v28 =	vadd.s32 $0x4E20, v22;
	v7 =	vadd.s32 $0x7530, v22;
	v17 =	vld.idx.msk [tilespmem:v17+s2+$0x0], $0xffff  }
0x80: {  	v15 =	vshra.s32 v15, $0xE;
	v29 =	vld.idx.msk [tilespmem:v5+s2+$0x0], $0xffff  }
0x81: {  	v30 =	vadd.s32 $0x2710, v15;
	v5 =	vld [tilespmem:s21+$0xFFFFFFE0]  }
0x82: {  	v21 =	vadd.s32 $0x2710, v21;
	v31 =	vunpack.i.l.bf16.f32 v26;
	v4 =	vld [tilespmem:s21+$0xFFFFFFF0]  }
0x83: {  	v26 =	vunpack.i.u.bf16.f32 v26;
	v32 =	vunpack.i.u.bf16.f32 v16;
	v1 =	vld [tilespmem:s21+$0x0];
	v31 =	vmul.f32 v31, v27  }
0x84: {  	v16 =	vunpack.i.l.bf16.f32 v16;
	v26 =	vmul.f32 v26, v27;
	[tilespmem:v3+s17+$0x0] =	vst.idx.add.f32.msk $0xffff, v18;
	v3 =	vmov v28  }
0x85: {  	v18 =	vunpack.i.u.bf16.f32 v17;
	v17 =	vunpack.i.l.bf16.f32 v17;
	[tilespmem:v15+s17+$0x0] =	vst.idx.add.f32.msk $0xffff, v31  }
0x86: {  	v28 =	vunpack.i.u.bf16.f32 v29;
	v29 =	vunpack.i.l.bf16.f32 v29;
	v17 =	vmul.f32 v17, v5;
	[tilespmem:v30+s17+$0x0] =	vst.idx.add.f32.msk $0xffff, v26  }
0x87: {  	v18 =	vmul.f32 v18, v5;
	v16 =	vmul.f32 v16, v4;
	v21 =	vld.idx.msk [tilespmem:v21+s2+$0x0], $0xffff  }
0x88: {  	[tilespmem:v13+s17+$0x0] =	vst.idx.add.f32.msk $0xffff, v17;
	v13 =	vmul.f32 v32, v4;
	v17 =	vmul.f32 v29, v1  }
0x89: {  	[tilespmem:v23+s17+$0x0] =	vst.idx.add.f32.msk $0xffff, v18;
	v18 =	vmul.f32 v28, v1  }
0x8a: {  	[tilespmem:v14+s17+$0x0] =	vst.idx.add.f32.msk $0xffff, v16  }
0x8b: {  	v16 =	vadd.s32 $0x4E20, v15;
	[tilespmem:v20+s17+$0x0] =	vst.idx.add.f32.msk $0xffff, v13  }
0x8c: {  	v15 =	vadd.s32 $0x7530, v15;
	[tilespmem:v22+s17+$0x0] =	vst.idx.add.f32.msk $0xffff, v17  }
.Ltmp2:
0x8d: {  	v13 =	vunpack.i.l.bf16.f32 v21;
	[tilespmem:v19+s17+$0x0] =	vst.idx.add.f32.msk $0xffff, v18;
	(pc) =	sbr.rel @p0 .LBB2_7-.Ltmp2, $4  }
0x8e: {  	v17 =	vunpack.i.u.bf16.f32 v21;
	v18 =	vmul.f32 v13, v27;
	v14 =	vld.idx.msk [tilespmem:v24+s2+$0x0], $0xffff  }
0x8f: {  	v17 =	vmul.f32 v17, v27;
	v13 =	vld.idx.msk [tilespmem:v25+s2+$0x0], $0xffff  }
0x90: {  	[tilespmem:v16+s17+$0x0] =	vst.idx.add.f32.msk $0xffff, v18  }
0x91: {  	s23 =	sadd.s32 $0x40, s23;
	[tilespmem:v15+s17+$0x0] =	vst.idx.add.f32.msk $0xffff, v17  }
0x92: {  	_ =	sdelay $0x3  }
0x93: {  	v10 =	vld.idx.msk [tilespmem:v10+s2+$0x0], $0xffff;
	v15 =	vunpack.i.l.bf16.f32 v14  }
0x94: {  	v14 =	vunpack.i.u.bf16.f32 v14;
	v15 =	vmul.f32 v15, v5  }
0x95: {  	v16 =	vunpack.i.l.bf16.f32 v13;
	v5 =	vmul.f32 v14, v5  }
0x96: {  	v13 =	vunpack.i.u.bf16.f32 v13;
	v14 =	vmul.f32 v16, v4;
	[tilespmem:v11+s17+$0x0] =	vst.idx.add.f32.msk $0xffff, v15  }
0x97: {  	v4 =	vmul.f32 v13, v4;
	[tilespmem:v12+s17+$0x0] =	vst.idx.add.f32.msk $0xffff, v5  }
0x98: {  	[tilespmem:v9+s17+$0x0] =	vst.idx.add.f32.msk $0xffff, v14;
	v5 =	vunpack.i.l.bf16.f32 v10  }
0x99: {  	p0 =	seq.s32 s19, $0x13;
	[tilespmem:v8+s17+$0x0] =	vst.idx.add.f32.msk $0xffff, v4;
	v4 =	vunpack.i.u.bf16.f32 v10;
	v5 =	vmul.f32 v5, v1  }
0x9a: {  	[tilespmem:v2+s17+$0x0] =	vst.idx.add.f32.msk $0xffff, v6;
	s20 =	sadd.s32 @!p0 $0x3E80, s20;
	v1 =	vmul.f32 v4, v1  }
0x9b: {  	s22 =	simm.s32 @!p0 $0x0;
	s21 =	sshrl.u32 @!p0 s20, $0x3;
	s20 =	sadd.s32 @!p0 s4, s20;
	[tilespmem:v3+s17+$0x0] =	vst.idx.add.f32.msk $0xffff, v5  }
0x9c: {  	s23 =	simm.s32 @!p0 $0xEB00;
	s21 =	sadd.s32 @!p0 s5, s21;
	s20 =	sshrl.u32 @!p0 s20, $0x3;
	[tilespmem:v7+s17+$0x0] =	vst.idx.add.f32.msk $0xffff, v1  }
0x9d: {  	[tilespmem:s23], [sflag:$0x1] =	stream.linear.gather @!p0 [hbm4b:s21+s22], $0x1F40, $0x38;
	[tilespmem:$0x16900] =	vst v63  }
0x9e: {  	s20 =	sadd.s32 @!p0 s3, s20;
	s21 =	simm.s32 @!p0 $0x12A00  }
0x9f: {  	[tilespmem:s21], [sflag:$0x2] =	stream.linear.gather @!p0 [hbm4b:s20+s22], $0x1F40, $0x38;
	[tilespmem:$0x16900] =	vst v63  }
0xa0: {  	_ =	swait.ge [sflag:s15], $0x1F40  }
0xa1: {  	[sflag:s15] =	ssyncset.done $0x0  }
0xa2: {  	[sflag:s15] =	ssyncadd.s32 $0xFFFFE0C0  }
0xa3: {  	_ =	swait.ge [sflag:s16], $0x1F40  }
0xa4: {  	[sflag:s16] =	ssyncset.done $0x0  }
0xa5: {  	s29 =	simm.s32 $0x10AA0;
	[sflag:s16] =	ssyncadd.s32 $0xFFFFE0C0  }
0xa6: {  	v1 =	vld [tilespmem:s29+$0x10]  }
0xa7: {  	v3 =	vld [tilespmem:s29+$0xFFFFFFE0];
	_ =	sdelay $0x3  }
0xa8: {  	v5 =	vand.u32 $0x3FFF, v1  }
0xa9: {  	v2 =	vld [tilespmem:s29+$0xFFFFFFF0];
	v7 =	vand.u32 $0x3FFF, v3  }
0xaa: {  	v4 =	vld [tilespmem:s29+$0x0]  }
0xab: {  	s30 =	simm.s32 $0x149A0  }
0xac: {  	v10 =	vld [tilespmem:s30+$0x10]  }
0xad: {  	v9 =	vld.idx.msk [tilespmem:v5+s2+$0x0], $0xffff  }
0xae: {  	v6 =	vand.u32 $0x3FFF, v2;
	v12 =	vld.idx.msk [tilespmem:v7+s2+$0x0], $0xffff  }
0xaf: {  	v13 =	vld [tilespmem:s30+$0xFFFFFFE0];
	v8 =	vand.u32 $0x3FFF, v4  }
0xb0: {  	v1 =	vshra.s32 v1, $0xE  }
0xb1: {  	v17 =	vld [tilespmem:s30+$0xFFFFFFF0];
	v3 =	vshra.s32 v3, $0xE  }
0xb2: {  	v19 =	vld [tilespmem:s30+$0x0];
	v14 =	vadd.s32 $0x2710, v1;
	v51 =	vunpack.i.l.bf16.f32 v9  }
0xb3: {  	v18 =	vadd.s32 $0x2710, v3;
	v11 =	vld.idx.msk [tilespmem:v6+s2+$0x0], $0xffff;
	v20 =	vunpack.i.l.bf16.f32 v12;
	v16 =	vmul.f32 v51, v10  }
0xb4: {  	v15 =	vld.idx.msk [tilespmem:v8+s2+$0x0], $0xffff;
	v5 =	vadd.s32 $0x2710, v5;
	v9 =	vunpack.i.u.bf16.f32 v9;
	v20 =	vmul.f32 v20, v13  }
0xb5: {  	v7 =	vadd.s32 $0x2710, v7;
	v12 =	vunpack.i.u.bf16.f32 v12;
	v9 =	vmul.f32 v9, v10;
	[tilespmem:v1+s17+$0x0] =	vst.idx.add.f32.msk $0xffff, v16  }
0xb6: {  	v2 =	vshra.s32 v2, $0xE;
	v12 =	vmul.f32 v12, v13;
	[tilespmem:v3+s17+$0x0] =	vst.idx.add.f32.msk $0xffff, v20  }
0xb7: {  	v52 =	vadd.s32 $0x2710, v2;
	[tilespmem:v14+s17+$0x0] =	vst.idx.add.f32.msk $0xffff, v9  }
0xb8: {  	v9 =	vshra.s32 v4, $0xE;
	v4 =	vunpack.i.l.bf16.f32 v11;
	[tilespmem:v18+s17+$0x0] =	vst.idx.add.f32.msk $0xffff, v12  }
0xb9: {  	v11 =	vunpack.i.u.bf16.f32 v11;
	v5 =	vld.idx.msk [tilespmem:v5+s2+$0x0], $0xffff;
	v14 =	vadd.s32 $0x2710, v9;
	v4 =	vmul.f32 v4, v17  }
0xba: {  	v53 =	vunpack.i.l.bf16.f32 v15;
	v11 =	vmul.f32 v11, v17;
	v7 =	vld.idx.msk [tilespmem:v7+s2+$0x0], $0xffff  }
0xbb: {  	v6 =	vadd.s32 $0x2710, v6;
	v12 =	vunpack.i.u.bf16.f32 v15;
	v15 =	vmul.f32 v53, v19;
	[tilespmem:v2+s17+$0x0] =	vst.idx.add.f32.msk $0xffff, v4  }
0xbc: {  	v4 =	vmul.f32 v12, v19;
	[tilespmem:v52+s17+$0x0] =	vst.idx.add.f32.msk $0xffff, v11;
	v11 =	vadd.s32 $0x4E20, v1  }
0xbd: {  	[tilespmem:v9+s17+$0x0] =	vst.idx.add.f32.msk $0xffff, v15  }
0xbe: {  	s31 =	simm.s32 $0x10AE0;
	v1 =	vadd.s32 $0x7530, v1;
	[tilespmem:v14+s17+$0x0] =	vst.idx.add.f32.msk $0xffff, v4;
	v4 =	vunpack.i.l.bf16.f32 v5  }
0xbf: {  	v12 =	vld [tilespmem:s31+$0xFFFFFFE0];
	v4 =	vmul.f32 v4, v10  }
0xc0: {  	v6 =	vld.idx.msk [tilespmem:v6+s2+$0x0], $0xffff;
	v5 =	vunpack.i.u.bf16.f32 v5  }
0xc1: {  	v5 =	vmul.f32 v5, v10;
	v10 =	vadd.s32 $0x4E20, v3;
	[tilespmem:v11+s17+$0x0] =	vst.idx.add.f32.msk $0xffff, v4  }
0xc2: {  	v4 =	vadd.s32 $0x2710, v8;
	v8 =	vld [tilespmem:s31+$0x10]  }
0xc3: {  	v3 =	vadd.s32 $0x7530, v3;
	[tilespmem:v1+s17+$0x0] =	vst.idx.add.f32.msk $0xffff, v5;
	v5 =	vunpack.i.l.bf16.f32 v7  }
0xc4: {  	v14 =	vld [tilespmem:s31+$0x0];
	v5 =	vmul.f32 v5, v13  }
0xc5: {  	v11 =	vld [tilespmem:s31+$0xFFFFFFF0];
	v1 =	vadd.s32 $0x4E20, v2;
	v7 =	vunpack.i.u.bf16.f32 v7  }
0xc6: {  	v2 =	vadd.s32 $0x7530, v2;
	v7 =	vmul.f32 v7, v13;
	[tilespmem:v10+s17+$0x0] =	vst.idx.add.f32.msk $0xffff, v5  }
0xc7: {  	v15 =	vunpack.i.l.bf16.f32 v6;
	v13 =	vld.idx.msk [tilespmem:v4+s2+$0x0], $0xffff;
	v54 =	vand.u32 $0x3FFF, v8  }
0xc8: {  	s20 =	simm.s32 $0x149E0;
	v4 =	vunpack.i.u.bf16.f32 v6;
	v6 =	vmul.f32 v15, v17;
	[tilespmem:v3+s17+$0x0] =	vst.idx.add.f32.msk $0xffff, v7;
	v3 =	vand.u32 $0x3FFF, v12  }
0xc9: {  	v15 =	vld [tilespmem:s20+$0x10];
	v4 =	vmul.f32 v4, v17  }
0xca: {  	[tilespmem:v1+s17+$0x0] =	vst.idx.add.f32.msk $0xffff, v6  }
0xcb: {  	v10 =	vand.u32 $0x3FFF, v11;
	[tilespmem:v2+s17+$0x0] =	vst.idx.add.f32.msk $0xffff, v4  }
0xcc: {  	v2 =	vld.idx.msk [tilespmem:v54+s2+$0x0], $0xffff  }
0xcd: {  	v6 =	vand.u32 $0x3FFF, v14;
	v56 =	vld.idx.msk [tilespmem:v3+s2+$0x0], $0xffff  }
0xce: {  	v55 =	vadd.s32 $0x4E20, v9;
	v5 =	vld [tilespmem:s20+$0xFFFFFFE0]  }
0xcf: {  	v8 =	vshra.s32 v8, $0xE;
	v4 =	vld [tilespmem:s20+$0xFFFFFFF0]  }
0xd0: {  	v12 =	vshra.s32 v12, $0xE;
	v58 =	vshra.s32 v11, $0xE;
	v7 =	vld.idx.msk [tilespmem:v10+s2+$0x0], $0xffff;
	v1 =	vunpack.i.l.bf16.f32 v13  }
0xd1: {  	v21 =	vadd.s32 $0x2710, v8;
	v22 =	vmul.f32 v1, v19;
	v1 =	vld [tilespmem:s20+$0x0];
	v23 =	vunpack.i.l.bf16.f32 v2  }
0xd2: {  	v16 =	vadd.s32 $0x2710, v54;
	v57 =	vld.idx.msk [tilespmem:v6+s2+$0x0], $0xffff;
	v11 =	vunpack.i.l.bf16.f32 v56;
	v23 =	vmul.f32 v23, v15  }
0xd3: {  	v24 =	vadd.s32 $0x2710, v12;
	[tilespmem:v55+s17+$0x0] =	vst.idx.add.f32.msk $0xffff, v22;
	v2 =	vunpack.i.u.bf16.f32 v2;
	v11 =	vmul.f32 v11, v5  }
0xd4: {  	v2 =	vmul.f32 v2, v15;
	[tilespmem:v8+s17+$0x0] =	vst.idx.add.f32.msk $0xffff, v23  }
0xd5: {  	v60 =	vshra.s32 v14, $0xE;
	v59 =	vadd.s32 $0x2710, v58;
	v18 =	vunpack.i.u.bf16.f32 v56;
	[tilespmem:v12+s17+$0x0] =	vst.idx.add.f32.msk $0xffff, v11  }
0xd6: {  	v3 =	vadd.s32 $0x2710, v3;
	v14 =	vmul.f32 v18, v5;
	[tilespmem:v21+s17+$0x0] =	vst.idx.add.f32.msk $0xffff, v2;
	v2 =	vunpack.i.l.bf16.f32 v7  }
0xd7: {  	v7 =	vunpack.i.u.bf16.f32 v7;
	v16 =	vld.idx.msk [tilespmem:v16+s2+$0x0], $0xffff;
	v2 =	vmul.f32 v2, v4  }
0xd8: {  	v61 =	vadd.s32 $0x2710, v60;
	[tilespmem:v24+s17+$0x0] =	vst.idx.add.f32.msk $0xffff, v14;
	v7 =	vmul.f32 v7, v4  }
0xd9: {  	v62 =	vadd.s32 $0x2710, v10;
	v11 =	vunpack.i.l.bf16.f32 v57;
	[tilespmem:v58+s17+$0x0] =	vst.idx.add.f32.msk $0xffff, v2  }
0xda: {  	v10 =	vunpack.i.u.bf16.f32 v57;
	v11 =	vmul.f32 v11, v1;
	[tilespmem:v59+s17+$0x0] =	vst.idx.add.f32.msk $0xffff, v7;
	v7 =	vadd.s32 $0x4E20, v8  }
0xdb: {  	v63 =	vadd.s32 $0x7530, v8;
	v10 =	vmul.f32 v10, v1;
	v14 =	vld.idx.msk [tilespmem:v3+s2+$0x0], $0xffff  }
0xdc: {  	[tilespmem:v60+s17+$0x0] =	vst.idx.add.f32.msk $0xffff, v11;
	v11 =	vadd.s32 $0x4E20, v12;
	v8 =	vunpack.i.l.bf16.f32 v16  }
0xdd: {  	v12 =	vadd.s32 $0x7530, v12;
	[tilespmem:v61+s17+$0x0] =	vst.idx.add.f32.msk $0xffff, v10;
	v3 =	vunpack.i.u.bf16.f32 v16;
	v8 =	vmul.f32 v8, v15  }
0xde: {  	v10 =	vadd.s32 $0x2710, v6;
	v6 =	vunpack.i.u.bf16.f32 v13;
	v13 =	vld.idx.msk [tilespmem:v62+s2+$0x0], $0xffff;
	v15 =	vmul.f32 v3, v15  }
0xdf: {  	v2 =	vadd.s32 $0x7530, v9;
	v9 =	vadd.s32 $0x4E20, v58;
	v6 =	vmul.f32 v6, v19;
	[tilespmem:v7+s17+$0x0] =	vst.idx.add.f32.msk $0xffff, v8  }
0xe0: {  	s21 =	simm.s32 $0x40;
	s22 =	simm.s32 $0x10B20;
	v3 =	vadd.s32 $0x4E20, v60;
	v8 =	vadd.s32 $0x7530, v58;
	v7 =	vadd.s32 $0x7530, v60;
	[tilespmem:v63+s17+$0x0] =	vst.idx.add.f32.msk $0xffff, v15  }
.LBB2_9:
0xe1: {  	v15 =	vld [tilespmem:s22+$0x10]  }
0xe2: {  	v16 =	vld [tilespmem:s22+$0xFFFFFFF0]  }
0xe3: {  	s21 =	sadd.s32 $0x40, s21;
	v18 =	vunpack.i.u.bf16.f32 v14;
	v14 =	vunpack.i.l.bf16.f32 v14;
	v17 =	vld [tilespmem:s22+$0x0]  }
0xe4: {  	p0 =	slt.u32 s21, $0x1F00;
	v14 =	vmul.f32 v14, v5;
	v20 =	vunpack.i.u.bf16.f32 v13;
	v13 =	vunpack.i.l.bf16.f32 v13;
	v19 =	vld [tilespmem:s22+$0xFFFFFFE0]  }
0xe5: {  	v5 =	vmul.f32 v18, v5;
	v13 =	vmul.f32 v13, v4;
	v18 =	vld.idx.msk [tilespmem:v10+s2+$0x0], $0xffff  }
0xe6: {  	v4 =	vmul.f32 v20, v4;
	v21 =	vand.u32 $0x3FFF, v15;
	[tilespmem:v11+s17+$0x0] =	vst.idx.add.f32.msk $0xffff, v14  }
0xe7: {  	v14 =	vshra.s32 v16, $0xE;
	v16 =	vand.u32 $0x3FFF, v16;
	[tilespmem:v12+s17+$0x0] =	vst.idx.add.f32.msk $0xffff, v5  }
0xe8: {  	v20 =	vadd.s32 $0x2710, v14;
	v22 =	vshra.s32 v17, $0xE;
	v5 =	vand.u32 $0x3FFF, v17;
	[tilespmem:v9+s17+$0x0] =	vst.idx.add.f32.msk $0xffff, v13  }
0xe9: {  	v13 =	vshra.s32 v19, $0xE;
	v17 =	vand.u32 $0x3FFF, v19;
	v19 =	vadd.s32 $0x2710, v22;
	[tilespmem:v8+s17+$0x0] =	vst.idx.add.f32.msk $0xffff, v4  }
0xea: {  	v25 =	vadd.s32 $0x2710, v16;
	v23 =	vadd.s32 $0x2710, v13;
	v24 =	vadd.s32 $0x2710, v17;
	[tilespmem:v2+s17+$0x0] =	vst.idx.add.f32.msk $0xffff, v6;
	v2 =	vmovc v7  }
0xeb: {  	v10 =	vadd.s32 $0x2710, v5;
	v4 =	vunpack.i.u.bf16.f32 v18;
	v6 =	vunpack.i.l.bf16.f32 v18;
	v26 =	vld.idx.msk [tilespmem:v21+s2+$0x0], $0xffff  }
0xec: {  	s20 =	sadd.s32 $0x40, s20;
	v11 =	vadd.s32 $0x4E20, v13;
	v18 =	vmul.f32 v6, v1;
	v6 =	vmul.f32 v4, v1;
	v16 =	vld.idx.msk [tilespmem:v16+s2+$0x0], $0xffff  }
0xed: {  	v9 =	vadd.s32 $0x4E20, v14;
	v8 =	vadd.s32 $0x7530, v14;
	v12 =	vadd.s32 $0x7530, v13;
	v27 =	vld [tilespmem:s20+$0x10]  }
0xee: {  	v28 =	vadd.s32 $0x4E20, v22;
	v7 =	vadd.s32 $0x7530, v22;
	v17 =	vld.idx.msk [tilespmem:v17+s2+$0x0], $0xffff  }
0xef: {  	v15 =	vshra.s32 v15, $0xE;
	v29 =	vld.idx.msk [tilespmem:v5+s2+$0x0], $0xffff  }
0xf0: {  	v30 =	vadd.s32 $0x2710, v15;
	v5 =	vld [tilespmem:s20+$0xFFFFFFE0]  }
0xf1: {  	v21 =	vadd.s32 $0x2710, v21;
	v31 =	vunpack.i.l.bf16.f32 v26;
	v4 =	vld [tilespmem:s20+$0xFFFFFFF0]  }
0xf2: {  	v26 =	vunpack.i.u.bf16.f32 v26;
	v32 =	vunpack.i.u.bf16.f32 v16;
	v1 =	vld [tilespmem:s20+$0x0];
	v31 =	vmul.f32 v31, v27  }
0xf3: {  	v16 =	vunpack.i.l.bf16.f32 v16;
	v26 =	vmul.f32 v26, v27;
	[tilespmem:v3+s17+$0x0] =	vst.idx.add.f32.msk $0xffff, v18;
	v3 =	vmov v28  }
0xf4: {  	v18 =	vunpack.i.u.bf16.f32 v17;
	v17 =	vunpack.i.l.bf16.f32 v17;
	[tilespmem:v15+s17+$0x0] =	vst.idx.add.f32.msk $0xffff, v31  }
0xf5: {  	v28 =	vunpack.i.u.bf16.f32 v29;
	v29 =	vunpack.i.l.bf16.f32 v29;
	v17 =	vmul.f32 v17, v5;
	[tilespmem:v30+s17+$0x0] =	vst.idx.add.f32.msk $0xffff, v26  }
0xf6: {  	v18 =	vmul.f32 v18, v5;
	v16 =	vmul.f32 v16, v4;
	v21 =	vld.idx.msk [tilespmem:v21+s2+$0x0], $0xffff  }
0xf7: {  	[tilespmem:v13+s17+$0x0] =	vst.idx.add.f32.msk $0xffff, v17;
	v13 =	vmul.f32 v32, v4;
	v17 =	vmul.f32 v29, v1  }
0xf8: {  	[tilespmem:v23+s17+$0x0] =	vst.idx.add.f32.msk $0xffff, v18;
	v18 =	vmul.f32 v28, v1  }
0xf9: {  	[tilespmem:v14+s17+$0x0] =	vst.idx.add.f32.msk $0xffff, v16  }
0xfa: {  	v16 =	vadd.s32 $0x4E20, v15;
	[tilespmem:v20+s17+$0x0] =	vst.idx.add.f32.msk $0xffff, v13  }
0xfb: {  	v15 =	vadd.s32 $0x7530, v15;
	[tilespmem:v22+s17+$0x0] =	vst.idx.add.f32.msk $0xffff, v17  }
.Ltmp3:
0xfc: {  	v13 =	vunpack.i.l.bf16.f32 v21;
	[tilespmem:v19+s17+$0x0] =	vst.idx.add.f32.msk $0xffff, v18;
	(pc) =	sbr.rel @p0 .LBB2_9-.Ltmp3, $4  }
0xfd: {  	v17 =	vunpack.i.u.bf16.f32 v21;
	v18 =	vmul.f32 v13, v27;
	v14 =	vld.idx.msk [tilespmem:v24+s2+$0x0], $0xffff  }
0xfe: {  	v17 =	vmul.f32 v17, v27;
	v13 =	vld.idx.msk [tilespmem:v25+s2+$0x0], $0xffff  }
0xff: {  	[tilespmem:v16+s17+$0x0] =	vst.idx.add.f32.msk $0xffff, v18  }
0x100: {  	s22 =	sadd.s32 $0x40, s22;
	[tilespmem:v15+s17+$0x0] =	vst.idx.add.f32.msk $0xffff, v17  }
0x101: {  	_ =	sdelay $0x3  }
0x102: {  	v10 =	vld.idx.msk [tilespmem:v10+s2+$0x0], $0xffff  }
0x103: {  	v15 =	vunpack.i.l.bf16.f32 v14  }
0x104: {  	v57 =	vunpack.i.u.bf16.f32 v14;
	v15 =	vmul.f32 v15, v5  }
0x105: {  	[tilespmem:v2+s17+$0x0] =	vst.idx.add.f32.msk $0xffff, v6;
	s19 =	sadd.s32 $0x1, s19;
	v16 =	vunpack.i.l.bf16.f32 v13;
	v58 =	vmul.f32 v57, v5  }
0x106: {  	p0 =	sne.s32 s19, $0x14;
	v59 =	vunpack.i.u.bf16.f32 v13;
	v60 =	vmul.f32 v16, v4;
	[tilespmem:v11+s17+$0x0] =	vst.idx.add.f32.msk $0xffff, v15  }
.Ltmp4:
0x107: {  	v61 =	vmul.f32 v59, v4;
	[tilespmem:v12+s17+$0x0] =	vst.idx.add.f32.msk $0xffff, v58;
	v62 =	vunpack.i.l.bf16.f32 v10;
	(pc) =	sbr.rel @p0 .LBB2_6-.Ltmp4, $4  }
0x108: {  	[tilespmem:v9+s17+$0x0] =	vst.idx.add.f32.msk $0xffff, v60;
	v63 =	vunpack.i.u.bf16.f32 v10;
	v5 =	vmul.f32 v62, v1  }
0x109: {  	[tilespmem:v8+s17+$0x0] =	vst.idx.add.f32.msk $0xffff, v61;
	v1 =	vmul.f32 v63, v1  }
0x10a: {  	[tilespmem:v3+s17+$0x0] =	vst.idx.add.f32.msk $0xffff, v5  }
0x10b: {  	[tilespmem:v7+s17+$0x0] =	vst.idx.add.f32.msk $0xffff, v1  }
0x10c: {  	s18 =	sadd.s32 $0x1, s18  }
0x10d: {  	p0 =	sne.s32 s18, s9  }
.Ltmp5:
0x10e: {  	_ = 	snop;
	(pc) =	sbr.rel @p0 .LBB2_1-.Ltmp5, $4  }
0x10f: {  	[hbm4b:s8+s2] =	stream.linear.scatter [tilespmem:s17], [sflag:$0x3], $0x9C40, $0x38;
	[tilespmem:$0x16900] =	vst v63  }
0x110: {  	_ =	swait.ge [sflag:s10], $0x9C40  }
0x111: {  	[sflag:s10] =	ssyncset.done $0x0  }
0x112: {  	[sflag:s10] =	ssyncadd.s32 $0xFFFF63C0  }
0x113: {  	_ =	sfence.sel $0x180000  }
0x114: {  	[bflag:$0x0] =	sbarrier.arrive $0xFFFF  }
0x115: {  	p0 =	sne.s32 s0, $0x0;
	_ =	strace $0x90000050  }
0x116: {  	s0 =	sadd.s32 @!p0 $0x100000, s1;
	[bflag:$0x2] =	sbarrier.arrive $0xFFFF  }
0x117: {  	[sflag:s0] =	ssyncadd.tile.s32 @!p0 $0x1;
	_ =	shalt  }
.Lfunc_end2:
_tile_overlayer_lowered:
.L_overlay_start_2:
0x118: {  	(tag) =	ssettag $0x2  }
0x119: {  	s0 =	rddreg [dreg:$0x0];
	s2 =	stileid.u32  }
0x11a: {  	s1 =	rddreg [dreg:$0x1];
	p0 =	sne.s32 s2, $0x0  }
0x11b: {  	s3 =	rddreg [dreg:$0x2];
	[bflag:$0x3] =	sbarrier.arrive $0xFFFF;
	s2 =	simm.s32 @!p0 $0x1C03  }
0x11c: {  	[timem:s3], [sflag:s2] =	dma.local @!p0 [hbm:s0], s1  }
0x11d: {  	s0 =	simm.s32 @!p0 $0x3  }
0x11e: {  	_ =	swait.ge @!p0 [sflag:s0], s1  }
0x11f: {  	s1 =	ssub.s32 @!p0 $0x0, s1;
	[sflag:s0] =	ssyncset.done @!p0 $0x0  }
0x120: {  	[sflag:s0] =	ssyncadd.s32 @!p0 s1  }
0x121: {  	[bflag:$0x3] =	sbarrier.arrive $0xFFFF  }
0x122: {  	_ =	shalt  }

// kernel: kernel.9.cloned.1.call-start
scs
__scs_entry_jumppad:
0x0: {  	(pc) =	sbr.rel $0x88, $3  }
0x1: {  	(tag) =	ssettag $0x0;
	lr =	simm.s32 $0x1  }
0x2: {  	[smem:$0x3F93] =	sst lr;
	_ =	strace $0xD0000000  }
0x3: {  	_ = 	snop  }
0x4: {  	_ = 	snop  }
0x5: {  	_ = 	snop  }
0x6: {  	_ = 	snop  }
0x7: {  	_ = 	snop  }
__scs_overlays_trampoline_lowered:
0x8: {  	[smem:$0x3FA2] =	sst s0  }
0x9: {  	[smem:$0x3FA3] =	sst s1  }
0xa: {  	[smem:$0x3FA4] =	sst s2  }
0xb: {  	[smem:$0x3FA5] =	sst s3  }
0xc: {  	[smem:$0x3FA6] =	sst s4  }
0xd: {  	[smem:$0x3FA7] =	sst s5  }
0xe: {  	[smem:$0x3FA8] =	sst s6  }
0xf: {  	[smem:$0x3FA9] =	sst s7  }
0x10: {  	[smem:$0x3FAA] =	sst s8  }
0x11: {  	[smem:$0x3FAB] =	sst s9;
	s0 =	simm.s32 @!p0 $0x0  }
0x12: {  	s1 =	sld [smem:$0x3F91];
	s0 =	simm.s32 @p0 $0x1  }
0x13: {  	[smem:$0x3FAC] =	sst s0;
	s0 =	simm.s32 @!p1 $0x0  }
0x14: {  	s2 =	sld [smem:$0x3F90];
	s0 =	simm.s32 @p1 $0x1  }
0x15: {  	[smem:$0x3FAD] =	sst s0;
	s0 =	simm.s32 @!p2 $0x0  }
0x16: {  	s3 =	sld [smem:$0x3FDB];
	s0 =	simm.s32 @p2 $0x1  }
0x17: {  	s4 =	simm.s32 $0x1BF5;
	[smem:$0x3FAF] =	sst s0  }
0x18: {  	s0 =	sld [smem:$0x3F92];
	_ =	swait.ge [sflag:s4], $0x0  }
0x19: {  	s7 =	sld [smem:$0x3F93]  }
0x1a: {  	s8 =	sadd.s32 $0xFFFFE003, lr  }
0x1b: {  	s9 =	sadd.s32 $0xFFFFFEF7, lr;
	s5 =	simm.s32 $0xFFFFFFFF;
	p2 =	slt.u32 s8, $0xFFFFF086  }
0x1c: {  	p1 =	slt.u32 s9, $0xF7A;
	s5 =	simm.s32 @!p2 $0x0  }
0x1d: {  	s5 =	simm.s32 @p1 $0x1;
	p0 =	seq.s32 s7, s2  }
0x1e: {  	s7 =	smul.u32 @!p0 $0xF7A, s2;
	p2 =	seq.s32 @!p0 s5, $0x0  }
0x1f: {  	s9 =	smul.u32 $0xF7A, s1;
	s8 =	simm.s32 @!p0 $0x1BF5;
	p2 =	por !p2, p0  }
0x20: {  	[sflag:s8] =	ssyncset.s32 @!p0 $0xFFFFF086;
	s6 =	sadd.s32 @!p0 s3, s7;
	s7 =	simm.s32 @!p0 $0x108  }
0x21: {  	s3 =	sadd.s32 s3, s9;
	s6 =	sadd.s32 @!p0 $0x88, s6;
	s7 =	simm.s32 @p2 $0x1082  }
0x22: {  	[simem:s7], [sflag:s8] =	dma.local @!p0 [hbm:s6], $0xF7A  }
0x23: {  	s9 =	sor.u32 $0xD0000000, s2;
	s6 =	simm.s32 $0x108;
	_ =	swait.ge @!p0 [sflag:s8], $0x0  }
0x24: {  	s3 =	sadd.s32 $0x88, s3;
	s6 =	simm.s32 @!p1 $0x1082;
	[sflag:s4] =	ssyncset.s32 $0xFFFFF086  }
0x25: {  	[simem:s6], [sflag:s4] =	dma.local [hbm:s3], $0xF7A  }
0x26: {  	[smem:$0x3F93] =	sst s1;
	(tag) =	ssettag s2;
	_ =	strace s9  }
0x27: {  	s1 =	sld [smem:$0x3FA3]  }
0x28: {  	s2 =	sld [smem:$0x3FA4]  }
0x29: {  	s4 =	sld [smem:$0x3FA6]  }
0x2a: {  	p0 =	seq.s32 s5, $0x0;
	s5 =	sld [smem:$0x3FA7]  }
0x2b: {  	s6 =	sld [smem:$0x3FA8]  }
0x2c: {  	s7 =	sld [smem:$0x3FA9]  }
0x2d: {  	s3 =	simm.s32 $0x108;
	s8 =	sld [smem:$0x3FAA]  }
0x2e: {  	s3 =	simm.s32 @!p0 $0x1082;
	s9 =	sld [smem:$0x3FAB]  }
0x2f: {  	lr =	sadd.s32 s0, s3;
	s0 =	sld [smem:$0x3FA2]  }
0x30: {  	s3 =	sld [smem:$0x3FA5]  }
0x31: {  	[smem:$0x3FAE] =	sst s10  }
0x32: {  	s10 =	sld [smem:$0x3FAC];
	_ =	sdelay $0x3  }
0x33: {  	p0 =	seq.s32 s10, $0x1;
	s10 =	sld [smem:$0x3FAE];
	_ =	sdelay $0x3  }
0x34: {  	[smem:$0x3FAE] =	sst s10  }
0x35: {  	s10 =	sld [smem:$0x3FAD];
	_ =	sdelay $0x3  }
0x36: {  	p1 =	seq.s32 s10, $0x1;
	s10 =	sld [smem:$0x3FAE];
	_ =	sdelay $0x3  }
0x37: {  	[smem:$0x3FAE] =	sst s10  }
0x38: {  	s10 =	sld [smem:$0x3FAF]  }
0x39: {  	_ = 	snop;
	(pc) =	sbr.ind lr, $3  }
0x3a: {  	_ = 	snop  }
0x3b: {  	_ = 	snop  }
0x3c: {  	p2 =	seq.s32 s10, $0x1;
	s10 =	sld [smem:$0x3FAE]  }
0x3d: {  	_ =	shalt  }
0x3e: {  	_ =	shalt  }
0x3f: {  	_ =	shalt  }
0x40: {  	_ =	shalt  }
0x41: {  	_ =	shalt  }
0x42: {  	_ =	shalt  }
0x43: {  	_ =	shalt  }
0x44: {  	_ =	shalt  }
0x45: {  	_ =	shalt  }
0x46: {  	_ =	shalt  }
0x47: {  	_ =	shalt  }
0x48: {  	_ =	shalt  }
0x49: {  	_ =	shalt  }
0x4a: {  	_ =	shalt  }
0x4b: {  	_ =	shalt  }
0x4c: {  	_ =	shalt  }
0x4d: {  	_ =	shalt  }
0x4e: {  	_ =	shalt  }
0x4f: {  	_ =	shalt  }
0x50: {  	_ =	shalt  }
0x51: {  	_ =	shalt  }
0x52: {  	_ =	shalt  }
0x53: {  	_ =	shalt  }
0x54: {  	_ =	shalt  }
0x55: {  	_ =	shalt  }
0x56: {  	_ =	shalt  }
0x57: {  	_ =	shalt  }
0x58: {  	_ =	shalt  }
0x59: {  	_ =	shalt  }
0x5a: {  	_ =	shalt  }
0x5b: {  	_ =	shalt  }
0x5c: {  	_ =	shalt  }
0x5d: {  	_ =	shalt  }
0x5e: {  	_ =	shalt  }
0x5f: {  	_ =	shalt  }
0x60: {  	_ =	shalt  }
0x61: {  	_ =	shalt  }
0x62: {  	_ =	shalt  }
0x63: {  	_ =	shalt  }
0x64: {  	_ =	shalt  }
0x65: {  	_ =	shalt  }
0x66: {  	_ =	shalt  }
0x67: {  	_ =	shalt  }
0x68: {  	_ =	shalt  }
0x69: {  	_ =	shalt  }
0x6a: {  	_ =	shalt  }
0x6b: {  	_ =	shalt  }
0x6c: {  	_ =	shalt  }
0x6d: {  	_ =	shalt  }
0x6e: {  	_ =	shalt  }
0x6f: {  	_ =	shalt  }
0x70: {  	_ =	shalt  }
0x71: {  	_ =	shalt  }
0x72: {  	_ =	shalt  }
0x73: {  	_ =	shalt  }
0x74: {  	_ =	shalt  }
0x75: {  	_ =	shalt  }
0x76: {  	_ =	shalt  }
0x77: {  	_ =	shalt  }
0x78: {  	_ =	shalt  }
0x79: {  	_ =	shalt  }
0x7a: {  	_ =	shalt  }
0x7b: {  	_ =	shalt  }
0x7c: {  	_ =	shalt  }
0x7d: {  	_ =	shalt  }
0x7e: {  	_ =	shalt  }
0x7f: {  	_ =	shalt  }
0x80: {  	_ =	shalt  }
0x81: {  	_ =	shalt  }
0x82: {  	_ =	shalt  }
0x83: {  	_ =	shalt  }
0x84: {  	_ =	shalt  }
0x85: {  	_ =	shalt  }
0x86: {  	_ =	shalt  }
0x87: {  	_ =	shalt  }
.Lfunc_end0:
.L_simem_size_0:
called_computation_lowered:
.L_overlay_start_0:
0x88: {  	s2 =	sld [smem:$0x3FD9]  }
0x89: {  	s3 =	sld [smem:$0x3FFE];
	_ =	sdelay $0x1  }
0x8a: {  	s1 =	srdreg.scid  }
0x8b: {  	s0 =	sand.u32 $0x1, s1  }
0x8c: {  	s17 =	sshll.u32 s0, $0xA;
	s2 =	sadd.s32 s3, s2  }
0x8d: {  	s2 =	sadd.s32 s2, s17  }
0x8e: {  	[smem:$0x3FBA] =	sst s2  }
0x8f: {  	_ = 	snop  }
0x90: {  	s2 =	sld [smem:$0x3FD0];
	(tm) =	ssettm $0x1  }
0x91: {  	s18 =	sld [smem:$0x3FFB];
	_ =	sdelay $0x3  }
0x92: {  	_ =	strace s18  }
0x93: {  	s3 =	sld [smem:$0x3FFC];
	_ =	sdelay $0x3  }
0x94: {  	_ =	strace s3  }
0x95: {  	s3 =	sld [smem:$0x3FFD];
	_ =	sdelay $0x3  }
0x96: {  	_ =	strace s3  }
0x97: {  	_ =	strace $0x8FFFFFFF  }
0x98: {  	s19 =	sld [smem:$0x3FDB];
	_ =	sdelay $0x1  }
0x99: {  	s4 =	simm.s32 $_scs_section_size  }
0x9a: {  	s5 =	simm.s32 $_size__tile_overlayer_lowered;
	s6 =	simm.s32 $_tile_overlayer_lowered  }
0x9b: {  	s22 =	simm.s32 $0x1BFF;
	s21 =	sshll.u32 s6, $0x1;
	s3 =	sadd.s32 s4, s19  }
0x9c: {  	s7 =	simm.s32 $0x0;
	s20 =	sshll.u32 s5, $0x1;
	s5 =	sadd.s32 s21, s3  }
0x9d: {  	[timem:s7], [sflag:s22] =	dma.local [hbm:s5], s20  }
0x9e: {  	_ =	swait.ge [sflag:s22], s20  }
0x9f: {  	s4 =	ssub.s32 $0x0, s20;
	[sflag:s22] =	ssyncset.done $0x0  }
0xa0: {  	[sflag:s22] =	ssyncadd.s32 s4;
	_ =	sdelay $0x1  }
0xa1: {  	s23 =	simm.s32 $0x1B8B  }
0xa2: {  	_ =	swait.ge [sflag:s23], $0x1  }
0xa3: {  	[sflag:s23] =	ssyncset.done $0x0  }
0xa4: {  	s25 =	simm.s32 $0x1B8E;
	s24 =	sld [smem:$0x3FFE];
	[sflag:s23] =	ssyncadd.s32 $0xFFFFFFFF  }
0xa5: {  	s26 =	simm.s32 $execute0_lowered;
	[smem:$0x3FD2] =	sst s25  }
0xa6: {  	s5 =	sshll.u32 s26, $0x1;
	_ =	strace $0x80000046;
	[dreg:$0x1] =	wrdreg $0xFFFFFFFF  }
0xa7: {  	s28 =	simm.s32 $_size_execute0_lowered;
	s3 =	sadd.s32 s3, s5;
	[dreg:$0x0] =	wrdreg $0x0  }
0xa8: {  	s5 =	sshll.u32 s28, $0x1;
	[dreg:$0x2] =	wrdreg s3  }
0xa9: {  	[dreg:$0x3] =	wrdreg s5  }
0xaa: {  	[dreg:$0x4] =	wrdreg $0xC0  }
0xab: {  	_ =	task [dreg:s7], $0x5FFFF  }
0xac: {  	[dreg:$0x1] =	wrdreg $0xFFFFFFFF  }
0xad: {  	[dreg:$0x0] =	wrdreg $0x60  }
0xae: {  	[dreg:$0x2] =	wrdreg s24  }
0xaf: {  	[dreg:$0x3] =	wrdreg s2  }
0xb0: {  	[dreg:$0x4] =	wrdreg $0x9  }
0xb1: {  	_ =	task.clear_ibuf [dreg:s7], $0x5FFFF;
	_ =	strace $0x90000046  }
0xb2: {  	s29 =	simm.s32 $0x9;
	_ =	strace $0x80000048  }
0xb3: {  	_ =	swait.ge [sflag:s29], $0x1  }
0xb4: {  	[sflag:s29] =	ssyncadd.s32 $0xFFFFFFFF  }
0xb5: {  	_ =	strace $0x90000048  }
0xb6: {  	_ =	sfence  }
0xb7: {  	s30 =	sld [smem:$0x0];
	_ =	sdelay $0x2  }
0xb8: {  	s31 =	sshll.u32 s1, $0xD;
	s1 =	sshrl.u32 s1, $0x2  }
0xb9: {  	s3 =	sand.u32 $0x4000, s31;
	s1 =	sadd.s32 s1, s30  }
0xba: {  	s0 =	sor.u32 s3, s0;
	s1 =	sshll.u32 s1, $0x11  }
0xbb: {  	s0 =	sor.u32 s1, s0  }
0xbc: {  	s0 =	sadd.s32 $0x8F2B, s0  }
0xbd: {  	[sflag:s0] =	ssyncadd.remote.s32 $0x1  }
0xbe: {  	_ =	sfence.sel $0xFFFF  }
0xbf: {  	[dreg:$0x0] =	wrdreg $0xFFFFFFFF;
	(pc) =	sbr.abs _section_cstart, $3  }
0xc0: {  	[dreg:$0x1] =	wrdreg $0xFFFFFFFF  }
0xc1: {  	_ =	task.clear_ibuf [dreg:s7], $0x2FFFF;
	_ =	strace $0x9FFFFFFF  }
0xc2: {  	(tm) =	ssettm $0x7FFFFFFF  }
0xc3: {  	_ =	shalt  }
tec
execute0_lowered:
.L_overlay_start_1:
0x0: {  	(tag) =	ssettag $0x1  }
0x1: {  	s5 =	rddreg [dreg:$0x0]  }
0x2: {  	s6 =	rddreg [dreg:$0x1]  }
0x3: {  	s0 =	rddreg [dreg:$0x2];
	s3 =	srdreg.scid  }
0x4: {  	s1 =	stileid.u32;
	s2 =	simm.s32 $0x0;
	s15 =	simm.s32 $0x16180  }
0x5: {  	s16 =	simm.s32 $0x18900;
	s17 =	simm.s32 $0x9D00;
	s18 =	simm.s32 $0xEB80  }
0x6: {  	s19 =	simm.s32 $0x11290;
	s20 =	simm.s32 $0xC410;
	s21 =	simm.s32 $0x13A00  }
0x7: {  	s22 =	simm.s32 $0x0;
	s7 =	sand.u32 $0x1, s3;
	s30 =	sshll.u32 s1, $0x1  }
0x8: {  	[smem:$0x7FF] =	sst s2;
	s3 =	sadd.s32 $0x3800, s5;
	s4 =	sor.u32 s7, s30  }
0x9: {  	s9 =	sadd.s32 $0x1C200, s5;
	s7 =	ssub.s32 $0x2, s7;
	s8 =	smul.u32 $0x2710, s4  }
0xa: {  	s10 =	sadd.s32 $0x8800, s5;
	_ =	strace $0x80000047;
	s31 =	sshrl.u32 s7, $0x1  }
0xb: {  	s4 =	sadd.s32 $0x6000, s5;
	s13 =	ssub.s32 s7, s31;
	s11 =	sshrl.u32 s8, $0x3  }
0xc: {  	s12 =	sadd.s32 s11, s5;
	s14 =	sadd.s32 $0x9C40, s11;
	s5 =	sadd.s32 s6, s11  }
0xd: {  	s7 =	sadd.s32 s9, s11;
	s6 =	sadd.s32 s6, s14;
	s8 =	sadd.s32 s9, s14  }
0xe: {  	s9 =	sadd.s32 s10, s11;
	s10 =	sadd.s32 s10, s14;
	s11 =	sadd.s32 $0x2FC00, s12  }
0xf: {  	v0 =	vimm.f32 $0.0e+00;
	s12 =	smax.u32 s13, $0x1;
	s13 =	simm.s32 $0x1;
	s14 =	simm.s32 $0x4E80  }
.LBB2_1:
0x10: {  	[tilespmem:s2], [sflag:$0x1] =	stream.linear.gather [hbm4b:s3+s2], $0x4E20, $0x38;
	[tilespmem:$0x1B080] =	vst v63  }
0x11: {  	_ =	swait.ge [sflag:s13], $0x4E20  }
0x12: {  	[sflag:s13] =	ssyncset.done $0x0  }
0x13: {  	[sflag:s13] =	ssyncadd.s32 $0xFFFFB1E0  }
0x14: {  	[tilespmem:s14], [sflag:$0x1] =	stream.linear.gather [hbm4b:s4+s2], $0x4E20, $0x38;
	[tilespmem:$0x1B080] =	vst v63  }
0x15: {  	_ =	swait.ge [sflag:s13], $0x4E20  }
0x16: {  	[sflag:s13] =	ssyncset.done $0x0  }
0x17: {  	[sflag:s13] =	ssyncadd.s32 $0xFFFFB1E0  }
0x18: {  	[tilespmem:s15], [sflag:$0x1] =	stream.linear.gather [hbm4b:s5+s2], $0x2710, $0x38;
	[tilespmem:$0x1B080] =	vst v63  }
0x19: {  	_ =	swait.ge [sflag:s13], $0x2710  }
0x1a: {  	[sflag:s13] =	ssyncset.done $0x0  }
0x1b: {  	[sflag:s13] =	ssyncadd.s32 $0xFFFFD8F0  }
0x1c: {  	[tilespmem:s16], [sflag:$0x1] =	stream.linear.gather [hbm4b:s6+s2], $0x2710, $0x38;
	[tilespmem:$0x1B080] =	vst v63  }
0x1d: {  	_ =	swait.ge [sflag:s13], $0x2710  }
0x1e: {  	[sflag:s13] =	ssyncset.done $0x0  }
0x1f: {  	s23 =	simm.s32 $0x9D40;
	[sflag:s13] =	ssyncadd.s32 $0xFFFFD8F0  }
0x20: {  	[tilespmem:s23+$0xFFFFFFC0] =	vst v0  }
0x21: {  	[tilespmem:s23+$0x30] =	vst v0  }
0x22: {  	[tilespmem:s23+$0x20] =	vst v0  }
0x23: {  	[tilespmem:s23+$0x10] =	vst v0  }
0x24: {  	[tilespmem:s23+$0x0] =	vst v0  }
0x25: {  	[tilespmem:s23+$0xFFFFFFF0] =	vst v0  }
0x26: {  	s25 =	simm.s32 $0x0;
	s24 =	simm.s32 $0xEB00;
	[tilespmem:s23+$0xFFFFFFE0] =	vst v0  }
.LBB2_2:
0x27: {  	s25 =	sadd.s32 $0x80, s25;
	[tilespmem:s23+$0xFFFFFFD0] =	vst v0;
	s23 =	sadd.s32 $0x80, s23;
	s28 =	simm.s32 $0x4DF0  }
0x28: {  	[tilespmem:s23+$0xFFFFFFC0] =	vst v0;
	p0 =	slt.u32 s25, $0x4D80  }
0x29: {  	[tilespmem:s23+$0x30] =	vst v0  }
.Ltmp0:
0x2a: {  	[tilespmem:s23+$0x20] =	vst v0;
	(pc) =	sbr.rel @p0 .LBB2_2-.Ltmp0, $4  }
0x2b: {  	[tilespmem:s23+$0x10] =	vst v0  }
0x2c: {  	[tilespmem:s23+$0x0] =	vst v0  }
0x2d: {  	[tilespmem:s23+$0xFFFFFFF0] =	vst v0  }
0x2e: {  	[tilespmem:s23+$0xFFFFFFE0] =	vst v0  }
0x2f: {  	[tilespmem:s23+$0xFFFFFFD0] =	vst v0  }
.LBB2_4:
0x30: {  	s28 =	sadd.s32 $0x10, s28  }
0x31: {  	p0 =	slt.u32 s28, $0x4E10  }
.Ltmp1:
0x32: {  	_ = 	snop;
	(pc) =	sbr.rel @p0 .LBB2_4-.Ltmp1, $3  }
0x33: {  	_ =	sdelay $0x1  }
0x34: {  	[tilespmem:s24+$0x0] =	vst v0;
	s24 =	sadd.s32 $0x10, s24;
	s26 =	simm.s32 $0x11300  }
0x35: {  	s25 =	simm.s32 $0x18940;
	s23 =	simm.s32 $0x13A40;
	s29 =	simm.s32 $0x161C0  }
0x36: {  	v3 =	vld [tilespmem:s29+$0x30]  }
0x37: {  	v4 =	vld [tilespmem:s25+$0x30]  }
0x38: {  	v5 =	vld [tilespmem:s29+$0xFFFFFFD0]  }
0x39: {  	v11 =	vld [tilespmem:s29+$0xFFFFFFE0]  }
0x3a: {  	v8 =	vld [tilespmem:s29+$0xFFFFFFF0]  }
0x3b: {  	v7 =	vld [tilespmem:s29+$0x0]  }
0x3c: {  	v6 =	vld [tilespmem:s29+$0x10];
	v1 =	vshll.u32 v3, $0xE  }
0x3d: {  	v14 =	vld [tilespmem:s25+$0xFFFFFFD0];
	v2 =	vor.u32 v4, v1  }
0x3e: {  	v10 =	vld [tilespmem:s25+$0x0];
	[tilespmem:s23+$0x30] =	vst v2  }
0x3f: {  	v2 =	vld.idx.msk [tilespmem:v3+s2+$0x0], $0xffff  }
0x40: {  	v9 =	vld.idx.msk [tilespmem:v4+s14+$0x0], $0xffff  }
0x41: {  	v12 =	vld [tilespmem:s29+$0xFFFFFFC0]  }
0x42: {  	v13 =	vld [tilespmem:s25+$0xFFFFFFC0]  }
0x43: {  	v15 =	vld [tilespmem:s25+$0xFFFFFFE0];
	v19 =	vshll.u32 v5, $0xE  }
0x44: {  	v16 =	vld [tilespmem:s25+$0xFFFFFFF0];
	v23 =	vshll.u32 v7, $0xE;
	v19 =	vor.u32 v14, v19  }
0x45: {  	v1 =	vld [tilespmem:s29+$0x20];
	v23 =	vor.u32 v10, v23;
	[tilespmem:s23+$0xFFFFFFD0] =	vst v19;
	v17 =	vadd.f32 v9, v2  }
0x46: {  	[tilespmem:s23+$0x0] =	vst v23;
	v21 =	vld.idx.msk [tilespmem:v5+s2+$0x0], $0xffff;
	v2 =	vshll.u32 v12, $0xE  }
0x47: {  	v26 =	vld.idx.msk [tilespmem:v7+s2+$0x0], $0xffff;
	v2 =	vor.u32 v13, v2;
	v18 =	vmul.f32 $9.999999770e-03, v17  }
0x48: {  	v9 =	vld [tilespmem:s25+$0x10];
	[tilespmem:s23+$0xFFFFFFC0] =	vst v2;
	vm0 =	vgt.f32 v17, $0.0e+00  }
0x49: {  	v20 =	vld.idx.msk [tilespmem:v12+s2+$0x0], $0xffff;
	v17 =	vsel vm0, v17, v18  }
0x4a: {  	v19 =	vld.idx.msk [tilespmem:v13+s14+$0x0], $0xffff;
	v18 =	vshll.u32 v11, $0xE;
	v17 =	vmul.f32 $1.442695020e+00, v17  }
0x4b: {  	v2 =	vld [tilespmem:s25+$0x20];
	v18 =	vor.u32 v15, v18  }
0x4c: {  	v22 =	vshll.u32 v8, $0xE;
	[tilespmem:s23+$0xFFFFFFE0] =	vst v18;
	v18 =	vld.idx.msk [tilespmem:v14+s14+$0x0], $0xffff;
	(erf) = vpow2.f32 v17  }
0x4d: {  	v17 =	vor.u32 v16, v22;
	v57 =	vld.idx.msk [tilespmem:v11+s2+$0x0], $0xffff  }
0x4e: {  	[tilespmem:s23+$0xFFFFFFF0] =	vst v17;
	v17 =	vld.idx.msk [tilespmem:v15+s14+$0x0], $0xffff  }
0x4f: {  	v25 =	vshll.u32 v6, $0xE;
	v19 =	vadd.f32 v19, v20;
	v24 =	vld.idx.msk [tilespmem:v8+s2+$0x0], $0xffff  }
0x50: {  	v25 =	vor.u32 v9, v25;
	v20 =	vld.idx.msk [tilespmem:v16+s14+$0x0], $0xffff  }
0x51: {  	v29 =	vadd.s32 $0x2710, v3;
	v61 =	vld.idx.msk [tilespmem:v10+s14+$0x0], $0xffff;
	[tilespmem:s23+$0x10] =	vst v25;
	v60 =	vmul.f32 $9.999999770e-03, v19  }
0x52: {  	v58 =	vshll.u32 v1, $0xE;
	v27 =	vld.idx.msk [tilespmem:v6+s2+$0x0], $0xffff;
	vm0 =	vgt.f32 v19, $0.0e+00;
	v18 =	vadd.f32 v18, v21  }
0x53: {  	v59 =	vor.u32 v2, v58;
	v62 =	vld.idx.msk [tilespmem:v9+s14+$0x0], $0xffff;
	v19 =	vsel vm0, v19, v60;
	v17 =	vadd.f32 v17, v57  }
0x54: {  	v4 =	vadd.s32 $0x2710, v4;
	[tilespmem:s23+$0x20] =	vst v59;
	v28 =	vmul.f32 $9.999999770e-03, v18;
	v19 =	vmul.f32 $1.442695020e+00, v19  }
0x55: {  	v63 =	vld.idx.msk [tilespmem:v1+s2+$0x0], $0xffff;
	vm0 =	vgt.f32 v18, $0.0e+00;
	v20 =	vadd.f32 v20, v24;
	v30 =	vmul.f32 $9.999999770e-03, v17;
	v33 =	vpop (erf)  }
0x56: {  	v34 =	vld.idx.msk [tilespmem:v2+s14+$0x0], $0xffff;
	v18 =	vsel vm0, v18, v28;
	vm0 =	vgt.f32 v17, $0.0e+00;
	(erf) = vpow2.f32 v19;
	[tilespmem:s26+$0xFFFFD8F0] =	vst v33  }
0x57: {  	v19 =	vadd.f32 v61, v26;
	v17 =	vsel vm0, v17, v30;
	[tilespmem:v3+s17+$0x0] =	vst.idx.add.f32.msk $0xffff, v33;
	v3 =	vmul.f32 $1.442695020e+00, v18  }
0x58: {  	v21 =	vadd.f32 v62, v27;
	v18 =	vmul.f32 $9.999999770e-03, v20;
	v17 =	vmul.f32 $1.442695020e+00, v17  }
0x59: {  	vm0 =	vgt.f32 v20, $0.0e+00;
	v25 =	vmul.f32 $9.999999770e-03, v19;
	v23 =	vld.idx.msk [tilespmem:v29+s2+$0x0], $0xffff;
	(erf) = vpow2.f32 v3  }
0x5a: {  	v4 =	vld.idx.msk [tilespmem:v4+s14+$0x0], $0xffff;
	v18 =	vsel vm0, v20, v18;
	vm0 =	vgt.f32 v19, $0.0e+00;
	(erf) = vpow2.f32 v17  }
0x5b: {  	v17 =	vmul.f32 $1.442695020e+00, v18;
	v18 =	vadd.f32 v34, v63;
	v19 =	vsel vm0, v19, v25  }
0x5c: {  	v20 =	vmul.f32 $9.999999770e-03, v21;
	v19 =	vmul.f32 $1.442695020e+00, v19  }
0x5d: {  	vm1 =	vgt.f32 v21, $0.0e+00;
	(erf) = vpow2.f32 v17;
	v17 =	vmul.f32 $9.999999770e-03, v18  }
0x5e: {  	s31 =	simm.s32 $0x16240;
	v3 =	vadd.s32 $0x2710, v12;
	v20 =	vsel vm1, v21, v20;
	vm0 =	vgt.f32 v18, $0.0e+00  }
0x5f: {  	v22 =	vld [tilespmem:s31+$0x30];
	s23 =	simm.s32 $0x189C0;
	v35 =	vadd.f32 v4, v23;
	(erf) = vpow2.f32 v19;
	v17 =	vsel vm0, v18, v17  }
0x60: {  	v13 =	vadd.s32 $0x2710, v13;
	v27 =	vld [tilespmem:s23+$0x30];
	v20 =	vmul.f32 $1.442695020e+00, v20;
	v36 =	vpop (erf);
	v17 =	vmul.f32 $1.442695020e+00, v17  }
0x61: {  	v30 =	vld [tilespmem:s23+$0xFFFFFFC0];
	[tilespmem:s26+$0xFFFFD880] =	vst v36;
	v19 =	vmul.f32 $9.999999770e-03, v35  }
0x62: {  	v4 =	vadd.s32 $0x2710, v5;
	(erf) = vpow2.f32 v20;
	vm0 =	vgt.f32 v35, $0.0e+00;
	[tilespmem:v12+s17+$0x0] =	vst.idx.add.f32.msk $0xffff, v36;
	v18 =	vpop (erf)  }
0x63: {  	v12 =	vsel vm0, v35, v19;
	v19 =	vld.idx.msk [tilespmem:v3+s2+$0x0], $0xffff;
	[tilespmem:s26+$0xFFFFD890] =	vst v18  }
0x64: {  	v14 =	vadd.s32 $0x2710, v14;
	(erf) = vpow2.f32 v17;
	v17 =	vpop (erf);
	[tilespmem:v5+s17+$0x0] =	vst.idx.add.f32.msk $0xffff, v18  }
0x65: {  	v12 =	vmul.f32 $1.442695020e+00, v12;
	v18 =	vld.idx.msk [tilespmem:v13+s14+$0x0], $0xffff;
	[tilespmem:s26+$0xFFFFD8A0] =	vst v17  }
0x66: {  	v5 =	vadd.s32 $0x2710, v11;
	[tilespmem:v11+s17+$0x0] =	vst.idx.add.f32.msk $0xffff, v17;
	v13 =	vpop (erf)  }
0x67: {  	(erf) = vpow2.f32 v12;
	v12 =	vadd.s32 $0x2710, v15;
	v17 =	vld.idx.msk [tilespmem:v4+s2+$0x0], $0xffff;
	[tilespmem:s26+$0xFFFFD8B0] =	vst v13  }
0x68: {  	v15 =	vpop (erf);
	[tilespmem:v8+s17+$0x0] =	vst.idx.add.f32.msk $0xffff, v13  }
0x69: {  	v10 =	vadd.s32 $0x2710, v10;
	v14 =	vld.idx.msk [tilespmem:v14+s14+$0x0], $0xffff;
	[tilespmem:s26+$0xFFFFD8C0] =	vst v15  }
0x6a: {  	[tilespmem:v7+s17+$0x0] =	vst.idx.add.f32.msk $0xffff, v15  }
0x6b: {  	v11 =	vadd.s32 $0x2710, v8;
	v8 =	vadd.s32 $0x2710, v16;
	v13 =	vpop (erf);
	v16 =	vld.idx.msk [tilespmem:v5+s2+$0x0], $0xffff  }
0x6c: {  	[tilespmem:s26+$0xFFFFD8D0] =	vst v13;
	v20 =	vld.idx.msk [tilespmem:v12+s14+$0x0], $0xffff  }
0x6d: {  	[tilespmem:v6+s17+$0x0] =	vst.idx.add.f32.msk $0xffff, v13  }
0x6e: {  	v39 =	vld.idx.msk [tilespmem:v10+s14+$0x0], $0xffff  }
0x6f: {  	v10 =	vld [tilespmem:s31+$0xFFFFFFE0]  }
0x70: {  	v15 =	vadd.s32 $0x2710, v6;
	v6 =	vadd.s32 $0x2710, v9;
	v9 =	vld [tilespmem:s31+$0xFFFFFFF0]  }
0x71: {  	v12 =	vadd.s32 $0x2710, v7;
	v7 =	vpop (erf);
	v37 =	vld.idx.msk [tilespmem:v11+s2+$0x0], $0xffff  }
0x72: {  	[tilespmem:s26+$0xFFFFD8E0] =	vst v7;
	v8 =	vld.idx.msk [tilespmem:v8+s14+$0x0], $0xffff  }
0x73: {  	v14 =	vadd.f32 v14, v17;
	v17 =	vshll.u32 v22, $0xE;
	[tilespmem:v1+s17+$0x0] =	vst.idx.add.f32.msk $0xffff, v7  }
0x74: {  	s24 =	simm.s32 $0x13AC0;
	v17 =	vor.u32 v27, v17;
	v7 =	vld [tilespmem:s31+$0x10]  }
0x75: {  	v18 =	vadd.f32 v18, v19;
	[tilespmem:s24+$0x30] =	vst v17;
	v40 =	vld.idx.msk [tilespmem:v15+s2+$0x0], $0xffff  }
0x76: {  	v42 =	vld.idx.msk [tilespmem:v22+s2+$0x0], $0xffff  }
0x77: {  	v19 =	vmul.f32 $9.999999770e-03, v18;
	v43 =	vld.idx.msk [tilespmem:v27+s14+$0x0], $0xffff  }
0x78: {  	vm0 =	vgt.f32 v18, $0.0e+00;
	v38 =	vld.idx.msk [tilespmem:v12+s2+$0x0], $0xffff  }
0x79: {  	v18 =	vsel vm0, v18, v19;
	v19 =	vmul.f32 $9.999999770e-03, v14;
	v41 =	vld.idx.msk [tilespmem:v6+s14+$0x0], $0xffff  }
0x7a: {  	v13 =	vpop (erf);
	vm0 =	vgt.f32 v14, $0.0e+00;
	v6 =	vld [tilespmem:s31+$0x0];
	v16 =	vadd.f32 v20, v16  }
0x7b: {  	[tilespmem:s26+$0x0] =	vst v13;
	v17 =	vmul.f32 $1.442695020e+00, v18;
	v20 =	vld [tilespmem:s31+$0xFFFFFFC0];
	v14 =	vsel vm0, v14, v19  }
0x7c: {  	[tilespmem:v29+s17+$0x0] =	vst.idx.add.f32.msk $0xffff, v13;
	v18 =	vmul.f32 $9.999999770e-03, v16;
	v14 =	vmul.f32 $1.442695020e+00, v14;
	v21 =	vadd.f32 v8, v37  }
0x7d: {  	v13 =	vld [tilespmem:s31+$0xFFFFFFD0];
	vm0 =	vgt.f32 v16, $0.0e+00;
	(erf) = vpow2.f32 v17  }
0x7e: {  	v8 =	vld [tilespmem:s31+$0x20];
	v16 =	vsel vm0, v16, v18;
	(erf) = vpow2.f32 v14;
	v19 =	vmul.f32 $9.999999770e-03, v21  }
0x7f: {  	v18 =	vld [tilespmem:s23+$0xFFFFFFF0];
	vm0 =	vgt.f32 v21, $0.0e+00;
	v16 =	vmul.f32 $1.442695020e+00, v16;
	v14 =	vadd.f32 v39, v38  }
0x80: {  	v17 =	vsel vm0, v21, v19;
	v21 =	vld [tilespmem:s23+$0xFFFFFFD0]  }
0x81: {  	(erf) = vpow2.f32 v16;
	v19 =	vld [tilespmem:s23+$0xFFFFFFE0];
	v24 =	vmul.f32 $9.999999770e-03, v14;
	v16 =	vshll.u32 v20, $0xE  }
0x82: {  	vm0 =	vgt.f32 v14, $0.0e+00;
	v17 =	vmul.f32 $1.442695020e+00, v17;
	v47 =	vor.u32 v30, v16;
	v16 =	vld [tilespmem:s23+$0x10]  }
0x83: {  	v24 =	vsel vm0, v14, v24;
	v14 =	vld [tilespmem:s23+$0x20]  }
0x84: {  	v52 =	vshll.u32 v9, $0xE;
	v44 =	vadd.f32 v41, v40;
	[tilespmem:s24+$0xFFFFFFC0] =	vst v47;
	(erf) = vpow2.f32 v17;
	v17 =	vld [tilespmem:s23+$0x0]  }
0x85: {  	v45 =	vadd.f32 v43, v42;
	v54 =	vor.u32 v18, v52;
	v29 =	vld.idx.msk [tilespmem:v20+s2+$0x0], $0xffff  }
0x86: {  	v31 =	vshll.u32 v10, $0xE;
	v46 =	vshll.u32 v13, $0xE;
	v25 =	vmul.f32 $9.999999770e-03, v44;
	v49 =	vld.idx.msk [tilespmem:v30+s14+$0x0], $0xffff;
	[tilespmem:s24+$0xFFFFFFF0] =	vst v54;
	v33 =	vpop (erf)  }
0x87: {  	v48 =	vmul.f32 $9.999999770e-03, v45;
	vm1 =	vgt.f32 v44, $0.0e+00;
	v32 =	vld.idx.msk [tilespmem:v9+s2+$0x0], $0xffff;
	v28 =	vor.u32 v21, v46;
	[tilespmem:s26+$0xFFFFFF90] =	vst v33  }
0x88: {  	v23 =	vsel vm1, v44, v25;
	vm0 =	vgt.f32 v45, $0.0e+00;
	v24 =	vmul.f32 $1.442695020e+00, v24;
	v58 =	vld.idx.msk [tilespmem:v18+s14+$0x0], $0xffff;
	[tilespmem:s24+$0xFFFFFFD0] =	vst v28  }
0x89: {  	v23 =	vmul.f32 $1.442695020e+00, v23;
	v25 =	vsel vm0, v45, v48;
	v50 =	vor.u32 v19, v31;
	[tilespmem:v3+s17+$0x0] =	vst.idx.add.f32.msk $0xffff, v33  }
0x8a: {  	v25 =	vmul.f32 $1.442695020e+00, v25;
	(erf) = vpow2.f32 v24;
	[tilespmem:s24+$0xFFFFFFE0] =	vst v50;
	v51 =	vld.idx.msk [tilespmem:v13+s2+$0x0], $0xffff  }
0x8b: {  	v34 =	vshll.u32 v7, $0xE;
	(erf) = vpow2.f32 v23;
	v55 =	vld.idx.msk [tilespmem:v10+s2+$0x0], $0xffff  }
0x8c: {  	v34 =	vor.u32 v16, v34;
	(erf) = vpow2.f32 v25;
	v53 =	vld.idx.msk [tilespmem:v21+s14+$0x0], $0xffff  }
0x8d: {  	v35 =	vpop (erf);
	[tilespmem:s24+$0x10] =	vst v34;
	v57 =	vld.idx.msk [tilespmem:v19+s14+$0x0], $0xffff  }
0x8e: {  	v36 =	vshll.u32 v8, $0xE;
	[tilespmem:s26+$0xFFFFFFA0] =	vst v35;
	v39 =	vld.idx.msk [tilespmem:v7+s2+$0x0], $0xffff  }
0x8f: {  	v56 =	vshll.u32 v6, $0xE;
	v36 =	vor.u32 v14, v36;
	[tilespmem:v4+s17+$0x0] =	vst.idx.add.f32.msk $0xffff, v35  }
0x90: {  	v25 =	vor.u32 v17, v56;
	v28 =	vadd.f32 v49, v29;
	[tilespmem:s24+$0x20] =	vst v36;
	v41 =	vld.idx.msk [tilespmem:v16+s14+$0x0], $0xffff  }
0x91: {  	v1 =	vadd.s32 $0x2710, v1;
	[tilespmem:s24+$0x0] =	vst v25;
	v37 =	vpop (erf);
	v63 =	vld.idx.msk [tilespmem:v8+s2+$0x0], $0xffff  }
0x92: {  	v27 =	vadd.s32 $0x2710, v27;
	v59 =	vld.idx.msk [tilespmem:v6+s2+$0x0], $0xffff;
	v38 =	vmul.f32 $9.999999770e-03, v28;
	v61 =	vpop (erf);
	v23 =	vadd.f32 v53, v51  }
0x93: {  	v42 =	vadd.s32 $0x2710, v22;
	vm0 =	vgt.f32 v28, $0.0e+00;
	v48 =	vld.idx.msk [tilespmem:v14+s14+$0x0], $0xffff;
	v25 =	vadd.f32 v58, v32;
	v40 =	vpop (erf)  }
0x94: {  	v60 =	vld.idx.msk [tilespmem:v17+s14+$0x0], $0xffff;
	v28 =	vsel vm0, v28, v38;
	v24 =	vadd.f32 v57, v55;
	[tilespmem:s26+$0xFFFFFFC0] =	vst v61;
	v62 =	vmul.f32 $9.999999770e-03, v23;
	v43 =	vpop (erf)  }
0x95: {  	s25 =	simm.s32 $0x11380;
	v2 =	vadd.s32 $0x2710, v2;
	v28 =	vmul.f32 $1.442695020e+00, v28;
	[tilespmem:v11+s17+$0x0] =	vst.idx.add.f32.msk $0xffff, v61;
	vm0 =	vgt.f32 v23, $0.0e+00;
	v44 =	vpop (erf)  }
0x96: {  	v49 =	vld.idx.msk [tilespmem:v1+s2+$0x0], $0xffff;
	v51 =	vmul.f32 $9.999999770e-03, v25;
	v45 =	vmul.f32 $9.999999770e-03, v24;
	v23 =	vsel vm0, v23, v62;
	[tilespmem:s25+$0xFFFFD8F0] =	vst v44  }
0x97: {  	v53 =	vadd.f32 v41, v39;
	(erf) = vpow2.f32 v28;
	[tilespmem:v22+s17+$0x0] =	vst.idx.add.f32.msk $0xffff, v44;
	v50 =	vmul.f32 $1.442695020e+00, v23  }
0x98: {  	v11 =	vadd.s32 $0x2710, v30;
	v57 =	vadd.f32 v48, v63;
	vm0 =	vgt.f32 v24, $0.0e+00;
	v52 =	vld.idx.msk [tilespmem:v42+s2+$0x0], $0xffff  }
0x99: {  	v26 =	vadd.f32 v60, v59;
	v24 =	vsel vm0, v24, v45;
	v27 =	vld.idx.msk [tilespmem:v27+s14+$0x0], $0xffff;
	(erf) = vpow2.f32 v50  }
0x9a: {  	v55 =	vld.idx.msk [tilespmem:v2+s14+$0x0], $0xffff;
	v56 =	vmul.f32 $9.999999770e-03, v53;
	vm0 =	vgt.f32 v25, $0.0e+00;
	v24 =	vmul.f32 $1.442695020e+00, v24  }
0x9b: {  	[tilespmem:s26+$0xFFFFFFB0] =	vst v37;
	vm1 =	vgt.f32 v26, $0.0e+00;
	v54 =	vmul.f32 $9.999999770e-03, v26;
	v2 =	vsel vm0, v25, v51  }
0x9c: {  	[tilespmem:v5+s17+$0x0] =	vst.idx.add.f32.msk $0xffff, v37;
	vm0 =	vgt.f32 v53, $0.0e+00;
	v3 =	vmul.f32 $1.442695020e+00, v2;
	(erf) = vpow2.f32 v24  }
0x9d: {  	[tilespmem:s26+$0xFFFFFFD0] =	vst v40;
	v2 =	vadd.s32 $0x2710, v20;
	v4 =	vsel vm1, v26, v54;
	v58 =	vsel vm0, v53, v56  }
0x9e: {  	[tilespmem:s26+$0xFFFFFFE0] =	vst v43;
	v4 =	vmul.f32 $1.442695020e+00, v4;
	(erf) = vpow2.f32 v3;
	v5 =	vadd.f32 v27, v52  }
0x9f: {  	[tilespmem:v12+s17+$0x0] =	vst.idx.add.f32.msk $0xffff, v40;
	v59 =	vmul.f32 $9.999999770e-03, v57;
	v61 =	vadd.f32 v55, v49;
	v22 =	vmul.f32 $1.442695020e+00, v58  }
0xa0: {  	[tilespmem:v15+s17+$0x0] =	vst.idx.add.f32.msk $0xffff, v43;
	vm0 =	vgt.f32 v57, $0.0e+00;
	(erf) = vpow2.f32 v4;
	v12 =	vpop (erf);
	v4 =	vmul.f32 $9.999999770e-03, v5  }
0xa1: {  	v15 =	vsel vm0, v57, v59;
	v3 =	vadd.s32 $0x2710, v13;
	[tilespmem:s25+$0xFFFFD880] =	vst v12;
	vm0 =	vgt.f32 v5, $0.0e+00  }
0xa2: {  	v15 =	vmul.f32 $1.442695020e+00, v15;
	(erf) = vpow2.f32 v22;
	[tilespmem:v20+s17+$0x0] =	vst.idx.add.f32.msk $0xffff, v12;
	v4 =	vsel vm0, v5, v4;
	v5 =	vpop (erf)  }
0xa3: {  	v12 =	vadd.s32 $0x2710, v21;
	v20 =	vld.idx.msk [tilespmem:v2+s2+$0x0], $0xffff;
	v60 =	vmul.f32 $1.442695020e+00, v4;
	[tilespmem:s25+$0xFFFFD890] =	vst v5  }
0xa4: {  	(erf) = vpow2.f32 v15;
	[tilespmem:v13+s17+$0x0] =	vst.idx.add.f32.msk $0xffff, v5;
	v13 =	vmul.f32 $9.999999770e-03, v61  }
0xa5: {  	v11 =	vld.idx.msk [tilespmem:v11+s14+$0x0], $0xffff;
	vm0 =	vgt.f32 v61, $0.0e+00;
	v4 =	vadd.s32 $0x2710, v10;
	v5 =	vpop (erf);
	(erf) = vpow2.f32 v60  }
0xa6: {  	[tilespmem:s25+$0xFFFFD8A0] =	vst v5;
	v15 =	vld.idx.msk [tilespmem:v3+s2+$0x0], $0xffff;
	v13 =	vsel vm0, v61, v13  }
0xa7: {  	[tilespmem:v10+s17+$0x0] =	vst.idx.add.f32.msk $0xffff, v5;
	v10 =	vadd.s32 $0x2710, v19;
	v19 =	vpop (erf);
	v13 =	vmul.f32 $1.442695020e+00, v13  }
0xa8: {  	v12 =	vld.idx.msk [tilespmem:v12+s14+$0x0], $0xffff;
	[tilespmem:s25+$0xFFFFD8B0] =	vst v19  }
0xa9: {  	v5 =	vadd.s32 $0x2710, v9;
	v62 =	vpop (erf);
	[tilespmem:v9+s17+$0x0] =	vst.idx.add.f32.msk $0xffff, v19  }
0xaa: {  	v9 =	vadd.s32 $0x2710, v18;
	v18 =	vld.idx.msk [tilespmem:v4+s2+$0x0], $0xffff;
	[tilespmem:s25+$0xFFFFD8C0] =	vst v62  }
0xab: {  	v11 =	vadd.f32 v11, v20;
	(erf) = vpow2.f32 v13;
	[tilespmem:v6+s17+$0x0] =	vst.idx.add.f32.msk $0xffff, v62;
	v13 =	vpop (erf)  }
0xac: {  	v10 =	vld.idx.msk [tilespmem:v10+s14+$0x0], $0xffff;
	[tilespmem:s25+$0xFFFFD8D0] =	vst v13  }
0xad: {  	v20 =	vmul.f32 $9.999999770e-03, v11;
	v6 =	vadd.s32 $0x2710, v6;
	v19 =	vpop (erf);
	[tilespmem:v7+s17+$0x0] =	vst.idx.add.f32.msk $0xffff, v13  }
0xae: {  	vm0 =	vgt.f32 v11, $0.0e+00;
	v12 =	vadd.f32 v12, v15;
	v13 =	vadd.s32 $0x2710, v17;
	v17 =	vld.idx.msk [tilespmem:v5+s2+$0x0], $0xffff;
	[tilespmem:s25+$0xFFFFD8E0] =	vst v19;
	v15 =	vpop (erf)  }
0xaf: {  	v11 =	vsel vm0, v11, v20;
	v7 =	vadd.s32 $0x2710, v7;
	v63 =	vld.idx.msk [tilespmem:v9+s14+$0x0], $0xffff;
	[tilespmem:s25+$0x0] =	vst v15  }
0xb0: {  	v16 =	vadd.s32 $0x2710, v16;
	v9 =	vmul.f32 $9.999999770e-03, v12;
	[tilespmem:v42+s17+$0x0] =	vst.idx.add.f32.msk $0xffff, v15;
	v15 =	vmul.f32 $1.442695020e+00, v11  }
0xb1: {  	vm0 =	vgt.f32 v12, $0.0e+00;
	[tilespmem:v8+s17+$0x0] =	vst.idx.add.f32.msk $0xffff, v19  }
0xb2: {  	v9 =	vsel vm0, v12, v9;
	v11 =	vld.idx.msk [tilespmem:v6+s2+$0x0], $0xffff;
	v12 =	vadd.f32 v10, v18;
	(erf) = vpow2.f32 v15  }
0xb3: {  	v19 =	vmul.f32 $1.442695020e+00, v9;
	v18 =	vld.idx.msk [tilespmem:v13+s14+$0x0], $0xffff  }
0xb4: {  	v8 =	vadd.s32 $0x2710, v8;
	v9 =	vadd.s32 $0x2710, v14;
	v10 =	vpop (erf);
	v13 =	vld.idx.msk [tilespmem:v7+s2+$0x0], $0xffff;
	v15 =	vmul.f32 $9.999999770e-03, v12  }
0xb5: {  	s28 =	simm.s32 $0x80;
	s29 =	simm.s32 $0x162C0;
	vm0 =	vgt.f32 v12, $0.0e+00;
	v14 =	vadd.f32 v63, v17;
	v17 =	vld.idx.msk [tilespmem:v16+s14+$0x0], $0xffff;
	(erf) = vpow2.f32 v19;
	[tilespmem:s26+$0xFFFFFFF0] =	vst v10;
	s26 =	simm.s32 $0x11380  }
.LBB2_6:
0xb6: {  	v23 =	vld [tilespmem:s29+$0x30];
	v12 =	vsel vm0, v12, v15;
	s23 =	sadd.s32 $0x80, s23  }
0xb7: {  	v33 =	vld [tilespmem:s23+$0x30];
	v12 =	vmul.f32 $1.442695020e+00, v12;
	vm0 =	vgt.f32 v14, $0.0e+00;
	v19 =	vmul.f32 $9.999999770e-03, v14  }
0xb8: {  	v16 =	vld [tilespmem:s29+$0xFFFFFFD0]  }
0xb9: {  	v18 =	vadd.f32 v18, v11;
	v15 =	vld [tilespmem:s29+$0xFFFFFFE0];
	v19 =	vsel vm0, v14, v19;
	(erf) = vpow2.f32 v12  }
0xba: {  	s28 =	sadd.s32 $0x80, s28;
	v14 =	vld [tilespmem:s29+$0xFFFFFFF0];
	v11 =	vmul.f32 $1.442695020e+00, v19  }
0xbb: {  	p0 =	slt.u32 s28, $0x2680;
	v20 =	vmul.f32 $9.999999770e-03, v18;
	v17 =	vadd.f32 v17, v13;
	v12 =	vld [tilespmem:s29+$0x0];
	v19 =	vshll.u32 v23, $0xE;
	v27 =	vpop (erf)  }
0xbc: {  	s24 =	sadd.s32 $0x80, s24;
	vm0 =	vgt.f32 v18, $0.0e+00;
	v13 =	vld [tilespmem:s29+$0x10];
	v19 =	vor.u32 v33, v19;
	[tilespmem:s25+$0xFFFFFF90] =	vst v27;
	(erf) = vpow2.f32 v11  }
0xbd: {  	v21 =	vshll.u32 v16, $0xE;
	v29 =	vadd.s32 $0x2710, v16;
	v11 =	vld [tilespmem:s29+$0x20];
	[tilespmem:s24+$0x30] =	vst v19;
	v19 =	vmul.f32 $9.999999770e-03, v17  }
0xbe: {  	vm1 =	vgt.f32 v17, $0.0e+00;
	v34 =	vshll.u32 v15, $0xE;
	v30 =	vadd.s32 $0x2710, v15;
	v22 =	vld.idx.msk [tilespmem:v23+s2+$0x0], $0xffff;
	v32 =	vpop (erf)  }
0xbf: {  	v18 =	vsel vm0, v18, v20;
	v36 =	vshll.u32 v14, $0xE;
	v31 =	vadd.s32 $0x2710, v14;
	v25 =	vld.idx.msk [tilespmem:v33+s14+$0x0], $0xffff;
	[tilespmem:s25+$0xFFFFFFA0] =	vst v32  }
0xc0: {  	v17 =	vsel vm1, v17, v19;
	v20 =	vld [tilespmem:s29+$0xFFFFFFC0];
	v37 =	vshll.u32 v12, $0xE;
	v28 =	vadd.s32 $0x2710, v12  }
0xc1: {  	v18 =	vmul.f32 $1.442695020e+00, v18;
	v19 =	vld [tilespmem:s23+$0xFFFFFFC0];
	v38 =	vshll.u32 v13, $0xE;
	v26 =	vadd.s32 $0x2710, v13  }
0xc2: {  	v17 =	vmul.f32 $1.442695020e+00, v17;
	v39 =	vld [tilespmem:s23+$0xFFFFFFD0];
	v40 =	vshll.u32 v11, $0xE;
	v24 =	vadd.s32 $0x2710, v11;
	v35 =	vpop (erf)  }
0xc3: {  	v41 =	vld [tilespmem:s23+$0xFFFFFFE0];
	[tilespmem:s25+$0xFFFFFFB0] =	vst v35;
	(erf) = vpow2.f32 v18  }
0xc4: {  	v42 =	vld [tilespmem:s23+$0xFFFFFFF0];
	(erf) = vpow2.f32 v17  }
0xc5: {  	v18 =	vadd.f32 v25, v22;
	v17 =	vshll.u32 v20, $0xE;
	v43 =	vadd.s32 $0x2710, v20;
	v44 =	vld [tilespmem:s23+$0x0];
	v45 =	vpop (erf)  }
0xc6: {  	v17 =	vor.u32 v19, v17;
	v25 =	vadd.s32 $0x2710, v19;
	v46 =	vld [tilespmem:s23+$0x10];
	[tilespmem:s25+$0xFFFFFFC0] =	vst v45  }
0xc7: {  	v48 =	vmul.f32 $9.999999770e-03, v18;
	[tilespmem:s24+$0xFFFFFFC0] =	vst v17;
	v17 =	vor.u32 v39, v21;
	v22 =	vadd.s32 $0x2710, v39;
	v47 =	vld [tilespmem:s23+$0x20]  }
0xc8: {  	vm0 =	vgt.f32 v18, $0.0e+00;
	v49 =	vld.idx.msk [tilespmem:v20+s2+$0x0], $0xffff;
	[tilespmem:s24+$0xFFFFFFD0] =	vst v17;
	v17 =	vor.u32 v41, v34;
	v21 =	vadd.s32 $0x2710, v41  }
0xc9: {  	v34 =	vld.idx.msk [tilespmem:v19+s14+$0x0], $0xffff;
	[tilespmem:s24+$0xFFFFFFE0] =	vst v17;
	v17 =	vor.u32 v42, v36;
	v19 =	vadd.s32 $0x2710, v42;
	v36 =	vsel vm0, v18, v48  }
0xca: {  	v48 =	vld.idx.msk [tilespmem:v16+s2+$0x0], $0xffff;
	[tilespmem:s24+$0xFFFFFFF0] =	vst v17;
	v17 =	vor.u32 v44, v37;
	v18 =	vadd.s32 $0x2710, v44;
	v50 =	vmul.f32 $1.442695020e+00, v36  }
0xcb: {  	v37 =	vld.idx.msk [tilespmem:v39+s14+$0x0], $0xffff;
	[tilespmem:s24+$0x0] =	vst v17;
	v52 =	vor.u32 v46, v38;
	v17 =	vadd.s32 $0x2710, v46  }
0xcc: {  	v39 =	vld.idx.msk [tilespmem:v15+s2+$0x0], $0xffff;
	[tilespmem:s24+$0x10] =	vst v52;
	v51 =	vor.u32 v47, v40;
	v40 =	vadd.s32 $0x2710, v47;
	(erf) = vpow2.f32 v50;
	v36 =	vpop (erf)  }
0xcd: {  	v41 =	vld.idx.msk [tilespmem:v41+s14+$0x0], $0xffff;
	[tilespmem:s24+$0x20] =	vst v51;
	v38 =	vpop (erf)  }
0xce: {  	v50 =	vld.idx.msk [tilespmem:v14+s2+$0x0], $0xffff;
	[tilespmem:s25+$0xFFFFFFD0] =	vst v36  }
0xcf: {  	v49 =	vadd.f32 v34, v49;
	v42 =	vld.idx.msk [tilespmem:v42+s14+$0x0], $0xffff;
	[tilespmem:s25+$0xFFFFFFE0] =	vst v38  }
0xd0: {  	v51 =	vld.idx.msk [tilespmem:v12+s2+$0x0], $0xffff  }
0xd1: {  	vm0 =	vgt.f32 v49, $0.0e+00;
	v52 =	vmul.f32 $9.999999770e-03, v49;
	v37 =	vadd.f32 v37, v48;
	v44 =	vld.idx.msk [tilespmem:v44+s14+$0x0], $0xffff  }
0xd2: {  	v48 =	vld.idx.msk [tilespmem:v13+s2+$0x0], $0xffff  }
0xd3: {  	v34 =	vadd.s32 $0x2710, v23;
	v53 =	vmul.f32 $9.999999770e-03, v37;
	v39 =	vadd.f32 v41, v39;
	v41 =	vld.idx.msk [tilespmem:v46+s14+$0x0], $0xffff  }
0xd4: {  	v33 =	vadd.s32 $0x2710, v33;
	v46 =	vsel vm0, v49, v52;
	vm0 =	vgt.f32 v37, $0.0e+00;
	v49 =	vld.idx.msk [tilespmem:v11+s2+$0x0], $0xffff  }
0xd5: {  	s25 =	sadd.s32 $0x80, s25;
	vm1 =	vgt.f32 v39, $0.0e+00;
	v52 =	vmul.f32 $9.999999770e-03, v39;
	v42 =	vadd.f32 v42, v50;
	v47 =	vld.idx.msk [tilespmem:v47+s14+$0x0], $0xffff;
	v50 =	vpop (erf)  }
0xd6: {  	v46 =	vmul.f32 $1.442695020e+00, v46;
	v37 =	vsel vm0, v37, v53;
	[tilespmem:s25+$0xFFFFD8F0] =	vst v50;
	v53 =	vld.idx.msk [tilespmem:v8+s2+$0x0], $0xffff  }
0xd7: {  	vm0 =	vgt.f32 v42, $0.0e+00;
	v54 =	vmul.f32 $9.999999770e-03, v42;
	v44 =	vadd.f32 v44, v51;
	[tilespmem:v23+s17+$0x0] =	vst.idx.add.f32.msk $0xffff, v50  }
0xd8: {  	v23 =	vmul.f32 $1.442695020e+00, v37;
	v37 =	vsel vm1, v39, v52;
	v39 =	vld.idx.msk [tilespmem:v34+s2+$0x0], $0xffff;
	(erf) = vpow2.f32 v46  }
0xd9: {  	vm1 =	vgt.f32 v44, $0.0e+00;
	v46 =	vmul.f32 $9.999999770e-03, v44;
	v41 =	vadd.f32 v41, v48;
	v33 =	vld.idx.msk [tilespmem:v33+s14+$0x0], $0xffff  }
0xda: {  	v37 =	vmul.f32 $1.442695020e+00, v37;
	v42 =	vsel vm0, v42, v54;
	(erf) = vpow2.f32 v23;
	v23 =	vld.idx.msk [tilespmem:v9+s14+$0x0], $0xffff;
	v9 =	vmovc v40  }
0xdb: {  	vm0 =	vgt.f32 v41, $0.0e+00;
	v40 =	vmul.f32 $9.999999770e-03, v41;
	v47 =	vadd.f32 v47, v49;
	[tilespmem:v2+s17+$0x0] =	vst.idx.add.f32.msk $0xffff, v27;
	v2 =	vmovc v43  }
0xdc: {  	v27 =	vmul.f32 $1.442695020e+00, v42;
	v42 =	vsel vm1, v44, v46;
	(erf) = vpow2.f32 v37;
	[tilespmem:v3+s17+$0x0] =	vst.idx.add.f32.msk $0xffff, v32;
	v3 =	vmovc v29  }
0xdd: {  	v29 =	vsel vm0, v41, v40;
	vm0 =	vgt.f32 v47, $0.0e+00;
	v32 =	vmul.f32 $9.999999770e-03, v47;
	[tilespmem:v4+s17+$0x0] =	vst.idx.add.f32.msk $0xffff, v35;
	v4 =	vmovc v30  }
0xde: {  	v35 =	vmul.f32 $1.442695020e+00, v42;
	v29 =	vmul.f32 $1.442695020e+00, v29;
	[tilespmem:v5+s17+$0x0] =	vst.idx.add.f32.msk $0xffff, v45;
	v5 =	vmov v31  }
0xdf: {  	v31 =	vsel vm0, v47, v32;
	v32 =	vadd.f32 v33, v39;
	(erf) = vpow2.f32 v27;
	[tilespmem:v6+s17+$0x0] =	vst.idx.add.f32.msk $0xffff, v36  }
0xe0: {  	v27 =	vmul.f32 $1.442695020e+00, v31;
	v23 =	vadd.f32 v23, v53;
	v6 =	vmovc v28;
	(erf) = vpow2.f32 v35;
	[tilespmem:v7+s17+$0x0] =	vst.idx.add.f32.msk $0xffff, v38  }
0xe1: {  	v28 =	vmul.f32 $9.999999770e-03, v32;
	v7 =	vmov v26;
	v30 =	vpop (erf);
	(erf) = vpow2.f32 v29;
	[tilespmem:v1+s17+$0x0] =	vst.idx.add.f32.msk $0xffff, v10  }
0xe2: {  	vm0 =	vgt.f32 v32, $0.0e+00;
	v10 =	vmul.f32 $9.999999770e-03, v23;
	v1 =	vmovc v8;
	v8 =	vmovc v24;
	[tilespmem:s25+$0xFFFFD880] =	vst v30;
	(erf) = vpow2.f32 v27  }
0xe3: {  	[tilespmem:v20+s17+$0x0] =	vst.idx.add.f32.msk $0xffff, v30;
	v20 =	vsel vm0, v32, v28;
	v24 =	vpop (erf);
	vm0 =	vgt.f32 v23, $0.0e+00  }
0xe4: {  	v26 =	vld.idx.msk [tilespmem:v43+s2+$0x0], $0xffff;
	[tilespmem:s25+$0xFFFFD890] =	vst v24;
	v20 =	vmul.f32 $1.442695020e+00, v20;
	v10 =	vsel vm0, v23, v10  }
0xe5: {  	[tilespmem:v16+s17+$0x0] =	vst.idx.add.f32.msk $0xffff, v24;
	v16 =	vpop (erf);
	v10 =	vmul.f32 $1.442695020e+00, v10  }
0xe6: {  	v23 =	vld.idx.msk [tilespmem:v25+s14+$0x0], $0xffff;
	[tilespmem:s25+$0xFFFFD8A0] =	vst v16;
	(erf) = vpow2.f32 v20  }
0xe7: {  	[tilespmem:v15+s17+$0x0] =	vst.idx.add.f32.msk $0xffff, v16;
	(erf) = vpow2.f32 v10  }
0xe8: {  	v10 =	vld.idx.msk [tilespmem:v3+s2+$0x0], $0xffff;
	v15 =	vpop (erf)  }
0xe9: {  	v16 =	vld.idx.msk [tilespmem:v22+s14+$0x0], $0xffff;
	[tilespmem:s25+$0xFFFFD8B0] =	vst v15;
	v20 =	vpop (erf)  }
0xea: {  	[tilespmem:v14+s17+$0x0] =	vst.idx.add.f32.msk $0xffff, v15;
	v14 =	vpop (erf)  }
0xeb: {  	v15 =	vld.idx.msk [tilespmem:v4+s2+$0x0], $0xffff;
	[tilespmem:s25+$0xFFFFD8C0] =	vst v20;
	v22 =	vpop (erf)  }
0xec: {  	v23 =	vadd.f32 v23, v26;
	[tilespmem:v12+s17+$0x0] =	vst.idx.add.f32.msk $0xffff, v20  }
0xed: {  	v12 =	vld.idx.msk [tilespmem:v21+s14+$0x0], $0xffff;
	[tilespmem:s25+$0xFFFFD8D0] =	vst v14  }
0xee: {  	vm0 =	vgt.f32 v23, $0.0e+00;
	v20 =	vmul.f32 $9.999999770e-03, v23;
	[tilespmem:v13+s17+$0x0] =	vst.idx.add.f32.msk $0xffff, v14  }
0xef: {  	v13 =	vadd.f32 v16, v10;
	v14 =	vld.idx.msk [tilespmem:v5+s2+$0x0], $0xffff;
	[tilespmem:s25+$0xFFFFD8E0] =	vst v22;
	v16 =	vpop (erf)  }
0xf0: {  	v20 =	vsel vm0, v23, v20;
	v19 =	vld.idx.msk [tilespmem:v19+s14+$0x0], $0xffff;
	[tilespmem:s25+$0x0] =	vst v16;
	v10 =	vpop (erf)  }
0xf1: {  	v20 =	vmul.f32 $1.442695020e+00, v20;
	vm0 =	vgt.f32 v13, $0.0e+00;
	v21 =	vmul.f32 $9.999999770e-03, v13;
	[tilespmem:v34+s17+$0x0] =	vst.idx.add.f32.msk $0xffff, v16  }
.Ltmp2:
0xf2: {  	[tilespmem:v11+s17+$0x0] =	vst.idx.add.f32.msk $0xffff, v22;
	(pc) =	sbr.rel @p0 .LBB2_6-.Ltmp2, $4  }
0xf3: {  	v13 =	vsel vm0, v13, v21;
	v12 =	vadd.f32 v12, v15;
	v11 =	vld.idx.msk [tilespmem:v6+s2+$0x0], $0xffff;
	(erf) = vpow2.f32 v20;
	[tilespmem:s26+$0xFFFFFFF0] =	vst v10;
	s26 =	smov.u32 s25  }
0xf4: {  	v16 =	vmul.f32 $1.442695020e+00, v13;
	v18 =	vld.idx.msk [tilespmem:v18+s14+$0x0], $0xffff  }
0xf5: {  	vm0 =	vgt.f32 v12, $0.0e+00;
	v15 =	vmul.f32 $9.999999770e-03, v12;
	v13 =	vld.idx.msk [tilespmem:v7+s2+$0x0], $0xffff  }
0xf6: {  	s29 =	sadd.s32 $0x80, s29;
	v14 =	vadd.f32 v19, v14;
	v17 =	vld.idx.msk [tilespmem:v17+s14+$0x0], $0xffff;
	(erf) = vpow2.f32 v16  }
0xf7: {  	_ =	sdelay $0x3  }
0xf8: {  	v55 =	vld.idx.msk [tilespmem:v8+s2+$0x0], $0xffff  }
0xf9: {  	v9 =	vld.idx.msk [tilespmem:v9+s14+$0x0], $0xffff  }
0xfa: {  	v12 =	vsel vm0, v12, v15;
	v53 =	vmul.f32 $9.999999770e-03, v14;
	v11 =	vadd.f32 v18, v11  }
0xfb: {  	v12 =	vmul.f32 $1.442695020e+00, v12;
	vm10 =	vgt.f32 v14, $0.0e+00  }
0xfc: {  	v14 =	vsel vm10, v14, v53;
	v13 =	vadd.f32 v17, v13;
	v16 =	vmul.f32 $9.999999770e-03, v11  }
0xfd: {  	(erf) = vpow2.f32 v12;
	vm11 =	vgt.f32 v11, $0.0e+00;
	v14 =	vmul.f32 $1.442695020e+00, v14  }
0xfe: {  	v9 =	vadd.f32 v9, v55;
	v54 =	vmul.f32 $9.999999770e-03, v13;
	v11 =	vsel vm11, v11, v16  }
0xff: {  	vm12 =	vgt.f32 v13, $0.0e+00;
	(erf) = vpow2.f32 v14;
	v11 =	vmul.f32 $1.442695020e+00, v11  }
0x100: {  	v57 =	vmul.f32 $9.999999770e-03, v9;
	v56 =	vsel vm12, v13, v54  }
0x101: {  	vm13 =	vgt.f32 v9, $0.0e+00;
	v12 =	vmul.f32 $1.442695020e+00, v56;
	(erf) = vpow2.f32 v11  }
0x102: {  	[tilespmem:v1+s17+$0x0] =	vst.idx.add.f32.msk $0xffff, v10;
	v58 =	vpop (erf);
	v9 =	vsel vm13, v9, v57  }
0x103: {  	[tilespmem:s25+$0xFFFFFF90] =	vst v58;
	v9 =	vmul.f32 $1.442695020e+00, v9;
	(erf) = vpow2.f32 v12  }
0x104: {  	[tilespmem:v2+s17+$0x0] =	vst.idx.add.f32.msk $0xffff, v58;
	v59 =	vpop (erf)  }
0x105: {  	[tilespmem:s25+$0xFFFFFFA0] =	vst v59;
	(erf) = vpow2.f32 v9  }
0x106: {  	[tilespmem:v3+s17+$0x0] =	vst.idx.add.f32.msk $0xffff, v59;
	v60 =	vpop (erf)  }
0x107: {  	[tilespmem:s25+$0xFFFFFFB0] =	vst v60  }
0x108: {  	[tilespmem:v4+s17+$0x0] =	vst.idx.add.f32.msk $0xffff, v60;
	v14 =	vpop (erf)  }
0x109: {  	[tilespmem:s25+$0xFFFFFFC0] =	vst v14  }
0x10a: {  	[tilespmem:v5+s17+$0x0] =	vst.idx.add.f32.msk $0xffff, v14;
	v61 =	vpop (erf)  }
0x10b: {  	[tilespmem:s25+$0xFFFFFFD0] =	vst v61  }
0x10c: {  	v62 =	vpop (erf);
	[tilespmem:v6+s17+$0x0] =	vst.idx.add.f32.msk $0xffff, v61  }
0x10d: {  	[tilespmem:s25+$0xFFFFFFE0] =	vst v62  }
0x10e: {  	v1 =	vpop (erf);
	[tilespmem:v7+s17+$0x0] =	vst.idx.add.f32.msk $0xffff, v62  }
0x10f: {  	[tilespmem:s26+$0xFFFFFFF0] =	vst v1  }
0x110: {  	[tilespmem:v8+s17+$0x0] =	vst.idx.add.f32.msk $0xffff, v1  }
0x111: {  	v1 =	vld [tilespmem:$0x18880]  }
0x112: {  	v2 =	vld [tilespmem:$0x1B000];
	_ =	sdelay $0x3  }
0x113: {  	v3 =	vshll.u32 v1, $0xE  }
0x114: {  	v3 =	vor.u32 v2, v3  }
0x115: {  	[tilespmem:$0x16100] =	vst v3  }
0x116: {  	v3 =	vld.idx.msk [tilespmem:v1+s2+$0x0], $0xffff  }
0x117: {  	v4 =	vld.idx.msk [tilespmem:v2+s14+$0x0], $0xffff;
	_ =	sdelay $0x4  }
0x118: {  	v3 =	vadd.f32 v4, v3;
	_ =	sdelay $0x1  }
0x119: {  	v4 =	vmul.f32 $9.999999770e-03, v3  }
0x11a: {  	vm14 =	vgt.f32 v3, $0.0e+00  }
0x11b: {  	v3 =	vsel vm14, v3, v4  }
0x11c: {  	v3 =	vmul.f32 $1.442695020e+00, v3;
	_ =	sdelay $0x1  }
0x11d: {  	(erf) = vpow2.f32 v3;
	_ =	sdelay $0x6  }
0x11e: {  	v3 =	vadd.s32 $0x2710, v1  }
0x11f: {  	v2 =	vadd.s32 $0x2710, v2  }
0x120: {  	v63 =	vpop (erf)  }
0x121: {  	[tilespmem:$0x11280] =	vst v63  }
0x122: {  	[tilespmem:v1+s17+$0x0] =	vst.idx.add.f32.msk $0xffff, v63  }
0x123: {  	v1 =	vld.idx.msk [tilespmem:v3+s2+$0x0], $0xffff  }
0x124: {  	v2 =	vld.idx.msk [tilespmem:v2+s14+$0x0], $0xffff;
	_ =	sdelay $0x4  }
0x125: {  	v1 =	vadd.f32 v2, v1;
	_ =	sdelay $0x1  }
0x126: {  	v2 =	vmul.f32 $9.999999770e-03, v1  }
0x127: {  	vm15 =	vgt.f32 v1, $0.0e+00  }
0x128: {  	v1 =	vsel vm15, v1, v2  }
0x129: {  	v1 =	vmul.f32 $1.442695020e+00, v1;
	_ =	sdelay $0x1  }
0x12a: {  	(erf) = vpow2.f32 v1;
	_ =	sdelay $0x8  }
0x12b: {  	v1 =	vpop (erf)  }
0x12c: {  	[tilespmem:$0x13990] =	vst v1  }
0x12d: {  	[tilespmem:v3+s17+$0x0] =	vst.idx.add.f32.msk $0xffff, v1  }
0x12e: {  	[hbm4b:s7+s2] =	stream.linear.scatter [tilespmem:s18], [sflag:$0x1], $0x2710, $0x38;
	[tilespmem:$0x1B080] =	vst v63  }
0x12f: {  	_ =	swait.ge [sflag:s13], $0x2710  }
0x130: {  	[sflag:s13] =	ssyncset.done $0x0  }
0x131: {  	[sflag:s13] =	ssyncadd.s32 $0xFFFFD8F0  }
0x132: {  	[hbm4b:s8+s2] =	stream.linear.scatter [tilespmem:s19], [sflag:$0x1], $0x2710, $0x38;
	[tilespmem:$0x1B080] =	vst v63  }
0x133: {  	_ =	swait.ge [sflag:s13], $0x2710  }
0x134: {  	[sflag:s13] =	ssyncset.done $0x0  }
0x135: {  	[sflag:s13] =	ssyncadd.s32 $0xFFFFD8F0  }
0x136: {  	[hbm4b:s9+s2] =	stream.linear.scatter [tilespmem:s17], [sflag:$0x1], $0x2710, $0x38;
	[tilespmem:$0x1B080] =	vst v63  }
0x137: {  	_ =	swait.ge [sflag:s13], $0x2710  }
0x138: {  	[sflag:s13] =	ssyncset.done $0x0  }
0x139: {  	[sflag:s13] =	ssyncadd.s32 $0xFFFFD8F0  }
0x13a: {  	[hbm4b:s10+s2] =	stream.linear.scatter [tilespmem:s20], [sflag:$0x1], $0x2710, $0x38;
	[tilespmem:$0x1B080] =	vst v63  }
0x13b: {  	s22 =	sadd.s32 $0x1, s22;
	_ =	swait.ge [sflag:s13], $0x2710  }
0x13c: {  	p0 =	sne.s32 s22, s12;
	[sflag:s13] =	ssyncset.done $0x0  }
.Ltmp3:
0x13d: {  	[sflag:s13] =	ssyncadd.s32 $0xFFFFD8F0;
	(pc) =	sbr.rel @p0 .LBB2_1-.Ltmp3, $4  }
0x13e: {  	[hbm4b:s11+s2] =	stream.linear.scatter [tilespmem:s21], [sflag:$0x1], $0x2710, $0x38;
	[tilespmem:$0x1B080] =	vst v63  }
0x13f: {  	_ =	swait.ge [sflag:s13], $0x2710  }
0x140: {  	[sflag:s13] =	ssyncset.done $0x0  }
0x141: {  	[sflag:s13] =	ssyncadd.s32 $0xFFFFD8F0  }
0x142: {  	_ =	sfence.sel $0x180000  }
0x143: {  	[bflag:$0x0] =	sbarrier.arrive $0xFFFF  }
0x144: {  	p0 =	sne.s32 s1, $0x0;
	_ =	strace $0x90000047  }
0x145: {  	s0 =	sadd.s32 @!p0 $0x100000, s0;
	[bflag:$0x2] =	sbarrier.arrive $0xFFFF  }
0x146: {  	[sflag:s0] =	ssyncadd.tile.s32 @!p0 $0x1;
	_ =	shalt  }
.Lfunc_end2:
_tile_overlayer_lowered:
.L_overlay_start_2:
0x147: {  	(tag) =	ssettag $0x2  }
0x148: {  	s0 =	rddreg [dreg:$0x0];
	s2 =	stileid.u32  }
0x149: {  	s1 =	rddreg [dreg:$0x1];
	p0 =	sne.s32 s2, $0x0  }
0x14a: {  	s3 =	rddreg [dreg:$0x2];
	[bflag:$0x3] =	sbarrier.arrive $0xFFFF;
	s2 =	simm.s32 @!p0 $0x1C01  }
0x14b: {  	[timem:s3], [sflag:s2] =	dma.local @!p0 [hbm:s0], s1  }
0x14c: {  	s0 =	simm.s32 @!p0 $0x1  }
0x14d: {  	_ =	swait.ge @!p0 [sflag:s0], s1  }
0x14e: {  	s1 =	ssub.s32 @!p0 $0x0, s1;
	[sflag:s0] =	ssyncset.done @!p0 $0x0  }
0x14f: {  	[sflag:s0] =	ssyncadd.s32 @!p0 s1  }
0x150: {  	[bflag:$0x3] =	sbarrier.arrive $0xFFFF  }
0x151: {  	_ =	shalt  }

</sc_bundles>
